<compile_context>
chip_gen: v7x
topology: tpu7x:2x2x1
jax: 0.10.2.dev20260603
libtpu: 0.0.44.dev20260713+nightly
codegen_flags: <defaults>
</compile_context>

<pallas_src>
import jax
import jax.numpy as jnp
from jax import lax
from jax.experimental import pallas as pl
from jax.experimental.pallas import tpu as pltpu
from jax.experimental.pallas import tpu_sc as plsc

_N_MEM = 16
_L = 16
_B_PER_W = 16
_N_INPUTS = 128
_N_RULES = 512
_SPLIT = 4
_R_W = _N_RULES // _SPLIT
_B_SC = (32 // _SPLIT) * _B_PER_W
_POS = _N_INPUTS * _N_MEM
_CSTRIDE = _POS + 8
_OSTRIDE = _R_W + 8


def _splat(v, l):
    return jnp.take(v, jnp.full((_L,), l, jnp.int32))


def _sc_body(fx_hbm, selt_hbm, out_hbm, chunk_v, sel_v, out_v):
    wid = lax.axis_index("s") * 2 + lax.axis_index("c")
    b0 = (wid // _SPLIT) * _B_PER_W
    rslice = (wid % _SPLIT) * _R_W
    for r in range(_B_PER_W):
        pltpu.sync_copy(fx_hbm.at[pl.ds((b0 + r) * _POS, _POS)],
                        chunk_v.at[pl.ds(r * _CSTRIDE, _POS)])
    lane = lax.iota(jnp.int32, _L)
    ones = jnp.full((_L,), 1.0, jnp.float32)
    plsc.store_scatter(chunk_v, [lane * _CSTRIDE + _POS], ones)
    rb = lane * _CSTRIDE
    ob = lane * _OSTRIDE
    half = jnp.full((_L,), 0.5, jnp.float32)

    def quarter_body(q, carry):
        pltpu.sync_copy(selt_hbm.at[pl.ds(rslice + q * 128, 128), :], sel_v)

        def rule_body(rl, carry2):
            pvecs = []
            for g in range(8):
                y = sel_v[rl, pl.ds(g * _L, _L)] * jnp.float32(_N_MEM)
                f = y.astype(jnp.int32)
                frac = y - f.astype(jnp.float32)
                m = (f + jnp.where(frac > half, 1, 0)
                     + jnp.where(frac == half, f & 1, 0))
                i_base = (lane + g * _L) * _N_MEM
                pvecs.append(jnp.where(m < _N_MEM, i_base + m, _POS))
            acc = [jnp.full((_L,), 1.0, jnp.float32) for _ in range(8)]
            for g in range(8):
                for l in range(_L):
                    a = rb + _splat(pvecs[g], l)
                    k = (g * _L + l) % 8
                    acc[k] = acc[k] * plsc.load_gather(chunk_v, [a])
            p0 = (acc[0] * acc[1]) * (acc[2] * acc[3])
            p1 = (acc[4] * acc[5]) * (acc[6] * acc[7])
            r_idx = jnp.full((_L,), q * 128 + rl, jnp.int32)
            plsc.store_scatter(out_v, [ob + r_idx], p0 * p1)
            return carry2

        lax.fori_loop(0, 128, rule_body, 0)
        return carry

    lax.fori_loop(0, _R_W // 128, quarter_body, 0)
    for r in range(_B_PER_W):
        pltpu.sync_copy(
            out_v.at[pl.ds(r * _OSTRIDE, _R_W)],
            out_hbm.at[pl.ds((b0 + r) * _N_RULES + rslice, _R_W)])


def _tc_body(x_ref, sel_ref, out_ref):
    n_inputs, n_rules = sel_ref.shape
    sel = jnp.round(sel_ref[...] * _N_MEM).astype(jnp.int32)
    m_iota = jax.lax.broadcasted_iota(
        jnp.int32, (n_inputs, _N_MEM, n_rules), 1)
    onehot = (sel[:, None, :] == m_iota).astype(jnp.float32)
    onehot = onehot.reshape(n_inputs * _N_MEM, n_rules)
    logx = jnp.maximum(jnp.log(x_ref[...]), jnp.float32(-1e5))
    acc = jax.lax.dot_general(
        logx, onehot, (((1,), (0,)), ((), ())),
        preferred_element_type=jnp.float32,
        precision=jax.lax.Precision.HIGHEST)
    out_ref[...] = jnp.exp(acc)


def kernel(fuzzified_x, input_selectors):
    b = fuzzified_x.shape[0]
    fx_flat = fuzzified_x[:_B_SC].reshape(_B_SC * _POS)
    sel_t = input_selectors.T

    mesh = plsc.VectorSubcoreMesh(core_axis_name="c", subcore_axis_name="s")
    sc_fn = pl.kernel(
        _sc_body,
        out_type=jax.ShapeDtypeStruct((_B_SC * _N_RULES,), jnp.float32),
        mesh=mesh,
        compiler_params=pltpu.CompilerParams(needs_layout_passes=False),
        scratch_types=[
            pltpu.VMEM((_B_PER_W * _CSTRIDE,), jnp.float32),
            pltpu.VMEM((128, _N_INPUTS), jnp.float32),
            pltpu.VMEM((_B_PER_W * _OSTRIDE,), jnp.float32),
        ],
    )
    out_sc = sc_fn(fx_flat, sel_t).reshape(_B_SC, _N_RULES)

    b_tc = b - _B_SC
    bt = 448 if b_tc % 448 == 0 else 256
    x2 = fuzzified_x[_B_SC:].reshape(b_tc, _N_INPUTS * _N_MEM)
    out_tc = pl.pallas_call(
        _tc_body,
        grid=(b_tc // bt,),
        in_specs=[
            pl.BlockSpec((bt, _N_INPUTS * _N_MEM), lambda i: (i, 0)),
            pl.BlockSpec((_N_INPUTS, _N_RULES), lambda i: (0, 0)),
        ],
        out_specs=pl.BlockSpec((bt, _N_RULES), lambda i: (i, 0)),
        out_shape=jax.ShapeDtypeStruct((b_tc, _N_RULES), jnp.float32),
    )(x2, input_selectors)

    return jnp.concatenate([out_sc, out_tc], axis=0)

# --- scband reference (transcript-rebuilt; emitter-appended) ---
"""Pipeline reference for scband-fuzzy-logic-layer-87479893885214 (READ-ONLY COPY).

The authoritative reference and input builder live on the scoring server;
editing this copy changes nothing except your own understanding.
"""

import jax, jax.numpy as jnp
import numpy as np

N_MEMBERSHIPS = 16

def setup_inputs(seed: int = 0) -> dict:
    key = jax.random.key(seed)
    k1, k2 = jax.random.split(key)
    fuzzified_x = jax.random.uniform(k1, (1024, 128, 16), dtype=jnp.float32)
    input_selectors = jax.random.uniform(k2, (128, 512), dtype=jnp.float32)
    return {"fuzzified_x": fuzzified_x, "input_selectors": input_selectors}

def reference(fuzzified_x, input_selectors):
    # round selectors to integer membership indices in [0, n_memberships]
    sel = jnp.round(input_selectors * N_MEMBERSHIPS).astype(jnp.int32)  # [n_inputs, n_rules]
    B = fuzzified_x.shape[0]
    sel_b = jnp.broadcast_to(sel[None, :, :], (B, sel.shape[0], sel.shape[1]))  # [B, n_inputs, n_rules]
    # append a constant 1.0 membership (index n_memberships == 'unused input')
    fx = jnp.concatenate([fuzzified_x, jnp.ones_like(fuzzified_x[..., :1])], axis=-1)  # [B, n_inputs, n_memberships+1]
    selected = jnp.take_along_axis(fx, sel_b, axis=2)  # gather along membership dim -> [B, n_inputs, n_rules]
    rule_strengths = jnp.prod(selected, axis=1)  # [B, n_rules]
    return rule_strengths

if __name__ == "__main__":
    import jax
    _d = setup_inputs()
    print(jax.jit(kernel)(*tuple(_d.values())))

</pallas_src>

<mosaic_0001>
#map = affine_map<(d0, d1) -> (0)>
#map1 = affine_map<(d0, d1) -> (0, 0)>
module attributes {stable_mosaic.version = 14 : i64} {
  func.func @_sc_body(%arg0: i32, %arg1: i32, %arg2: memref<262144xf32, #tpu.memory_space<hbm>>, %arg3: memref<512x128xf32, #tpu.memory_space<hbm>>, %arg4: memref<65536xf32, #tpu.memory_space<hbm>>, %arg5: memref<32896xf32, #tpu.memory_space<vmem>>, %arg6: memref<128x128xf32, #tpu.memory_space<vmem>>, %arg7: memref<2176xf32, #tpu.memory_space<vmem>>) attributes {dimension_semantics = [#tpu.dimension_semantics<core_parallel>, #tpu.dimension_semantics<subcore_parallel>], iteration_bounds = array<i64: 2, 16>, scalar_prefetch = 0 : i64, scratch_operands = 3 : i64, tpu.core_type = #tpu.core_type<sc_vector_subcore>, window_params = [{transform_indices = #map}, {transform_indices = #map1}, {transform_indices = #map}]} {
    %mul3A = arith.constant 2 : i32
    %mul3A_0 = arith.muli %arg1, %mul3A : i32
    %add3A = arith.addi %mul3A_0, %arg0 : i32
    %jit3A = arith.constant 4 : i32
    %div3A = arith.divsi %add3A, %jit3A : i32
    %sign3A = arith.constant 0 : i32
    %sign3A_1 = arith.cmpi sgt, %add3A, %sign3A : i32
    %sign3A_2 = arith.extui %sign3A_1 : i1 to i32
    %sign3A_3 = arith.constant 0 : i32
    %sign3A_4 = arith.cmpi slt, %add3A, %sign3A_3 : i32
    %sign3A_5 = arith.extui %sign3A_4 : i1 to i32
    %sign3A_6 = arith.subi %sign3A_2, %sign3A_5 : i32
    %sign3A_7 = arith.constant 0 : i32
    %sign3A_8 = arith.cmpi sgt, %jit3A, %sign3A_7 : i32
    %sign3A_9 = arith.extui %sign3A_8 : i1 to i32
    %sign3A_10 = arith.constant 0 : i32
    %sign3A_11 = arith.cmpi slt, %jit3A, %sign3A_10 : i32
    %sign3A_12 = arith.extui %sign3A_11 : i1 to i32
    %sign3A_13 = arith.subi %sign3A_9, %sign3A_12 : i32
    %ne3A = arith.cmpi ne, %sign3A_6, %sign3A_13 : i32
    %rem3A = arith.remsi %add3A, %jit3A : i32
    %ne3A_14 = arith.constant 0 : i32
    %ne3A_15 = arith.cmpi ne, %rem3A, %ne3A_14 : i32
    %and3A = arith.andi %ne3A, %ne3A_15 : i1
    %sub3A = arith.constant 1 : i32
    %sub3A_16 = arith.subi %div3A, %sub3A : i32
    %select_n3A = arith.select %and3A, %sub3A_16, %div3A : i32
    %mul3A_17 = arith.constant 16 : i32
    %mul3A_18 = arith.muli %select_n3A, %mul3A_17 : i32
    %jit3A_19 = arith.constant 4 : i32
    %eq3A = arith.constant 0 : i32
    %eq3A_20 = arith.cmpi eq, %jit3A_19, %eq3A : i32
    %jit3A_21 = arith.constant 1 : i32
    %select_n3A_22 = arith.select %eq3A_20, %jit3A_21, %jit3A_19 : i32
    %rem3A_23 = arith.remsi %add3A, %select_n3A_22 : i32
    %ne3A_24 = arith.constant 0 : i32
    %ne3A_25 = arith.cmpi ne, %rem3A_23, %ne3A_24 : i32
    %lt3A = arith.constant 0 : i32
    %lt3A_26 = arith.cmpi slt, %rem3A_23, %lt3A : i32
    %lt3A_27 = arith.constant 0 : i32
    %lt3A_28 = arith.cmpi slt, %select_n3A_22, %lt3A_27 : i32
    %ne3A_29 = arith.xori %lt3A_26, %lt3A_28 : i1
    %and3A_30 = arith.andi %ne3A_29, %ne3A_25 : i1
    %add3A_31 = arith.addi %rem3A_23, %select_n3A_22 : i32
    %select_n3A_32 = arith.select %and3A_30, %add3A_31, %rem3A_23 : i32
    %mul3A_33 = arith.constant 128 : i32
    %mul3A_34 = arith.muli %select_n3A_32, %mul3A_33 : i32
    %add3A_35 = arith.constant 0 : i32
    %add3A_36 = arith.addi %mul3A_18, %add3A_35 : i32
    %mul3A_37 = arith.constant 2048 : i32
    %mul3A_38 = arith.muli %add3A_36, %mul3A_37 : i32
    "tpu.region"() ({
      %run_scoped3A = tpu.sem_alloc : memref<!tpu.dma_semaphore, #tpu.memory_space<semaphore_mem>>
      %dma_start3A = arith.constant 0 : i32
      %dma_start3A_205 = tpu.memref_slice %arg5[%dma_start3A] : memref<32896xf32, #tpu.memory_space<vmem>> -> memref<2048xf32, #tpu.memory_space<vmem>>
      %dma_start3A_206 = tpu.memref_slice %arg2[%mul3A_38] : memref<262144xf32, #tpu.memory_space<hbm>> -> memref<2048xf32, #tpu.memory_space<hbm>>
      %dma_start3A_207 = arith.constant 0 : i32
      %dma_start3A_208 = tpu.memref_slice %arg5[%dma_start3A_207] : memref<32896xf32, #tpu.memory_space<vmem>> -> memref<2048xf32, #tpu.memory_space<vmem>>
      %dma_start3A_209 = tpu.memref_slice %arg2[%mul3A_38] : memref<262144xf32, #tpu.memory_space<hbm>> -> memref<2048xf32, #tpu.memory_space<hbm>>
      tpu.enqueue_dma source(%dma_start3A_209 : memref<2048xf32, #tpu.memory_space<hbm>>) target(%dma_start3A_208 : memref<2048xf32, #tpu.memory_space<vmem>>) target_semaphore(%run_scoped3A : memref<!tpu.dma_semaphore, #tpu.memory_space<semaphore_mem>>)
      %dma_wait3A = arith.constant 0 : i32
      %dma_wait3A_210 = tpu.memref_slice %arg5[%dma_wait3A] : memref<32896xf32, #tpu.memory_space<vmem>> -> memref<2048xf32, #tpu.memory_space<vmem>>
      %dma_wait3A_211 = tpu.memref_slice %arg2[%mul3A_38] : memref<262144xf32, #tpu.memory_space<hbm>> -> memref<2048xf32, #tpu.memory_space<hbm>>
      %dma_wait3A_212 = arith.constant 0 : i32
      %dma_wait3A_213 = tpu.memref_slice %arg5[%dma_wait3A_212] : memref<32896xf32, #tpu.memory_space<vmem>> -> memref<2048xf32, #tpu.memory_space<vmem>>
      %dma_wait3A_214 = tpu.memref_slice %arg2[%mul3A_38] : memref<262144xf32, #tpu.memory_space<hbm>> -> memref<2048xf32, #tpu.memory_space<hbm>>
      tpu.wait_dma2 semaphore(%run_scoped3A : memref<!tpu.dma_semaphore, #tpu.memory_space<semaphore_mem>>) src(%dma_wait3A_214 : memref<2048xf32, #tpu.memory_space<hbm>>) dst(%dma_wait3A_213 : memref<2048xf32, #tpu.memory_space<vmem>>)
      tpu.yield
    }) : () -> ()
    %add3A_39 = arith.constant 1 : i32
    %add3A_40 = arith.addi %mul3A_18, %add3A_39 : i32
    %mul3A_41 = arith.constant 2048 : i32
    %mul3A_42 = arith.muli %add3A_40, %mul3A_41 : i32
    "tpu.region"() ({
      %run_scoped3A = tpu.sem_alloc : memref<!tpu.dma_semaphore, #tpu.memory_space<semaphore_mem>>
      %dma_start3A = arith.constant 2056 : i32
      %dma_start3A_205 = tpu.memref_slice %arg5[%dma_start3A] : memref<32896xf32, #tpu.memory_space<vmem>> -> memref<2048xf32, #tpu.memory_space<vmem>>
      %dma_start3A_206 = tpu.memref_slice %arg2[%mul3A_42] : memref<262144xf32, #tpu.memory_space<hbm>> -> memref<2048xf32, #tpu.memory_space<hbm>>
      %dma_start3A_207 = arith.constant 2056 : i32
      %dma_start3A_208 = tpu.memref_slice %arg5[%dma_start3A_207] : memref<32896xf32, #tpu.memory_space<vmem>> -> memref<2048xf32, #tpu.memory_space<vmem>>
      %dma_start3A_209 = tpu.memref_slice %arg2[%mul3A_42] : memref<262144xf32, #tpu.memory_space<hbm>> -> memref<2048xf32, #tpu.memory_space<hbm>>
      tpu.enqueue_dma source(%dma_start3A_209 : memref<2048xf32, #tpu.memory_space<hbm>>) target(%dma_start3A_208 : memref<2048xf32, #tpu.memory_space<vmem>>) target_semaphore(%run_scoped3A : memref<!tpu.dma_semaphore, #tpu.memory_space<semaphore_mem>>)
      %dma_wait3A = arith.constant 2056 : i32
      %dma_wait3A_210 = tpu.memref_slice %arg5[%dma_wait3A] : memref<32896xf32, #tpu.memory_space<vmem>> -> memref<2048xf32, #tpu.memory_space<vmem>>
      %dma_wait3A_211 = tpu.memref_slice %arg2[%mul3A_42] : memref<262144xf32, #tpu.memory_space<hbm>> -> memref<2048xf32, #tpu.memory_space<hbm>>
      %dma_wait3A_212 = arith.constant 2056 : i32
      %dma_wait3A_213 = tpu.memref_slice %arg5[%dma_wait3A_212] : memref<32896xf32, #tpu.memory_space<vmem>> -> memref<2048xf32, #tpu.memory_space<vmem>>
      %dma_wait3A_214 = tpu.memref_slice %arg2[%mul3A_42] : memref<262144xf32, #tpu.memory_space<hbm>> -> memref<2048xf32, #tpu.memory_space<hbm>>
      tpu.wait_dma2 semaphore(%run_scoped3A : memref<!tpu.dma_semaphore, #tpu.memory_space<semaphore_mem>>) src(%dma_wait3A_214 : memref<2048xf32, #tpu.memory_space<hbm>>) dst(%dma_wait3A_213 : memref<2048xf32, #tpu.memory_space<vmem>>)
      tpu.yield
    }) : () -> ()
    %add3A_43 = arith.constant 2 : i32
    %add3A_44 = arith.addi %mul3A_18, %add3A_43 : i32
    %mul3A_45 = arith.constant 2048 : i32
    %mul3A_46 = arith.muli %add3A_44, %mul3A_45 : i32
    "tpu.region"() ({
      %run_scoped3A = tpu.sem_alloc : memref<!tpu.dma_semaphore, #tpu.memory_space<semaphore_mem>>
      %dma_start3A = arith.constant 4112 : i32
      %dma_start3A_205 = tpu.memref_slice %arg5[%dma_start3A] : memref<32896xf32, #tpu.memory_space<vmem>> -> memref<2048xf32, #tpu.memory_space<vmem>>
      %dma_start3A_206 = tpu.memref_slice %arg2[%mul3A_46] : memref<262144xf32, #tpu.memory_space<hbm>> -> memref<2048xf32, #tpu.memory_space<hbm>>
      %dma_start3A_207 = arith.constant 4112 : i32
      %dma_start3A_208 = tpu.memref_slice %arg5[%dma_start3A_207] : memref<32896xf32, #tpu.memory_space<vmem>> -> memref<2048xf32, #tpu.memory_space<vmem>>
      %dma_start3A_209 = tpu.memref_slice %arg2[%mul3A_46] : memref<262144xf32, #tpu.memory_space<hbm>> -> memref<2048xf32, #tpu.memory_space<hbm>>
      tpu.enqueue_dma source(%dma_start3A_209 : memref<2048xf32, #tpu.memory_space<hbm>>) target(%dma_start3A_208 : memref<2048xf32, #tpu.memory_space<vmem>>) target_semaphore(%run_scoped3A : memref<!tpu.dma_semaphore, #tpu.memory_space<semaphore_mem>>)
      %dma_wait3A = arith.constant 4112 : i32
      %dma_wait3A_210 = tpu.memref_slice %arg5[%dma_wait3A] : memref<32896xf32, #tpu.memory_space<vmem>> -> memref<2048xf32, #tpu.memory_space<vmem>>
      %dma_wait3A_211 = tpu.memref_slice %arg2[%mul3A_46] : memref<262144xf32, #tpu.memory_space<hbm>> -> memref<2048xf32, #tpu.memory_space<hbm>>
      %dma_wait3A_212 = arith.constant 4112 : i32
      %dma_wait3A_213 = tpu.memref_slice %arg5[%dma_wait3A_212] : memref<32896xf32, #tpu.memory_space<vmem>> -> memref<2048xf32, #tpu.memory_space<vmem>>
      %dma_wait3A_214 = tpu.memref_slice %arg2[%mul3A_46] : memref<262144xf32, #tpu.memory_space<hbm>> -> memref<2048xf32, #tpu.memory_space<hbm>>
      tpu.wait_dma2 semaphore(%run_scoped3A : memref<!tpu.dma_semaphore, #tpu.memory_space<semaphore_mem>>) src(%dma_wait3A_214 : memref<2048xf32, #tpu.memory_space<hbm>>) dst(%dma_wait3A_213 : memref<2048xf32, #tpu.memory_space<vmem>>)
      tpu.yield
    }) : () -> ()
    %add3A_47 = arith.constant 3 : i32
    %add3A_48 = arith.addi %mul3A_18, %add3A_47 : i32
    %mul3A_49 = arith.constant 2048 : i32
    %mul3A_50 = arith.muli %add3A_48, %mul3A_49 : i32
    "tpu.region"() ({
      %run_scoped3A = tpu.sem_alloc : memref<!tpu.dma_semaphore, #tpu.memory_space<semaphore_mem>>
      %dma_start3A = arith.constant 6168 : i32
      %dma_start3A_205 = tpu.memref_slice %arg5[%dma_start3A] : memref<32896xf32, #tpu.memory_space<vmem>> -> memref<2048xf32, #tpu.memory_space<vmem>>
      %dma_start3A_206 = tpu.memref_slice %arg2[%mul3A_50] : memref<262144xf32, #tpu.memory_space<hbm>> -> memref<2048xf32, #tpu.memory_space<hbm>>
      %dma_start3A_207 = arith.constant 6168 : i32
      %dma_start3A_208 = tpu.memref_slice %arg5[%dma_start3A_207] : memref<32896xf32, #tpu.memory_space<vmem>> -> memref<2048xf32, #tpu.memory_space<vmem>>
      %dma_start3A_209 = tpu.memref_slice %arg2[%mul3A_50] : memref<262144xf32, #tpu.memory_space<hbm>> -> memref<2048xf32, #tpu.memory_space<hbm>>
      tpu.enqueue_dma source(%dma_start3A_209 : memref<2048xf32, #tpu.memory_space<hbm>>) target(%dma_start3A_208 : memref<2048xf32, #tpu.memory_space<vmem>>) target_semaphore(%run_scoped3A : memref<!tpu.dma_semaphore, #tpu.memory_space<semaphore_mem>>)
      %dma_wait3A = arith.constant 6168 : i32
      %dma_wait3A_210 = tpu.memref_slice %arg5[%dma_wait3A] : memref<32896xf32, #tpu.memory_space<vmem>> -> memref<2048xf32, #tpu.memory_space<vmem>>
      %dma_wait3A_211 = tpu.memref_slice %arg2[%mul3A_50] : memref<262144xf32, #tpu.memory_space<hbm>> -> memref<2048xf32, #tpu.memory_space<hbm>>
      %dma_wait3A_212 = arith.constant 6168 : i32
      %dma_wait3A_213 = tpu.memref_slice %arg5[%dma_wait3A_212] : memref<32896xf32, #tpu.memory_space<vmem>> -> memref<2048xf32, #tpu.memory_space<vmem>>
      %dma_wait3A_214 = tpu.memref_slice %arg2[%mul3A_50] : memref<262144xf32, #tpu.memory_space<hbm>> -> memref<2048xf32, #tpu.memory_space<hbm>>
      tpu.wait_dma2 semaphore(%run_scoped3A : memref<!tpu.dma_semaphore, #tpu.memory_space<semaphore_mem>>) src(%dma_wait3A_214 : memref<2048xf32, #tpu.memory_space<hbm>>) dst(%dma_wait3A_213 : memref<2048xf32, #tpu.memory_space<vmem>>)
      tpu.yield
    }) : () -> ()
    %add3A_51 = arith.constant 4 : i32
    %add3A_52 = arith.addi %mul3A_18, %add3A_51 : i32
    %mul3A_53 = arith.constant 2048 : i32
    %mul3A_54 = arith.muli %add3A_52, %mul3A_53 : i32
    "tpu.region"() ({
      %run_scoped3A = tpu.sem_alloc : memref<!tpu.dma_semaphore, #tpu.memory_space<semaphore_mem>>
      %dma_start3A = arith.constant 8224 : i32
      %dma_start3A_205 = tpu.memref_slice %arg5[%dma_start3A] : memref<32896xf32, #tpu.memory_space<vmem>> -> memref<2048xf32, #tpu.memory_space<vmem>>
      %dma_start3A_206 = tpu.memref_slice %arg2[%mul3A_54] : memref<262144xf32, #tpu.memory_space<hbm>> -> memref<2048xf32, #tpu.memory_space<hbm>>
      %dma_start3A_207 = arith.constant 8224 : i32
      %dma_start3A_208 = tpu.memref_slice %arg5[%dma_start3A_207] : memref<32896xf32, #tpu.memory_space<vmem>> -> memref<2048xf32, #tpu.memory_space<vmem>>
      %dma_start3A_209 = tpu.memref_slice %arg2[%mul3A_54] : memref<262144xf32, #tpu.memory_space<hbm>> -> memref<2048xf32, #tpu.memory_space<hbm>>
      tpu.enqueue_dma source(%dma_start3A_209 : memref<2048xf32, #tpu.memory_space<hbm>>) target(%dma_start3A_208 : memref<2048xf32, #tpu.memory_space<vmem>>) target_semaphore(%run_scoped3A : memref<!tpu.dma_semaphore, #tpu.memory_space<semaphore_mem>>)
      %dma_wait3A = arith.constant 8224 : i32
      %dma_wait3A_210 = tpu.memref_slice %arg5[%dma_wait3A] : memref<32896xf32, #tpu.memory_space<vmem>> -> memref<2048xf32, #tpu.memory_space<vmem>>
      %dma_wait3A_211 = tpu.memref_slice %arg2[%mul3A_54] : memref<262144xf32, #tpu.memory_space<hbm>> -> memref<2048xf32, #tpu.memory_space<hbm>>
      %dma_wait3A_212 = arith.constant 8224 : i32
      %dma_wait3A_213 = tpu.memref_slice %arg5[%dma_wait3A_212] : memref<32896xf32, #tpu.memory_space<vmem>> -> memref<2048xf32, #tpu.memory_space<vmem>>
      %dma_wait3A_214 = tpu.memref_slice %arg2[%mul3A_54] : memref<262144xf32, #tpu.memory_space<hbm>> -> memref<2048xf32, #tpu.memory_space<hbm>>
      tpu.wait_dma2 semaphore(%run_scoped3A : memref<!tpu.dma_semaphore, #tpu.memory_space<semaphore_mem>>) src(%dma_wait3A_214 : memref<2048xf32, #tpu.memory_space<hbm>>) dst(%dma_wait3A_213 : memref<2048xf32, #tpu.memory_space<vmem>>)
      tpu.yield
    }) : () -> ()
    %add3A_55 = arith.constant 5 : i32
    %add3A_56 = arith.addi %mul3A_18, %add3A_55 : i32
    %mul3A_57 = arith.constant 2048 : i32
    %mul3A_58 = arith.muli %add3A_56, %mul3A_57 : i32
    "tpu.region"() ({
      %run_scoped3A = tpu.sem_alloc : memref<!tpu.dma_semaphore, #tpu.memory_space<semaphore_mem>>
      %dma_start3A = arith.constant 10280 : i32
      %dma_start3A_205 = tpu.memref_slice %arg5[%dma_start3A] : memref<32896xf32, #tpu.memory_space<vmem>> -> memref<2048xf32, #tpu.memory_space<vmem>>
      %dma_start3A_206 = tpu.memref_slice %arg2[%mul3A_58] : memref<262144xf32, #tpu.memory_space<hbm>> -> memref<2048xf32, #tpu.memory_space<hbm>>
      %dma_start3A_207 = arith.constant 10280 : i32
      %dma_start3A_208 = tpu.memref_slice %arg5[%dma_start3A_207] : memref<32896xf32, #tpu.memory_space<vmem>> -> memref<2048xf32, #tpu.memory_space<vmem>>
      %dma_start3A_209 = tpu.memref_slice %arg2[%mul3A_58] : memref<262144xf32, #tpu.memory_space<hbm>> -> memref<2048xf32, #tpu.memory_space<hbm>>
      tpu.enqueue_dma source(%dma_start3A_209 : memref<2048xf32, #tpu.memory_space<hbm>>) target(%dma_start3A_208 : memref<2048xf32, #tpu.memory_space<vmem>>) target_semaphore(%run_scoped3A : memref<!tpu.dma_semaphore, #tpu.memory_space<semaphore_mem>>)
      %dma_wait3A = arith.constant 10280 : i32
      %dma_wait3A_210 = tpu.memref_slice %arg5[%dma_wait3A] : memref<32896xf32, #tpu.memory_space<vmem>> -> memref<2048xf32, #tpu.memory_space<vmem>>
      %dma_wait3A_211 = tpu.memref_slice %arg2[%mul3A_58] : memref<262144xf32, #tpu.memory_space<hbm>> -> memref<2048xf32, #tpu.memory_space<hbm>>
      %dma_wait3A_212 = arith.constant 10280 : i32
      %dma_wait3A_213 = tpu.memref_slice %arg5[%dma_wait3A_212] : memref<32896xf32, #tpu.memory_space<vmem>> -> memref<2048xf32, #tpu.memory_space<vmem>>
      %dma_wait3A_214 = tpu.memref_slice %arg2[%mul3A_58] : memref<262144xf32, #tpu.memory_space<hbm>> -> memref<2048xf32, #tpu.memory_space<hbm>>
      tpu.wait_dma2 semaphore(%run_scoped3A : memref<!tpu.dma_semaphore, #tpu.memory_space<semaphore_mem>>) src(%dma_wait3A_214 : memref<2048xf32, #tpu.memory_space<hbm>>) dst(%dma_wait3A_213 : memref<2048xf32, #tpu.memory_space<vmem>>)
      tpu.yield
    }) : () -> ()
    %add3A_59 = arith.constant 6 : i32
    %add3A_60 = arith.addi %mul3A_18, %add3A_59 : i32
    %mul3A_61 = arith.constant 2048 : i32
    %mul3A_62 = arith.muli %add3A_60, %mul3A_61 : i32
    "tpu.region"() ({
      %run_scoped3A = tpu.sem_alloc : memref<!tpu.dma_semaphore, #tpu.memory_space<semaphore_mem>>
      %dma_start3A = arith.constant 12336 : i32
      %dma_start3A_205 = tpu.memref_slice %arg5[%dma_start3A] : memref<32896xf32, #tpu.memory_space<vmem>> -> memref<2048xf32, #tpu.memory_space<vmem>>
      %dma_start3A_206 = tpu.memref_slice %arg2[%mul3A_62] : memref<262144xf32, #tpu.memory_space<hbm>> -> memref<2048xf32, #tpu.memory_space<hbm>>
      %dma_start3A_207 = arith.constant 12336 : i32
      %dma_start3A_208 = tpu.memref_slice %arg5[%dma_start3A_207] : memref<32896xf32, #tpu.memory_space<vmem>> -> memref<2048xf32, #tpu.memory_space<vmem>>
      %dma_start3A_209 = tpu.memref_slice %arg2[%mul3A_62] : memref<262144xf32, #tpu.memory_space<hbm>> -> memref<2048xf32, #tpu.memory_space<hbm>>
      tpu.enqueue_dma source(%dma_start3A_209 : memref<2048xf32, #tpu.memory_space<hbm>>) target(%dma_start3A_208 : memref<2048xf32, #tpu.memory_space<vmem>>) target_semaphore(%run_scoped3A : memref<!tpu.dma_semaphore, #tpu.memory_space<semaphore_mem>>)
      %dma_wait3A = arith.constant 12336 : i32
      %dma_wait3A_210 = tpu.memref_slice %arg5[%dma_wait3A] : memref<32896xf32, #tpu.memory_space<vmem>> -> memref<2048xf32, #tpu.memory_space<vmem>>
      %dma_wait3A_211 = tpu.memref_slice %arg2[%mul3A_62] : memref<262144xf32, #tpu.memory_space<hbm>> -> memref<2048xf32, #tpu.memory_space<hbm>>
      %dma_wait3A_212 = arith.constant 12336 : i32
      %dma_wait3A_213 = tpu.memref_slice %arg5[%dma_wait3A_212] : memref<32896xf32, #tpu.memory_space<vmem>> -> memref<2048xf32, #tpu.memory_space<vmem>>
      %dma_wait3A_214 = tpu.memref_slice %arg2[%mul3A_62] : memref<262144xf32, #tpu.memory_space<hbm>> -> memref<2048xf32, #tpu.memory_space<hbm>>
      tpu.wait_dma2 semaphore(%run_scoped3A : memref<!tpu.dma_semaphore, #tpu.memory_space<semaphore_mem>>) src(%dma_wait3A_214 : memref<2048xf32, #tpu.memory_space<hbm>>) dst(%dma_wait3A_213 : memref<2048xf32, #tpu.memory_space<vmem>>)
      tpu.yield
    }) : () -> ()
    %add3A_63 = arith.constant 7 : i32
    %add3A_64 = arith.addi %mul3A_18, %add3A_63 : i32
    %mul3A_65 = arith.constant 2048 : i32
    %mul3A_66 = arith.muli %add3A_64, %mul3A_65 : i32
    "tpu.region"() ({
      %run_scoped3A = tpu.sem_alloc : memref<!tpu.dma_semaphore, #tpu.memory_space<semaphore_mem>>
      %dma_start3A = arith.constant 14392 : i32
      %dma_start3A_205 = tpu.memref_slice %arg5[%dma_start3A] : memref<32896xf32, #tpu.memory_space<vmem>> -> memref<2048xf32, #tpu.memory_space<vmem>>
      %dma_start3A_206 = tpu.memref_slice %arg2[%mul3A_66] : memref<262144xf32, #tpu.memory_space<hbm>> -> memref<2048xf32, #tpu.memory_space<hbm>>
      %dma_start3A_207 = arith.constant 14392 : i32
      %dma_start3A_208 = tpu.memref_slice %arg5[%dma_start3A_207] : memref<32896xf32, #tpu.memory_space<vmem>> -> memref<2048xf32, #tpu.memory_space<vmem>>
      %dma_start3A_209 = tpu.memref_slice %arg2[%mul3A_66] : memref<262144xf32, #tpu.memory_space<hbm>> -> memref<2048xf32, #tpu.memory_space<hbm>>
      tpu.enqueue_dma source(%dma_start3A_209 : memref<2048xf32, #tpu.memory_space<hbm>>) target(%dma_start3A_208 : memref<2048xf32, #tpu.memory_space<vmem>>) target_semaphore(%run_scoped3A : memref<!tpu.dma_semaphore, #tpu.memory_space<semaphore_mem>>)
      %dma_wait3A = arith.constant 14392 : i32
      %dma_wait3A_210 = tpu.memref_slice %arg5[%dma_wait3A] : memref<32896xf32, #tpu.memory_space<vmem>> -> memref<2048xf32, #tpu.memory_space<vmem>>
      %dma_wait3A_211 = tpu.memref_slice %arg2[%mul3A_66] : memref<262144xf32, #tpu.memory_space<hbm>> -> memref<2048xf32, #tpu.memory_space<hbm>>
      %dma_wait3A_212 = arith.constant 14392 : i32
      %dma_wait3A_213 = tpu.memref_slice %arg5[%dma_wait3A_212] : memref<32896xf32, #tpu.memory_space<vmem>> -> memref<2048xf32, #tpu.memory_space<vmem>>
      %dma_wait3A_214 = tpu.memref_slice %arg2[%mul3A_66] : memref<262144xf32, #tpu.memory_space<hbm>> -> memref<2048xf32, #tpu.memory_space<hbm>>
      tpu.wait_dma2 semaphore(%run_scoped3A : memref<!tpu.dma_semaphore, #tpu.memory_space<semaphore_mem>>) src(%dma_wait3A_214 : memref<2048xf32, #tpu.memory_space<hbm>>) dst(%dma_wait3A_213 : memref<2048xf32, #tpu.memory_space<vmem>>)
      tpu.yield
    }) : () -> ()
    %add3A_67 = arith.constant 8 : i32
    %add3A_68 = arith.addi %mul3A_18, %add3A_67 : i32
    %mul3A_69 = arith.constant 2048 : i32
    %mul3A_70 = arith.muli %add3A_68, %mul3A_69 : i32
    "tpu.region"() ({
      %run_scoped3A = tpu.sem_alloc : memref<!tpu.dma_semaphore, #tpu.memory_space<semaphore_mem>>
      %dma_start3A = arith.constant 16448 : i32
      %dma_start3A_205 = tpu.memref_slice %arg5[%dma_start3A] : memref<32896xf32, #tpu.memory_space<vmem>> -> memref<2048xf32, #tpu.memory_space<vmem>>
      %dma_start3A_206 = tpu.memref_slice %arg2[%mul3A_70] : memref<262144xf32, #tpu.memory_space<hbm>> -> memref<2048xf32, #tpu.memory_space<hbm>>
      %dma_start3A_207 = arith.constant 16448 : i32
      %dma_start3A_208 = tpu.memref_slice %arg5[%dma_start3A_207] : memref<32896xf32, #tpu.memory_space<vmem>> -> memref<2048xf32, #tpu.memory_space<vmem>>
      %dma_start3A_209 = tpu.memref_slice %arg2[%mul3A_70] : memref<262144xf32, #tpu.memory_space<hbm>> -> memref<2048xf32, #tpu.memory_space<hbm>>
      tpu.enqueue_dma source(%dma_start3A_209 : memref<2048xf32, #tpu.memory_space<hbm>>) target(%dma_start3A_208 : memref<2048xf32, #tpu.memory_space<vmem>>) target_semaphore(%run_scoped3A : memref<!tpu.dma_semaphore, #tpu.memory_space<semaphore_mem>>)
      %dma_wait3A = arith.constant 16448 : i32
      %dma_wait3A_210 = tpu.memref_slice %arg5[%dma_wait3A] : memref<32896xf32, #tpu.memory_space<vmem>> -> memref<2048xf32, #tpu.memory_space<vmem>>
      %dma_wait3A_211 = tpu.memref_slice %arg2[%mul3A_70] : memref<262144xf32, #tpu.memory_space<hbm>> -> memref<2048xf32, #tpu.memory_space<hbm>>
      %dma_wait3A_212 = arith.constant 16448 : i32
      %dma_wait3A_213 = tpu.memref_slice %arg5[%dma_wait3A_212] : memref<32896xf32, #tpu.memory_space<vmem>> -> memref<2048xf32, #tpu.memory_space<vmem>>
      %dma_wait3A_214 = tpu.memref_slice %arg2[%mul3A_70] : memref<262144xf32, #tpu.memory_space<hbm>> -> memref<2048xf32, #tpu.memory_space<hbm>>
      tpu.wait_dma2 semaphore(%run_scoped3A : memref<!tpu.dma_semaphore, #tpu.memory_space<semaphore_mem>>) src(%dma_wait3A_214 : memref<2048xf32, #tpu.memory_space<hbm>>) dst(%dma_wait3A_213 : memref<2048xf32, #tpu.memory_space<vmem>>)
      tpu.yield
    }) : () -> ()
    %add3A_71 = arith.constant 9 : i32
    %add3A_72 = arith.addi %mul3A_18, %add3A_71 : i32
    %mul3A_73 = arith.constant 2048 : i32
    %mul3A_74 = arith.muli %add3A_72, %mul3A_73 : i32
    "tpu.region"() ({
      %run_scoped3A = tpu.sem_alloc : memref<!tpu.dma_semaphore, #tpu.memory_space<semaphore_mem>>
      %dma_start3A = arith.constant 18504 : i32
      %dma_start3A_205 = tpu.memref_slice %arg5[%dma_start3A] : memref<32896xf32, #tpu.memory_space<vmem>> -> memref<2048xf32, #tpu.memory_space<vmem>>
      %dma_start3A_206 = tpu.memref_slice %arg2[%mul3A_74] : memref<262144xf32, #tpu.memory_space<hbm>> -> memref<2048xf32, #tpu.memory_space<hbm>>
      %dma_start3A_207 = arith.constant 18504 : i32
      %dma_start3A_208 = tpu.memref_slice %arg5[%dma_start3A_207] : memref<32896xf32, #tpu.memory_space<vmem>> -> memref<2048xf32, #tpu.memory_space<vmem>>
      %dma_start3A_209 = tpu.memref_slice %arg2[%mul3A_74] : memref<262144xf32, #tpu.memory_space<hbm>> -> memref<2048xf32, #tpu.memory_space<hbm>>
      tpu.enqueue_dma source(%dma_start3A_209 : memref<2048xf32, #tpu.memory_space<hbm>>) target(%dma_start3A_208 : memref<2048xf32, #tpu.memory_space<vmem>>) target_semaphore(%run_scoped3A : memref<!tpu.dma_semaphore, #tpu.memory_space<semaphore_mem>>)
      %dma_wait3A = arith.constant 18504 : i32
      %dma_wait3A_210 = tpu.memref_slice %arg5[%dma_wait3A] : memref<32896xf32, #tpu.memory_space<vmem>> -> memref<2048xf32, #tpu.memory_space<vmem>>
      %dma_wait3A_211 = tpu.memref_slice %arg2[%mul3A_74] : memref<262144xf32, #tpu.memory_space<hbm>> -> memref<2048xf32, #tpu.memory_space<hbm>>
      %dma_wait3A_212 = arith.constant 18504 : i32
      %dma_wait3A_213 = tpu.memref_slice %arg5[%dma_wait3A_212] : memref<32896xf32, #tpu.memory_space<vmem>> -> memref<2048xf32, #tpu.memory_space<vmem>>
      %dma_wait3A_214 = tpu.memref_slice %arg2[%mul3A_74] : memref<262144xf32, #tpu.memory_space<hbm>> -> memref<2048xf32, #tpu.memory_space<hbm>>
      tpu.wait_dma2 semaphore(%run_scoped3A : memref<!tpu.dma_semaphore, #tpu.memory_space<semaphore_mem>>) src(%dma_wait3A_214 : memref<2048xf32, #tpu.memory_space<hbm>>) dst(%dma_wait3A_213 : memref<2048xf32, #tpu.memory_space<vmem>>)
      tpu.yield
    }) : () -> ()
    %add3A_75 = arith.constant 10 : i32
    %add3A_76 = arith.addi %mul3A_18, %add3A_75 : i32
    %mul3A_77 = arith.constant 2048 : i32
    %mul3A_78 = arith.muli %add3A_76, %mul3A_77 : i32
    "tpu.region"() ({
      %run_scoped3A = tpu.sem_alloc : memref<!tpu.dma_semaphore, #tpu.memory_space<semaphore_mem>>
      %dma_start3A = arith.constant 20560 : i32
      %dma_start3A_205 = tpu.memref_slice %arg5[%dma_start3A] : memref<32896xf32, #tpu.memory_space<vmem>> -> memref<2048xf32, #tpu.memory_space<vmem>>
      %dma_start3A_206 = tpu.memref_slice %arg2[%mul3A_78] : memref<262144xf32, #tpu.memory_space<hbm>> -> memref<2048xf32, #tpu.memory_space<hbm>>
      %dma_start3A_207 = arith.constant 20560 : i32
      %dma_start3A_208 = tpu.memref_slice %arg5[%dma_start3A_207] : memref<32896xf32, #tpu.memory_space<vmem>> -> memref<2048xf32, #tpu.memory_space<vmem>>
      %dma_start3A_209 = tpu.memref_slice %arg2[%mul3A_78] : memref<262144xf32, #tpu.memory_space<hbm>> -> memref<2048xf32, #tpu.memory_space<hbm>>
      tpu.enqueue_dma source(%dma_start3A_209 : memref<2048xf32, #tpu.memory_space<hbm>>) target(%dma_start3A_208 : memref<2048xf32, #tpu.memory_space<vmem>>) target_semaphore(%run_scoped3A : memref<!tpu.dma_semaphore, #tpu.memory_space<semaphore_mem>>)
      %dma_wait3A = arith.constant 20560 : i32
      %dma_wait3A_210 = tpu.memref_slice %arg5[%dma_wait3A] : memref<32896xf32, #tpu.memory_space<vmem>> -> memref<2048xf32, #tpu.memory_space<vmem>>
      %dma_wait3A_211 = tpu.memref_slice %arg2[%mul3A_78] : memref<262144xf32, #tpu.memory_space<hbm>> -> memref<2048xf32, #tpu.memory_space<hbm>>
      %dma_wait3A_212 = arith.constant 20560 : i32
      %dma_wait3A_213 = tpu.memref_slice %arg5[%dma_wait3A_212] : memref<32896xf32, #tpu.memory_space<vmem>> -> memref<2048xf32, #tpu.memory_space<vmem>>
      %dma_wait3A_214 = tpu.memref_slice %arg2[%mul3A_78] : memref<262144xf32, #tpu.memory_space<hbm>> -> memref<2048xf32, #tpu.memory_space<hbm>>
      tpu.wait_dma2 semaphore(%run_scoped3A : memref<!tpu.dma_semaphore, #tpu.memory_space<semaphore_mem>>) src(%dma_wait3A_214 : memref<2048xf32, #tpu.memory_space<hbm>>) dst(%dma_wait3A_213 : memref<2048xf32, #tpu.memory_space<vmem>>)
      tpu.yield
    }) : () -> ()
    %add3A_79 = arith.constant 11 : i32
    %add3A_80 = arith.addi %mul3A_18, %add3A_79 : i32
    %mul3A_81 = arith.constant 2048 : i32
    %mul3A_82 = arith.muli %add3A_80, %mul3A_81 : i32
    "tpu.region"() ({
      %run_scoped3A = tpu.sem_alloc : memref<!tpu.dma_semaphore, #tpu.memory_space<semaphore_mem>>
      %dma_start3A = arith.constant 22616 : i32
      %dma_start3A_205 = tpu.memref_slice %arg5[%dma_start3A] : memref<32896xf32, #tpu.memory_space<vmem>> -> memref<2048xf32, #tpu.memory_space<vmem>>
      %dma_start3A_206 = tpu.memref_slice %arg2[%mul3A_82] : memref<262144xf32, #tpu.memory_space<hbm>> -> memref<2048xf32, #tpu.memory_space<hbm>>
      %dma_start3A_207 = arith.constant 22616 : i32
      %dma_start3A_208 = tpu.memref_slice %arg5[%dma_start3A_207] : memref<32896xf32, #tpu.memory_space<vmem>> -> memref<2048xf32, #tpu.memory_space<vmem>>
      %dma_start3A_209 = tpu.memref_slice %arg2[%mul3A_82] : memref<262144xf32, #tpu.memory_space<hbm>> -> memref<2048xf32, #tpu.memory_space<hbm>>
      tpu.enqueue_dma source(%dma_start3A_209 : memref<2048xf32, #tpu.memory_space<hbm>>) target(%dma_start3A_208 : memref<2048xf32, #tpu.memory_space<vmem>>) target_semaphore(%run_scoped3A : memref<!tpu.dma_semaphore, #tpu.memory_space<semaphore_mem>>)
      %dma_wait3A = arith.constant 22616 : i32
      %dma_wait3A_210 = tpu.memref_slice %arg5[%dma_wait3A] : memref<32896xf32, #tpu.memory_space<vmem>> -> memref<2048xf32, #tpu.memory_space<vmem>>
      %dma_wait3A_211 = tpu.memref_slice %arg2[%mul3A_82] : memref<262144xf32, #tpu.memory_space<hbm>> -> memref<2048xf32, #tpu.memory_space<hbm>>
      %dma_wait3A_212 = arith.constant 22616 : i32
      %dma_wait3A_213 = tpu.memref_slice %arg5[%dma_wait3A_212] : memref<32896xf32, #tpu.memory_space<vmem>> -> memref<2048xf32, #tpu.memory_space<vmem>>
      %dma_wait3A_214 = tpu.memref_slice %arg2[%mul3A_82] : memref<262144xf32, #tpu.memory_space<hbm>> -> memref<2048xf32, #tpu.memory_space<hbm>>
      tpu.wait_dma2 semaphore(%run_scoped3A : memref<!tpu.dma_semaphore, #tpu.memory_space<semaphore_mem>>) src(%dma_wait3A_214 : memref<2048xf32, #tpu.memory_space<hbm>>) dst(%dma_wait3A_213 : memref<2048xf32, #tpu.memory_space<vmem>>)
      tpu.yield
    }) : () -> ()
    %add3A_83 = arith.constant 12 : i32
    %add3A_84 = arith.addi %mul3A_18, %add3A_83 : i32
    %mul3A_85 = arith.constant 2048 : i32
    %mul3A_86 = arith.muli %add3A_84, %mul3A_85 : i32
    "tpu.region"() ({
      %run_scoped3A = tpu.sem_alloc : memref<!tpu.dma_semaphore, #tpu.memory_space<semaphore_mem>>
      %dma_start3A = arith.constant 24672 : i32
      %dma_start3A_205 = tpu.memref_slice %arg5[%dma_start3A] : memref<32896xf32, #tpu.memory_space<vmem>> -> memref<2048xf32, #tpu.memory_space<vmem>>
      %dma_start3A_206 = tpu.memref_slice %arg2[%mul3A_86] : memref<262144xf32, #tpu.memory_space<hbm>> -> memref<2048xf32, #tpu.memory_space<hbm>>
      %dma_start3A_207 = arith.constant 24672 : i32
      %dma_start3A_208 = tpu.memref_slice %arg5[%dma_start3A_207] : memref<32896xf32, #tpu.memory_space<vmem>> -> memref<2048xf32, #tpu.memory_space<vmem>>
      %dma_start3A_209 = tpu.memref_slice %arg2[%mul3A_86] : memref<262144xf32, #tpu.memory_space<hbm>> -> memref<2048xf32, #tpu.memory_space<hbm>>
      tpu.enqueue_dma source(%dma_start3A_209 : memref<2048xf32, #tpu.memory_space<hbm>>) target(%dma_start3A_208 : memref<2048xf32, #tpu.memory_space<vmem>>) target_semaphore(%run_scoped3A : memref<!tpu.dma_semaphore, #tpu.memory_space<semaphore_mem>>)
      %dma_wait3A = arith.constant 24672 : i32
      %dma_wait3A_210 = tpu.memref_slice %arg5[%dma_wait3A] : memref<32896xf32, #tpu.memory_space<vmem>> -> memref<2048xf32, #tpu.memory_space<vmem>>
      %dma_wait3A_211 = tpu.memref_slice %arg2[%mul3A_86] : memref<262144xf32, #tpu.memory_space<hbm>> -> memref<2048xf32, #tpu.memory_space<hbm>>
      %dma_wait3A_212 = arith.constant 24672 : i32
      %dma_wait3A_213 = tpu.memref_slice %arg5[%dma_wait3A_212] : memref<32896xf32, #tpu.memory_space<vmem>> -> memref<2048xf32, #tpu.memory_space<vmem>>
      %dma_wait3A_214 = tpu.memref_slice %arg2[%mul3A_86] : memref<262144xf32, #tpu.memory_space<hbm>> -> memref<2048xf32, #tpu.memory_space<hbm>>
      tpu.wait_dma2 semaphore(%run_scoped3A : memref<!tpu.dma_semaphore, #tpu.memory_space<semaphore_mem>>) src(%dma_wait3A_214 : memref<2048xf32, #tpu.memory_space<hbm>>) dst(%dma_wait3A_213 : memref<2048xf32, #tpu.memory_space<vmem>>)
      tpu.yield
    }) : () -> ()
    %add3A_87 = arith.constant 13 : i32
    %add3A_88 = arith.addi %mul3A_18, %add3A_87 : i32
    %mul3A_89 = arith.constant 2048 : i32
    %mul3A_90 = arith.muli %add3A_88, %mul3A_89 : i32
    "tpu.region"() ({
      %run_scoped3A = tpu.sem_alloc : memref<!tpu.dma_semaphore, #tpu.memory_space<semaphore_mem>>
      %dma_start3A = arith.constant 26728 : i32
      %dma_start3A_205 = tpu.memref_slice %arg5[%dma_start3A] : memref<32896xf32, #tpu.memory_space<vmem>> -> memref<2048xf32, #tpu.memory_space<vmem>>
      %dma_start3A_206 = tpu.memref_slice %arg2[%mul3A_90] : memref<262144xf32, #tpu.memory_space<hbm>> -> memref<2048xf32, #tpu.memory_space<hbm>>
      %dma_start3A_207 = arith.constant 26728 : i32
      %dma_start3A_208 = tpu.memref_slice %arg5[%dma_start3A_207] : memref<32896xf32, #tpu.memory_space<vmem>> -> memref<2048xf32, #tpu.memory_space<vmem>>
      %dma_start3A_209 = tpu.memref_slice %arg2[%mul3A_90] : memref<262144xf32, #tpu.memory_space<hbm>> -> memref<2048xf32, #tpu.memory_space<hbm>>
      tpu.enqueue_dma source(%dma_start3A_209 : memref<2048xf32, #tpu.memory_space<hbm>>) target(%dma_start3A_208 : memref<2048xf32, #tpu.memory_space<vmem>>) target_semaphore(%run_scoped3A : memref<!tpu.dma_semaphore, #tpu.memory_space<semaphore_mem>>)
      %dma_wait3A = arith.constant 26728 : i32
      %dma_wait3A_210 = tpu.memref_slice %arg5[%dma_wait3A] : memref<32896xf32, #tpu.memory_space<vmem>> -> memref<2048xf32, #tpu.memory_space<vmem>>
      %dma_wait3A_211 = tpu.memref_slice %arg2[%mul3A_90] : memref<262144xf32, #tpu.memory_space<hbm>> -> memref<2048xf32, #tpu.memory_space<hbm>>
      %dma_wait3A_212 = arith.constant 26728 : i32
      %dma_wait3A_213 = tpu.memref_slice %arg5[%dma_wait3A_212] : memref<32896xf32, #tpu.memory_space<vmem>> -> memref<2048xf32, #tpu.memory_space<vmem>>
      %dma_wait3A_214 = tpu.memref_slice %arg2[%mul3A_90] : memref<262144xf32, #tpu.memory_space<hbm>> -> memref<2048xf32, #tpu.memory_space<hbm>>
      tpu.wait_dma2 semaphore(%run_scoped3A : memref<!tpu.dma_semaphore, #tpu.memory_space<semaphore_mem>>) src(%dma_wait3A_214 : memref<2048xf32, #tpu.memory_space<hbm>>) dst(%dma_wait3A_213 : memref<2048xf32, #tpu.memory_space<vmem>>)
      tpu.yield
    }) : () -> ()
    %add3A_91 = arith.constant 14 : i32
    %add3A_92 = arith.addi %mul3A_18, %add3A_91 : i32
    %mul3A_93 = arith.constant 2048 : i32
    %mul3A_94 = arith.muli %add3A_92, %mul3A_93 : i32
    "tpu.region"() ({
      %run_scoped3A = tpu.sem_alloc : memref<!tpu.dma_semaphore, #tpu.memory_space<semaphore_mem>>
      %dma_start3A = arith.constant 28784 : i32
      %dma_start3A_205 = tpu.memref_slice %arg5[%dma_start3A] : memref<32896xf32, #tpu.memory_space<vmem>> -> memref<2048xf32, #tpu.memory_space<vmem>>
      %dma_start3A_206 = tpu.memref_slice %arg2[%mul3A_94] : memref<262144xf32, #tpu.memory_space<hbm>> -> memref<2048xf32, #tpu.memory_space<hbm>>
      %dma_start3A_207 = arith.constant 28784 : i32
      %dma_start3A_208 = tpu.memref_slice %arg5[%dma_start3A_207] : memref<32896xf32, #tpu.memory_space<vmem>> -> memref<2048xf32, #tpu.memory_space<vmem>>
      %dma_start3A_209 = tpu.memref_slice %arg2[%mul3A_94] : memref<262144xf32, #tpu.memory_space<hbm>> -> memref<2048xf32, #tpu.memory_space<hbm>>
      tpu.enqueue_dma source(%dma_start3A_209 : memref<2048xf32, #tpu.memory_space<hbm>>) target(%dma_start3A_208 : memref<2048xf32, #tpu.memory_space<vmem>>) target_semaphore(%run_scoped3A : memref<!tpu.dma_semaphore, #tpu.memory_space<semaphore_mem>>)
      %dma_wait3A = arith.constant 28784 : i32
      %dma_wait3A_210 = tpu.memref_slice %arg5[%dma_wait3A] : memref<32896xf32, #tpu.memory_space<vmem>> -> memref<2048xf32, #tpu.memory_space<vmem>>
      %dma_wait3A_211 = tpu.memref_slice %arg2[%mul3A_94] : memref<262144xf32, #tpu.memory_space<hbm>> -> memref<2048xf32, #tpu.memory_space<hbm>>
      %dma_wait3A_212 = arith.constant 28784 : i32
      %dma_wait3A_213 = tpu.memref_slice %arg5[%dma_wait3A_212] : memref<32896xf32, #tpu.memory_space<vmem>> -> memref<2048xf32, #tpu.memory_space<vmem>>
      %dma_wait3A_214 = tpu.memref_slice %arg2[%mul3A_94] : memref<262144xf32, #tpu.memory_space<hbm>> -> memref<2048xf32, #tpu.memory_space<hbm>>
      tpu.wait_dma2 semaphore(%run_scoped3A : memref<!tpu.dma_semaphore, #tpu.memory_space<semaphore_mem>>) src(%dma_wait3A_214 : memref<2048xf32, #tpu.memory_space<hbm>>) dst(%dma_wait3A_213 : memref<2048xf32, #tpu.memory_space<vmem>>)
      tpu.yield
    }) : () -> ()
    %add3A_95 = arith.constant 15 : i32
    %add3A_96 = arith.addi %mul3A_18, %add3A_95 : i32
    %mul3A_97 = arith.constant 2048 : i32
    %mul3A_98 = arith.muli %add3A_96, %mul3A_97 : i32
    "tpu.region"() ({
      %run_scoped3A = tpu.sem_alloc : memref<!tpu.dma_semaphore, #tpu.memory_space<semaphore_mem>>
      %dma_start3A = arith.constant 30840 : i32
      %dma_start3A_205 = tpu.memref_slice %arg5[%dma_start3A] : memref<32896xf32, #tpu.memory_space<vmem>> -> memref<2048xf32, #tpu.memory_space<vmem>>
      %dma_start3A_206 = tpu.memref_slice %arg2[%mul3A_98] : memref<262144xf32, #tpu.memory_space<hbm>> -> memref<2048xf32, #tpu.memory_space<hbm>>
      %dma_start3A_207 = arith.constant 30840 : i32
      %dma_start3A_208 = tpu.memref_slice %arg5[%dma_start3A_207] : memref<32896xf32, #tpu.memory_space<vmem>> -> memref<2048xf32, #tpu.memory_space<vmem>>
      %dma_start3A_209 = tpu.memref_slice %arg2[%mul3A_98] : memref<262144xf32, #tpu.memory_space<hbm>> -> memref<2048xf32, #tpu.memory_space<hbm>>
      tpu.enqueue_dma source(%dma_start3A_209 : memref<2048xf32, #tpu.memory_space<hbm>>) target(%dma_start3A_208 : memref<2048xf32, #tpu.memory_space<vmem>>) target_semaphore(%run_scoped3A : memref<!tpu.dma_semaphore, #tpu.memory_space<semaphore_mem>>)
      %dma_wait3A = arith.constant 30840 : i32
      %dma_wait3A_210 = tpu.memref_slice %arg5[%dma_wait3A] : memref<32896xf32, #tpu.memory_space<vmem>> -> memref<2048xf32, #tpu.memory_space<vmem>>
      %dma_wait3A_211 = tpu.memref_slice %arg2[%mul3A_98] : memref<262144xf32, #tpu.memory_space<hbm>> -> memref<2048xf32, #tpu.memory_space<hbm>>
      %dma_wait3A_212 = arith.constant 30840 : i32
      %dma_wait3A_213 = tpu.memref_slice %arg5[%dma_wait3A_212] : memref<32896xf32, #tpu.memory_space<vmem>> -> memref<2048xf32, #tpu.memory_space<vmem>>
      %dma_wait3A_214 = tpu.memref_slice %arg2[%mul3A_98] : memref<262144xf32, #tpu.memory_space<hbm>> -> memref<2048xf32, #tpu.memory_space<hbm>>
      tpu.wait_dma2 semaphore(%run_scoped3A : memref<!tpu.dma_semaphore, #tpu.memory_space<semaphore_mem>>) src(%dma_wait3A_214 : memref<2048xf32, #tpu.memory_space<hbm>>) dst(%dma_wait3A_213 : memref<2048xf32, #tpu.memory_space<vmem>>)
      tpu.yield
    }) : () -> ()
    %iota3A = tpu.iota {dimensions = array<i32: 0>} : vector<16xi32>
    %broadcast_in_dim3A = arith.constant 1.000000e+00 : f32
    %broadcast_in_dim3A_99 = vector.broadcast %broadcast_in_dim3A : f32 to vector<16xf32>
    %mul3A_100 = arith.constant 2056 : i32
    %mul3A_101 = vector.broadcast %mul3A_100 : i32 to vector<16xi32>
    %mul3A_102 = arith.muli %iota3A, %mul3A_101 : vector<16xi32>
    %add3A_103 = arith.constant 2048 : i32
    %add3A_104 = vector.broadcast %add3A_103 : i32 to vector<16xi32>
    %add3A_105 = arith.addi %mul3A_102, %add3A_104 : vector<16xi32>
    tpu.vector_store_idx %arg5[%add3A_105], %broadcast_in_dim3A_99 : memref<32896xf32, #tpu.memory_space<vmem>>[vector<16xi32>], vector<16xf32>,
    %mul3A_106 = arith.constant 2056 : i32
    %mul3A_107 = vector.broadcast %mul3A_106 : i32 to vector<16xi32>
    %mul3A_108 = arith.muli %iota3A, %mul3A_107 : vector<16xi32>
    %mul3A_109 = arith.constant 136 : i32
    %mul3A_110 = vector.broadcast %mul3A_109 : i32 to vector<16xi32>
    %mul3A_111 = arith.muli %iota3A, %mul3A_110 : vector<16xi32>
    %broadcast_in_dim3A_112 = arith.constant 5.000000e-01 : f32
    %broadcast_in_dim3A_113 = vector.broadcast %broadcast_in_dim3A_112 : f32 to vector<16xf32>
    %scan3A = arith.constant 0 : i32
    %scan3A_114 = arith.constant 0 : i32
    %mul3A_115 = arith.constant 128 : i32
    %mul3A_116 = arith.muli %scan3A_114, %mul3A_115 : i32
    %add3A_117 = arith.addi %mul3A_34, %mul3A_116 : i32
    "tpu.region"() ({
      %run_scoped3A = tpu.sem_alloc : memref<!tpu.dma_semaphore, #tpu.memory_space<semaphore_mem>>
      %dma_start3A = arith.constant 0 : i32
      %dma_start3A_205 = tpu.memref_slice %arg3[%add3A_117, %dma_start3A] : memref<512x128xf32, #tpu.memory_space<hbm>> -> memref<128x128xf32, #tpu.memory_space<hbm>>
      %dma_start3A_206 = arith.constant 0 : i32
      %dma_start3A_207 = tpu.memref_slice %arg3[%add3A_117, %dma_start3A_206] : memref<512x128xf32, #tpu.memory_space<hbm>> -> memref<128x128xf32, #tpu.memory_space<hbm>>
      tpu.enqueue_dma source(%dma_start3A_207 : memref<128x128xf32, #tpu.memory_space<hbm>>) target(%arg6 : memref<128x128xf32, #tpu.memory_space<vmem>>) target_semaphore(%run_scoped3A : memref<!tpu.dma_semaphore, #tpu.memory_space<semaphore_mem>>)
      %dma_wait3A = arith.constant 0 : i32
      %dma_wait3A_208 = tpu.memref_slice %arg3[%add3A_117, %dma_wait3A] : memref<512x128xf32, #tpu.memory_space<hbm>> -> memref<128x128xf32, #tpu.memory_space<hbm>>
      %dma_wait3A_209 = arith.constant 0 : i32
      %dma_wait3A_210 = tpu.memref_slice %arg3[%add3A_117, %dma_wait3A_209] : memref<512x128xf32, #tpu.memory_space<hbm>> -> memref<128x128xf32, #tpu.memory_space<hbm>>
      tpu.wait_dma2 semaphore(%run_scoped3A : memref<!tpu.dma_semaphore, #tpu.memory_space<semaphore_mem>>) src(%dma_wait3A_210 : memref<128x128xf32, #tpu.memory_space<hbm>>) dst(%arg6 : memref<128x128xf32, #tpu.memory_space<vmem>>)
      tpu.yield
    }) : () -> ()
    %scan3A_118 = arith.constant 0 : i32
    %scan3A_119 = arith.constant 0 : i32
    %scan3A_120 = arith.constant 128 : i32
    %scan3A_121 = arith.addi %scan3A_119, %scan3A_120 : i32
    %scan3A_122 = arith.constant 1 : i32
    scf.for %scan3A_205 = %scan3A_119 to %scan3A_121 step %scan3A_122  : i32 {
      %get3A = arith.index_cast %scan3A_205 : i32 to index
      %get3A_206 = arith.constant 0 : index
      %get3A_207 = tpu.vector_load %arg6[%get3A, %get3A_206] {strides = array<i32>} : memref<128x128xf32, #tpu.memory_space<vmem>>, vector<16xf32>,
      %mul3A_208 = arith.constant 1.600000e+01 : f32
      %mul3A_209 = vector.broadcast %mul3A_208 : f32 to vector<16xf32>
      %mul3A_210 = arith.mulf %get3A_207, %mul3A_209 : vector<16xf32>
      %convert_element_type3A = arith.fptosi %mul3A_210 : vector<16xf32> to vector<16xi32>
      %convert_element_type3A_211 = arith.sitofp %convert_element_type3A : vector<16xi32> to vector<16xf32>
      %sub3A_212 = arith.subf %mul3A_210, %convert_element_type3A_211 : vector<16xf32>
      %gt3A = arith.cmpf ogt, %sub3A_212, %broadcast_in_dim3A_113 : vector<16xf32>
      %jit3A_213 = arith.constant 1 : i32
      %jit3A_214 = arith.constant 0 : i32
      %broadcast_in_dim3A_215 = vector.broadcast %jit3A_213 : i32 to vector<16xi32>
      %broadcast_in_dim3A_216 = vector.broadcast %jit3A_214 : i32 to vector<16xi32>
      %select_n3A_217 = arith.select %gt3A, %broadcast_in_dim3A_215, %broadcast_in_dim3A_216 : vector<16xi1>, vector<16xi32>
      %add3A_218 = arith.addi %convert_element_type3A, %select_n3A_217 : vector<16xi32>
      %eq3A_219 = arith.cmpf oeq, %sub3A_212, %broadcast_in_dim3A_113 : vector<16xf32>
      %and3A_220 = arith.constant 1 : i32
      %and3A_221 = vector.broadcast %and3A_220 : i32 to vector<16xi32>
      %and3A_222 = arith.andi %convert_element_type3A, %and3A_221 : vector<16xi32>
      %jit3A_223 = arith.constant 0 : i32
      %broadcast_in_dim3A_224 = vector.broadcast %jit3A_223 : i32 to vector<16xi32>
      %select_n3A_225 = arith.select %eq3A_219, %and3A_222, %broadcast_in_dim3A_224 : vector<16xi1>, vector<16xi32>
      %add3A_226 = arith.addi %add3A_218, %select_n3A_225 : vector<16xi32>
      %add3A_227 = arith.constant 0 : i32
      %add3A_228 = vector.broadcast %add3A_227 : i32 to vector<16xi32>
      %add3A_229 = arith.addi %iota3A, %add3A_228 : vector<16xi32>
      %mul3A_230 = arith.constant 16 : i32
      %mul3A_231 = vector.broadcast %mul3A_230 : i32 to vector<16xi32>
      %mul3A_232 = arith.muli %add3A_229, %mul3A_231 : vector<16xi32>
      %lt3A_233 = arith.constant 16 : i32
      %lt3A_234 = vector.broadcast %lt3A_233 : i32 to vector<16xi32>
      %lt3A_235 = arith.cmpi slt, %add3A_226, %lt3A_234 : vector<16xi32>
      %add3A_236 = arith.addi %mul3A_232, %add3A_226 : vector<16xi32>
      %jit3A_237 = arith.constant 2048 : i32
      %broadcast_in_dim3A_238 = vector.broadcast %jit3A_237 : i32 to vector<16xi32>
      %select_n3A_239 = arith.select %lt3A_235, %add3A_236, %broadcast_in_dim3A_238 : vector<16xi1>, vector<16xi32>
      %get3A_240 = arith.index_cast %scan3A_205 : i32 to index
      %get3A_241 = arith.constant 16 : index
      %get3A_242 = tpu.vector_load %arg6[%get3A_240, %get3A_241] {strides = array<i32>} : memref<128x128xf32, #tpu.memory_space<vmem>>, vector<16xf32>,
      %mul3A_243 = arith.constant 1.600000e+01 : f32
      %mul3A_244 = vector.broadcast %mul3A_243 : f32 to vector<16xf32>
      %mul3A_245 = arith.mulf %get3A_242, %mul3A_244 : vector<16xf32>
      %convert_element_type3A_246 = arith.fptosi %mul3A_245 : vector<16xf32> to vector<16xi32>
      %convert_element_type3A_247 = arith.sitofp %convert_element_type3A_246 : vector<16xi32> to vector<16xf32>
      %sub3A_248 = arith.subf %mul3A_245, %convert_element_type3A_247 : vector<16xf32>
      %gt3A_249 = arith.cmpf ogt, %sub3A_248, %broadcast_in_dim3A_113 : vector<16xf32>
      %jit3A_250 = arith.constant 1 : i32
      %jit3A_251 = arith.constant 0 : i32
      %broadcast_in_dim3A_252 = vector.broadcast %jit3A_250 : i32 to vector<16xi32>
      %broadcast_in_dim3A_253 = vector.broadcast %jit3A_251 : i32 to vector<16xi32>
      %select_n3A_254 = arith.select %gt3A_249, %broadcast_in_dim3A_252, %broadcast_in_dim3A_253 : vector<16xi1>, vector<16xi32>
      %add3A_255 = arith.addi %convert_element_type3A_246, %select_n3A_254 : vector<16xi32>
      %eq3A_256 = arith.cmpf oeq, %sub3A_248, %broadcast_in_dim3A_113 : vector<16xf32>
      %and3A_257 = arith.constant 1 : i32
      %and3A_258 = vector.broadcast %and3A_257 : i32 to vector<16xi32>
      %and3A_259 = arith.andi %convert_element_type3A_246, %and3A_258 : vector<16xi32>
      %jit3A_260 = arith.constant 0 : i32
      %broadcast_in_dim3A_261 = vector.broadcast %jit3A_260 : i32 to vector<16xi32>
      %select_n3A_262 = arith.select %eq3A_256, %and3A_259, %broadcast_in_dim3A_261 : vector<16xi1>, vector<16xi32>
      %add3A_263 = arith.addi %add3A_255, %select_n3A_262 : vector<16xi32>
      %add3A_264 = arith.constant 16 : i32
      %add3A_265 = vector.broadcast %add3A_264 : i32 to vector<16xi32>
      %add3A_266 = arith.addi %iota3A, %add3A_265 : vector<16xi32>
      %mul3A_267 = arith.constant 16 : i32
      %mul3A_268 = vector.broadcast %mul3A_267 : i32 to vector<16xi32>
      %mul3A_269 = arith.muli %add3A_266, %mul3A_268 : vector<16xi32>
      %lt3A_270 = arith.constant 16 : i32
      %lt3A_271 = vector.broadcast %lt3A_270 : i32 to vector<16xi32>
      %lt3A_272 = arith.cmpi slt, %add3A_263, %lt3A_271 : vector<16xi32>
      %add3A_273 = arith.addi %mul3A_269, %add3A_263 : vector<16xi32>
      %jit3A_274 = arith.constant 2048 : i32
      %broadcast_in_dim3A_275 = vector.broadcast %jit3A_274 : i32 to vector<16xi32>
      %select_n3A_276 = arith.select %lt3A_272, %add3A_273, %broadcast_in_dim3A_275 : vector<16xi1>, vector<16xi32>
      %get3A_277 = arith.index_cast %scan3A_205 : i32 to index
      %get3A_278 = arith.constant 32 : index
      %get3A_279 = tpu.vector_load %arg6[%get3A_277, %get3A_278] {strides = array<i32>} : memref<128x128xf32, #tpu.memory_space<vmem>>, vector<16xf32>,
      %mul3A_280 = arith.constant 1.600000e+01 : f32
      %mul3A_281 = vector.broadcast %mul3A_280 : f32 to vector<16xf32>
      %mul3A_282 = arith.mulf %get3A_279, %mul3A_281 : vector<16xf32>
      %convert_element_type3A_283 = arith.fptosi %mul3A_282 : vector<16xf32> to vector<16xi32>
      %convert_element_type3A_284 = arith.sitofp %convert_element_type3A_283 : vector<16xi32> to vector<16xf32>
      %sub3A_285 = arith.subf %mul3A_282, %convert_element_type3A_284 : vector<16xf32>
      %gt3A_286 = arith.cmpf ogt, %sub3A_285, %broadcast_in_dim3A_113 : vector<16xf32>
      %jit3A_287 = arith.constant 1 : i32
      %jit3A_288 = arith.constant 0 : i32
      %broadcast_in_dim3A_289 = vector.broadcast %jit3A_287 : i32 to vector<16xi32>
      %broadcast_in_dim3A_290 = vector.broadcast %jit3A_288 : i32 to vector<16xi32>
      %select_n3A_291 = arith.select %gt3A_286, %broadcast_in_dim3A_289, %broadcast_in_dim3A_290 : vector<16xi1>, vector<16xi32>
      %add3A_292 = arith.addi %convert_element_type3A_283, %select_n3A_291 : vector<16xi32>
      %eq3A_293 = arith.cmpf oeq, %sub3A_285, %broadcast_in_dim3A_113 : vector<16xf32>
      %and3A_294 = arith.constant 1 : i32
      %and3A_295 = vector.broadcast %and3A_294 : i32 to vector<16xi32>
      %and3A_296 = arith.andi %convert_element_type3A_283, %and3A_295 : vector<16xi32>
      %jit3A_297 = arith.constant 0 : i32
      %broadcast_in_dim3A_298 = vector.broadcast %jit3A_297 : i32 to vector<16xi32>
      %select_n3A_299 = arith.select %eq3A_293, %and3A_296, %broadcast_in_dim3A_298 : vector<16xi1>, vector<16xi32>
      %add3A_300 = arith.addi %add3A_292, %select_n3A_299 : vector<16xi32>
      %add3A_301 = arith.constant 32 : i32
      %add3A_302 = vector.broadcast %add3A_301 : i32 to vector<16xi32>
      %add3A_303 = arith.addi %iota3A, %add3A_302 : vector<16xi32>
      %mul3A_304 = arith.constant 16 : i32
      %mul3A_305 = vector.broadcast %mul3A_304 : i32 to vector<16xi32>
      %mul3A_306 = arith.muli %add3A_303, %mul3A_305 : vector<16xi32>
      %lt3A_307 = arith.constant 16 : i32
      %lt3A_308 = vector.broadcast %lt3A_307 : i32 to vector<16xi32>
      %lt3A_309 = arith.cmpi slt, %add3A_300, %lt3A_308 : vector<16xi32>
      %add3A_310 = arith.addi %mul3A_306, %add3A_300 : vector<16xi32>
      %jit3A_311 = arith.constant 2048 : i32
      %broadcast_in_dim3A_312 = vector.broadcast %jit3A_311 : i32 to vector<16xi32>
      %select_n3A_313 = arith.select %lt3A_309, %add3A_310, %broadcast_in_dim3A_312 : vector<16xi1>, vector<16xi32>
      %get3A_314 = arith.index_cast %scan3A_205 : i32 to index
      %get3A_315 = arith.constant 48 : index
      %get3A_316 = tpu.vector_load %arg6[%get3A_314, %get3A_315] {strides = array<i32>} : memref<128x128xf32, #tpu.memory_space<vmem>>, vector<16xf32>,
      %mul3A_317 = arith.constant 1.600000e+01 : f32
      %mul3A_318 = vector.broadcast %mul3A_317 : f32 to vector<16xf32>
      %mul3A_319 = arith.mulf %get3A_316, %mul3A_318 : vector<16xf32>
      %convert_element_type3A_320 = arith.fptosi %mul3A_319 : vector<16xf32> to vector<16xi32>
      %convert_element_type3A_321 = arith.sitofp %convert_element_type3A_320 : vector<16xi32> to vector<16xf32>
      %sub3A_322 = arith.subf %mul3A_319, %convert_element_type3A_321 : vector<16xf32>
      %gt3A_323 = arith.cmpf ogt, %sub3A_322, %broadcast_in_dim3A_113 : vector<16xf32>
      %jit3A_324 = arith.constant 1 : i32
      %jit3A_325 = arith.constant 0 : i32
      %broadcast_in_dim3A_326 = vector.broadcast %jit3A_324 : i32 to vector<16xi32>
      %broadcast_in_dim3A_327 = vector.broadcast %jit3A_325 : i32 to vector<16xi32>
      %select_n3A_328 = arith.select %gt3A_323, %broadcast_in_dim3A_326, %broadcast_in_dim3A_327 : vector<16xi1>, vector<16xi32>
      %add3A_329 = arith.addi %convert_element_type3A_320, %select_n3A_328 : vector<16xi32>
      %eq3A_330 = arith.cmpf oeq, %sub3A_322, %broadcast_in_dim3A_113 : vector<16xf32>
      %and3A_331 = arith.constant 1 : i32
      %and3A_332 = vector.broadcast %and3A_331 : i32 to vector<16xi32>
      %and3A_333 = arith.andi %convert_element_type3A_320, %and3A_332 : vector<16xi32>
      %jit3A_334 = arith.constant 0 : i32
      %broadcast_in_dim3A_335 = vector.broadcast %jit3A_334 : i32 to vector<16xi32>
      %select_n3A_336 = arith.select %eq3A_330, %and3A_333, %broadcast_in_dim3A_335 : vector<16xi1>, vector<16xi32>
      %add3A_337 = arith.addi %add3A_329, %select_n3A_336 : vector<16xi32>
      %add3A_338 = arith.constant 48 : i32
      %add3A_339 = vector.broadcast %add3A_338 : i32 to vector<16xi32>
      %add3A_340 = arith.addi %iota3A, %add3A_339 : vector<16xi32>
      %mul3A_341 = arith.constant 16 : i32
      %mul3A_342 = vector.broadcast %mul3A_341 : i32 to vector<16xi32>
      %mul3A_343 = arith.muli %add3A_340, %mul3A_342 : vector<16xi32>
      %lt3A_344 = arith.constant 16 : i32
      %lt3A_345 = vector.broadcast %lt3A_344 : i32 to vector<16xi32>
      %lt3A_346 = arith.cmpi slt, %add3A_337, %lt3A_345 : vector<16xi32>
      %add3A_347 = arith.addi %mul3A_343, %add3A_337 : vector<16xi32>
      %jit3A_348 = arith.constant 2048 : i32
      %broadcast_in_dim3A_349 = vector.broadcast %jit3A_348 : i32 to vector<16xi32>
      %select_n3A_350 = arith.select %lt3A_346, %add3A_347, %broadcast_in_dim3A_349 : vector<16xi1>, vector<16xi32>
      %get3A_351 = arith.index_cast %scan3A_205 : i32 to index
      %get3A_352 = arith.constant 64 : index
      %get3A_353 = tpu.vector_load %arg6[%get3A_351, %get3A_352] {strides = array<i32>} : memref<128x128xf32, #tpu.memory_space<vmem>>, vector<16xf32>,
      %mul3A_354 = arith.constant 1.600000e+01 : f32
      %mul3A_355 = vector.broadcast %mul3A_354 : f32 to vector<16xf32>
      %mul3A_356 = arith.mulf %get3A_353, %mul3A_355 : vector<16xf32>
      %convert_element_type3A_357 = arith.fptosi %mul3A_356 : vector<16xf32> to vector<16xi32>
      %convert_element_type3A_358 = arith.sitofp %convert_element_type3A_357 : vector<16xi32> to vector<16xf32>
      %sub3A_359 = arith.subf %mul3A_356, %convert_element_type3A_358 : vector<16xf32>
      %gt3A_360 = arith.cmpf ogt, %sub3A_359, %broadcast_in_dim3A_113 : vector<16xf32>
      %jit3A_361 = arith.constant 1 : i32
      %jit3A_362 = arith.constant 0 : i32
      %broadcast_in_dim3A_363 = vector.broadcast %jit3A_361 : i32 to vector<16xi32>
      %broadcast_in_dim3A_364 = vector.broadcast %jit3A_362 : i32 to vector<16xi32>
      %select_n3A_365 = arith.select %gt3A_360, %broadcast_in_dim3A_363, %broadcast_in_dim3A_364 : vector<16xi1>, vector<16xi32>
      %add3A_366 = arith.addi %convert_element_type3A_357, %select_n3A_365 : vector<16xi32>
      %eq3A_367 = arith.cmpf oeq, %sub3A_359, %broadcast_in_dim3A_113 : vector<16xf32>
      %and3A_368 = arith.constant 1 : i32
      %and3A_369 = vector.broadcast %and3A_368 : i32 to vector<16xi32>
      %and3A_370 = arith.andi %convert_element_type3A_357, %and3A_369 : vector<16xi32>
      %jit3A_371 = arith.constant 0 : i32
      %broadcast_in_dim3A_372 = vector.broadcast %jit3A_371 : i32 to vector<16xi32>
      %select_n3A_373 = arith.select %eq3A_367, %and3A_370, %broadcast_in_dim3A_372 : vector<16xi1>, vector<16xi32>
      %add3A_374 = arith.addi %add3A_366, %select_n3A_373 : vector<16xi32>
      %add3A_375 = arith.constant 64 : i32
      %add3A_376 = vector.broadcast %add3A_375 : i32 to vector<16xi32>
      %add3A_377 = arith.addi %iota3A, %add3A_376 : vector<16xi32>
      %mul3A_378 = arith.constant 16 : i32
      %mul3A_379 = vector.broadcast %mul3A_378 : i32 to vector<16xi32>
      %mul3A_380 = arith.muli %add3A_377, %mul3A_379 : vector<16xi32>
      %lt3A_381 = arith.constant 16 : i32
      %lt3A_382 = vector.broadcast %lt3A_381 : i32 to vector<16xi32>
      %lt3A_383 = arith.cmpi slt, %add3A_374, %lt3A_382 : vector<16xi32>
      %add3A_384 = arith.addi %mul3A_380, %add3A_374 : vector<16xi32>
      %jit3A_385 = arith.constant 2048 : i32
      %broadcast_in_dim3A_386 = vector.broadcast %jit3A_385 : i32 to vector<16xi32>
      %select_n3A_387 = arith.select %lt3A_383, %add3A_384, %broadcast_in_dim3A_386 : vector<16xi1>, vector<16xi32>
      %get3A_388 = arith.index_cast %scan3A_205 : i32 to index
      %get3A_389 = arith.constant 80 : index
      %get3A_390 = tpu.vector_load %arg6[%get3A_388, %get3A_389] {strides = array<i32>} : memref<128x128xf32, #tpu.memory_space<vmem>>, vector<16xf32>,
      %mul3A_391 = arith.constant 1.600000e+01 : f32
      %mul3A_392 = vector.broadcast %mul3A_391 : f32 to vector<16xf32>
      %mul3A_393 = arith.mulf %get3A_390, %mul3A_392 : vector<16xf32>
      %convert_element_type3A_394 = arith.fptosi %mul3A_393 : vector<16xf32> to vector<16xi32>
      %convert_element_type3A_395 = arith.sitofp %convert_element_type3A_394 : vector<16xi32> to vector<16xf32>
      %sub3A_396 = arith.subf %mul3A_393, %convert_element_type3A_395 : vector<16xf32>
      %gt3A_397 = arith.cmpf ogt, %sub3A_396, %broadcast_in_dim3A_113 : vector<16xf32>
      %jit3A_398 = arith.constant 1 : i32
      %jit3A_399 = arith.constant 0 : i32
      %broadcast_in_dim3A_400 = vector.broadcast %jit3A_398 : i32 to vector<16xi32>
      %broadcast_in_dim3A_401 = vector.broadcast %jit3A_399 : i32 to vector<16xi32>
      %select_n3A_402 = arith.select %gt3A_397, %broadcast_in_dim3A_400, %broadcast_in_dim3A_401 : vector<16xi1>, vector<16xi32>
      %add3A_403 = arith.addi %convert_element_type3A_394, %select_n3A_402 : vector<16xi32>
      %eq3A_404 = arith.cmpf oeq, %sub3A_396, %broadcast_in_dim3A_113 : vector<16xf32>
      %and3A_405 = arith.constant 1 : i32
      %and3A_406 = vector.broadcast %and3A_405 : i32 to vector<16xi32>
      %and3A_407 = arith.andi %convert_element_type3A_394, %and3A_406 : vector<16xi32>
      %jit3A_408 = arith.constant 0 : i32
      %broadcast_in_dim3A_409 = vector.broadcast %jit3A_408 : i32 to vector<16xi32>
      %select_n3A_410 = arith.select %eq3A_404, %and3A_407, %broadcast_in_dim3A_409 : vector<16xi1>, vector<16xi32>
      %add3A_411 = arith.addi %add3A_403, %select_n3A_410 : vector<16xi32>
      %add3A_412 = arith.constant 80 : i32
      %add3A_413 = vector.broadcast %add3A_412 : i32 to vector<16xi32>
      %add3A_414 = arith.addi %iota3A, %add3A_413 : vector<16xi32>
      %mul3A_415 = arith.constant 16 : i32
      %mul3A_416 = vector.broadcast %mul3A_415 : i32 to vector<16xi32>
      %mul3A_417 = arith.muli %add3A_414, %mul3A_416 : vector<16xi32>
      %lt3A_418 = arith.constant 16 : i32
      %lt3A_419 = vector.broadcast %lt3A_418 : i32 to vector<16xi32>
      %lt3A_420 = arith.cmpi slt, %add3A_411, %lt3A_419 : vector<16xi32>
      %add3A_421 = arith.addi %mul3A_417, %add3A_411 : vector<16xi32>
      %jit3A_422 = arith.constant 2048 : i32
      %broadcast_in_dim3A_423 = vector.broadcast %jit3A_422 : i32 to vector<16xi32>
      %select_n3A_424 = arith.select %lt3A_420, %add3A_421, %broadcast_in_dim3A_423 : vector<16xi1>, vector<16xi32>
      %get3A_425 = arith.index_cast %scan3A_205 : i32 to index
      %get3A_426 = arith.constant 96 : index
      %get3A_427 = tpu.vector_load %arg6[%get3A_425, %get3A_426] {strides = array<i32>} : memref<128x128xf32, #tpu.memory_space<vmem>>, vector<16xf32>,
      %mul3A_428 = arith.constant 1.600000e+01 : f32
      %mul3A_429 = vector.broadcast %mul3A_428 : f32 to vector<16xf32>
      %mul3A_430 = arith.mulf %get3A_427, %mul3A_429 : vector<16xf32>
      %convert_element_type3A_431 = arith.fptosi %mul3A_430 : vector<16xf32> to vector<16xi32>
      %convert_element_type3A_432 = arith.sitofp %convert_element_type3A_431 : vector<16xi32> to vector<16xf32>
      %sub3A_433 = arith.subf %mul3A_430, %convert_element_type3A_432 : vector<16xf32>
      %gt3A_434 = arith.cmpf ogt, %sub3A_433, %broadcast_in_dim3A_113 : vector<16xf32>
      %jit3A_435 = arith.constant 1 : i32
      %jit3A_436 = arith.constant 0 : i32
      %broadcast_in_dim3A_437 = vector.broadcast %jit3A_435 : i32 to vector<16xi32>
      %broadcast_in_dim3A_438 = vector.broadcast %jit3A_436 : i32 to vector<16xi32>
      %select_n3A_439 = arith.select %gt3A_434, %broadcast_in_dim3A_437, %broadcast_in_dim3A_438 : vector<16xi1>, vector<16xi32>
      %add3A_440 = arith.addi %convert_element_type3A_431, %select_n3A_439 : vector<16xi32>
      %eq3A_441 = arith.cmpf oeq, %sub3A_433, %broadcast_in_dim3A_113 : vector<16xf32>
      %and3A_442 = arith.constant 1 : i32
      %and3A_443 = vector.broadcast %and3A_442 : i32 to vector<16xi32>
      %and3A_444 = arith.andi %convert_element_type3A_431, %and3A_443 : vector<16xi32>
      %jit3A_445 = arith.constant 0 : i32
      %broadcast_in_dim3A_446 = vector.broadcast %jit3A_445 : i32 to vector<16xi32>
      %select_n3A_447 = arith.select %eq3A_441, %and3A_444, %broadcast_in_dim3A_446 : vector<16xi1>, vector<16xi32>
      %add3A_448 = arith.addi %add3A_440, %select_n3A_447 : vector<16xi32>
      %add3A_449 = arith.constant 96 : i32
      %add3A_450 = vector.broadcast %add3A_449 : i32 to vector<16xi32>
      %add3A_451 = arith.addi %iota3A, %add3A_450 : vector<16xi32>
      %mul3A_452 = arith.constant 16 : i32
      %mul3A_453 = vector.broadcast %mul3A_452 : i32 to vector<16xi32>
      %mul3A_454 = arith.muli %add3A_451, %mul3A_453 : vector<16xi32>
      %lt3A_455 = arith.constant 16 : i32
      %lt3A_456 = vector.broadcast %lt3A_455 : i32 to vector<16xi32>
      %lt3A_457 = arith.cmpi slt, %add3A_448, %lt3A_456 : vector<16xi32>
      %add3A_458 = arith.addi %mul3A_454, %add3A_448 : vector<16xi32>
      %jit3A_459 = arith.constant 2048 : i32
      %broadcast_in_dim3A_460 = vector.broadcast %jit3A_459 : i32 to vector<16xi32>
      %select_n3A_461 = arith.select %lt3A_457, %add3A_458, %broadcast_in_dim3A_460 : vector<16xi1>, vector<16xi32>
      %get3A_462 = arith.index_cast %scan3A_205 : i32 to index
      %get3A_463 = arith.constant 112 : index
      %get3A_464 = tpu.vector_load %arg6[%get3A_462, %get3A_463] {strides = array<i32>} : memref<128x128xf32, #tpu.memory_space<vmem>>, vector<16xf32>,
      %mul3A_465 = arith.constant 1.600000e+01 : f32
      %mul3A_466 = vector.broadcast %mul3A_465 : f32 to vector<16xf32>
      %mul3A_467 = arith.mulf %get3A_464, %mul3A_466 : vector<16xf32>
      %convert_element_type3A_468 = arith.fptosi %mul3A_467 : vector<16xf32> to vector<16xi32>
      %convert_element_type3A_469 = arith.sitofp %convert_element_type3A_468 : vector<16xi32> to vector<16xf32>
      %sub3A_470 = arith.subf %mul3A_467, %convert_element_type3A_469 : vector<16xf32>
      %gt3A_471 = arith.cmpf ogt, %sub3A_470, %broadcast_in_dim3A_113 : vector<16xf32>
      %jit3A_472 = arith.constant 1 : i32
      %jit3A_473 = arith.constant 0 : i32
      %broadcast_in_dim3A_474 = vector.broadcast %jit3A_472 : i32 to vector<16xi32>
      %broadcast_in_dim3A_475 = vector.broadcast %jit3A_473 : i32 to vector<16xi32>
      %select_n3A_476 = arith.select %gt3A_471, %broadcast_in_dim3A_474, %broadcast_in_dim3A_475 : vector<16xi1>, vector<16xi32>
      %add3A_477 = arith.addi %convert_element_type3A_468, %select_n3A_476 : vector<16xi32>
      %eq3A_478 = arith.cmpf oeq, %sub3A_470, %broadcast_in_dim3A_113 : vector<16xf32>
      %and3A_479 = arith.constant 1 : i32
      %and3A_480 = vector.broadcast %and3A_479 : i32 to vector<16xi32>
      %and3A_481 = arith.andi %convert_element_type3A_468, %and3A_480 : vector<16xi32>
      %jit3A_482 = arith.constant 0 : i32
      %broadcast_in_dim3A_483 = vector.broadcast %jit3A_482 : i32 to vector<16xi32>
      %select_n3A_484 = arith.select %eq3A_478, %and3A_481, %broadcast_in_dim3A_483 : vector<16xi1>, vector<16xi32>
      %add3A_485 = arith.addi %add3A_477, %select_n3A_484 : vector<16xi32>
      %add3A_486 = arith.constant 112 : i32
      %add3A_487 = vector.broadcast %add3A_486 : i32 to vector<16xi32>
      %add3A_488 = arith.addi %iota3A, %add3A_487 : vector<16xi32>
      %mul3A_489 = arith.constant 16 : i32
      %mul3A_490 = vector.broadcast %mul3A_489 : i32 to vector<16xi32>
      %mul3A_491 = arith.muli %add3A_488, %mul3A_490 : vector<16xi32>
      %lt3A_492 = arith.constant 16 : i32
      %lt3A_493 = vector.broadcast %lt3A_492 : i32 to vector<16xi32>
      %lt3A_494 = arith.cmpi slt, %add3A_485, %lt3A_493 : vector<16xi32>
      %add3A_495 = arith.addi %mul3A_491, %add3A_485 : vector<16xi32>
      %jit3A_496 = arith.constant 2048 : i32
      %broadcast_in_dim3A_497 = vector.broadcast %jit3A_496 : i32 to vector<16xi32>
      %select_n3A_498 = arith.select %lt3A_494, %add3A_495, %broadcast_in_dim3A_497 : vector<16xi1>, vector<16xi32>
      %broadcast_in_dim3A_499 = arith.constant 1.000000e+00 : f32
      %broadcast_in_dim3A_500 = vector.broadcast %broadcast_in_dim3A_499 : f32 to vector<16xf32>
      %broadcast_in_dim3A_501 = arith.constant 1.000000e+00 : f32
      %broadcast_in_dim3A_502 = vector.broadcast %broadcast_in_dim3A_501 : f32 to vector<16xf32>
      %broadcast_in_dim3A_503 = arith.constant 1.000000e+00 : f32
      %broadcast_in_dim3A_504 = vector.broadcast %broadcast_in_dim3A_503 : f32 to vector<16xf32>
      %broadcast_in_dim3A_505 = arith.constant 1.000000e+00 : f32
      %broadcast_in_dim3A_506 = vector.broadcast %broadcast_in_dim3A_505 : f32 to vector<16xf32>
      %broadcast_in_dim3A_507 = arith.constant 1.000000e+00 : f32
      %broadcast_in_dim3A_508 = vector.broadcast %broadcast_in_dim3A_507 : f32 to vector<16xf32>
      %broadcast_in_dim3A_509 = arith.constant 1.000000e+00 : f32
      %broadcast_in_dim3A_510 = vector.broadcast %broadcast_in_dim3A_509 : f32 to vector<16xf32>
      %broadcast_in_dim3A_511 = arith.constant 1.000000e+00 : f32
      %broadcast_in_dim3A_512 = vector.broadcast %broadcast_in_dim3A_511 : f32 to vector<16xf32>
      %broadcast_in_dim3A_513 = arith.constant 1.000000e+00 : f32
      %broadcast_in_dim3A_514 = vector.broadcast %broadcast_in_dim3A_513 : f32 to vector<16xf32>
      %broadcast_in_dim3A_515 = arith.constant 0 : i32
      %broadcast_in_dim3A_516 = vector.broadcast %broadcast_in_dim3A_515 : i32 to vector<16xi32>
      %lt3A_517 = arith.constant 0 : i32
      %lt3A_518 = vector.broadcast %lt3A_517 : i32 to vector<16xi32>
      %lt3A_519 = arith.cmpi slt, %broadcast_in_dim3A_516, %lt3A_518 : vector<16xi32>
      %add3A_520 = arith.constant 16 : i32
      %add3A_521 = vector.broadcast %add3A_520 : i32 to vector<16xi32>
      %add3A_522 = arith.addi %broadcast_in_dim3A_516, %add3A_521 : vector<16xi32>
      %select_n3A_523 = arith.select %lt3A_519, %add3A_522, %broadcast_in_dim3A_516 : vector<16xi1>, vector<16xi32>
      %broadcast_in_dim3A_524 = vector.shape_cast %select_n3A_523 : vector<16xi32> to vector<16x1xi32>
      %gather3A = vector.shape_cast %broadcast_in_dim3A_524 : vector<16x1xi32> to vector<16xi32>
      %gather3A_525 = tpu.dynamic_gather %select_n3A_239[%gather3A] in [0] : vector<16xi32>, vector<16xi32> -> vector<16xi32>
      %add3A_526 = arith.addi %mul3A_108, %gather3A_525 : vector<16xi32>
      %gather3A_527 = tpu.vector_load_idx %arg5[%add3A_526] : memref<32896xf32, #tpu.memory_space<vmem>>[vector<16xi32>], vector<16xf32>,
      %mul3A_528 = arith.mulf %broadcast_in_dim3A_500, %gather3A_527 : vector<16xf32>
      %broadcast_in_dim3A_529 = arith.constant 1 : i32
      %broadcast_in_dim3A_530 = vector.broadcast %broadcast_in_dim3A_529 : i32 to vector<16xi32>
      %lt3A_531 = arith.constant 0 : i32
      %lt3A_532 = vector.broadcast %lt3A_531 : i32 to vector<16xi32>
      %lt3A_533 = arith.cmpi slt, %broadcast_in_dim3A_530, %lt3A_532 : vector<16xi32>
      %add3A_534 = arith.constant 16 : i32
      %add3A_535 = vector.broadcast %add3A_534 : i32 to vector<16xi32>
      %add3A_536 = arith.addi %broadcast_in_dim3A_530, %add3A_535 : vector<16xi32>
      %select_n3A_537 = arith.select %lt3A_533, %add3A_536, %broadcast_in_dim3A_530 : vector<16xi1>, vector<16xi32>
      %broadcast_in_dim3A_538 = vector.shape_cast %select_n3A_537 : vector<16xi32> to vector<16x1xi32>
      %gather3A_539 = vector.shape_cast %broadcast_in_dim3A_538 : vector<16x1xi32> to vector<16xi32>
      %gather3A_540 = tpu.dynamic_gather %select_n3A_239[%gather3A_539] in [0] : vector<16xi32>, vector<16xi32> -> vector<16xi32>
      %add3A_541 = arith.addi %mul3A_108, %gather3A_540 : vector<16xi32>
      %gather3A_542 = tpu.vector_load_idx %arg5[%add3A_541] : memref<32896xf32, #tpu.memory_space<vmem>>[vector<16xi32>], vector<16xf32>,
      %mul3A_543 = arith.mulf %broadcast_in_dim3A_502, %gather3A_542 : vector<16xf32>
      %broadcast_in_dim3A_544 = arith.constant 2 : i32
      %broadcast_in_dim3A_545 = vector.broadcast %broadcast_in_dim3A_544 : i32 to vector<16xi32>
      %lt3A_546 = arith.constant 0 : i32
      %lt3A_547 = vector.broadcast %lt3A_546 : i32 to vector<16xi32>
      %lt3A_548 = arith.cmpi slt, %broadcast_in_dim3A_545, %lt3A_547 : vector<16xi32>
      %add3A_549 = arith.constant 16 : i32
      %add3A_550 = vector.broadcast %add3A_549 : i32 to vector<16xi32>
      %add3A_551 = arith.addi %broadcast_in_dim3A_545, %add3A_550 : vector<16xi32>
      %select_n3A_552 = arith.select %lt3A_548, %add3A_551, %broadcast_in_dim3A_545 : vector<16xi1>, vector<16xi32>
      %broadcast_in_dim3A_553 = vector.shape_cast %select_n3A_552 : vector<16xi32> to vector<16x1xi32>
      %gather3A_554 = vector.shape_cast %broadcast_in_dim3A_553 : vector<16x1xi32> to vector<16xi32>
      %gather3A_555 = tpu.dynamic_gather %select_n3A_239[%gather3A_554] in [0] : vector<16xi32>, vector<16xi32> -> vector<16xi32>
      %add3A_556 = arith.addi %mul3A_108, %gather3A_555 : vector<16xi32>
      %gather3A_557 = tpu.vector_load_idx %arg5[%add3A_556] : memref<32896xf32, #tpu.memory_space<vmem>>[vector<16xi32>], vector<16xf32>,
      %mul3A_558 = arith.mulf %broadcast_in_dim3A_504, %gather3A_557 : vector<16xf32>
      %broadcast_in_dim3A_559 = arith.constant 3 : i32
      %broadcast_in_dim3A_560 = vector.broadcast %broadcast_in_dim3A_559 : i32 to vector<16xi32>
      %lt3A_561 = arith.constant 0 : i32
      %lt3A_562 = vector.broadcast %lt3A_561 : i32 to vector<16xi32>
      %lt3A_563 = arith.cmpi slt, %broadcast_in_dim3A_560, %lt3A_562 : vector<16xi32>
      %add3A_564 = arith.constant 16 : i32
      %add3A_565 = vector.broadcast %add3A_564 : i32 to vector<16xi32>
      %add3A_566 = arith.addi %broadcast_in_dim3A_560, %add3A_565 : vector<16xi32>
      %select_n3A_567 = arith.select %lt3A_563, %add3A_566, %broadcast_in_dim3A_560 : vector<16xi1>, vector<16xi32>
      %broadcast_in_dim3A_568 = vector.shape_cast %select_n3A_567 : vector<16xi32> to vector<16x1xi32>
      %gather3A_569 = vector.shape_cast %broadcast_in_dim3A_568 : vector<16x1xi32> to vector<16xi32>
      %gather3A_570 = tpu.dynamic_gather %select_n3A_239[%gather3A_569] in [0] : vector<16xi32>, vector<16xi32> -> vector<16xi32>
      %add3A_571 = arith.addi %mul3A_108, %gather3A_570 : vector<16xi32>
      %gather3A_572 = tpu.vector_load_idx %arg5[%add3A_571] : memref<32896xf32, #tpu.memory_space<vmem>>[vector<16xi32>], vector<16xf32>,
      %mul3A_573 = arith.mulf %broadcast_in_dim3A_506, %gather3A_572 : vector<16xf32>
      %broadcast_in_dim3A_574 = arith.constant 4 : i32
      %broadcast_in_dim3A_575 = vector.broadcast %broadcast_in_dim3A_574 : i32 to vector<16xi32>
      %lt3A_576 = arith.constant 0 : i32
      %lt3A_577 = vector.broadcast %lt3A_576 : i32 to vector<16xi32>
      %lt3A_578 = arith.cmpi slt, %broadcast_in_dim3A_575, %lt3A_577 : vector<16xi32>
      %add3A_579 = arith.constant 16 : i32
      %add3A_580 = vector.broadcast %add3A_579 : i32 to vector<16xi32>
      %add3A_581 = arith.addi %broadcast_in_dim3A_575, %add3A_580 : vector<16xi32>
      %select_n3A_582 = arith.select %lt3A_578, %add3A_581, %broadcast_in_dim3A_575 : vector<16xi1>, vector<16xi32>
      %broadcast_in_dim3A_583 = vector.shape_cast %select_n3A_582 : vector<16xi32> to vector<16x1xi32>
      %gather3A_584 = vector.shape_cast %broadcast_in_dim3A_583 : vector<16x1xi32> to vector<16xi32>
      %gather3A_585 = tpu.dynamic_gather %select_n3A_239[%gather3A_584] in [0] : vector<16xi32>, vector<16xi32> -> vector<16xi32>
      %add3A_586 = arith.addi %mul3A_108, %gather3A_585 : vector<16xi32>
      %gather3A_587 = tpu.vector_load_idx %arg5[%add3A_586] : memref<32896xf32, #tpu.memory_space<vmem>>[vector<16xi32>], vector<16xf32>,
      %mul3A_588 = arith.mulf %broadcast_in_dim3A_508, %gather3A_587 : vector<16xf32>
      %broadcast_in_dim3A_589 = arith.constant 5 : i32
      %broadcast_in_dim3A_590 = vector.broadcast %broadcast_in_dim3A_589 : i32 to vector<16xi32>
      %lt3A_591 = arith.constant 0 : i32
      %lt3A_592 = vector.broadcast %lt3A_591 : i32 to vector<16xi32>
      %lt3A_593 = arith.cmpi slt, %broadcast_in_dim3A_590, %lt3A_592 : vector<16xi32>
      %add3A_594 = arith.constant 16 : i32
      %add3A_595 = vector.broadcast %add3A_594 : i32 to vector<16xi32>
      %add3A_596 = arith.addi %broadcast_in_dim3A_590, %add3A_595 : vector<16xi32>
      %select_n3A_597 = arith.select %lt3A_593, %add3A_596, %broadcast_in_dim3A_590 : vector<16xi1>, vector<16xi32>
      %broadcast_in_dim3A_598 = vector.shape_cast %select_n3A_597 : vector<16xi32> to vector<16x1xi32>
      %gather3A_599 = vector.shape_cast %broadcast_in_dim3A_598 : vector<16x1xi32> to vector<16xi32>
      %gather3A_600 = tpu.dynamic_gather %select_n3A_239[%gather3A_599] in [0] : vector<16xi32>, vector<16xi32> -> vector<16xi32>
      %add3A_601 = arith.addi %mul3A_108, %gather3A_600 : vector<16xi32>
      %gather3A_602 = tpu.vector_load_idx %arg5[%add3A_601] : memref<32896xf32, #tpu.memory_space<vmem>>[vector<16xi32>], vector<16xf32>,
      %mul3A_603 = arith.mulf %broadcast_in_dim3A_510, %gather3A_602 : vector<16xf32>
      %broadcast_in_dim3A_604 = arith.constant 6 : i32
      %broadcast_in_dim3A_605 = vector.broadcast %broadcast_in_dim3A_604 : i32 to vector<16xi32>
      %lt3A_606 = arith.constant 0 : i32
      %lt3A_607 = vector.broadcast %lt3A_606 : i32 to vector<16xi32>
      %lt3A_608 = arith.cmpi slt, %broadcast_in_dim3A_605, %lt3A_607 : vector<16xi32>
      %add3A_609 = arith.constant 16 : i32
      %add3A_610 = vector.broadcast %add3A_609 : i32 to vector<16xi32>
      %add3A_611 = arith.addi %broadcast_in_dim3A_605, %add3A_610 : vector<16xi32>
      %select_n3A_612 = arith.select %lt3A_608, %add3A_611, %broadcast_in_dim3A_605 : vector<16xi1>, vector<16xi32>
      %broadcast_in_dim3A_613 = vector.shape_cast %select_n3A_612 : vector<16xi32> to vector<16x1xi32>
      %gather3A_614 = vector.shape_cast %broadcast_in_dim3A_613 : vector<16x1xi32> to vector<16xi32>
      %gather3A_615 = tpu.dynamic_gather %select_n3A_239[%gather3A_614] in [0] : vector<16xi32>, vector<16xi32> -> vector<16xi32>
      %add3A_616 = arith.addi %mul3A_108, %gather3A_615 : vector<16xi32>
      %gather3A_617 = tpu.vector_load_idx %arg5[%add3A_616] : memref<32896xf32, #tpu.memory_space<vmem>>[vector<16xi32>], vector<16xf32>,
      %mul3A_618 = arith.mulf %broadcast_in_dim3A_512, %gather3A_617 : vector<16xf32>
      %broadcast_in_dim3A_619 = arith.constant 7 : i32
      %broadcast_in_dim3A_620 = vector.broadcast %broadcast_in_dim3A_619 : i32 to vector<16xi32>
      %lt3A_621 = arith.constant 0 : i32
      %lt3A_622 = vector.broadcast %lt3A_621 : i32 to vector<16xi32>
      %lt3A_623 = arith.cmpi slt, %broadcast_in_dim3A_620, %lt3A_622 : vector<16xi32>
      %add3A_624 = arith.constant 16 : i32
      %add3A_625 = vector.broadcast %add3A_624 : i32 to vector<16xi32>
      %add3A_626 = arith.addi %broadcast_in_dim3A_620, %add3A_625 : vector<16xi32>
      %select_n3A_627 = arith.select %lt3A_623, %add3A_626, %broadcast_in_dim3A_620 : vector<16xi1>, vector<16xi32>
      %broadcast_in_dim3A_628 = vector.shape_cast %select_n3A_627 : vector<16xi32> to vector<16x1xi32>
      %gather3A_629 = vector.shape_cast %broadcast_in_dim3A_628 : vector<16x1xi32> to vector<16xi32>
      %gather3A_630 = tpu.dynamic_gather %select_n3A_239[%gather3A_629] in [0] : vector<16xi32>, vector<16xi32> -> vector<16xi32>
      %add3A_631 = arith.addi %mul3A_108, %gather3A_630 : vector<16xi32>
      %gather3A_632 = tpu.vector_load_idx %arg5[%add3A_631] : memref<32896xf32, #tpu.memory_space<vmem>>[vector<16xi32>], vector<16xf32>,
      %mul3A_633 = arith.mulf %broadcast_in_dim3A_514, %gather3A_632 : vector<16xf32>
      %broadcast_in_dim3A_634 = arith.constant 8 : i32
      %broadcast_in_dim3A_635 = vector.broadcast %broadcast_in_dim3A_634 : i32 to vector<16xi32>
      %lt3A_636 = arith.constant 0 : i32
      %lt3A_637 = vector.broadcast %lt3A_636 : i32 to vector<16xi32>
      %lt3A_638 = arith.cmpi slt, %broadcast_in_dim3A_635, %lt3A_637 : vector<16xi32>
      %add3A_639 = arith.constant 16 : i32
      %add3A_640 = vector.broadcast %add3A_639 : i32 to vector<16xi32>
      %add3A_641 = arith.addi %broadcast_in_dim3A_635, %add3A_640 : vector<16xi32>
      %select_n3A_642 = arith.select %lt3A_638, %add3A_641, %broadcast_in_dim3A_635 : vector<16xi1>, vector<16xi32>
      %broadcast_in_dim3A_643 = vector.shape_cast %select_n3A_642 : vector<16xi32> to vector<16x1xi32>
      %gather3A_644 = vector.shape_cast %broadcast_in_dim3A_643 : vector<16x1xi32> to vector<16xi32>
      %gather3A_645 = tpu.dynamic_gather %select_n3A_239[%gather3A_644] in [0] : vector<16xi32>, vector<16xi32> -> vector<16xi32>
      %add3A_646 = arith.addi %mul3A_108, %gather3A_645 : vector<16xi32>
      %gather3A_647 = tpu.vector_load_idx %arg5[%add3A_646] : memref<32896xf32, #tpu.memory_space<vmem>>[vector<16xi32>], vector<16xf32>,
      %mul3A_648 = arith.mulf %mul3A_528, %gather3A_647 : vector<16xf32>
      %broadcast_in_dim3A_649 = arith.constant 9 : i32
      %broadcast_in_dim3A_650 = vector.broadcast %broadcast_in_dim3A_649 : i32 to vector<16xi32>
      %lt3A_651 = arith.constant 0 : i32
      %lt3A_652 = vector.broadcast %lt3A_651 : i32 to vector<16xi32>
      %lt3A_653 = arith.cmpi slt, %broadcast_in_dim3A_650, %lt3A_652 : vector<16xi32>
      %add3A_654 = arith.constant 16 : i32
      %add3A_655 = vector.broadcast %add3A_654 : i32 to vector<16xi32>
      %add3A_656 = arith.addi %broadcast_in_dim3A_650, %add3A_655 : vector<16xi32>
      %select_n3A_657 = arith.select %lt3A_653, %add3A_656, %broadcast_in_dim3A_650 : vector<16xi1>, vector<16xi32>
      %broadcast_in_dim3A_658 = vector.shape_cast %select_n3A_657 : vector<16xi32> to vector<16x1xi32>
      %gather3A_659 = vector.shape_cast %broadcast_in_dim3A_658 : vector<16x1xi32> to vector<16xi32>
      %gather3A_660 = tpu.dynamic_gather %select_n3A_239[%gather3A_659] in [0] : vector<16xi32>, vector<16xi32> -> vector<16xi32>
      %add3A_661 = arith.addi %mul3A_108, %gather3A_660 : vector<16xi32>
      %gather3A_662 = tpu.vector_load_idx %arg5[%add3A_661] : memref<32896xf32, #tpu.memory_space<vmem>>[vector<16xi32>], vector<16xf32>,
      %mul3A_663 = arith.mulf %mul3A_543, %gather3A_662 : vector<16xf32>
      %broadcast_in_dim3A_664 = arith.constant 10 : i32
      %broadcast_in_dim3A_665 = vector.broadcast %broadcast_in_dim3A_664 : i32 to vector<16xi32>
      %lt3A_666 = arith.constant 0 : i32
      %lt3A_667 = vector.broadcast %lt3A_666 : i32 to vector<16xi32>
      %lt3A_668 = arith.cmpi slt, %broadcast_in_dim3A_665, %lt3A_667 : vector<16xi32>
      %add3A_669 = arith.constant 16 : i32
      %add3A_670 = vector.broadcast %add3A_669 : i32 to vector<16xi32>
      %add3A_671 = arith.addi %broadcast_in_dim3A_665, %add3A_670 : vector<16xi32>
      %select_n3A_672 = arith.select %lt3A_668, %add3A_671, %broadcast_in_dim3A_665 : vector<16xi1>, vector<16xi32>
      %broadcast_in_dim3A_673 = vector.shape_cast %select_n3A_672 : vector<16xi32> to vector<16x1xi32>
      %gather3A_674 = vector.shape_cast %broadcast_in_dim3A_673 : vector<16x1xi32> to vector<16xi32>
      %gather3A_675 = tpu.dynamic_gather %select_n3A_239[%gather3A_674] in [0] : vector<16xi32>, vector<16xi32> -> vector<16xi32>
      %add3A_676 = arith.addi %mul3A_108, %gather3A_675 : vector<16xi32>
      %gather3A_677 = tpu.vector_load_idx %arg5[%add3A_676] : memref<32896xf32, #tpu.memory_space<vmem>>[vector<16xi32>], vector<16xf32>,
      %mul3A_678 = arith.mulf %mul3A_558, %gather3A_677 : vector<16xf32>
      %broadcast_in_dim3A_679 = arith.constant 11 : i32
      %broadcast_in_dim3A_680 = vector.broadcast %broadcast_in_dim3A_679 : i32 to vector<16xi32>
      %lt3A_681 = arith.constant 0 : i32
      %lt3A_682 = vector.broadcast %lt3A_681 : i32 to vector<16xi32>
      %lt3A_683 = arith.cmpi slt, %broadcast_in_dim3A_680, %lt3A_682 : vector<16xi32>
      %add3A_684 = arith.constant 16 : i32
      %add3A_685 = vector.broadcast %add3A_684 : i32 to vector<16xi32>
      %add3A_686 = arith.addi %broadcast_in_dim3A_680, %add3A_685 : vector<16xi32>
      %select_n3A_687 = arith.select %lt3A_683, %add3A_686, %broadcast_in_dim3A_680 : vector<16xi1>, vector<16xi32>
      %broadcast_in_dim3A_688 = vector.shape_cast %select_n3A_687 : vector<16xi32> to vector<16x1xi32>
      %gather3A_689 = vector.shape_cast %broadcast_in_dim3A_688 : vector<16x1xi32> to vector<16xi32>
      %gather3A_690 = tpu.dynamic_gather %select_n3A_239[%gather3A_689] in [0] : vector<16xi32>, vector<16xi32> -> vector<16xi32>
      %add3A_691 = arith.addi %mul3A_108, %gather3A_690 : vector<16xi32>
      %gather3A_692 = tpu.vector_load_idx %arg5[%add3A_691] : memref<32896xf32, #tpu.memory_space<vmem>>[vector<16xi32>], vector<16xf32>,
      %mul3A_693 = arith.mulf %mul3A_573, %gather3A_692 : vector<16xf32>
      %broadcast_in_dim3A_694 = arith.constant 12 : i32
      %broadcast_in_dim3A_695 = vector.broadcast %broadcast_in_dim3A_694 : i32 to vector<16xi32>
      %lt3A_696 = arith.constant 0 : i32
      %lt3A_697 = vector.broadcast %lt3A_696 : i32 to vector<16xi32>
      %lt3A_698 = arith.cmpi slt, %broadcast_in_dim3A_695, %lt3A_697 : vector<16xi32>
      %add3A_699 = arith.constant 16 : i32
      %add3A_700 = vector.broadcast %add3A_699 : i32 to vector<16xi32>
      %add3A_701 = arith.addi %broadcast_in_dim3A_695, %add3A_700 : vector<16xi32>
      %select_n3A_702 = arith.select %lt3A_698, %add3A_701, %broadcast_in_dim3A_695 : vector<16xi1>, vector<16xi32>
      %broadcast_in_dim3A_703 = vector.shape_cast %select_n3A_702 : vector<16xi32> to vector<16x1xi32>
      %gather3A_704 = vector.shape_cast %broadcast_in_dim3A_703 : vector<16x1xi32> to vector<16xi32>
      %gather3A_705 = tpu.dynamic_gather %select_n3A_239[%gather3A_704] in [0] : vector<16xi32>, vector<16xi32> -> vector<16xi32>
      %add3A_706 = arith.addi %mul3A_108, %gather3A_705 : vector<16xi32>
      %gather3A_707 = tpu.vector_load_idx %arg5[%add3A_706] : memref<32896xf32, #tpu.memory_space<vmem>>[vector<16xi32>], vector<16xf32>,
      %mul3A_708 = arith.mulf %mul3A_588, %gather3A_707 : vector<16xf32>
      %broadcast_in_dim3A_709 = arith.constant 13 : i32
      %broadcast_in_dim3A_710 = vector.broadcast %broadcast_in_dim3A_709 : i32 to vector<16xi32>
      %lt3A_711 = arith.constant 0 : i32
      %lt3A_712 = vector.broadcast %lt3A_711 : i32 to vector<16xi32>
      %lt3A_713 = arith.cmpi slt, %broadcast_in_dim3A_710, %lt3A_712 : vector<16xi32>
      %add3A_714 = arith.constant 16 : i32
      %add3A_715 = vector.broadcast %add3A_714 : i32 to vector<16xi32>
      %add3A_716 = arith.addi %broadcast_in_dim3A_710, %add3A_715 : vector<16xi32>
      %select_n3A_717 = arith.select %lt3A_713, %add3A_716, %broadcast_in_dim3A_710 : vector<16xi1>, vector<16xi32>
      %broadcast_in_dim3A_718 = vector.shape_cast %select_n3A_717 : vector<16xi32> to vector<16x1xi32>
      %gather3A_719 = vector.shape_cast %broadcast_in_dim3A_718 : vector<16x1xi32> to vector<16xi32>
      %gather3A_720 = tpu.dynamic_gather %select_n3A_239[%gather3A_719] in [0] : vector<16xi32>, vector<16xi32> -> vector<16xi32>
      %add3A_721 = arith.addi %mul3A_108, %gather3A_720 : vector<16xi32>
      %gather3A_722 = tpu.vector_load_idx %arg5[%add3A_721] : memref<32896xf32, #tpu.memory_space<vmem>>[vector<16xi32>], vector<16xf32>,
      %mul3A_723 = arith.mulf %mul3A_603, %gather3A_722 : vector<16xf32>
      %broadcast_in_dim3A_724 = arith.constant 14 : i32
      %broadcast_in_dim3A_725 = vector.broadcast %broadcast_in_dim3A_724 : i32 to vector<16xi32>
      %lt3A_726 = arith.constant 0 : i32
      %lt3A_727 = vector.broadcast %lt3A_726 : i32 to vector<16xi32>
      %lt3A_728 = arith.cmpi slt, %broadcast_in_dim3A_725, %lt3A_727 : vector<16xi32>
      %add3A_729 = arith.constant 16 : i32
      %add3A_730 = vector.broadcast %add3A_729 : i32 to vector<16xi32>
      %add3A_731 = arith.addi %broadcast_in_dim3A_725, %add3A_730 : vector<16xi32>
      %select_n3A_732 = arith.select %lt3A_728, %add3A_731, %broadcast_in_dim3A_725 : vector<16xi1>, vector<16xi32>
      %broadcast_in_dim3A_733 = vector.shape_cast %select_n3A_732 : vector<16xi32> to vector<16x1xi32>
      %gather3A_734 = vector.shape_cast %broadcast_in_dim3A_733 : vector<16x1xi32> to vector<16xi32>
      %gather3A_735 = tpu.dynamic_gather %select_n3A_239[%gather3A_734] in [0] : vector<16xi32>, vector<16xi32> -> vector<16xi32>
      %add3A_736 = arith.addi %mul3A_108, %gather3A_735 : vector<16xi32>
      %gather3A_737 = tpu.vector_load_idx %arg5[%add3A_736] : memref<32896xf32, #tpu.memory_space<vmem>>[vector<16xi32>], vector<16xf32>,
      %mul3A_738 = arith.mulf %mul3A_618, %gather3A_737 : vector<16xf32>
      %broadcast_in_dim3A_739 = arith.constant 15 : i32
      %broadcast_in_dim3A_740 = vector.broadcast %broadcast_in_dim3A_739 : i32 to vector<16xi32>
      %lt3A_741 = arith.constant 0 : i32
      %lt3A_742 = vector.broadcast %lt3A_741 : i32 to vector<16xi32>
      %lt3A_743 = arith.cmpi slt, %broadcast_in_dim3A_740, %lt3A_742 : vector<16xi32>
      %add3A_744 = arith.constant 16 : i32
      %add3A_745 = vector.broadcast %add3A_744 : i32 to vector<16xi32>
      %add3A_746 = arith.addi %broadcast_in_dim3A_740, %add3A_745 : vector<16xi32>
      %select_n3A_747 = arith.select %lt3A_743, %add3A_746, %broadcast_in_dim3A_740 : vector<16xi1>, vector<16xi32>
      %broadcast_in_dim3A_748 = vector.shape_cast %select_n3A_747 : vector<16xi32> to vector<16x1xi32>
      %gather3A_749 = vector.shape_cast %broadcast_in_dim3A_748 : vector<16x1xi32> to vector<16xi32>
      %gather3A_750 = tpu.dynamic_gather %select_n3A_239[%gather3A_749] in [0] : vector<16xi32>, vector<16xi32> -> vector<16xi32>
      %add3A_751 = arith.addi %mul3A_108, %gather3A_750 : vector<16xi32>
      %gather3A_752 = tpu.vector_load_idx %arg5[%add3A_751] : memref<32896xf32, #tpu.memory_space<vmem>>[vector<16xi32>], vector<16xf32>,
      %mul3A_753 = arith.mulf %mul3A_633, %gather3A_752 : vector<16xf32>
      %broadcast_in_dim3A_754 = arith.constant 0 : i32
      %broadcast_in_dim3A_755 = vector.broadcast %broadcast_in_dim3A_754 : i32 to vector<16xi32>
      %lt3A_756 = arith.constant 0 : i32
      %lt3A_757 = vector.broadcast %lt3A_756 : i32 to vector<16xi32>
      %lt3A_758 = arith.cmpi slt, %broadcast_in_dim3A_755, %lt3A_757 : vector<16xi32>
      %add3A_759 = arith.constant 16 : i32
      %add3A_760 = vector.broadcast %add3A_759 : i32 to vector<16xi32>
      %add3A_761 = arith.addi %broadcast_in_dim3A_755, %add3A_760 : vector<16xi32>
      %select_n3A_762 = arith.select %lt3A_758, %add3A_761, %broadcast_in_dim3A_755 : vector<16xi1>, vector<16xi32>
      %broadcast_in_dim3A_763 = vector.shape_cast %select_n3A_762 : vector<16xi32> to vector<16x1xi32>
      %gather3A_764 = vector.shape_cast %broadcast_in_dim3A_763 : vector<16x1xi32> to vector<16xi32>
      %gather3A_765 = tpu.dynamic_gather %select_n3A_276[%gather3A_764] in [0] : vector<16xi32>, vector<16xi32> -> vector<16xi32>
      %add3A_766 = arith.addi %mul3A_108, %gather3A_765 : vector<16xi32>
      %gather3A_767 = tpu.vector_load_idx %arg5[%add3A_766] : memref<32896xf32, #tpu.memory_space<vmem>>[vector<16xi32>], vector<16xf32>,
      %mul3A_768 = arith.mulf %mul3A_648, %gather3A_767 : vector<16xf32>
      %broadcast_in_dim3A_769 = arith.constant 1 : i32
      %broadcast_in_dim3A_770 = vector.broadcast %broadcast_in_dim3A_769 : i32 to vector<16xi32>
      %lt3A_771 = arith.constant 0 : i32
      %lt3A_772 = vector.broadcast %lt3A_771 : i32 to vector<16xi32>
      %lt3A_773 = arith.cmpi slt, %broadcast_in_dim3A_770, %lt3A_772 : vector<16xi32>
      %add3A_774 = arith.constant 16 : i32
      %add3A_775 = vector.broadcast %add3A_774 : i32 to vector<16xi32>
      %add3A_776 = arith.addi %broadcast_in_dim3A_770, %add3A_775 : vector<16xi32>
      %select_n3A_777 = arith.select %lt3A_773, %add3A_776, %broadcast_in_dim3A_770 : vector<16xi1>, vector<16xi32>
      %broadcast_in_dim3A_778 = vector.shape_cast %select_n3A_777 : vector<16xi32> to vector<16x1xi32>
      %gather3A_779 = vector.shape_cast %broadcast_in_dim3A_778 : vector<16x1xi32> to vector<16xi32>
      %gather3A_780 = tpu.dynamic_gather %select_n3A_276[%gather3A_779] in [0] : vector<16xi32>, vector<16xi32> -> vector<16xi32>
      %add3A_781 = arith.addi %mul3A_108, %gather3A_780 : vector<16xi32>
      %gather3A_782 = tpu.vector_load_idx %arg5[%add3A_781] : memref<32896xf32, #tpu.memory_space<vmem>>[vector<16xi32>], vector<16xf32>,
      %mul3A_783 = arith.mulf %mul3A_663, %gather3A_782 : vector<16xf32>
      %broadcast_in_dim3A_784 = arith.constant 2 : i32
      %broadcast_in_dim3A_785 = vector.broadcast %broadcast_in_dim3A_784 : i32 to vector<16xi32>
      %lt3A_786 = arith.constant 0 : i32
      %lt3A_787 = vector.broadcast %lt3A_786 : i32 to vector<16xi32>
      %lt3A_788 = arith.cmpi slt, %broadcast_in_dim3A_785, %lt3A_787 : vector<16xi32>
      %add3A_789 = arith.constant 16 : i32
      %add3A_790 = vector.broadcast %add3A_789 : i32 to vector<16xi32>
      %add3A_791 = arith.addi %broadcast_in_dim3A_785, %add3A_790 : vector<16xi32>
      %select_n3A_792 = arith.select %lt3A_788, %add3A_791, %broadcast_in_dim3A_785 : vector<16xi1>, vector<16xi32>
      %broadcast_in_dim3A_793 = vector.shape_cast %select_n3A_792 : vector<16xi32> to vector<16x1xi32>
      %gather3A_794 = vector.shape_cast %broadcast_in_dim3A_793 : vector<16x1xi32> to vector<16xi32>
      %gather3A_795 = tpu.dynamic_gather %select_n3A_276[%gather3A_794] in [0] : vector<16xi32>, vector<16xi32> -> vector<16xi32>
      %add3A_796 = arith.addi %mul3A_108, %gather3A_795 : vector<16xi32>
      %gather3A_797 = tpu.vector_load_idx %arg5[%add3A_796] : memref<32896xf32, #tpu.memory_space<vmem>>[vector<16xi32>], vector<16xf32>,
      %mul3A_798 = arith.mulf %mul3A_678, %gather3A_797 : vector<16xf32>
      %broadcast_in_dim3A_799 = arith.constant 3 : i32
      %broadcast_in_dim3A_800 = vector.broadcast %broadcast_in_dim3A_799 : i32 to vector<16xi32>
      %lt3A_801 = arith.constant 0 : i32
      %lt3A_802 = vector.broadcast %lt3A_801 : i32 to vector<16xi32>
      %lt3A_803 = arith.cmpi slt, %broadcast_in_dim3A_800, %lt3A_802 : vector<16xi32>
      %add3A_804 = arith.constant 16 : i32
      %add3A_805 = vector.broadcast %add3A_804 : i32 to vector<16xi32>
      %add3A_806 = arith.addi %broadcast_in_dim3A_800, %add3A_805 : vector<16xi32>
      %select_n3A_807 = arith.select %lt3A_803, %add3A_806, %broadcast_in_dim3A_800 : vector<16xi1>, vector<16xi32>
      %broadcast_in_dim3A_808 = vector.shape_cast %select_n3A_807 : vector<16xi32> to vector<16x1xi32>
      %gather3A_809 = vector.shape_cast %broadcast_in_dim3A_808 : vector<16x1xi32> to vector<16xi32>
      %gather3A_810 = tpu.dynamic_gather %select_n3A_276[%gather3A_809] in [0] : vector<16xi32>, vector<16xi32> -> vector<16xi32>
      %add3A_811 = arith.addi %mul3A_108, %gather3A_810 : vector<16xi32>
      %gather3A_812 = tpu.vector_load_idx %arg5[%add3A_811] : memref<32896xf32, #tpu.memory_space<vmem>>[vector<16xi32>], vector<16xf32>,
      %mul3A_813 = arith.mulf %mul3A_693, %gather3A_812 : vector<16xf32>
      %broadcast_in_dim3A_814 = arith.constant 4 : i32
      %broadcast_in_dim3A_815 = vector.broadcast %broadcast_in_dim3A_814 : i32 to vector<16xi32>
      %lt3A_816 = arith.constant 0 : i32
      %lt3A_817 = vector.broadcast %lt3A_816 : i32 to vector<16xi32>
      %lt3A_818 = arith.cmpi slt, %broadcast_in_dim3A_815, %lt3A_817 : vector<16xi32>
      %add3A_819 = arith.constant 16 : i32
      %add3A_820 = vector.broadcast %add3A_819 : i32 to vector<16xi32>
      %add3A_821 = arith.addi %broadcast_in_dim3A_815, %add3A_820 : vector<16xi32>
      %select_n3A_822 = arith.select %lt3A_818, %add3A_821, %broadcast_in_dim3A_815 : vector<16xi1>, vector<16xi32>
      %broadcast_in_dim3A_823 = vector.shape_cast %select_n3A_822 : vector<16xi32> to vector<16x1xi32>
      %gather3A_824 = vector.shape_cast %broadcast_in_dim3A_823 : vector<16x1xi32> to vector<16xi32>
      %gather3A_825 = tpu.dynamic_gather %select_n3A_276[%gather3A_824] in [0] : vector<16xi32>, vector<16xi32> -> vector<16xi32>
      %add3A_826 = arith.addi %mul3A_108, %gather3A_825 : vector<16xi32>
      %gather3A_827 = tpu.vector_load_idx %arg5[%add3A_826] : memref<32896xf32, #tpu.memory_space<vmem>>[vector<16xi32>], vector<16xf32>,
      %mul3A_828 = arith.mulf %mul3A_708, %gather3A_827 : vector<16xf32>
      %broadcast_in_dim3A_829 = arith.constant 5 : i32
      %broadcast_in_dim3A_830 = vector.broadcast %broadcast_in_dim3A_829 : i32 to vector<16xi32>
      %lt3A_831 = arith.constant 0 : i32
      %lt3A_832 = vector.broadcast %lt3A_831 : i32 to vector<16xi32>
      %lt3A_833 = arith.cmpi slt, %broadcast_in_dim3A_830, %lt3A_832 : vector<16xi32>
      %add3A_834 = arith.constant 16 : i32
      %add3A_835 = vector.broadcast %add3A_834 : i32 to vector<16xi32>
      %add3A_836 = arith.addi %broadcast_in_dim3A_830, %add3A_835 : vector<16xi32>
      %select_n3A_837 = arith.select %lt3A_833, %add3A_836, %broadcast_in_dim3A_830 : vector<16xi1>, vector<16xi32>
      %broadcast_in_dim3A_838 = vector.shape_cast %select_n3A_837 : vector<16xi32> to vector<16x1xi32>
      %gather3A_839 = vector.shape_cast %broadcast_in_dim3A_838 : vector<16x1xi32> to vector<16xi32>
      %gather3A_840 = tpu.dynamic_gather %select_n3A_276[%gather3A_839] in [0] : vector<16xi32>, vector<16xi32> -> vector<16xi32>
      %add3A_841 = arith.addi %mul3A_108, %gather3A_840 : vector<16xi32>
      %gather3A_842 = tpu.vector_load_idx %arg5[%add3A_841] : memref<32896xf32, #tpu.memory_space<vmem>>[vector<16xi32>], vector<16xf32>,
      %mul3A_843 = arith.mulf %mul3A_723, %gather3A_842 : vector<16xf32>
      %broadcast_in_dim3A_844 = arith.constant 6 : i32
      %broadcast_in_dim3A_845 = vector.broadcast %broadcast_in_dim3A_844 : i32 to vector<16xi32>
      %lt3A_846 = arith.constant 0 : i32
      %lt3A_847 = vector.broadcast %lt3A_846 : i32 to vector<16xi32>
      %lt3A_848 = arith.cmpi slt, %broadcast_in_dim3A_845, %lt3A_847 : vector<16xi32>
      %add3A_849 = arith.constant 16 : i32
      %add3A_850 = vector.broadcast %add3A_849 : i32 to vector<16xi32>
      %add3A_851 = arith.addi %broadcast_in_dim3A_845, %add3A_850 : vector<16xi32>
      %select_n3A_852 = arith.select %lt3A_848, %add3A_851, %broadcast_in_dim3A_845 : vector<16xi1>, vector<16xi32>
      %broadcast_in_dim3A_853 = vector.shape_cast %select_n3A_852 : vector<16xi32> to vector<16x1xi32>
      %gather3A_854 = vector.shape_cast %broadcast_in_dim3A_853 : vector<16x1xi32> to vector<16xi32>
      %gather3A_855 = tpu.dynamic_gather %select_n3A_276[%gather3A_854] in [0] : vector<16xi32>, vector<16xi32> -> vector<16xi32>
      %add3A_856 = arith.addi %mul3A_108, %gather3A_855 : vector<16xi32>
      %gather3A_857 = tpu.vector_load_idx %arg5[%add3A_856] : memref<32896xf32, #tpu.memory_space<vmem>>[vector<16xi32>], vector<16xf32>,
      %mul3A_858 = arith.mulf %mul3A_738, %gather3A_857 : vector<16xf32>
      %broadcast_in_dim3A_859 = arith.constant 7 : i32
      %broadcast_in_dim3A_860 = vector.broadcast %broadcast_in_dim3A_859 : i32 to vector<16xi32>
      %lt3A_861 = arith.constant 0 : i32
      %lt3A_862 = vector.broadcast %lt3A_861 : i32 to vector<16xi32>
      %lt3A_863 = arith.cmpi slt, %broadcast_in_dim3A_860, %lt3A_862 : vector<16xi32>
      %add3A_864 = arith.constant 16 : i32
      %add3A_865 = vector.broadcast %add3A_864 : i32 to vector<16xi32>
      %add3A_866 = arith.addi %broadcast_in_dim3A_860, %add3A_865 : vector<16xi32>
      %select_n3A_867 = arith.select %lt3A_863, %add3A_866, %broadcast_in_dim3A_860 : vector<16xi1>, vector<16xi32>
      %broadcast_in_dim3A_868 = vector.shape_cast %select_n3A_867 : vector<16xi32> to vector<16x1xi32>
      %gather3A_869 = vector.shape_cast %broadcast_in_dim3A_868 : vector<16x1xi32> to vector<16xi32>
      %gather3A_870 = tpu.dynamic_gather %select_n3A_276[%gather3A_869] in [0] : vector<16xi32>, vector<16xi32> -> vector<16xi32>
      %add3A_871 = arith.addi %mul3A_108, %gather3A_870 : vector<16xi32>
      %gather3A_872 = tpu.vector_load_idx %arg5[%add3A_871] : memref<32896xf32, #tpu.memory_space<vmem>>[vector<16xi32>], vector<16xf32>,
      %mul3A_873 = arith.mulf %mul3A_753, %gather3A_872 : vector<16xf32>
      %broadcast_in_dim3A_874 = arith.constant 8 : i32
      %broadcast_in_dim3A_875 = vector.broadcast %broadcast_in_dim3A_874 : i32 to vector<16xi32>
      %lt3A_876 = arith.constant 0 : i32
      %lt3A_877 = vector.broadcast %lt3A_876 : i32 to vector<16xi32>
      %lt3A_878 = arith.cmpi slt, %broadcast_in_dim3A_875, %lt3A_877 : vector<16xi32>
      %add3A_879 = arith.constant 16 : i32
      %add3A_880 = vector.broadcast %add3A_879 : i32 to vector<16xi32>
      %add3A_881 = arith.addi %broadcast_in_dim3A_875, %add3A_880 : vector<16xi32>
      %select_n3A_882 = arith.select %lt3A_878, %add3A_881, %broadcast_in_dim3A_875 : vector<16xi1>, vector<16xi32>
      %broadcast_in_dim3A_883 = vector.shape_cast %select_n3A_882 : vector<16xi32> to vector<16x1xi32>
      %gather3A_884 = vector.shape_cast %broadcast_in_dim3A_883 : vector<16x1xi32> to vector<16xi32>
      %gather3A_885 = tpu.dynamic_gather %select_n3A_276[%gather3A_884] in [0] : vector<16xi32>, vector<16xi32> -> vector<16xi32>
      %add3A_886 = arith.addi %mul3A_108, %gather3A_885 : vector<16xi32>
      %gather3A_887 = tpu.vector_load_idx %arg5[%add3A_886] : memref<32896xf32, #tpu.memory_space<vmem>>[vector<16xi32>], vector<16xf32>,
      %mul3A_888 = arith.mulf %mul3A_768, %gather3A_887 : vector<16xf32>
      %broadcast_in_dim3A_889 = arith.constant 9 : i32
      %broadcast_in_dim3A_890 = vector.broadcast %broadcast_in_dim3A_889 : i32 to vector<16xi32>
      %lt3A_891 = arith.constant 0 : i32
      %lt3A_892 = vector.broadcast %lt3A_891 : i32 to vector<16xi32>
      %lt3A_893 = arith.cmpi slt, %broadcast_in_dim3A_890, %lt3A_892 : vector<16xi32>
      %add3A_894 = arith.constant 16 : i32
      %add3A_895 = vector.broadcast %add3A_894 : i32 to vector<16xi32>
      %add3A_896 = arith.addi %broadcast_in_dim3A_890, %add3A_895 : vector<16xi32>
      %select_n3A_897 = arith.select %lt3A_893, %add3A_896, %broadcast_in_dim3A_890 : vector<16xi1>, vector<16xi32>
      %broadcast_in_dim3A_898 = vector.shape_cast %select_n3A_897 : vector<16xi32> to vector<16x1xi32>
      %gather3A_899 = vector.shape_cast %broadcast_in_dim3A_898 : vector<16x1xi32> to vector<16xi32>
      %gather3A_900 = tpu.dynamic_gather %select_n3A_276[%gather3A_899] in [0] : vector<16xi32>, vector<16xi32> -> vector<16xi32>
      %add3A_901 = arith.addi %mul3A_108, %gather3A_900 : vector<16xi32>
      %gather3A_902 = tpu.vector_load_idx %arg5[%add3A_901] : memref<32896xf32, #tpu.memory_space<vmem>>[vector<16xi32>], vector<16xf32>,
      %mul3A_903 = arith.mulf %mul3A_783, %gather3A_902 : vector<16xf32>
      %broadcast_in_dim3A_904 = arith.constant 10 : i32
      %broadcast_in_dim3A_905 = vector.broadcast %broadcast_in_dim3A_904 : i32 to vector<16xi32>
      %lt3A_906 = arith.constant 0 : i32
      %lt3A_907 = vector.broadcast %lt3A_906 : i32 to vector<16xi32>
      %lt3A_908 = arith.cmpi slt, %broadcast_in_dim3A_905, %lt3A_907 : vector<16xi32>
      %add3A_909 = arith.constant 16 : i32
      %add3A_910 = vector.broadcast %add3A_909 : i32 to vector<16xi32>
      %add3A_911 = arith.addi %broadcast_in_dim3A_905, %add3A_910 : vector<16xi32>
      %select_n3A_912 = arith.select %lt3A_908, %add3A_911, %broadcast_in_dim3A_905 : vector<16xi1>, vector<16xi32>
      %broadcast_in_dim3A_913 = vector.shape_cast %select_n3A_912 : vector<16xi32> to vector<16x1xi32>
      %gather3A_914 = vector.shape_cast %broadcast_in_dim3A_913 : vector<16x1xi32> to vector<16xi32>
      %gather3A_915 = tpu.dynamic_gather %select_n3A_276[%gather3A_914] in [0] : vector<16xi32>, vector<16xi32> -> vector<16xi32>
      %add3A_916 = arith.addi %mul3A_108, %gather3A_915 : vector<16xi32>
      %gather3A_917 = tpu.vector_load_idx %arg5[%add3A_916] : memref<32896xf32, #tpu.memory_space<vmem>>[vector<16xi32>], vector<16xf32>,
      %mul3A_918 = arith.mulf %mul3A_798, %gather3A_917 : vector<16xf32>
      %broadcast_in_dim3A_919 = arith.constant 11 : i32
      %broadcast_in_dim3A_920 = vector.broadcast %broadcast_in_dim3A_919 : i32 to vector<16xi32>
      %lt3A_921 = arith.constant 0 : i32
      %lt3A_922 = vector.broadcast %lt3A_921 : i32 to vector<16xi32>
      %lt3A_923 = arith.cmpi slt, %broadcast_in_dim3A_920, %lt3A_922 : vector<16xi32>
      %add3A_924 = arith.constant 16 : i32
      %add3A_925 = vector.broadcast %add3A_924 : i32 to vector<16xi32>
      %add3A_926 = arith.addi %broadcast_in_dim3A_920, %add3A_925 : vector<16xi32>
      %select_n3A_927 = arith.select %lt3A_923, %add3A_926, %broadcast_in_dim3A_920 : vector<16xi1>, vector<16xi32>
      %broadcast_in_dim3A_928 = vector.shape_cast %select_n3A_927 : vector<16xi32> to vector<16x1xi32>
      %gather3A_929 = vector.shape_cast %broadcast_in_dim3A_928 : vector<16x1xi32> to vector<16xi32>
      %gather3A_930 = tpu.dynamic_gather %select_n3A_276[%gather3A_929] in [0] : vector<16xi32>, vector<16xi32> -> vector<16xi32>
      %add3A_931 = arith.addi %mul3A_108, %gather3A_930 : vector<16xi32>
      %gather3A_932 = tpu.vector_load_idx %arg5[%add3A_931] : memref<32896xf32, #tpu.memory_space<vmem>>[vector<16xi32>], vector<16xf32>,
      %mul3A_933 = arith.mulf %mul3A_813, %gather3A_932 : vector<16xf32>
      %broadcast_in_dim3A_934 = arith.constant 12 : i32
      %broadcast_in_dim3A_935 = vector.broadcast %broadcast_in_dim3A_934 : i32 to vector<16xi32>
      %lt3A_936 = arith.constant 0 : i32
      %lt3A_937 = vector.broadcast %lt3A_936 : i32 to vector<16xi32>
      %lt3A_938 = arith.cmpi slt, %broadcast_in_dim3A_935, %lt3A_937 : vector<16xi32>
      %add3A_939 = arith.constant 16 : i32
      %add3A_940 = vector.broadcast %add3A_939 : i32 to vector<16xi32>
      %add3A_941 = arith.addi %broadcast_in_dim3A_935, %add3A_940 : vector<16xi32>
      %select_n3A_942 = arith.select %lt3A_938, %add3A_941, %broadcast_in_dim3A_935 : vector<16xi1>, vector<16xi32>
      %broadcast_in_dim3A_943 = vector.shape_cast %select_n3A_942 : vector<16xi32> to vector<16x1xi32>
      %gather3A_944 = vector.shape_cast %broadcast_in_dim3A_943 : vector<16x1xi32> to vector<16xi32>
      %gather3A_945 = tpu.dynamic_gather %select_n3A_276[%gather3A_944] in [0] : vector<16xi32>, vector<16xi32> -> vector<16xi32>
      %add3A_946 = arith.addi %mul3A_108, %gather3A_945 : vector<16xi32>
      %gather3A_947 = tpu.vector_load_idx %arg5[%add3A_946] : memref<32896xf32, #tpu.memory_space<vmem>>[vector<16xi32>], vector<16xf32>,
      %mul3A_948 = arith.mulf %mul3A_828, %gather3A_947 : vector<16xf32>
      %broadcast_in_dim3A_949 = arith.constant 13 : i32
      %broadcast_in_dim3A_950 = vector.broadcast %broadcast_in_dim3A_949 : i32 to vector<16xi32>
      %lt3A_951 = arith.constant 0 : i32
      %lt3A_952 = vector.broadcast %lt3A_951 : i32 to vector<16xi32>
      %lt3A_953 = arith.cmpi slt, %broadcast_in_dim3A_950, %lt3A_952 : vector<16xi32>
      %add3A_954 = arith.constant 16 : i32
      %add3A_955 = vector.broadcast %add3A_954 : i32 to vector<16xi32>
      %add3A_956 = arith.addi %broadcast_in_dim3A_950, %add3A_955 : vector<16xi32>
      %select_n3A_957 = arith.select %lt3A_953, %add3A_956, %broadcast_in_dim3A_950 : vector<16xi1>, vector<16xi32>
      %broadcast_in_dim3A_958 = vector.shape_cast %select_n3A_957 : vector<16xi32> to vector<16x1xi32>
      %gather3A_959 = vector.shape_cast %broadcast_in_dim3A_958 : vector<16x1xi32> to vector<16xi32>
      %gather3A_960 = tpu.dynamic_gather %select_n3A_276[%gather3A_959] in [0] : vector<16xi32>, vector<16xi32> -> vector<16xi32>
      %add3A_961 = arith.addi %mul3A_108, %gather3A_960 : vector<16xi32>
      %gather3A_962 = tpu.vector_load_idx %arg5[%add3A_961] : memref<32896xf32, #tpu.memory_space<vmem>>[vector<16xi32>], vector<16xf32>,
      %mul3A_963 = arith.mulf %mul3A_843, %gather3A_962 : vector<16xf32>
      %broadcast_in_dim3A_964 = arith.constant 14 : i32
      %broadcast_in_dim3A_965 = vector.broadcast %broadcast_in_dim3A_964 : i32 to vector<16xi32>
      %lt3A_966 = arith.constant 0 : i32
      %lt3A_967 = vector.broadcast %lt3A_966 : i32 to vector<16xi32>
      %lt3A_968 = arith.cmpi slt, %broadcast_in_dim3A_965, %lt3A_967 : vector<16xi32>
      %add3A_969 = arith.constant 16 : i32
      %add3A_970 = vector.broadcast %add3A_969 : i32 to vector<16xi32>
      %add3A_971 = arith.addi %broadcast_in_dim3A_965, %add3A_970 : vector<16xi32>
      %select_n3A_972 = arith.select %lt3A_968, %add3A_971, %broadcast_in_dim3A_965 : vector<16xi1>, vector<16xi32>
      %broadcast_in_dim3A_973 = vector.shape_cast %select_n3A_972 : vector<16xi32> to vector<16x1xi32>
      %gather3A_974 = vector.shape_cast %broadcast_in_dim3A_973 : vector<16x1xi32> to vector<16xi32>
      %gather3A_975 = tpu.dynamic_gather %select_n3A_276[%gather3A_974] in [0] : vector<16xi32>, vector<16xi32> -> vector<16xi32>
      %add3A_976 = arith.addi %mul3A_108, %gather3A_975 : vector<16xi32>
      %gather3A_977 = tpu.vector_load_idx %arg5[%add3A_976] : memref<32896xf32, #tpu.memory_space<vmem>>[vector<16xi32>], vector<16xf32>,
      %mul3A_978 = arith.mulf %mul3A_858, %gather3A_977 : vector<16xf32>
      %broadcast_in_dim3A_979 = arith.constant 15 : i32
      %broadcast_in_dim3A_980 = vector.broadcast %broadcast_in_dim3A_979 : i32 to vector<16xi32>
      %lt3A_981 = arith.constant 0 : i32
      %lt3A_982 = vector.broadcast %lt3A_981 : i32 to vector<16xi32>
      %lt3A_983 = arith.cmpi slt, %broadcast_in_dim3A_980, %lt3A_982 : vector<16xi32>
      %add3A_984 = arith.constant 16 : i32
      %add3A_985 = vector.broadcast %add3A_984 : i32 to vector<16xi32>
      %add3A_986 = arith.addi %broadcast_in_dim3A_980, %add3A_985 : vector<16xi32>
      %select_n3A_987 = arith.select %lt3A_983, %add3A_986, %broadcast_in_dim3A_980 : vector<16xi1>, vector<16xi32>
      %broadcast_in_dim3A_988 = vector.shape_cast %select_n3A_987 : vector<16xi32> to vector<16x1xi32>
      %gather3A_989 = vector.shape_cast %broadcast_in_dim3A_988 : vector<16x1xi32> to vector<16xi32>
      %gather3A_990 = tpu.dynamic_gather %select_n3A_276[%gather3A_989] in [0] : vector<16xi32>, vector<16xi32> -> vector<16xi32>
      %add3A_991 = arith.addi %mul3A_108, %gather3A_990 : vector<16xi32>
      %gather3A_992 = tpu.vector_load_idx %arg5[%add3A_991] : memref<32896xf32, #tpu.memory_space<vmem>>[vector<16xi32>], vector<16xf32>,
      %mul3A_993 = arith.mulf %mul3A_873, %gather3A_992 : vector<16xf32>
      %broadcast_in_dim3A_994 = arith.constant 0 : i32
      %broadcast_in_dim3A_995 = vector.broadcast %broadcast_in_dim3A_994 : i32 to vector<16xi32>
      %lt3A_996 = arith.constant 0 : i32
      %lt3A_997 = vector.broadcast %lt3A_996 : i32 to vector<16xi32>
      %lt3A_998 = arith.cmpi slt, %broadcast_in_dim3A_995, %lt3A_997 : vector<16xi32>
      %add3A_999 = arith.constant 16 : i32
      %add3A_1000 = vector.broadcast %add3A_999 : i32 to vector<16xi32>
      %add3A_1001 = arith.addi %broadcast_in_dim3A_995, %add3A_1000 : vector<16xi32>
      %select_n3A_1002 = arith.select %lt3A_998, %add3A_1001, %broadcast_in_dim3A_995 : vector<16xi1>, vector<16xi32>
      %broadcast_in_dim3A_1003 = vector.shape_cast %select_n3A_1002 : vector<16xi32> to vector<16x1xi32>
      %gather3A_1004 = vector.shape_cast %broadcast_in_dim3A_1003 : vector<16x1xi32> to vector<16xi32>
      %gather3A_1005 = tpu.dynamic_gather %select_n3A_313[%gather3A_1004] in [0] : vector<16xi32>, vector<16xi32> -> vector<16xi32>
      %add3A_1006 = arith.addi %mul3A_108, %gather3A_1005 : vector<16xi32>
      %gather3A_1007 = tpu.vector_load_idx %arg5[%add3A_1006] : memref<32896xf32, #tpu.memory_space<vmem>>[vector<16xi32>], vector<16xf32>,
      %mul3A_1008 = arith.mulf %mul3A_888, %gather3A_1007 : vector<16xf32>
      %broadcast_in_dim3A_1009 = arith.constant 1 : i32
      %broadcast_in_dim3A_1010 = vector.broadcast %broadcast_in_dim3A_1009 : i32 to vector<16xi32>
      %lt3A_1011 = arith.constant 0 : i32
      %lt3A_1012 = vector.broadcast %lt3A_1011 : i32 to vector<16xi32>
      %lt3A_1013 = arith.cmpi slt, %broadcast_in_dim3A_1010, %lt3A_1012 : vector<16xi32>
      %add3A_1014 = arith.constant 16 : i32
      %add3A_1015 = vector.broadcast %add3A_1014 : i32 to vector<16xi32>
      %add3A_1016 = arith.addi %broadcast_in_dim3A_1010, %add3A_1015 : vector<16xi32>
      %select_n3A_1017 = arith.select %lt3A_1013, %add3A_1016, %broadcast_in_dim3A_1010 : vector<16xi1>, vector<16xi32>
      %broadcast_in_dim3A_1018 = vector.shape_cast %select_n3A_1017 : vector<16xi32> to vector<16x1xi32>
      %gather3A_1019 = vector.shape_cast %broadcast_in_dim3A_1018 : vector<16x1xi32> to vector<16xi32>
      %gather3A_1020 = tpu.dynamic_gather %select_n3A_313[%gather3A_1019] in [0] : vector<16xi32>, vector<16xi32> -> vector<16xi32>
      %add3A_1021 = arith.addi %mul3A_108, %gather3A_1020 : vector<16xi32>
      %gather3A_1022 = tpu.vector_load_idx %arg5[%add3A_1021] : memref<32896xf32, #tpu.memory_space<vmem>>[vector<16xi32>], vector<16xf32>,
      %mul3A_1023 = arith.mulf %mul3A_903, %gather3A_1022 : vector<16xf32>
      %broadcast_in_dim3A_1024 = arith.constant 2 : i32
      %broadcast_in_dim3A_1025 = vector.broadcast %broadcast_in_dim3A_1024 : i32 to vector<16xi32>
      %lt3A_1026 = arith.constant 0 : i32
      %lt3A_1027 = vector.broadcast %lt3A_1026 : i32 to vector<16xi32>
      %lt3A_1028 = arith.cmpi slt, %broadcast_in_dim3A_1025, %lt3A_1027 : vector<16xi32>
      %add3A_1029 = arith.constant 16 : i32
      %add3A_1030 = vector.broadcast %add3A_1029 : i32 to vector<16xi32>
      %add3A_1031 = arith.addi %broadcast_in_dim3A_1025, %add3A_1030 : vector<16xi32>
      %select_n3A_1032 = arith.select %lt3A_1028, %add3A_1031, %broadcast_in_dim3A_1025 : vector<16xi1>, vector<16xi32>
      %broadcast_in_dim3A_1033 = vector.shape_cast %select_n3A_1032 : vector<16xi32> to vector<16x1xi32>
      %gather3A_1034 = vector.shape_cast %broadcast_in_dim3A_1033 : vector<16x1xi32> to vector<16xi32>
      %gather3A_1035 = tpu.dynamic_gather %select_n3A_313[%gather3A_1034] in [0] : vector<16xi32>, vector<16xi32> -> vector<16xi32>
      %add3A_1036 = arith.addi %mul3A_108, %gather3A_1035 : vector<16xi32>
      %gather3A_1037 = tpu.vector_load_idx %arg5[%add3A_1036] : memref<32896xf32, #tpu.memory_space<vmem>>[vector<16xi32>], vector<16xf32>,
      %mul3A_1038 = arith.mulf %mul3A_918, %gather3A_1037 : vector<16xf32>
      %broadcast_in_dim3A_1039 = arith.constant 3 : i32
      %broadcast_in_dim3A_1040 = vector.broadcast %broadcast_in_dim3A_1039 : i32 to vector<16xi32>
      %lt3A_1041 = arith.constant 0 : i32
      %lt3A_1042 = vector.broadcast %lt3A_1041 : i32 to vector<16xi32>
      %lt3A_1043 = arith.cmpi slt, %broadcast_in_dim3A_1040, %lt3A_1042 : vector<16xi32>
      %add3A_1044 = arith.constant 16 : i32
      %add3A_1045 = vector.broadcast %add3A_1044 : i32 to vector<16xi32>
      %add3A_1046 = arith.addi %broadcast_in_dim3A_1040, %add3A_1045 : vector<16xi32>
      %select_n3A_1047 = arith.select %lt3A_1043, %add3A_1046, %broadcast_in_dim3A_1040 : vector<16xi1>, vector<16xi32>
      %broadcast_in_dim3A_1048 = vector.shape_cast %select_n3A_1047 : vector<16xi32> to vector<16x1xi32>
      %gather3A_1049 = vector.shape_cast %broadcast_in_dim3A_1048 : vector<16x1xi32> to vector<16xi32>
      %gather3A_1050 = tpu.dynamic_gather %select_n3A_313[%gather3A_1049] in [0] : vector<16xi32>, vector<16xi32> -> vector<16xi32>
      %add3A_1051 = arith.addi %mul3A_108, %gather3A_1050 : vector<16xi32>
      %gather3A_1052 = tpu.vector_load_idx %arg5[%add3A_1051] : memref<32896xf32, #tpu.memory_space<vmem>>[vector<16xi32>], vector<16xf32>,
      %mul3A_1053 = arith.mulf %mul3A_933, %gather3A_1052 : vector<16xf32>
      %broadcast_in_dim3A_1054 = arith.constant 4 : i32
      %broadcast_in_dim3A_1055 = vector.broadcast %broadcast_in_dim3A_1054 : i32 to vector<16xi32>
      %lt3A_1056 = arith.constant 0 : i32
      %lt3A_1057 = vector.broadcast %lt3A_1056 : i32 to vector<16xi32>
      %lt3A_1058 = arith.cmpi slt, %broadcast_in_dim3A_1055, %lt3A_1057 : vector<16xi32>
      %add3A_1059 = arith.constant 16 : i32
      %add3A_1060 = vector.broadcast %add3A_1059 : i32 to vector<16xi32>
      %add3A_1061 = arith.addi %broadcast_in_dim3A_1055, %add3A_1060 : vector<16xi32>
      %select_n3A_1062 = arith.select %lt3A_1058, %add3A_1061, %broadcast_in_dim3A_1055 : vector<16xi1>, vector<16xi32>
      %broadcast_in_dim3A_1063 = vector.shape_cast %select_n3A_1062 : vector<16xi32> to vector<16x1xi32>
      %gather3A_1064 = vector.shape_cast %broadcast_in_dim3A_1063 : vector<16x1xi32> to vector<16xi32>
      %gather3A_1065 = tpu.dynamic_gather %select_n3A_313[%gather3A_1064] in [0] : vector<16xi32>, vector<16xi32> -> vector<16xi32>
      %add3A_1066 = arith.addi %mul3A_108, %gather3A_1065 : vector<16xi32>
      %gather3A_1067 = tpu.vector_load_idx %arg5[%add3A_1066] : memref<32896xf32, #tpu.memory_space<vmem>>[vector<16xi32>], vector<16xf32>,
      %mul3A_1068 = arith.mulf %mul3A_948, %gather3A_1067 : vector<16xf32>
      %broadcast_in_dim3A_1069 = arith.constant 5 : i32
      %broadcast_in_dim3A_1070 = vector.broadcast %broadcast_in_dim3A_1069 : i32 to vector<16xi32>
      %lt3A_1071 = arith.constant 0 : i32
      %lt3A_1072 = vector.broadcast %lt3A_1071 : i32 to vector<16xi32>
      %lt3A_1073 = arith.cmpi slt, %broadcast_in_dim3A_1070, %lt3A_1072 : vector<16xi32>
      %add3A_1074 = arith.constant 16 : i32
      %add3A_1075 = vector.broadcast %add3A_1074 : i32 to vector<16xi32>
      %add3A_1076 = arith.addi %broadcast_in_dim3A_1070, %add3A_1075 : vector<16xi32>
      %select_n3A_1077 = arith.select %lt3A_1073, %add3A_1076, %broadcast_in_dim3A_1070 : vector<16xi1>, vector<16xi32>
      %broadcast_in_dim3A_1078 = vector.shape_cast %select_n3A_1077 : vector<16xi32> to vector<16x1xi32>
      %gather3A_1079 = vector.shape_cast %broadcast_in_dim3A_1078 : vector<16x1xi32> to vector<16xi32>
      %gather3A_1080 = tpu.dynamic_gather %select_n3A_313[%gather3A_1079] in [0] : vector<16xi32>, vector<16xi32> -> vector<16xi32>
      %add3A_1081 = arith.addi %mul3A_108, %gather3A_1080 : vector<16xi32>
      %gather3A_1082 = tpu.vector_load_idx %arg5[%add3A_1081] : memref<32896xf32, #tpu.memory_space<vmem>>[vector<16xi32>], vector<16xf32>,
      %mul3A_1083 = arith.mulf %mul3A_963, %gather3A_1082 : vector<16xf32>
      %broadcast_in_dim3A_1084 = arith.constant 6 : i32
      %broadcast_in_dim3A_1085 = vector.broadcast %broadcast_in_dim3A_1084 : i32 to vector<16xi32>
      %lt3A_1086 = arith.constant 0 : i32
      %lt3A_1087 = vector.broadcast %lt3A_1086 : i32 to vector<16xi32>
      %lt3A_1088 = arith.cmpi slt, %broadcast_in_dim3A_1085, %lt3A_1087 : vector<16xi32>
      %add3A_1089 = arith.constant 16 : i32
      %add3A_1090 = vector.broadcast %add3A_1089 : i32 to vector<16xi32>
      %add3A_1091 = arith.addi %broadcast_in_dim3A_1085, %add3A_1090 : vector<16xi32>
      %select_n3A_1092 = arith.select %lt3A_1088, %add3A_1091, %broadcast_in_dim3A_1085 : vector<16xi1>, vector<16xi32>
      %broadcast_in_dim3A_1093 = vector.shape_cast %select_n3A_1092 : vector<16xi32> to vector<16x1xi32>
      %gather3A_1094 = vector.shape_cast %broadcast_in_dim3A_1093 : vector<16x1xi32> to vector<16xi32>
      %gather3A_1095 = tpu.dynamic_gather %select_n3A_313[%gather3A_1094] in [0] : vector<16xi32>, vector<16xi32> -> vector<16xi32>
      %add3A_1096 = arith.addi %mul3A_108, %gather3A_1095 : vector<16xi32>
      %gather3A_1097 = tpu.vector_load_idx %arg5[%add3A_1096] : memref<32896xf32, #tpu.memory_space<vmem>>[vector<16xi32>], vector<16xf32>,
      %mul3A_1098 = arith.mulf %mul3A_978, %gather3A_1097 : vector<16xf32>
      %broadcast_in_dim3A_1099 = arith.constant 7 : i32
      %broadcast_in_dim3A_1100 = vector.broadcast %broadcast_in_dim3A_1099 : i32 to vector<16xi32>
      %lt3A_1101 = arith.constant 0 : i32
      %lt3A_1102 = vector.broadcast %lt3A_1101 : i32 to vector<16xi32>
      %lt3A_1103 = arith.cmpi slt, %broadcast_in_dim3A_1100, %lt3A_1102 : vector<16xi32>
      %add3A_1104 = arith.constant 16 : i32
      %add3A_1105 = vector.broadcast %add3A_1104 : i32 to vector<16xi32>
      %add3A_1106 = arith.addi %broadcast_in_dim3A_1100, %add3A_1105 : vector<16xi32>
      %select_n3A_1107 = arith.select %lt3A_1103, %add3A_1106, %broadcast_in_dim3A_1100 : vector<16xi1>, vector<16xi32>
      %broadcast_in_dim3A_1108 = vector.shape_cast %select_n3A_1107 : vector<16xi32> to vector<16x1xi32>
      %gather3A_1109 = vector.shape_cast %broadcast_in_dim3A_1108 : vector<16x1xi32> to vector<16xi32>
      %gather3A_1110 = tpu.dynamic_gather %select_n3A_313[%gather3A_1109] in [0] : vector<16xi32>, vector<16xi32> -> vector<16xi32>
      %add3A_1111 = arith.addi %mul3A_108, %gather3A_1110 : vector<16xi32>
      %gather3A_1112 = tpu.vector_load_idx %arg5[%add3A_1111] : memref<32896xf32, #tpu.memory_space<vmem>>[vector<16xi32>], vector<16xf32>,
      %mul3A_1113 = arith.mulf %mul3A_993, %gather3A_1112 : vector<16xf32>
      %broadcast_in_dim3A_1114 = arith.constant 8 : i32
      %broadcast_in_dim3A_1115 = vector.broadcast %broadcast_in_dim3A_1114 : i32 to vector<16xi32>
      %lt3A_1116 = arith.constant 0 : i32
      %lt3A_1117 = vector.broadcast %lt3A_1116 : i32 to vector<16xi32>
      %lt3A_1118 = arith.cmpi slt, %broadcast_in_dim3A_1115, %lt3A_1117 : vector<16xi32>
      %add3A_1119 = arith.constant 16 : i32
      %add3A_1120 = vector.broadcast %add3A_1119 : i32 to vector<16xi32>
      %add3A_1121 = arith.addi %broadcast_in_dim3A_1115, %add3A_1120 : vector<16xi32>
      %select_n3A_1122 = arith.select %lt3A_1118, %add3A_1121, %broadcast_in_dim3A_1115 : vector<16xi1>, vector<16xi32>
      %broadcast_in_dim3A_1123 = vector.shape_cast %select_n3A_1122 : vector<16xi32> to vector<16x1xi32>
      %gather3A_1124 = vector.shape_cast %broadcast_in_dim3A_1123 : vector<16x1xi32> to vector<16xi32>
      %gather3A_1125 = tpu.dynamic_gather %select_n3A_313[%gather3A_1124] in [0] : vector<16xi32>, vector<16xi32> -> vector<16xi32>
      %add3A_1126 = arith.addi %mul3A_108, %gather3A_1125 : vector<16xi32>
      %gather3A_1127 = tpu.vector_load_idx %arg5[%add3A_1126] : memref<32896xf32, #tpu.memory_space<vmem>>[vector<16xi32>], vector<16xf32>,
      %mul3A_1128 = arith.mulf %mul3A_1008, %gather3A_1127 : vector<16xf32>
      %broadcast_in_dim3A_1129 = arith.constant 9 : i32
      %broadcast_in_dim3A_1130 = vector.broadcast %broadcast_in_dim3A_1129 : i32 to vector<16xi32>
      %lt3A_1131 = arith.constant 0 : i32
      %lt3A_1132 = vector.broadcast %lt3A_1131 : i32 to vector<16xi32>
      %lt3A_1133 = arith.cmpi slt, %broadcast_in_dim3A_1130, %lt3A_1132 : vector<16xi32>
      %add3A_1134 = arith.constant 16 : i32
      %add3A_1135 = vector.broadcast %add3A_1134 : i32 to vector<16xi32>
      %add3A_1136 = arith.addi %broadcast_in_dim3A_1130, %add3A_1135 : vector<16xi32>
      %select_n3A_1137 = arith.select %lt3A_1133, %add3A_1136, %broadcast_in_dim3A_1130 : vector<16xi1>, vector<16xi32>
      %broadcast_in_dim3A_1138 = vector.shape_cast %select_n3A_1137 : vector<16xi32> to vector<16x1xi32>
      %gather3A_1139 = vector.shape_cast %broadcast_in_dim3A_1138 : vector<16x1xi32> to vector<16xi32>
      %gather3A_1140 = tpu.dynamic_gather %select_n3A_313[%gather3A_1139] in [0] : vector<16xi32>, vector<16xi32> -> vector<16xi32>
      %add3A_1141 = arith.addi %mul3A_108, %gather3A_1140 : vector<16xi32>
      %gather3A_1142 = tpu.vector_load_idx %arg5[%add3A_1141] : memref<32896xf32, #tpu.memory_space<vmem>>[vector<16xi32>], vector<16xf32>,
      %mul3A_1143 = arith.mulf %mul3A_1023, %gather3A_1142 : vector<16xf32>
      %broadcast_in_dim3A_1144 = arith.constant 10 : i32
      %broadcast_in_dim3A_1145 = vector.broadcast %broadcast_in_dim3A_1144 : i32 to vector<16xi32>
      %lt3A_1146 = arith.constant 0 : i32
      %lt3A_1147 = vector.broadcast %lt3A_1146 : i32 to vector<16xi32>
      %lt3A_1148 = arith.cmpi slt, %broadcast_in_dim3A_1145, %lt3A_1147 : vector<16xi32>
      %add3A_1149 = arith.constant 16 : i32
      %add3A_1150 = vector.broadcast %add3A_1149 : i32 to vector<16xi32>
      %add3A_1151 = arith.addi %broadcast_in_dim3A_1145, %add3A_1150 : vector<16xi32>
      %select_n3A_1152 = arith.select %lt3A_1148, %add3A_1151, %broadcast_in_dim3A_1145 : vector<16xi1>, vector<16xi32>
      %broadcast_in_dim3A_1153 = vector.shape_cast %select_n3A_1152 : vector<16xi32> to vector<16x1xi32>
      %gather3A_1154 = vector.shape_cast %broadcast_in_dim3A_1153 : vector<16x1xi32> to vector<16xi32>
      %gather3A_1155 = tpu.dynamic_gather %select_n3A_313[%gather3A_1154] in [0] : vector<16xi32>, vector<16xi32> -> vector<16xi32>
      %add3A_1156 = arith.addi %mul3A_108, %gather3A_1155 : vector<16xi32>
      %gather3A_1157 = tpu.vector_load_idx %arg5[%add3A_1156] : memref<32896xf32, #tpu.memory_space<vmem>>[vector<16xi32>], vector<16xf32>,
      %mul3A_1158 = arith.mulf %mul3A_1038, %gather3A_1157 : vector<16xf32>
      %broadcast_in_dim3A_1159 = arith.constant 11 : i32
      %broadcast_in_dim3A_1160 = vector.broadcast %broadcast_in_dim3A_1159 : i32 to vector<16xi32>
      %lt3A_1161 = arith.constant 0 : i32
      %lt3A_1162 = vector.broadcast %lt3A_1161 : i32 to vector<16xi32>
      %lt3A_1163 = arith.cmpi slt, %broadcast_in_dim3A_1160, %lt3A_1162 : vector<16xi32>
      %add3A_1164 = arith.constant 16 : i32
      %add3A_1165 = vector.broadcast %add3A_1164 : i32 to vector<16xi32>
      %add3A_1166 = arith.addi %broadcast_in_dim3A_1160, %add3A_1165 : vector<16xi32>
      %select_n3A_1167 = arith.select %lt3A_1163, %add3A_1166, %broadcast_in_dim3A_1160 : vector<16xi1>, vector<16xi32>
      %broadcast_in_dim3A_1168 = vector.shape_cast %select_n3A_1167 : vector<16xi32> to vector<16x1xi32>
      %gather3A_1169 = vector.shape_cast %broadcast_in_dim3A_1168 : vector<16x1xi32> to vector<16xi32>
      %gather3A_1170 = tpu.dynamic_gather %select_n3A_313[%gather3A_1169] in [0] : vector<16xi32>, vector<16xi32> -> vector<16xi32>
      %add3A_1171 = arith.addi %mul3A_108, %gather3A_1170 : vector<16xi32>
      %gather3A_1172 = tpu.vector_load_idx %arg5[%add3A_1171] : memref<32896xf32, #tpu.memory_space<vmem>>[vector<16xi32>], vector<16xf32>,
      %mul3A_1173 = arith.mulf %mul3A_1053, %gather3A_1172 : vector<16xf32>
      %broadcast_in_dim3A_1174 = arith.constant 12 : i32
      %broadcast_in_dim3A_1175 = vector.broadcast %broadcast_in_dim3A_1174 : i32 to vector<16xi32>
      %lt3A_1176 = arith.constant 0 : i32
      %lt3A_1177 = vector.broadcast %lt3A_1176 : i32 to vector<16xi32>
      %lt3A_1178 = arith.cmpi slt, %broadcast_in_dim3A_1175, %lt3A_1177 : vector<16xi32>
      %add3A_1179 = arith.constant 16 : i32
      %add3A_1180 = vector.broadcast %add3A_1179 : i32 to vector<16xi32>
      %add3A_1181 = arith.addi %broadcast_in_dim3A_1175, %add3A_1180 : vector<16xi32>
      %select_n3A_1182 = arith.select %lt3A_1178, %add3A_1181, %broadcast_in_dim3A_1175 : vector<16xi1>, vector<16xi32>
      %broadcast_in_dim3A_1183 = vector.shape_cast %select_n3A_1182 : vector<16xi32> to vector<16x1xi32>
      %gather3A_1184 = vector.shape_cast %broadcast_in_dim3A_1183 : vector<16x1xi32> to vector<16xi32>
      %gather3A_1185 = tpu.dynamic_gather %select_n3A_313[%gather3A_1184] in [0] : vector<16xi32>, vector<16xi32> -> vector<16xi32>
      %add3A_1186 = arith.addi %mul3A_108, %gather3A_1185 : vector<16xi32>
      %gather3A_1187 = tpu.vector_load_idx %arg5[%add3A_1186] : memref<32896xf32, #tpu.memory_space<vmem>>[vector<16xi32>], vector<16xf32>,
      %mul3A_1188 = arith.mulf %mul3A_1068, %gather3A_1187 : vector<16xf32>
      %broadcast_in_dim3A_1189 = arith.constant 13 : i32
      %broadcast_in_dim3A_1190 = vector.broadcast %broadcast_in_dim3A_1189 : i32 to vector<16xi32>
      %lt3A_1191 = arith.constant 0 : i32
      %lt3A_1192 = vector.broadcast %lt3A_1191 : i32 to vector<16xi32>
      %lt3A_1193 = arith.cmpi slt, %broadcast_in_dim3A_1190, %lt3A_1192 : vector<16xi32>
      %add3A_1194 = arith.constant 16 : i32
      %add3A_1195 = vector.broadcast %add3A_1194 : i32 to vector<16xi32>
      %add3A_1196 = arith.addi %broadcast_in_dim3A_1190, %add3A_1195 : vector<16xi32>
      %select_n3A_1197 = arith.select %lt3A_1193, %add3A_1196, %broadcast_in_dim3A_1190 : vector<16xi1>, vector<16xi32>
      %broadcast_in_dim3A_1198 = vector.shape_cast %select_n3A_1197 : vector<16xi32> to vector<16x1xi32>
      %gather3A_1199 = vector.shape_cast %broadcast_in_dim3A_1198 : vector<16x1xi32> to vector<16xi32>
      %gather3A_1200 = tpu.dynamic_gather %select_n3A_313[%gather3A_1199] in [0] : vector<16xi32>, vector<16xi32> -> vector<16xi32>
      %add3A_1201 = arith.addi %mul3A_108, %gather3A_1200 : vector<16xi32>
      %gather3A_1202 = tpu.vector_load_idx %arg5[%add3A_1201] : memref<32896xf32, #tpu.memory_space<vmem>>[vector<16xi32>], vector<16xf32>,
      %mul3A_1203 = arith.mulf %mul3A_1083, %gather3A_1202 : vector<16xf32>
      %broadcast_in_dim3A_1204 = arith.constant 14 : i32
      %broadcast_in_dim3A_1205 = vector.broadcast %broadcast_in_dim3A_1204 : i32 to vector<16xi32>
      %lt3A_1206 = arith.constant 0 : i32
      %lt3A_1207 = vector.broadcast %lt3A_1206 : i32 to vector<16xi32>
      %lt3A_1208 = arith.cmpi slt, %broadcast_in_dim3A_1205, %lt3A_1207 : vector<16xi32>
      %add3A_1209 = arith.constant 16 : i32
      %add3A_1210 = vector.broadcast %add3A_1209 : i32 to vector<16xi32>
      %add3A_1211 = arith.addi %broadcast_in_dim3A_1205, %add3A_1210 : vector<16xi32>
      %select_n3A_1212 = arith.select %lt3A_1208, %add3A_1211, %broadcast_in_dim3A_1205 : vector<16xi1>, vector<16xi32>
      %broadcast_in_dim3A_1213 = vector.shape_cast %select_n3A_1212 : vector<16xi32> to vector<16x1xi32>
      %gather3A_1214 = vector.shape_cast %broadcast_in_dim3A_1213 : vector<16x1xi32> to vector<16xi32>
      %gather3A_1215 = tpu.dynamic_gather %select_n3A_313[%gather3A_1214] in [0] : vector<16xi32>, vector<16xi32> -> vector<16xi32>
      %add3A_1216 = arith.addi %mul3A_108, %gather3A_1215 : vector<16xi32>
      %gather3A_1217 = tpu.vector_load_idx %arg5[%add3A_1216] : memref<32896xf32, #tpu.memory_space<vmem>>[vector<16xi32>], vector<16xf32>,
      %mul3A_1218 = arith.mulf %mul3A_1098, %gather3A_1217 : vector<16xf32>
      %broadcast_in_dim3A_1219 = arith.constant 15 : i32
      %broadcast_in_dim3A_1220 = vector.broadcast %broadcast_in_dim3A_1219 : i32 to vector<16xi32>
      %lt3A_1221 = arith.constant 0 : i32
      %lt3A_1222 = vector.broadcast %lt3A_1221 : i32 to vector<16xi32>
      %lt3A_1223 = arith.cmpi slt, %broadcast_in_dim3A_1220, %lt3A_1222 : vector<16xi32>
      %add3A_1224 = arith.constant 16 : i32
      %add3A_1225 = vector.broadcast %add3A_1224 : i32 to vector<16xi32>
      %add3A_1226 = arith.addi %broadcast_in_dim3A_1220, %add3A_1225 : vector<16xi32>
      %select_n3A_1227 = arith.select %lt3A_1223, %add3A_1226, %broadcast_in_dim3A_1220 : vector<16xi1>, vector<16xi32>
      %broadcast_in_dim3A_1228 = vector.shape_cast %select_n3A_1227 : vector<16xi32> to vector<16x1xi32>
      %gather3A_1229 = vector.shape_cast %broadcast_in_dim3A_1228 : vector<16x1xi32> to vector<16xi32>
      %gather3A_1230 = tpu.dynamic_gather %select_n3A_313[%gather3A_1229] in [0] : vector<16xi32>, vector<16xi32> -> vector<16xi32>
      %add3A_1231 = arith.addi %mul3A_108, %gather3A_1230 : vector<16xi32>
      %gather3A_1232 = tpu.vector_load_idx %arg5[%add3A_1231] : memref<32896xf32, #tpu.memory_space<vmem>>[vector<16xi32>], vector<16xf32>,
      %mul3A_1233 = arith.mulf %mul3A_1113, %gather3A_1232 : vector<16xf32>
      %broadcast_in_dim3A_1234 = arith.constant 0 : i32
      %broadcast_in_dim3A_1235 = vector.broadcast %broadcast_in_dim3A_1234 : i32 to vector<16xi32>
      %lt3A_1236 = arith.constant 0 : i32
      %lt3A_1237 = vector.broadcast %lt3A_1236 : i32 to vector<16xi32>
      %lt3A_1238 = arith.cmpi slt, %broadcast_in_dim3A_1235, %lt3A_1237 : vector<16xi32>
      %add3A_1239 = arith.constant 16 : i32
      %add3A_1240 = vector.broadcast %add3A_1239 : i32 to vector<16xi32>
      %add3A_1241 = arith.addi %broadcast_in_dim3A_1235, %add3A_1240 : vector<16xi32>
      %select_n3A_1242 = arith.select %lt3A_1238, %add3A_1241, %broadcast_in_dim3A_1235 : vector<16xi1>, vector<16xi32>
      %broadcast_in_dim3A_1243 = vector.shape_cast %select_n3A_1242 : vector<16xi32> to vector<16x1xi32>
      %gather3A_1244 = vector.shape_cast %broadcast_in_dim3A_1243 : vector<16x1xi32> to vector<16xi32>
      %gather3A_1245 = tpu.dynamic_gather %select_n3A_350[%gather3A_1244] in [0] : vector<16xi32>, vector<16xi32> -> vector<16xi32>
      %add3A_1246 = arith.addi %mul3A_108, %gather3A_1245 : vector<16xi32>
      %gather3A_1247 = tpu.vector_load_idx %arg5[%add3A_1246] : memref<32896xf32, #tpu.memory_space<vmem>>[vector<16xi32>], vector<16xf32>,
      %mul3A_1248 = arith.mulf %mul3A_1128, %gather3A_1247 : vector<16xf32>
      %broadcast_in_dim3A_1249 = arith.constant 1 : i32
      %broadcast_in_dim3A_1250 = vector.broadcast %broadcast_in_dim3A_1249 : i32 to vector<16xi32>
      %lt3A_1251 = arith.constant 0 : i32
      %lt3A_1252 = vector.broadcast %lt3A_1251 : i32 to vector<16xi32>
      %lt3A_1253 = arith.cmpi slt, %broadcast_in_dim3A_1250, %lt3A_1252 : vector<16xi32>
      %add3A_1254 = arith.constant 16 : i32
      %add3A_1255 = vector.broadcast %add3A_1254 : i32 to vector<16xi32>
      %add3A_1256 = arith.addi %broadcast_in_dim3A_1250, %add3A_1255 : vector<16xi32>
      %select_n3A_1257 = arith.select %lt3A_1253, %add3A_1256, %broadcast_in_dim3A_1250 : vector<16xi1>, vector<16xi32>
      %broadcast_in_dim3A_1258 = vector.shape_cast %select_n3A_1257 : vector<16xi32> to vector<16x1xi32>
      %gather3A_1259 = vector.shape_cast %broadcast_in_dim3A_1258 : vector<16x1xi32> to vector<16xi32>
      %gather3A_1260 = tpu.dynamic_gather %select_n3A_350[%gather3A_1259] in [0] : vector<16xi32>, vector<16xi32> -> vector<16xi32>
      %add3A_1261 = arith.addi %mul3A_108, %gather3A_1260 : vector<16xi32>
      %gather3A_1262 = tpu.vector_load_idx %arg5[%add3A_1261] : memref<32896xf32, #tpu.memory_space<vmem>>[vector<16xi32>], vector<16xf32>,
      %mul3A_1263 = arith.mulf %mul3A_1143, %gather3A_1262 : vector<16xf32>
      %broadcast_in_dim3A_1264 = arith.constant 2 : i32
      %broadcast_in_dim3A_1265 = vector.broadcast %broadcast_in_dim3A_1264 : i32 to vector<16xi32>
      %lt3A_1266 = arith.constant 0 : i32
      %lt3A_1267 = vector.broadcast %lt3A_1266 : i32 to vector<16xi32>
      %lt3A_1268 = arith.cmpi slt, %broadcast_in_dim3A_1265, %lt3A_1267 : vector<16xi32>
      %add3A_1269 = arith.constant 16 : i32
      %add3A_1270 = vector.broadcast %add3A_1269 : i32 to vector<16xi32>
      %add3A_1271 = arith.addi %broadcast_in_dim3A_1265, %add3A_1270 : vector<16xi32>
      %select_n3A_1272 = arith.select %lt3A_1268, %add3A_1271, %broadcast_in_dim3A_1265 : vector<16xi1>, vector<16xi32>
      %broadcast_in_dim3A_1273 = vector.shape_cast %select_n3A_1272 : vector<16xi32> to vector<16x1xi32>
      %gather3A_1274 = vector.shape_cast %broadcast_in_dim3A_1273 : vector<16x1xi32> to vector<16xi32>
      %gather3A_1275 = tpu.dynamic_gather %select_n3A_350[%gather3A_1274] in [0] : vector<16xi32>, vector<16xi32> -> vector<16xi32>
      %add3A_1276 = arith.addi %mul3A_108, %gather3A_1275 : vector<16xi32>
      %gather3A_1277 = tpu.vector_load_idx %arg5[%add3A_1276] : memref<32896xf32, #tpu.memory_space<vmem>>[vector<16xi32>], vector<16xf32>,
      %mul3A_1278 = arith.mulf %mul3A_1158, %gather3A_1277 : vector<16xf32>
      %broadcast_in_dim3A_1279 = arith.constant 3 : i32
      %broadcast_in_dim3A_1280 = vector.broadcast %broadcast_in_dim3A_1279 : i32 to vector<16xi32>
      %lt3A_1281 = arith.constant 0 : i32
      %lt3A_1282 = vector.broadcast %lt3A_1281 : i32 to vector<16xi32>
      %lt3A_1283 = arith.cmpi slt, %broadcast_in_dim3A_1280, %lt3A_1282 : vector<16xi32>
      %add3A_1284 = arith.constant 16 : i32
      %add3A_1285 = vector.broadcast %add3A_1284 : i32 to vector<16xi32>
      %add3A_1286 = arith.addi %broadcast_in_dim3A_1280, %add3A_1285 : vector<16xi32>
      %select_n3A_1287 = arith.select %lt3A_1283, %add3A_1286, %broadcast_in_dim3A_1280 : vector<16xi1>, vector<16xi32>
      %broadcast_in_dim3A_1288 = vector.shape_cast %select_n3A_1287 : vector<16xi32> to vector<16x1xi32>
      %gather3A_1289 = vector.shape_cast %broadcast_in_dim3A_1288 : vector<16x1xi32> to vector<16xi32>
      %gather3A_1290 = tpu.dynamic_gather %select_n3A_350[%gather3A_1289] in [0] : vector<16xi32>, vector<16xi32> -> vector<16xi32>
      %add3A_1291 = arith.addi %mul3A_108, %gather3A_1290 : vector<16xi32>
      %gather3A_1292 = tpu.vector_load_idx %arg5[%add3A_1291] : memref<32896xf32, #tpu.memory_space<vmem>>[vector<16xi32>], vector<16xf32>,
      %mul3A_1293 = arith.mulf %mul3A_1173, %gather3A_1292 : vector<16xf32>
      %broadcast_in_dim3A_1294 = arith.constant 4 : i32
      %broadcast_in_dim3A_1295 = vector.broadcast %broadcast_in_dim3A_1294 : i32 to vector<16xi32>
      %lt3A_1296 = arith.constant 0 : i32
      %lt3A_1297 = vector.broadcast %lt3A_1296 : i32 to vector<16xi32>
      %lt3A_1298 = arith.cmpi slt, %broadcast_in_dim3A_1295, %lt3A_1297 : vector<16xi32>
      %add3A_1299 = arith.constant 16 : i32
      %add3A_1300 = vector.broadcast %add3A_1299 : i32 to vector<16xi32>
      %add3A_1301 = arith.addi %broadcast_in_dim3A_1295, %add3A_1300 : vector<16xi32>
      %select_n3A_1302 = arith.select %lt3A_1298, %add3A_1301, %broadcast_in_dim3A_1295 : vector<16xi1>, vector<16xi32>
      %broadcast_in_dim3A_1303 = vector.shape_cast %select_n3A_1302 : vector<16xi32> to vector<16x1xi32>
      %gather3A_1304 = vector.shape_cast %broadcast_in_dim3A_1303 : vector<16x1xi32> to vector<16xi32>
      %gather3A_1305 = tpu.dynamic_gather %select_n3A_350[%gather3A_1304] in [0] : vector<16xi32>, vector<16xi32> -> vector<16xi32>
      %add3A_1306 = arith.addi %mul3A_108, %gather3A_1305 : vector<16xi32>
      %gather3A_1307 = tpu.vector_load_idx %arg5[%add3A_1306] : memref<32896xf32, #tpu.memory_space<vmem>>[vector<16xi32>], vector<16xf32>,
      %mul3A_1308 = arith.mulf %mul3A_1188, %gather3A_1307 : vector<16xf32>
      %broadcast_in_dim3A_1309 = arith.constant 5 : i32
      %broadcast_in_dim3A_1310 = vector.broadcast %broadcast_in_dim3A_1309 : i32 to vector<16xi32>
      %lt3A_1311 = arith.constant 0 : i32
      %lt3A_1312 = vector.broadcast %lt3A_1311 : i32 to vector<16xi32>
      %lt3A_1313 = arith.cmpi slt, %broadcast_in_dim3A_1310, %lt3A_1312 : vector<16xi32>
      %add3A_1314 = arith.constant 16 : i32
      %add3A_1315 = vector.broadcast %add3A_1314 : i32 to vector<16xi32>
      %add3A_1316 = arith.addi %broadcast_in_dim3A_1310, %add3A_1315 : vector<16xi32>
      %select_n3A_1317 = arith.select %lt3A_1313, %add3A_1316, %broadcast_in_dim3A_1310 : vector<16xi1>, vector<16xi32>
      %broadcast_in_dim3A_1318 = vector.shape_cast %select_n3A_1317 : vector<16xi32> to vector<16x1xi32>
      %gather3A_1319 = vector.shape_cast %broadcast_in_dim3A_1318 : vector<16x1xi32> to vector<16xi32>
      %gather3A_1320 = tpu.dynamic_gather %select_n3A_350[%gather3A_1319] in [0] : vector<16xi32>, vector<16xi32> -> vector<16xi32>
      %add3A_1321 = arith.addi %mul3A_108, %gather3A_1320 : vector<16xi32>
      %gather3A_1322 = tpu.vector_load_idx %arg5[%add3A_1321] : memref<32896xf32, #tpu.memory_space<vmem>>[vector<16xi32>], vector<16xf32>,
      %mul3A_1323 = arith.mulf %mul3A_1203, %gather3A_1322 : vector<16xf32>
      %broadcast_in_dim3A_1324 = arith.constant 6 : i32
      %broadcast_in_dim3A_1325 = vector.broadcast %broadcast_in_dim3A_1324 : i32 to vector<16xi32>
      %lt3A_1326 = arith.constant 0 : i32
      %lt3A_1327 = vector.broadcast %lt3A_1326 : i32 to vector<16xi32>
      %lt3A_1328 = arith.cmpi slt, %broadcast_in_dim3A_1325, %lt3A_1327 : vector<16xi32>
      %add3A_1329 = arith.constant 16 : i32
      %add3A_1330 = vector.broadcast %add3A_1329 : i32 to vector<16xi32>
      %add3A_1331 = arith.addi %broadcast_in_dim3A_1325, %add3A_1330 : vector<16xi32>
      %select_n3A_1332 = arith.select %lt3A_1328, %add3A_1331, %broadcast_in_dim3A_1325 : vector<16xi1>, vector<16xi32>
      %broadcast_in_dim3A_1333 = vector.shape_cast %select_n3A_1332 : vector<16xi32> to vector<16x1xi32>
      %gather3A_1334 = vector.shape_cast %broadcast_in_dim3A_1333 : vector<16x1xi32> to vector<16xi32>
      %gather3A_1335 = tpu.dynamic_gather %select_n3A_350[%gather3A_1334] in [0] : vector<16xi32>, vector<16xi32> -> vector<16xi32>
      %add3A_1336 = arith.addi %mul3A_108, %gather3A_1335 : vector<16xi32>
      %gather3A_1337 = tpu.vector_load_idx %arg5[%add3A_1336] : memref<32896xf32, #tpu.memory_space<vmem>>[vector<16xi32>], vector<16xf32>,
      %mul3A_1338 = arith.mulf %mul3A_1218, %gather3A_1337 : vector<16xf32>
      %broadcast_in_dim3A_1339 = arith.constant 7 : i32
      %broadcast_in_dim3A_1340 = vector.broadcast %broadcast_in_dim3A_1339 : i32 to vector<16xi32>
      %lt3A_1341 = arith.constant 0 : i32
      %lt3A_1342 = vector.broadcast %lt3A_1341 : i32 to vector<16xi32>
      %lt3A_1343 = arith.cmpi slt, %broadcast_in_dim3A_1340, %lt3A_1342 : vector<16xi32>
      %add3A_1344 = arith.constant 16 : i32
      %add3A_1345 = vector.broadcast %add3A_1344 : i32 to vector<16xi32>
      %add3A_1346 = arith.addi %broadcast_in_dim3A_1340, %add3A_1345 : vector<16xi32>
      %select_n3A_1347 = arith.select %lt3A_1343, %add3A_1346, %broadcast_in_dim3A_1340 : vector<16xi1>, vector<16xi32>
      %broadcast_in_dim3A_1348 = vector.shape_cast %select_n3A_1347 : vector<16xi32> to vector<16x1xi32>
      %gather3A_1349 = vector.shape_cast %broadcast_in_dim3A_1348 : vector<16x1xi32> to vector<16xi32>
      %gather3A_1350 = tpu.dynamic_gather %select_n3A_350[%gather3A_1349] in [0] : vector<16xi32>, vector<16xi32> -> vector<16xi32>
      %add3A_1351 = arith.addi %mul3A_108, %gather3A_1350 : vector<16xi32>
      %gather3A_1352 = tpu.vector_load_idx %arg5[%add3A_1351] : memref<32896xf32, #tpu.memory_space<vmem>>[vector<16xi32>], vector<16xf32>,
      %mul3A_1353 = arith.mulf %mul3A_1233, %gather3A_1352 : vector<16xf32>
      %broadcast_in_dim3A_1354 = arith.constant 8 : i32
      %broadcast_in_dim3A_1355 = vector.broadcast %broadcast_in_dim3A_1354 : i32 to vector<16xi32>
      %lt3A_1356 = arith.constant 0 : i32
      %lt3A_1357 = vector.broadcast %lt3A_1356 : i32 to vector<16xi32>
      %lt3A_1358 = arith.cmpi slt, %broadcast_in_dim3A_1355, %lt3A_1357 : vector<16xi32>
      %add3A_1359 = arith.constant 16 : i32
      %add3A_1360 = vector.broadcast %add3A_1359 : i32 to vector<16xi32>
      %add3A_1361 = arith.addi %broadcast_in_dim3A_1355, %add3A_1360 : vector<16xi32>
      %select_n3A_1362 = arith.select %lt3A_1358, %add3A_1361, %broadcast_in_dim3A_1355 : vector<16xi1>, vector<16xi32>
      %broadcast_in_dim3A_1363 = vector.shape_cast %select_n3A_1362 : vector<16xi32> to vector<16x1xi32>
      %gather3A_1364 = vector.shape_cast %broadcast_in_dim3A_1363 : vector<16x1xi32> to vector<16xi32>
      %gather3A_1365 = tpu.dynamic_gather %select_n3A_350[%gather3A_1364] in [0] : vector<16xi32>, vector<16xi32> -> vector<16xi32>
      %add3A_1366 = arith.addi %mul3A_108, %gather3A_1365 : vector<16xi32>
      %gather3A_1367 = tpu.vector_load_idx %arg5[%add3A_1366] : memref<32896xf32, #tpu.memory_space<vmem>>[vector<16xi32>], vector<16xf32>,
      %mul3A_1368 = arith.mulf %mul3A_1248, %gather3A_1367 : vector<16xf32>
      %broadcast_in_dim3A_1369 = arith.constant 9 : i32
      %broadcast_in_dim3A_1370 = vector.broadcast %broadcast_in_dim3A_1369 : i32 to vector<16xi32>
      %lt3A_1371 = arith.constant 0 : i32
      %lt3A_1372 = vector.broadcast %lt3A_1371 : i32 to vector<16xi32>
      %lt3A_1373 = arith.cmpi slt, %broadcast_in_dim3A_1370, %lt3A_1372 : vector<16xi32>
      %add3A_1374 = arith.constant 16 : i32
      %add3A_1375 = vector.broadcast %add3A_1374 : i32 to vector<16xi32>
      %add3A_1376 = arith.addi %broadcast_in_dim3A_1370, %add3A_1375 : vector<16xi32>
      %select_n3A_1377 = arith.select %lt3A_1373, %add3A_1376, %broadcast_in_dim3A_1370 : vector<16xi1>, vector<16xi32>
      %broadcast_in_dim3A_1378 = vector.shape_cast %select_n3A_1377 : vector<16xi32> to vector<16x1xi32>
      %gather3A_1379 = vector.shape_cast %broadcast_in_dim3A_1378 : vector<16x1xi32> to vector<16xi32>
      %gather3A_1380 = tpu.dynamic_gather %select_n3A_350[%gather3A_1379] in [0] : vector<16xi32>, vector<16xi32> -> vector<16xi32>
      %add3A_1381 = arith.addi %mul3A_108, %gather3A_1380 : vector<16xi32>
      %gather3A_1382 = tpu.vector_load_idx %arg5[%add3A_1381] : memref<32896xf32, #tpu.memory_space<vmem>>[vector<16xi32>], vector<16xf32>,
      %mul3A_1383 = arith.mulf %mul3A_1263, %gather3A_1382 : vector<16xf32>
      %broadcast_in_dim3A_1384 = arith.constant 10 : i32
      %broadcast_in_dim3A_1385 = vector.broadcast %broadcast_in_dim3A_1384 : i32 to vector<16xi32>
      %lt3A_1386 = arith.constant 0 : i32
      %lt3A_1387 = vector.broadcast %lt3A_1386 : i32 to vector<16xi32>
      %lt3A_1388 = arith.cmpi slt, %broadcast_in_dim3A_1385, %lt3A_1387 : vector<16xi32>
      %add3A_1389 = arith.constant 16 : i32
      %add3A_1390 = vector.broadcast %add3A_1389 : i32 to vector<16xi32>
      %add3A_1391 = arith.addi %broadcast_in_dim3A_1385, %add3A_1390 : vector<16xi32>
      %select_n3A_1392 = arith.select %lt3A_1388, %add3A_1391, %broadcast_in_dim3A_1385 : vector<16xi1>, vector<16xi32>
      %broadcast_in_dim3A_1393 = vector.shape_cast %select_n3A_1392 : vector<16xi32> to vector<16x1xi32>
      %gather3A_1394 = vector.shape_cast %broadcast_in_dim3A_1393 : vector<16x1xi32> to vector<16xi32>
      %gather3A_1395 = tpu.dynamic_gather %select_n3A_350[%gather3A_1394] in [0] : vector<16xi32>, vector<16xi32> -> vector<16xi32>
      %add3A_1396 = arith.addi %mul3A_108, %gather3A_1395 : vector<16xi32>
      %gather3A_1397 = tpu.vector_load_idx %arg5[%add3A_1396] : memref<32896xf32, #tpu.memory_space<vmem>>[vector<16xi32>], vector<16xf32>,
      %mul3A_1398 = arith.mulf %mul3A_1278, %gather3A_1397 : vector<16xf32>
      %broadcast_in_dim3A_1399 = arith.constant 11 : i32
      %broadcast_in_dim3A_1400 = vector.broadcast %broadcast_in_dim3A_1399 : i32 to vector<16xi32>
      %lt3A_1401 = arith.constant 0 : i32
      %lt3A_1402 = vector.broadcast %lt3A_1401 : i32 to vector<16xi32>
      %lt3A_1403 = arith.cmpi slt, %broadcast_in_dim3A_1400, %lt3A_1402 : vector<16xi32>
      %add3A_1404 = arith.constant 16 : i32
      %add3A_1405 = vector.broadcast %add3A_1404 : i32 to vector<16xi32>
      %add3A_1406 = arith.addi %broadcast_in_dim3A_1400, %add3A_1405 : vector<16xi32>
      %select_n3A_1407 = arith.select %lt3A_1403, %add3A_1406, %broadcast_in_dim3A_1400 : vector<16xi1>, vector<16xi32>
      %broadcast_in_dim3A_1408 = vector.shape_cast %select_n3A_1407 : vector<16xi32> to vector<16x1xi32>
      %gather3A_1409 = vector.shape_cast %broadcast_in_dim3A_1408 : vector<16x1xi32> to vector<16xi32>
      %gather3A_1410 = tpu.dynamic_gather %select_n3A_350[%gather3A_1409] in [0] : vector<16xi32>, vector<16xi32> -> vector<16xi32>
      %add3A_1411 = arith.addi %mul3A_108, %gather3A_1410 : vector<16xi32>
      %gather3A_1412 = tpu.vector_load_idx %arg5[%add3A_1411] : memref<32896xf32, #tpu.memory_space<vmem>>[vector<16xi32>], vector<16xf32>,
      %mul3A_1413 = arith.mulf %mul3A_1293, %gather3A_1412 : vector<16xf32>
      %broadcast_in_dim3A_1414 = arith.constant 12 : i32
      %broadcast_in_dim3A_1415 = vector.broadcast %broadcast_in_dim3A_1414 : i32 to vector<16xi32>
      %lt3A_1416 = arith.constant 0 : i32
      %lt3A_1417 = vector.broadcast %lt3A_1416 : i32 to vector<16xi32>
      %lt3A_1418 = arith.cmpi slt, %broadcast_in_dim3A_1415, %lt3A_1417 : vector<16xi32>
      %add3A_1419 = arith.constant 16 : i32
      %add3A_1420 = vector.broadcast %add3A_1419 : i32 to vector<16xi32>
      %add3A_1421 = arith.addi %broadcast_in_dim3A_1415, %add3A_1420 : vector<16xi32>
      %select_n3A_1422 = arith.select %lt3A_1418, %add3A_1421, %broadcast_in_dim3A_1415 : vector<16xi1>, vector<16xi32>
      %broadcast_in_dim3A_1423 = vector.shape_cast %select_n3A_1422 : vector<16xi32> to vector<16x1xi32>
      %gather3A_1424 = vector.shape_cast %broadcast_in_dim3A_1423 : vector<16x1xi32> to vector<16xi32>
      %gather3A_1425 = tpu.dynamic_gather %select_n3A_350[%gather3A_1424] in [0] : vector<16xi32>, vector<16xi32> -> vector<16xi32>
      %add3A_1426 = arith.addi %mul3A_108, %gather3A_1425 : vector<16xi32>
      %gather3A_1427 = tpu.vector_load_idx %arg5[%add3A_1426] : memref<32896xf32, #tpu.memory_space<vmem>>[vector<16xi32>], vector<16xf32>,
      %mul3A_1428 = arith.mulf %mul3A_1308, %gather3A_1427 : vector<16xf32>
      %broadcast_in_dim3A_1429 = arith.constant 13 : i32
      %broadcast_in_dim3A_1430 = vector.broadcast %broadcast_in_dim3A_1429 : i32 to vector<16xi32>
      %lt3A_1431 = arith.constant 0 : i32
      %lt3A_1432 = vector.broadcast %lt3A_1431 : i32 to vector<16xi32>
      %lt3A_1433 = arith.cmpi slt, %broadcast_in_dim3A_1430, %lt3A_1432 : vector<16xi32>
      %add3A_1434 = arith.constant 16 : i32
      %add3A_1435 = vector.broadcast %add3A_1434 : i32 to vector<16xi32>
      %add3A_1436 = arith.addi %broadcast_in_dim3A_1430, %add3A_1435 : vector<16xi32>
      %select_n3A_1437 = arith.select %lt3A_1433, %add3A_1436, %broadcast_in_dim3A_1430 : vector<16xi1>, vector<16xi32>
      %broadcast_in_dim3A_1438 = vector.shape_cast %select_n3A_1437 : vector<16xi32> to vector<16x1xi32>
      %gather3A_1439 = vector.shape_cast %broadcast_in_dim3A_1438 : vector<16x1xi32> to vector<16xi32>
      %gather3A_1440 = tpu.dynamic_gather %select_n3A_350[%gather3A_1439] in [0] : vector<16xi32>, vector<16xi32> -> vector<16xi32>
      %add3A_1441 = arith.addi %mul3A_108, %gather3A_1440 : vector<16xi32>
      %gather3A_1442 = tpu.vector_load_idx %arg5[%add3A_1441] : memref<32896xf32, #tpu.memory_space<vmem>>[vector<16xi32>], vector<16xf32>,
      %mul3A_1443 = arith.mulf %mul3A_1323, %gather3A_1442 : vector<16xf32>
      %broadcast_in_dim3A_1444 = arith.constant 14 : i32
      %broadcast_in_dim3A_1445 = vector.broadcast %broadcast_in_dim3A_1444 : i32 to vector<16xi32>
      %lt3A_1446 = arith.constant 0 : i32
      %lt3A_1447 = vector.broadcast %lt3A_1446 : i32 to vector<16xi32>
      %lt3A_1448 = arith.cmpi slt, %broadcast_in_dim3A_1445, %lt3A_1447 : vector<16xi32>
      %add3A_1449 = arith.constant 16 : i32
      %add3A_1450 = vector.broadcast %add3A_1449 : i32 to vector<16xi32>
      %add3A_1451 = arith.addi %broadcast_in_dim3A_1445, %add3A_1450 : vector<16xi32>
      %select_n3A_1452 = arith.select %lt3A_1448, %add3A_1451, %broadcast_in_dim3A_1445 : vector<16xi1>, vector<16xi32>
      %broadcast_in_dim3A_1453 = vector.shape_cast %select_n3A_1452 : vector<16xi32> to vector<16x1xi32>
      %gather3A_1454 = vector.shape_cast %broadcast_in_dim3A_1453 : vector<16x1xi32> to vector<16xi32>
      %gather3A_1455 = tpu.dynamic_gather %select_n3A_350[%gather3A_1454] in [0] : vector<16xi32>, vector<16xi32> -> vector<16xi32>
      %add3A_1456 = arith.addi %mul3A_108, %gather3A_1455 : vector<16xi32>
      %gather3A_1457 = tpu.vector_load_idx %arg5[%add3A_1456] : memref<32896xf32, #tpu.memory_space<vmem>>[vector<16xi32>], vector<16xf32>,
      %mul3A_1458 = arith.mulf %mul3A_1338, %gather3A_1457 : vector<16xf32>
      %broadcast_in_dim3A_1459 = arith.constant 15 : i32
      %broadcast_in_dim3A_1460 = vector.broadcast %broadcast_in_dim3A_1459 : i32 to vector<16xi32>
      %lt3A_1461 = arith.constant 0 : i32
      %lt3A_1462 = vector.broadcast %lt3A_1461 : i32 to vector<16xi32>
      %lt3A_1463 = arith.cmpi slt, %broadcast_in_dim3A_1460, %lt3A_1462 : vector<16xi32>
      %add3A_1464 = arith.constant 16 : i32
      %add3A_1465 = vector.broadcast %add3A_1464 : i32 to vector<16xi32>
      %add3A_1466 = arith.addi %broadcast_in_dim3A_1460, %add3A_1465 : vector<16xi32>
      %select_n3A_1467 = arith.select %lt3A_1463, %add3A_1466, %broadcast_in_dim3A_1460 : vector<16xi1>, vector<16xi32>
      %broadcast_in_dim3A_1468 = vector.shape_cast %select_n3A_1467 : vector<16xi32> to vector<16x1xi32>
      %gather3A_1469 = vector.shape_cast %broadcast_in_dim3A_1468 : vector<16x1xi32> to vector<16xi32>
      %gather3A_1470 = tpu.dynamic_gather %select_n3A_350[%gather3A_1469] in [0] : vector<16xi32>, vector<16xi32> -> vector<16xi32>
      %add3A_1471 = arith.addi %mul3A_108, %gather3A_1470 : vector<16xi32>
      %gather3A_1472 = tpu.vector_load_idx %arg5[%add3A_1471] : memref<32896xf32, #tpu.memory_space<vmem>>[vector<16xi32>], vector<16xf32>,
      %mul3A_1473 = arith.mulf %mul3A_1353, %gather3A_1472 : vector<16xf32>
      %broadcast_in_dim3A_1474 = arith.constant 0 : i32
      %broadcast_in_dim3A_1475 = vector.broadcast %broadcast_in_dim3A_1474 : i32 to vector<16xi32>
      %lt3A_1476 = arith.constant 0 : i32
      %lt3A_1477 = vector.broadcast %lt3A_1476 : i32 to vector<16xi32>
      %lt3A_1478 = arith.cmpi slt, %broadcast_in_dim3A_1475, %lt3A_1477 : vector<16xi32>
      %add3A_1479 = arith.constant 16 : i32
      %add3A_1480 = vector.broadcast %add3A_1479 : i32 to vector<16xi32>
      %add3A_1481 = arith.addi %broadcast_in_dim3A_1475, %add3A_1480 : vector<16xi32>
      %select_n3A_1482 = arith.select %lt3A_1478, %add3A_1481, %broadcast_in_dim3A_1475 : vector<16xi1>, vector<16xi32>
      %broadcast_in_dim3A_1483 = vector.shape_cast %select_n3A_1482 : vector<16xi32> to vector<16x1xi32>
      %gather3A_1484 = vector.shape_cast %broadcast_in_dim3A_1483 : vector<16x1xi32> to vector<16xi32>
      %gather3A_1485 = tpu.dynamic_gather %select_n3A_387[%gather3A_1484] in [0] : vector<16xi32>, vector<16xi32> -> vector<16xi32>
      %add3A_1486 = arith.addi %mul3A_108, %gather3A_1485 : vector<16xi32>
      %gather3A_1487 = tpu.vector_load_idx %arg5[%add3A_1486] : memref<32896xf32, #tpu.memory_space<vmem>>[vector<16xi32>], vector<16xf32>,
      %mul3A_1488 = arith.mulf %mul3A_1368, %gather3A_1487 : vector<16xf32>
      %broadcast_in_dim3A_1489 = arith.constant 1 : i32
      %broadcast_in_dim3A_1490 = vector.broadcast %broadcast_in_dim3A_1489 : i32 to vector<16xi32>
      %lt3A_1491 = arith.constant 0 : i32
      %lt3A_1492 = vector.broadcast %lt3A_1491 : i32 to vector<16xi32>
      %lt3A_1493 = arith.cmpi slt, %broadcast_in_dim3A_1490, %lt3A_1492 : vector<16xi32>
      %add3A_1494 = arith.constant 16 : i32
      %add3A_1495 = vector.broadcast %add3A_1494 : i32 to vector<16xi32>
      %add3A_1496 = arith.addi %broadcast_in_dim3A_1490, %add3A_1495 : vector<16xi32>
      %select_n3A_1497 = arith.select %lt3A_1493, %add3A_1496, %broadcast_in_dim3A_1490 : vector<16xi1>, vector<16xi32>
      %broadcast_in_dim3A_1498 = vector.shape_cast %select_n3A_1497 : vector<16xi32> to vector<16x1xi32>
      %gather3A_1499 = vector.shape_cast %broadcast_in_dim3A_1498 : vector<16x1xi32> to vector<16xi32>
      %gather3A_1500 = tpu.dynamic_gather %select_n3A_387[%gather3A_1499] in [0] : vector<16xi32>, vector<16xi32> -> vector<16xi32>
      %add3A_1501 = arith.addi %mul3A_108, %gather3A_1500 : vector<16xi32>
      %gather3A_1502 = tpu.vector_load_idx %arg5[%add3A_1501] : memref<32896xf32, #tpu.memory_space<vmem>>[vector<16xi32>], vector<16xf32>,
      %mul3A_1503 = arith.mulf %mul3A_1383, %gather3A_1502 : vector<16xf32>
      %broadcast_in_dim3A_1504 = arith.constant 2 : i32
      %broadcast_in_dim3A_1505 = vector.broadcast %broadcast_in_dim3A_1504 : i32 to vector<16xi32>
      %lt3A_1506 = arith.constant 0 : i32
      %lt3A_1507 = vector.broadcast %lt3A_1506 : i32 to vector<16xi32>
      %lt3A_1508 = arith.cmpi slt, %broadcast_in_dim3A_1505, %lt3A_1507 : vector<16xi32>
      %add3A_1509 = arith.constant 16 : i32
      %add3A_1510 = vector.broadcast %add3A_1509 : i32 to vector<16xi32>
      %add3A_1511 = arith.addi %broadcast_in_dim3A_1505, %add3A_1510 : vector<16xi32>
      %select_n3A_1512 = arith.select %lt3A_1508, %add3A_1511, %broadcast_in_dim3A_1505 : vector<16xi1>, vector<16xi32>
      %broadcast_in_dim3A_1513 = vector.shape_cast %select_n3A_1512 : vector<16xi32> to vector<16x1xi32>
      %gather3A_1514 = vector.shape_cast %broadcast_in_dim3A_1513 : vector<16x1xi32> to vector<16xi32>
      %gather3A_1515 = tpu.dynamic_gather %select_n3A_387[%gather3A_1514] in [0] : vector<16xi32>, vector<16xi32> -> vector<16xi32>
      %add3A_1516 = arith.addi %mul3A_108, %gather3A_1515 : vector<16xi32>
      %gather3A_1517 = tpu.vector_load_idx %arg5[%add3A_1516] : memref<32896xf32, #tpu.memory_space<vmem>>[vector<16xi32>], vector<16xf32>,
      %mul3A_1518 = arith.mulf %mul3A_1398, %gather3A_1517 : vector<16xf32>
      %broadcast_in_dim3A_1519 = arith.constant 3 : i32
      %broadcast_in_dim3A_1520 = vector.broadcast %broadcast_in_dim3A_1519 : i32 to vector<16xi32>
      %lt3A_1521 = arith.constant 0 : i32
      %lt3A_1522 = vector.broadcast %lt3A_1521 : i32 to vector<16xi32>
      %lt3A_1523 = arith.cmpi slt, %broadcast_in_dim3A_1520, %lt3A_1522 : vector<16xi32>
      %add3A_1524 = arith.constant 16 : i32
      %add3A_1525 = vector.broadcast %add3A_1524 : i32 to vector<16xi32>
      %add3A_1526 = arith.addi %broadcast_in_dim3A_1520, %add3A_1525 : vector<16xi32>
      %select_n3A_1527 = arith.select %lt3A_1523, %add3A_1526, %broadcast_in_dim3A_1520 : vector<16xi1>, vector<16xi32>
      %broadcast_in_dim3A_1528 = vector.shape_cast %select_n3A_1527 : vector<16xi32> to vector<16x1xi32>
      %gather3A_1529 = vector.shape_cast %broadcast_in_dim3A_1528 : vector<16x1xi32> to vector<16xi32>
      %gather3A_1530 = tpu.dynamic_gather %select_n3A_387[%gather3A_1529] in [0] : vector<16xi32>, vector<16xi32> -> vector<16xi32>
      %add3A_1531 = arith.addi %mul3A_108, %gather3A_1530 : vector<16xi32>
      %gather3A_1532 = tpu.vector_load_idx %arg5[%add3A_1531] : memref<32896xf32, #tpu.memory_space<vmem>>[vector<16xi32>], vector<16xf32>,
      %mul3A_1533 = arith.mulf %mul3A_1413, %gather3A_1532 : vector<16xf32>
      %broadcast_in_dim3A_1534 = arith.constant 4 : i32
      %broadcast_in_dim3A_1535 = vector.broadcast %broadcast_in_dim3A_1534 : i32 to vector<16xi32>
      %lt3A_1536 = arith.constant 0 : i32
      %lt3A_1537 = vector.broadcast %lt3A_1536 : i32 to vector<16xi32>
      %lt3A_1538 = arith.cmpi slt, %broadcast_in_dim3A_1535, %lt3A_1537 : vector<16xi32>
      %add3A_1539 = arith.constant 16 : i32
      %add3A_1540 = vector.broadcast %add3A_1539 : i32 to vector<16xi32>
      %add3A_1541 = arith.addi %broadcast_in_dim3A_1535, %add3A_1540 : vector<16xi32>
      %select_n3A_1542 = arith.select %lt3A_1538, %add3A_1541, %broadcast_in_dim3A_1535 : vector<16xi1>, vector<16xi32>
      %broadcast_in_dim3A_1543 = vector.shape_cast %select_n3A_1542 : vector<16xi32> to vector<16x1xi32>
      %gather3A_1544 = vector.shape_cast %broadcast_in_dim3A_1543 : vector<16x1xi32> to vector<16xi32>
      %gather3A_1545 = tpu.dynamic_gather %select_n3A_387[%gather3A_1544] in [0] : vector<16xi32>, vector<16xi32> -> vector<16xi32>
      %add3A_1546 = arith.addi %mul3A_108, %gather3A_1545 : vector<16xi32>
      %gather3A_1547 = tpu.vector_load_idx %arg5[%add3A_1546] : memref<32896xf32, #tpu.memory_space<vmem>>[vector<16xi32>], vector<16xf32>,
      %mul3A_1548 = arith.mulf %mul3A_1428, %gather3A_1547 : vector<16xf32>
      %broadcast_in_dim3A_1549 = arith.constant 5 : i32
      %broadcast_in_dim3A_1550 = vector.broadcast %broadcast_in_dim3A_1549 : i32 to vector<16xi32>
      %lt3A_1551 = arith.constant 0 : i32
      %lt3A_1552 = vector.broadcast %lt3A_1551 : i32 to vector<16xi32>
      %lt3A_1553 = arith.cmpi slt, %broadcast_in_dim3A_1550, %lt3A_1552 : vector<16xi32>
      %add3A_1554 = arith.constant 16 : i32
      %add3A_1555 = vector.broadcast %add3A_1554 : i32 to vector<16xi32>
      %add3A_1556 = arith.addi %broadcast_in_dim3A_1550, %add3A_1555 : vector<16xi32>
      %select_n3A_1557 = arith.select %lt3A_1553, %add3A_1556, %broadcast_in_dim3A_1550 : vector<16xi1>, vector<16xi32>
      %broadcast_in_dim3A_1558 = vector.shape_cast %select_n3A_1557 : vector<16xi32> to vector<16x1xi32>
      %gather3A_1559 = vector.shape_cast %broadcast_in_dim3A_1558 : vector<16x1xi32> to vector<16xi32>
      %gather3A_1560 = tpu.dynamic_gather %select_n3A_387[%gather3A_1559] in [0] : vector<16xi32>, vector<16xi32> -> vector<16xi32>
      %add3A_1561 = arith.addi %mul3A_108, %gather3A_1560 : vector<16xi32>
      %gather3A_1562 = tpu.vector_load_idx %arg5[%add3A_1561] : memref<32896xf32, #tpu.memory_space<vmem>>[vector<16xi32>], vector<16xf32>,
      %mul3A_1563 = arith.mulf %mul3A_1443, %gather3A_1562 : vector<16xf32>
      %broadcast_in_dim3A_1564 = arith.constant 6 : i32
      %broadcast_in_dim3A_1565 = vector.broadcast %broadcast_in_dim3A_1564 : i32 to vector<16xi32>
      %lt3A_1566 = arith.constant 0 : i32
      %lt3A_1567 = vector.broadcast %lt3A_1566 : i32 to vector<16xi32>
      %lt3A_1568 = arith.cmpi slt, %broadcast_in_dim3A_1565, %lt3A_1567 : vector<16xi32>
      %add3A_1569 = arith.constant 16 : i32
      %add3A_1570 = vector.broadcast %add3A_1569 : i32 to vector<16xi32>
      %add3A_1571 = arith.addi %broadcast_in_dim3A_1565, %add3A_1570 : vector<16xi32>
      %select_n3A_1572 = arith.select %lt3A_1568, %add3A_1571, %broadcast_in_dim3A_1565 : vector<16xi1>, vector<16xi32>
      %broadcast_in_dim3A_1573 = vector.shape_cast %select_n3A_1572 : vector<16xi32> to vector<16x1xi32>
      %gather3A_1574 = vector.shape_cast %broadcast_in_dim3A_1573 : vector<16x1xi32> to vector<16xi32>
      %gather3A_1575 = tpu.dynamic_gather %select_n3A_387[%gather3A_1574] in [0] : vector<16xi32>, vector<16xi32> -> vector<16xi32>
      %add3A_1576 = arith.addi %mul3A_108, %gather3A_1575 : vector<16xi32>
      %gather3A_1577 = tpu.vector_load_idx %arg5[%add3A_1576] : memref<32896xf32, #tpu.memory_space<vmem>>[vector<16xi32>], vector<16xf32>,
      %mul3A_1578 = arith.mulf %mul3A_1458, %gather3A_1577 : vector<16xf32>
      %broadcast_in_dim3A_1579 = arith.constant 7 : i32
      %broadcast_in_dim3A_1580 = vector.broadcast %broadcast_in_dim3A_1579 : i32 to vector<16xi32>
      %lt3A_1581 = arith.constant 0 : i32
      %lt3A_1582 = vector.broadcast %lt3A_1581 : i32 to vector<16xi32>
      %lt3A_1583 = arith.cmpi slt, %broadcast_in_dim3A_1580, %lt3A_1582 : vector<16xi32>
      %add3A_1584 = arith.constant 16 : i32
      %add3A_1585 = vector.broadcast %add3A_1584 : i32 to vector<16xi32>
      %add3A_1586 = arith.addi %broadcast_in_dim3A_1580, %add3A_1585 : vector<16xi32>
      %select_n3A_1587 = arith.select %lt3A_1583, %add3A_1586, %broadcast_in_dim3A_1580 : vector<16xi1>, vector<16xi32>
      %broadcast_in_dim3A_1588 = vector.shape_cast %select_n3A_1587 : vector<16xi32> to vector<16x1xi32>
      %gather3A_1589 = vector.shape_cast %broadcast_in_dim3A_1588 : vector<16x1xi32> to vector<16xi32>
      %gather3A_1590 = tpu.dynamic_gather %select_n3A_387[%gather3A_1589] in [0] : vector<16xi32>, vector<16xi32> -> vector<16xi32>
      %add3A_1591 = arith.addi %mul3A_108, %gather3A_1590 : vector<16xi32>
      %gather3A_1592 = tpu.vector_load_idx %arg5[%add3A_1591] : memref<32896xf32, #tpu.memory_space<vmem>>[vector<16xi32>], vector<16xf32>,
      %mul3A_1593 = arith.mulf %mul3A_1473, %gather3A_1592 : vector<16xf32>
      %broadcast_in_dim3A_1594 = arith.constant 8 : i32
      %broadcast_in_dim3A_1595 = vector.broadcast %broadcast_in_dim3A_1594 : i32 to vector<16xi32>
      %lt3A_1596 = arith.constant 0 : i32
      %lt3A_1597 = vector.broadcast %lt3A_1596 : i32 to vector<16xi32>
      %lt3A_1598 = arith.cmpi slt, %broadcast_in_dim3A_1595, %lt3A_1597 : vector<16xi32>
      %add3A_1599 = arith.constant 16 : i32
      %add3A_1600 = vector.broadcast %add3A_1599 : i32 to vector<16xi32>
      %add3A_1601 = arith.addi %broadcast_in_dim3A_1595, %add3A_1600 : vector<16xi32>
      %select_n3A_1602 = arith.select %lt3A_1598, %add3A_1601, %broadcast_in_dim3A_1595 : vector<16xi1>, vector<16xi32>
      %broadcast_in_dim3A_1603 = vector.shape_cast %select_n3A_1602 : vector<16xi32> to vector<16x1xi32>
      %gather3A_1604 = vector.shape_cast %broadcast_in_dim3A_1603 : vector<16x1xi32> to vector<16xi32>
      %gather3A_1605 = tpu.dynamic_gather %select_n3A_387[%gather3A_1604] in [0] : vector<16xi32>, vector<16xi32> -> vector<16xi32>
      %add3A_1606 = arith.addi %mul3A_108, %gather3A_1605 : vector<16xi32>
      %gather3A_1607 = tpu.vector_load_idx %arg5[%add3A_1606] : memref<32896xf32, #tpu.memory_space<vmem>>[vector<16xi32>], vector<16xf32>,
      %mul3A_1608 = arith.mulf %mul3A_1488, %gather3A_1607 : vector<16xf32>
      %broadcast_in_dim3A_1609 = arith.constant 9 : i32
      %broadcast_in_dim3A_1610 = vector.broadcast %broadcast_in_dim3A_1609 : i32 to vector<16xi32>
      %lt3A_1611 = arith.constant 0 : i32
      %lt3A_1612 = vector.broadcast %lt3A_1611 : i32 to vector<16xi32>
      %lt3A_1613 = arith.cmpi slt, %broadcast_in_dim3A_1610, %lt3A_1612 : vector<16xi32>
      %add3A_1614 = arith.constant 16 : i32
      %add3A_1615 = vector.broadcast %add3A_1614 : i32 to vector<16xi32>
      %add3A_1616 = arith.addi %broadcast_in_dim3A_1610, %add3A_1615 : vector<16xi32>
      %select_n3A_1617 = arith.select %lt3A_1613, %add3A_1616, %broadcast_in_dim3A_1610 : vector<16xi1>, vector<16xi32>
      %broadcast_in_dim3A_1618 = vector.shape_cast %select_n3A_1617 : vector<16xi32> to vector<16x1xi32>
      %gather3A_1619 = vector.shape_cast %broadcast_in_dim3A_1618 : vector<16x1xi32> to vector<16xi32>
      %gather3A_1620 = tpu.dynamic_gather %select_n3A_387[%gather3A_1619] in [0] : vector<16xi32>, vector<16xi32> -> vector<16xi32>
      %add3A_1621 = arith.addi %mul3A_108, %gather3A_1620 : vector<16xi32>
      %gather3A_1622 = tpu.vector_load_idx %arg5[%add3A_1621] : memref<32896xf32, #tpu.memory_space<vmem>>[vector<16xi32>], vector<16xf32>,
      %mul3A_1623 = arith.mulf %mul3A_1503, %gather3A_1622 : vector<16xf32>
      %broadcast_in_dim3A_1624 = arith.constant 10 : i32
      %broadcast_in_dim3A_1625 = vector.broadcast %broadcast_in_dim3A_1624 : i32 to vector<16xi32>
      %lt3A_1626 = arith.constant 0 : i32
      %lt3A_1627 = vector.broadcast %lt3A_1626 : i32 to vector<16xi32>
      %lt3A_1628 = arith.cmpi slt, %broadcast_in_dim3A_1625, %lt3A_1627 : vector<16xi32>
      %add3A_1629 = arith.constant 16 : i32
      %add3A_1630 = vector.broadcast %add3A_1629 : i32 to vector<16xi32>
      %add3A_1631 = arith.addi %broadcast_in_dim3A_1625, %add3A_1630 : vector<16xi32>
      %select_n3A_1632 = arith.select %lt3A_1628, %add3A_1631, %broadcast_in_dim3A_1625 : vector<16xi1>, vector<16xi32>
      %broadcast_in_dim3A_1633 = vector.shape_cast %select_n3A_1632 : vector<16xi32> to vector<16x1xi32>
      %gather3A_1634 = vector.shape_cast %broadcast_in_dim3A_1633 : vector<16x1xi32> to vector<16xi32>
      %gather3A_1635 = tpu.dynamic_gather %select_n3A_387[%gather3A_1634] in [0] : vector<16xi32>, vector<16xi32> -> vector<16xi32>
      %add3A_1636 = arith.addi %mul3A_108, %gather3A_1635 : vector<16xi32>
      %gather3A_1637 = tpu.vector_load_idx %arg5[%add3A_1636] : memref<32896xf32, #tpu.memory_space<vmem>>[vector<16xi32>], vector<16xf32>,
      %mul3A_1638 = arith.mulf %mul3A_1518, %gather3A_1637 : vector<16xf32>
      %broadcast_in_dim3A_1639 = arith.constant 11 : i32
      %broadcast_in_dim3A_1640 = vector.broadcast %broadcast_in_dim3A_1639 : i32 to vector<16xi32>
      %lt3A_1641 = arith.constant 0 : i32
      %lt3A_1642 = vector.broadcast %lt3A_1641 : i32 to vector<16xi32>
      %lt3A_1643 = arith.cmpi slt, %broadcast_in_dim3A_1640, %lt3A_1642 : vector<16xi32>
      %add3A_1644 = arith.constant 16 : i32
      %add3A_1645 = vector.broadcast %add3A_1644 : i32 to vector<16xi32>
      %add3A_1646 = arith.addi %broadcast_in_dim3A_1640, %add3A_1645 : vector<16xi32>
      %select_n3A_1647 = arith.select %lt3A_1643, %add3A_1646, %broadcast_in_dim3A_1640 : vector<16xi1>, vector<16xi32>
      %broadcast_in_dim3A_1648 = vector.shape_cast %select_n3A_1647 : vector<16xi32> to vector<16x1xi32>
      %gather3A_1649 = vector.shape_cast %broadcast_in_dim3A_1648 : vector<16x1xi32> to vector<16xi32>
      %gather3A_1650 = tpu.dynamic_gather %select_n3A_387[%gather3A_1649] in [0] : vector<16xi32>, vector<16xi32> -> vector<16xi32>
      %add3A_1651 = arith.addi %mul3A_108, %gather3A_1650 : vector<16xi32>
      %gather3A_1652 = tpu.vector_load_idx %arg5[%add3A_1651] : memref<32896xf32, #tpu.memory_space<vmem>>[vector<16xi32>], vector<16xf32>,
      %mul3A_1653 = arith.mulf %mul3A_1533, %gather3A_1652 : vector<16xf32>
      %broadcast_in_dim3A_1654 = arith.constant 12 : i32
      %broadcast_in_dim3A_1655 = vector.broadcast %broadcast_in_dim3A_1654 : i32 to vector<16xi32>
      %lt3A_1656 = arith.constant 0 : i32
      %lt3A_1657 = vector.broadcast %lt3A_1656 : i32 to vector<16xi32>
      %lt3A_1658 = arith.cmpi slt, %broadcast_in_dim3A_1655, %lt3A_1657 : vector<16xi32>
      %add3A_1659 = arith.constant 16 : i32
      %add3A_1660 = vector.broadcast %add3A_1659 : i32 to vector<16xi32>
      %add3A_1661 = arith.addi %broadcast_in_dim3A_1655, %add3A_1660 : vector<16xi32>
      %select_n3A_1662 = arith.select %lt3A_1658, %add3A_1661, %broadcast_in_dim3A_1655 : vector<16xi1>, vector<16xi32>
      %broadcast_in_dim3A_1663 = vector.shape_cast %select_n3A_1662 : vector<16xi32> to vector<16x1xi32>
      %gather3A_1664 = vector.shape_cast %broadcast_in_dim3A_1663 : vector<16x1xi32> to vector<16xi32>
      %gather3A_1665 = tpu.dynamic_gather %select_n3A_387[%gather3A_1664] in [0] : vector<16xi32>, vector<16xi32> -> vector<16xi32>
      %add3A_1666 = arith.addi %mul3A_108, %gather3A_1665 : vector<16xi32>
      %gather3A_1667 = tpu.vector_load_idx %arg5[%add3A_1666] : memref<32896xf32, #tpu.memory_space<vmem>>[vector<16xi32>], vector<16xf32>,
      %mul3A_1668 = arith.mulf %mul3A_1548, %gather3A_1667 : vector<16xf32>
      %broadcast_in_dim3A_1669 = arith.constant 13 : i32
      %broadcast_in_dim3A_1670 = vector.broadcast %broadcast_in_dim3A_1669 : i32 to vector<16xi32>
      %lt3A_1671 = arith.constant 0 : i32
      %lt3A_1672 = vector.broadcast %lt3A_1671 : i32 to vector<16xi32>
      %lt3A_1673 = arith.cmpi slt, %broadcast_in_dim3A_1670, %lt3A_1672 : vector<16xi32>
      %add3A_1674 = arith.constant 16 : i32
      %add3A_1675 = vector.broadcast %add3A_1674 : i32 to vector<16xi32>
      %add3A_1676 = arith.addi %broadcast_in_dim3A_1670, %add3A_1675 : vector<16xi32>
      %select_n3A_1677 = arith.select %lt3A_1673, %add3A_1676, %broadcast_in_dim3A_1670 : vector<16xi1>, vector<16xi32>
      %broadcast_in_dim3A_1678 = vector.shape_cast %select_n3A_1677 : vector<16xi32> to vector<16x1xi32>
      %gather3A_1679 = vector.shape_cast %broadcast_in_dim3A_1678 : vector<16x1xi32> to vector<16xi32>
      %gather3A_1680 = tpu.dynamic_gather %select_n3A_387[%gather3A_1679] in [0] : vector<16xi32>, vector<16xi32> -> vector<16xi32>
      %add3A_1681 = arith.addi %mul3A_108, %gather3A_1680 : vector<16xi32>
      %gather3A_1682 = tpu.vector_load_idx %arg5[%add3A_1681] : memref<32896xf32, #tpu.memory_space<vmem>>[vector<16xi32>], vector<16xf32>,
      %mul3A_1683 = arith.mulf %mul3A_1563, %gather3A_1682 : vector<16xf32>
      %broadcast_in_dim3A_1684 = arith.constant 14 : i32
      %broadcast_in_dim3A_1685 = vector.broadcast %broadcast_in_dim3A_1684 : i32 to vector<16xi32>
      %lt3A_1686 = arith.constant 0 : i32
      %lt3A_1687 = vector.broadcast %lt3A_1686 : i32 to vector<16xi32>
      %lt3A_1688 = arith.cmpi slt, %broadcast_in_dim3A_1685, %lt3A_1687 : vector<16xi32>
      %add3A_1689 = arith.constant 16 : i32
      %add3A_1690 = vector.broadcast %add3A_1689 : i32 to vector<16xi32>
      %add3A_1691 = arith.addi %broadcast_in_dim3A_1685, %add3A_1690 : vector<16xi32>
      %select_n3A_1692 = arith.select %lt3A_1688, %add3A_1691, %broadcast_in_dim3A_1685 : vector<16xi1>, vector<16xi32>
      %broadcast_in_dim3A_1693 = vector.shape_cast %select_n3A_1692 : vector<16xi32> to vector<16x1xi32>
      %gather3A_1694 = vector.shape_cast %broadcast_in_dim3A_1693 : vector<16x1xi32> to vector<16xi32>
      %gather3A_1695 = tpu.dynamic_gather %select_n3A_387[%gather3A_1694] in [0] : vector<16xi32>, vector<16xi32> -> vector<16xi32>
      %add3A_1696 = arith.addi %mul3A_108, %gather3A_1695 : vector<16xi32>
      %gather3A_1697 = tpu.vector_load_idx %arg5[%add3A_1696] : memref<32896xf32, #tpu.memory_space<vmem>>[vector<16xi32>], vector<16xf32>,
      %mul3A_1698 = arith.mulf %mul3A_1578, %gather3A_1697 : vector<16xf32>
      %broadcast_in_dim3A_1699 = arith.constant 15 : i32
      %broadcast_in_dim3A_1700 = vector.broadcast %broadcast_in_dim3A_1699 : i32 to vector<16xi32>
      %lt3A_1701 = arith.constant 0 : i32
      %lt3A_1702 = vector.broadcast %lt3A_1701 : i32 to vector<16xi32>
      %lt3A_1703 = arith.cmpi slt, %broadcast_in_dim3A_1700, %lt3A_1702 : vector<16xi32>
      %add3A_1704 = arith.constant 16 : i32
      %add3A_1705 = vector.broadcast %add3A_1704 : i32 to vector<16xi32>
      %add3A_1706 = arith.addi %broadcast_in_dim3A_1700, %add3A_1705 : vector<16xi32>
      %select_n3A_1707 = arith.select %lt3A_1703, %add3A_1706, %broadcast_in_dim3A_1700 : vector<16xi1>, vector<16xi32>
      %broadcast_in_dim3A_1708 = vector.shape_cast %select_n3A_1707 : vector<16xi32> to vector<16x1xi32>
      %gather3A_1709 = vector.shape_cast %broadcast_in_dim3A_1708 : vector<16x1xi32> to vector<16xi32>
      %gather3A_1710 = tpu.dynamic_gather %select_n3A_387[%gather3A_1709] in [0] : vector<16xi32>, vector<16xi32> -> vector<16xi32>
      %add3A_1711 = arith.addi %mul3A_108, %gather3A_1710 : vector<16xi32>
      %gather3A_1712 = tpu.vector_load_idx %arg5[%add3A_1711] : memref<32896xf32, #tpu.memory_space<vmem>>[vector<16xi32>], vector<16xf32>,
      %mul3A_1713 = arith.mulf %mul3A_1593, %gather3A_1712 : vector<16xf32>
      %broadcast_in_dim3A_1714 = arith.constant 0 : i32
      %broadcast_in_dim3A_1715 = vector.broadcast %broadcast_in_dim3A_1714 : i32 to vector<16xi32>
      %lt3A_1716 = arith.constant 0 : i32
      %lt3A_1717 = vector.broadcast %lt3A_1716 : i32 to vector<16xi32>
      %lt3A_1718 = arith.cmpi slt, %broadcast_in_dim3A_1715, %lt3A_1717 : vector<16xi32>
      %add3A_1719 = arith.constant 16 : i32
      %add3A_1720 = vector.broadcast %add3A_1719 : i32 to vector<16xi32>
      %add3A_1721 = arith.addi %broadcast_in_dim3A_1715, %add3A_1720 : vector<16xi32>
      %select_n3A_1722 = arith.select %lt3A_1718, %add3A_1721, %broadcast_in_dim3A_1715 : vector<16xi1>, vector<16xi32>
      %broadcast_in_dim3A_1723 = vector.shape_cast %select_n3A_1722 : vector<16xi32> to vector<16x1xi32>
      %gather3A_1724 = vector.shape_cast %broadcast_in_dim3A_1723 : vector<16x1xi32> to vector<16xi32>
      %gather3A_1725 = tpu.dynamic_gather %select_n3A_424[%gather3A_1724] in [0] : vector<16xi32>, vector<16xi32> -> vector<16xi32>
      %add3A_1726 = arith.addi %mul3A_108, %gather3A_1725 : vector<16xi32>
      %gather3A_1727 = tpu.vector_load_idx %arg5[%add3A_1726] : memref<32896xf32, #tpu.memory_space<vmem>>[vector<16xi32>], vector<16xf32>,
      %mul3A_1728 = arith.mulf %mul3A_1608, %gather3A_1727 : vector<16xf32>
      %broadcast_in_dim3A_1729 = arith.constant 1 : i32
      %broadcast_in_dim3A_1730 = vector.broadcast %broadcast_in_dim3A_1729 : i32 to vector<16xi32>
      %lt3A_1731 = arith.constant 0 : i32
      %lt3A_1732 = vector.broadcast %lt3A_1731 : i32 to vector<16xi32>
      %lt3A_1733 = arith.cmpi slt, %broadcast_in_dim3A_1730, %lt3A_1732 : vector<16xi32>
      %add3A_1734 = arith.constant 16 : i32
      %add3A_1735 = vector.broadcast %add3A_1734 : i32 to vector<16xi32>
      %add3A_1736 = arith.addi %broadcast_in_dim3A_1730, %add3A_1735 : vector<16xi32>
      %select_n3A_1737 = arith.select %lt3A_1733, %add3A_1736, %broadcast_in_dim3A_1730 : vector<16xi1>, vector<16xi32>
      %broadcast_in_dim3A_1738 = vector.shape_cast %select_n3A_1737 : vector<16xi32> to vector<16x1xi32>
      %gather3A_1739 = vector.shape_cast %broadcast_in_dim3A_1738 : vector<16x1xi32> to vector<16xi32>
      %gather3A_1740 = tpu.dynamic_gather %select_n3A_424[%gather3A_1739] in [0] : vector<16xi32>, vector<16xi32> -> vector<16xi32>
      %add3A_1741 = arith.addi %mul3A_108, %gather3A_1740 : vector<16xi32>
      %gather3A_1742 = tpu.vector_load_idx %arg5[%add3A_1741] : memref<32896xf32, #tpu.memory_space<vmem>>[vector<16xi32>], vector<16xf32>,
      %mul3A_1743 = arith.mulf %mul3A_1623, %gather3A_1742 : vector<16xf32>
      %broadcast_in_dim3A_1744 = arith.constant 2 : i32
      %broadcast_in_dim3A_1745 = vector.broadcast %broadcast_in_dim3A_1744 : i32 to vector<16xi32>
      %lt3A_1746 = arith.constant 0 : i32
      %lt3A_1747 = vector.broadcast %lt3A_1746 : i32 to vector<16xi32>
      %lt3A_1748 = arith.cmpi slt, %broadcast_in_dim3A_1745, %lt3A_1747 : vector<16xi32>
      %add3A_1749 = arith.constant 16 : i32
      %add3A_1750 = vector.broadcast %add3A_1749 : i32 to vector<16xi32>
      %add3A_1751 = arith.addi %broadcast_in_dim3A_1745, %add3A_1750 : vector<16xi32>
      %select_n3A_1752 = arith.select %lt3A_1748, %add3A_1751, %broadcast_in_dim3A_1745 : vector<16xi1>, vector<16xi32>
      %broadcast_in_dim3A_1753 = vector.shape_cast %select_n3A_1752 : vector<16xi32> to vector<16x1xi32>
      %gather3A_1754 = vector.shape_cast %broadcast_in_dim3A_1753 : vector<16x1xi32> to vector<16xi32>
      %gather3A_1755 = tpu.dynamic_gather %select_n3A_424[%gather3A_1754] in [0] : vector<16xi32>, vector<16xi32> -> vector<16xi32>
      %add3A_1756 = arith.addi %mul3A_108, %gather3A_1755 : vector<16xi32>
      %gather3A_1757 = tpu.vector_load_idx %arg5[%add3A_1756] : memref<32896xf32, #tpu.memory_space<vmem>>[vector<16xi32>], vector<16xf32>,
      %mul3A_1758 = arith.mulf %mul3A_1638, %gather3A_1757 : vector<16xf32>
      %broadcast_in_dim3A_1759 = arith.constant 3 : i32
      %broadcast_in_dim3A_1760 = vector.broadcast %broadcast_in_dim3A_1759 : i32 to vector<16xi32>
      %lt3A_1761 = arith.constant 0 : i32
      %lt3A_1762 = vector.broadcast %lt3A_1761 : i32 to vector<16xi32>
      %lt3A_1763 = arith.cmpi slt, %broadcast_in_dim3A_1760, %lt3A_1762 : vector<16xi32>
      %add3A_1764 = arith.constant 16 : i32
      %add3A_1765 = vector.broadcast %add3A_1764 : i32 to vector<16xi32>
      %add3A_1766 = arith.addi %broadcast_in_dim3A_1760, %add3A_1765 : vector<16xi32>
      %select_n3A_1767 = arith.select %lt3A_1763, %add3A_1766, %broadcast_in_dim3A_1760 : vector<16xi1>, vector<16xi32>
      %broadcast_in_dim3A_1768 = vector.shape_cast %select_n3A_1767 : vector<16xi32> to vector<16x1xi32>
      %gather3A_1769 = vector.shape_cast %broadcast_in_dim3A_1768 : vector<16x1xi32> to vector<16xi32>
      %gather3A_1770 = tpu.dynamic_gather %select_n3A_424[%gather3A_1769] in [0] : vector<16xi32>, vector<16xi32> -> vector<16xi32>
      %add3A_1771 = arith.addi %mul3A_108, %gather3A_1770 : vector<16xi32>
      %gather3A_1772 = tpu.vector_load_idx %arg5[%add3A_1771] : memref<32896xf32, #tpu.memory_space<vmem>>[vector<16xi32>], vector<16xf32>,
      %mul3A_1773 = arith.mulf %mul3A_1653, %gather3A_1772 : vector<16xf32>
      %broadcast_in_dim3A_1774 = arith.constant 4 : i32
      %broadcast_in_dim3A_1775 = vector.broadcast %broadcast_in_dim3A_1774 : i32 to vector<16xi32>
      %lt3A_1776 = arith.constant 0 : i32
      %lt3A_1777 = vector.broadcast %lt3A_1776 : i32 to vector<16xi32>
      %lt3A_1778 = arith.cmpi slt, %broadcast_in_dim3A_1775, %lt3A_1777 : vector<16xi32>
      %add3A_1779 = arith.constant 16 : i32
      %add3A_1780 = vector.broadcast %add3A_1779 : i32 to vector<16xi32>
      %add3A_1781 = arith.addi %broadcast_in_dim3A_1775, %add3A_1780 : vector<16xi32>
      %select_n3A_1782 = arith.select %lt3A_1778, %add3A_1781, %broadcast_in_dim3A_1775 : vector<16xi1>, vector<16xi32>
      %broadcast_in_dim3A_1783 = vector.shape_cast %select_n3A_1782 : vector<16xi32> to vector<16x1xi32>
      %gather3A_1784 = vector.shape_cast %broadcast_in_dim3A_1783 : vector<16x1xi32> to vector<16xi32>
      %gather3A_1785 = tpu.dynamic_gather %select_n3A_424[%gather3A_1784] in [0] : vector<16xi32>, vector<16xi32> -> vector<16xi32>
      %add3A_1786 = arith.addi %mul3A_108, %gather3A_1785 : vector<16xi32>
      %gather3A_1787 = tpu.vector_load_idx %arg5[%add3A_1786] : memref<32896xf32, #tpu.memory_space<vmem>>[vector<16xi32>], vector<16xf32>,
      %mul3A_1788 = arith.mulf %mul3A_1668, %gather3A_1787 : vector<16xf32>
      %broadcast_in_dim3A_1789 = arith.constant 5 : i32
      %broadcast_in_dim3A_1790 = vector.broadcast %broadcast_in_dim3A_1789 : i32 to vector<16xi32>
      %lt3A_1791 = arith.constant 0 : i32
      %lt3A_1792 = vector.broadcast %lt3A_1791 : i32 to vector<16xi32>
      %lt3A_1793 = arith.cmpi slt, %broadcast_in_dim3A_1790, %lt3A_1792 : vector<16xi32>
      %add3A_1794 = arith.constant 16 : i32
      %add3A_1795 = vector.broadcast %add3A_1794 : i32 to vector<16xi32>
      %add3A_1796 = arith.addi %broadcast_in_dim3A_1790, %add3A_1795 : vector<16xi32>
      %select_n3A_1797 = arith.select %lt3A_1793, %add3A_1796, %broadcast_in_dim3A_1790 : vector<16xi1>, vector<16xi32>
      %broadcast_in_dim3A_1798 = vector.shape_cast %select_n3A_1797 : vector<16xi32> to vector<16x1xi32>
      %gather3A_1799 = vector.shape_cast %broadcast_in_dim3A_1798 : vector<16x1xi32> to vector<16xi32>
      %gather3A_1800 = tpu.dynamic_gather %select_n3A_424[%gather3A_1799] in [0] : vector<16xi32>, vector<16xi32> -> vector<16xi32>
      %add3A_1801 = arith.addi %mul3A_108, %gather3A_1800 : vector<16xi32>
      %gather3A_1802 = tpu.vector_load_idx %arg5[%add3A_1801] : memref<32896xf32, #tpu.memory_space<vmem>>[vector<16xi32>], vector<16xf32>,
      %mul3A_1803 = arith.mulf %mul3A_1683, %gather3A_1802 : vector<16xf32>
      %broadcast_in_dim3A_1804 = arith.constant 6 : i32
      %broadcast_in_dim3A_1805 = vector.broadcast %broadcast_in_dim3A_1804 : i32 to vector<16xi32>
      %lt3A_1806 = arith.constant 0 : i32
      %lt3A_1807 = vector.broadcast %lt3A_1806 : i32 to vector<16xi32>
      %lt3A_1808 = arith.cmpi slt, %broadcast_in_dim3A_1805, %lt3A_1807 : vector<16xi32>
      %add3A_1809 = arith.constant 16 : i32
      %add3A_1810 = vector.broadcast %add3A_1809 : i32 to vector<16xi32>
      %add3A_1811 = arith.addi %broadcast_in_dim3A_1805, %add3A_1810 : vector<16xi32>
      %select_n3A_1812 = arith.select %lt3A_1808, %add3A_1811, %broadcast_in_dim3A_1805 : vector<16xi1>, vector<16xi32>
      %broadcast_in_dim3A_1813 = vector.shape_cast %select_n3A_1812 : vector<16xi32> to vector<16x1xi32>
      %gather3A_1814 = vector.shape_cast %broadcast_in_dim3A_1813 : vector<16x1xi32> to vector<16xi32>
      %gather3A_1815 = tpu.dynamic_gather %select_n3A_424[%gather3A_1814] in [0] : vector<16xi32>, vector<16xi32> -> vector<16xi32>
      %add3A_1816 = arith.addi %mul3A_108, %gather3A_1815 : vector<16xi32>
      %gather3A_1817 = tpu.vector_load_idx %arg5[%add3A_1816] : memref<32896xf32, #tpu.memory_space<vmem>>[vector<16xi32>], vector<16xf32>,
      %mul3A_1818 = arith.mulf %mul3A_1698, %gather3A_1817 : vector<16xf32>
      %broadcast_in_dim3A_1819 = arith.constant 7 : i32
      %broadcast_in_dim3A_1820 = vector.broadcast %broadcast_in_dim3A_1819 : i32 to vector<16xi32>
      %lt3A_1821 = arith.constant 0 : i32
      %lt3A_1822 = vector.broadcast %lt3A_1821 : i32 to vector<16xi32>
      %lt3A_1823 = arith.cmpi slt, %broadcast_in_dim3A_1820, %lt3A_1822 : vector<16xi32>
      %add3A_1824 = arith.constant 16 : i32
      %add3A_1825 = vector.broadcast %add3A_1824 : i32 to vector<16xi32>
      %add3A_1826 = arith.addi %broadcast_in_dim3A_1820, %add3A_1825 : vector<16xi32>
      %select_n3A_1827 = arith.select %lt3A_1823, %add3A_1826, %broadcast_in_dim3A_1820 : vector<16xi1>, vector<16xi32>
      %broadcast_in_dim3A_1828 = vector.shape_cast %select_n3A_1827 : vector<16xi32> to vector<16x1xi32>
      %gather3A_1829 = vector.shape_cast %broadcast_in_dim3A_1828 : vector<16x1xi32> to vector<16xi32>
      %gather3A_1830 = tpu.dynamic_gather %select_n3A_424[%gather3A_1829] in [0] : vector<16xi32>, vector<16xi32> -> vector<16xi32>
      %add3A_1831 = arith.addi %mul3A_108, %gather3A_1830 : vector<16xi32>
      %gather3A_1832 = tpu.vector_load_idx %arg5[%add3A_1831] : memref<32896xf32, #tpu.memory_space<vmem>>[vector<16xi32>], vector<16xf32>,
      %mul3A_1833 = arith.mulf %mul3A_1713, %gather3A_1832 : vector<16xf32>
      %broadcast_in_dim3A_1834 = arith.constant 8 : i32
      %broadcast_in_dim3A_1835 = vector.broadcast %broadcast_in_dim3A_1834 : i32 to vector<16xi32>
      %lt3A_1836 = arith.constant 0 : i32
      %lt3A_1837 = vector.broadcast %lt3A_1836 : i32 to vector<16xi32>
      %lt3A_1838 = arith.cmpi slt, %broadcast_in_dim3A_1835, %lt3A_1837 : vector<16xi32>
      %add3A_1839 = arith.constant 16 : i32
      %add3A_1840 = vector.broadcast %add3A_1839 : i32 to vector<16xi32>
      %add3A_1841 = arith.addi %broadcast_in_dim3A_1835, %add3A_1840 : vector<16xi32>
      %select_n3A_1842 = arith.select %lt3A_1838, %add3A_1841, %broadcast_in_dim3A_1835 : vector<16xi1>, vector<16xi32>
      %broadcast_in_dim3A_1843 = vector.shape_cast %select_n3A_1842 : vector<16xi32> to vector<16x1xi32>
      %gather3A_1844 = vector.shape_cast %broadcast_in_dim3A_1843 : vector<16x1xi32> to vector<16xi32>
      %gather3A_1845 = tpu.dynamic_gather %select_n3A_424[%gather3A_1844] in [0] : vector<16xi32>, vector<16xi32> -> vector<16xi32>
      %add3A_1846 = arith.addi %mul3A_108, %gather3A_1845 : vector<16xi32>
      %gather3A_1847 = tpu.vector_load_idx %arg5[%add3A_1846] : memref<32896xf32, #tpu.memory_space<vmem>>[vector<16xi32>], vector<16xf32>,
      %mul3A_1848 = arith.mulf %mul3A_1728, %gather3A_1847 : vector<16xf32>
      %broadcast_in_dim3A_1849 = arith.constant 9 : i32
      %broadcast_in_dim3A_1850 = vector.broadcast %broadcast_in_dim3A_1849 : i32 to vector<16xi32>
      %lt3A_1851 = arith.constant 0 : i32
      %lt3A_1852 = vector.broadcast %lt3A_1851 : i32 to vector<16xi32>
      %lt3A_1853 = arith.cmpi slt, %broadcast_in_dim3A_1850, %lt3A_1852 : vector<16xi32>
      %add3A_1854 = arith.constant 16 : i32
      %add3A_1855 = vector.broadcast %add3A_1854 : i32 to vector<16xi32>
      %add3A_1856 = arith.addi %broadcast_in_dim3A_1850, %add3A_1855 : vector<16xi32>
      %select_n3A_1857 = arith.select %lt3A_1853, %add3A_1856, %broadcast_in_dim3A_1850 : vector<16xi1>, vector<16xi32>
      %broadcast_in_dim3A_1858 = vector.shape_cast %select_n3A_1857 : vector<16xi32> to vector<16x1xi32>
      %gather3A_1859 = vector.shape_cast %broadcast_in_dim3A_1858 : vector<16x1xi32> to vector<16xi32>
      %gather3A_1860 = tpu.dynamic_gather %select_n3A_424[%gather3A_1859] in [0] : vector<16xi32>, vector<16xi32> -> vector<16xi32>
      %add3A_1861 = arith.addi %mul3A_108, %gather3A_1860 : vector<16xi32>
      %gather3A_1862 = tpu.vector_load_idx %arg5[%add3A_1861] : memref<32896xf32, #tpu.memory_space<vmem>>[vector<16xi32>], vector<16xf32>,
      %mul3A_1863 = arith.mulf %mul3A_1743, %gather3A_1862 : vector<16xf32>
      %broadcast_in_dim3A_1864 = arith.constant 10 : i32
      %broadcast_in_dim3A_1865 = vector.broadcast %broadcast_in_dim3A_1864 : i32 to vector<16xi32>
      %lt3A_1866 = arith.constant 0 : i32
      %lt3A_1867 = vector.broadcast %lt3A_1866 : i32 to vector<16xi32>
      %lt3A_1868 = arith.cmpi slt, %broadcast_in_dim3A_1865, %lt3A_1867 : vector<16xi32>
      %add3A_1869 = arith.constant 16 : i32
      %add3A_1870 = vector.broadcast %add3A_1869 : i32 to vector<16xi32>
      %add3A_1871 = arith.addi %broadcast_in_dim3A_1865, %add3A_1870 : vector<16xi32>
      %select_n3A_1872 = arith.select %lt3A_1868, %add3A_1871, %broadcast_in_dim3A_1865 : vector<16xi1>, vector<16xi32>
      %broadcast_in_dim3A_1873 = vector.shape_cast %select_n3A_1872 : vector<16xi32> to vector<16x1xi32>
      %gather3A_1874 = vector.shape_cast %broadcast_in_dim3A_1873 : vector<16x1xi32> to vector<16xi32>
      %gather3A_1875 = tpu.dynamic_gather %select_n3A_424[%gather3A_1874] in [0] : vector<16xi32>, vector<16xi32> -> vector<16xi32>
      %add3A_1876 = arith.addi %mul3A_108, %gather3A_1875 : vector<16xi32>
      %gather3A_1877 = tpu.vector_load_idx %arg5[%add3A_1876] : memref<32896xf32, #tpu.memory_space<vmem>>[vector<16xi32>], vector<16xf32>,
      %mul3A_1878 = arith.mulf %mul3A_1758, %gather3A_1877 : vector<16xf32>
      %broadcast_in_dim3A_1879 = arith.constant 11 : i32
      %broadcast_in_dim3A_1880 = vector.broadcast %broadcast_in_dim3A_1879 : i32 to vector<16xi32>
      %lt3A_1881 = arith.constant 0 : i32
      %lt3A_1882 = vector.broadcast %lt3A_1881 : i32 to vector<16xi32>
      %lt3A_1883 = arith.cmpi slt, %broadcast_in_dim3A_1880, %lt3A_1882 : vector<16xi32>
      %add3A_1884 = arith.constant 16 : i32
      %add3A_1885 = vector.broadcast %add3A_1884 : i32 to vector<16xi32>
      %add3A_1886 = arith.addi %broadcast_in_dim3A_1880, %add3A_1885 : vector<16xi32>
      %select_n3A_1887 = arith.select %lt3A_1883, %add3A_1886, %broadcast_in_dim3A_1880 : vector<16xi1>, vector<16xi32>
      %broadcast_in_dim3A_1888 = vector.shape_cast %select_n3A_1887 : vector<16xi32> to vector<16x1xi32>
      %gather3A_1889 = vector.shape_cast %broadcast_in_dim3A_1888 : vector<16x1xi32> to vector<16xi32>
      %gather3A_1890 = tpu.dynamic_gather %select_n3A_424[%gather3A_1889] in [0] : vector<16xi32>, vector<16xi32> -> vector<16xi32>
      %add3A_1891 = arith.addi %mul3A_108, %gather3A_1890 : vector<16xi32>
      %gather3A_1892 = tpu.vector_load_idx %arg5[%add3A_1891] : memref<32896xf32, #tpu.memory_space<vmem>>[vector<16xi32>], vector<16xf32>,
      %mul3A_1893 = arith.mulf %mul3A_1773, %gather3A_1892 : vector<16xf32>
      %broadcast_in_dim3A_1894 = arith.constant 12 : i32
      %broadcast_in_dim3A_1895 = vector.broadcast %broadcast_in_dim3A_1894 : i32 to vector<16xi32>
      %lt3A_1896 = arith.constant 0 : i32
      %lt3A_1897 = vector.broadcast %lt3A_1896 : i32 to vector<16xi32>
      %lt3A_1898 = arith.cmpi slt, %broadcast_in_dim3A_1895, %lt3A_1897 : vector<16xi32>
      %add3A_1899 = arith.constant 16 : i32
      %add3A_1900 = vector.broadcast %add3A_1899 : i32 to vector<16xi32>
      %add3A_1901 = arith.addi %broadcast_in_dim3A_1895, %add3A_1900 : vector<16xi32>
      %select_n3A_1902 = arith.select %lt3A_1898, %add3A_1901, %broadcast_in_dim3A_1895 : vector<16xi1>, vector<16xi32>
      %broadcast_in_dim3A_1903 = vector.shape_cast %select_n3A_1902 : vector<16xi32> to vector<16x1xi32>
      %gather3A_1904 = vector.shape_cast %broadcast_in_dim3A_1903 : vector<16x1xi32> to vector<16xi32>
      %gather3A_1905 = tpu.dynamic_gather %select_n3A_424[%gather3A_1904] in [0] : vector<16xi32>, vector<16xi32> -> vector<16xi32>
      %add3A_1906 = arith.addi %mul3A_108, %gather3A_1905 : vector<16xi32>
      %gather3A_1907 = tpu.vector_load_idx %arg5[%add3A_1906] : memref<32896xf32, #tpu.memory_space<vmem>>[vector<16xi32>], vector<16xf32>,
      %mul3A_1908 = arith.mulf %mul3A_1788, %gather3A_1907 : vector<16xf32>
      %broadcast_in_dim3A_1909 = arith.constant 13 : i32
      %broadcast_in_dim3A_1910 = vector.broadcast %broadcast_in_dim3A_1909 : i32 to vector<16xi32>
      %lt3A_1911 = arith.constant 0 : i32
      %lt3A_1912 = vector.broadcast %lt3A_1911 : i32 to vector<16xi32>
      %lt3A_1913 = arith.cmpi slt, %broadcast_in_dim3A_1910, %lt3A_1912 : vector<16xi32>
      %add3A_1914 = arith.constant 16 : i32
      %add3A_1915 = vector.broadcast %add3A_1914 : i32 to vector<16xi32>
      %add3A_1916 = arith.addi %broadcast_in_dim3A_1910, %add3A_1915 : vector<16xi32>
      %select_n3A_1917 = arith.select %lt3A_1913, %add3A_1916, %broadcast_in_dim3A_1910 : vector<16xi1>, vector<16xi32>
      %broadcast_in_dim3A_1918 = vector.shape_cast %select_n3A_1917 : vector<16xi32> to vector<16x1xi32>
      %gather3A_1919 = vector.shape_cast %broadcast_in_dim3A_1918 : vector<16x1xi32> to vector<16xi32>
      %gather3A_1920 = tpu.dynamic_gather %select_n3A_424[%gather3A_1919] in [0] : vector<16xi32>, vector<16xi32> -> vector<16xi32>
      %add3A_1921 = arith.addi %mul3A_108, %gather3A_1920 : vector<16xi32>
      %gather3A_1922 = tpu.vector_load_idx %arg5[%add3A_1921] : memref<32896xf32, #tpu.memory_space<vmem>>[vector<16xi32>], vector<16xf32>,
      %mul3A_1923 = arith.mulf %mul3A_1803, %gather3A_1922 : vector<16xf32>
      %broadcast_in_dim3A_1924 = arith.constant 14 : i32
      %broadcast_in_dim3A_1925 = vector.broadcast %broadcast_in_dim3A_1924 : i32 to vector<16xi32>
      %lt3A_1926 = arith.constant 0 : i32
      %lt3A_1927 = vector.broadcast %lt3A_1926 : i32 to vector<16xi32>
      %lt3A_1928 = arith.cmpi slt, %broadcast_in_dim3A_1925, %lt3A_1927 : vector<16xi32>
      %add3A_1929 = arith.constant 16 : i32
      %add3A_1930 = vector.broadcast %add3A_1929 : i32 to vector<16xi32>
      %add3A_1931 = arith.addi %broadcast_in_dim3A_1925, %add3A_1930 : vector<16xi32>
      %select_n3A_1932 = arith.select %lt3A_1928, %add3A_1931, %broadcast_in_dim3A_1925 : vector<16xi1>, vector<16xi32>
      %broadcast_in_dim3A_1933 = vector.shape_cast %select_n3A_1932 : vector<16xi32> to vector<16x1xi32>
      %gather3A_1934 = vector.shape_cast %broadcast_in_dim3A_1933 : vector<16x1xi32> to vector<16xi32>
      %gather3A_1935 = tpu.dynamic_gather %select_n3A_424[%gather3A_1934] in [0] : vector<16xi32>, vector<16xi32> -> vector<16xi32>
      %add3A_1936 = arith.addi %mul3A_108, %gather3A_1935 : vector<16xi32>
      %gather3A_1937 = tpu.vector_load_idx %arg5[%add3A_1936] : memref<32896xf32, #tpu.memory_space<vmem>>[vector<16xi32>], vector<16xf32>,
      %mul3A_1938 = arith.mulf %mul3A_1818, %gather3A_1937 : vector<16xf32>
      %broadcast_in_dim3A_1939 = arith.constant 15 : i32
      %broadcast_in_dim3A_1940 = vector.broadcast %broadcast_in_dim3A_1939 : i32 to vector<16xi32>
      %lt3A_1941 = arith.constant 0 : i32
      %lt3A_1942 = vector.broadcast %lt3A_1941 : i32 to vector<16xi32>
      %lt3A_1943 = arith.cmpi slt, %broadcast_in_dim3A_1940, %lt3A_1942 : vector<16xi32>
      %add3A_1944 = arith.constant 16 : i32
      %add3A_1945 = vector.broadcast %add3A_1944 : i32 to vector<16xi32>
      %add3A_1946 = arith.addi %broadcast_in_dim3A_1940, %add3A_1945 : vector<16xi32>
      %select_n3A_1947 = arith.select %lt3A_1943, %add3A_1946, %broadcast_in_dim3A_1940 : vector<16xi1>, vector<16xi32>
      %broadcast_in_dim3A_1948 = vector.shape_cast %select_n3A_1947 : vector<16xi32> to vector<16x1xi32>
      %gather3A_1949 = vector.shape_cast %broadcast_in_dim3A_1948 : vector<16x1xi32> to vector<16xi32>
      %gather3A_1950 = tpu.dynamic_gather %select_n3A_424[%gather3A_1949] in [0] : vector<16xi32>, vector<16xi32> -> vector<16xi32>
      %add3A_1951 = arith.addi %mul3A_108, %gather3A_1950 : vector<16xi32>
      %gather3A_1952 = tpu.vector_load_idx %arg5[%add3A_1951] : memref<32896xf32, #tpu.memory_space<vmem>>[vector<16xi32>], vector<16xf32>,
      %mul3A_1953 = arith.mulf %mul3A_1833, %gather3A_1952 : vector<16xf32>
      %broadcast_in_dim3A_1954 = arith.constant 0 : i32
      %broadcast_in_dim3A_1955 = vector.broadcast %broadcast_in_dim3A_1954 : i32 to vector<16xi32>
      %lt3A_1956 = arith.constant 0 : i32
      %lt3A_1957 = vector.broadcast %lt3A_1956 : i32 to vector<16xi32>
      %lt3A_1958 = arith.cmpi slt, %broadcast_in_dim3A_1955, %lt3A_1957 : vector<16xi32>
      %add3A_1959 = arith.constant 16 : i32
      %add3A_1960 = vector.broadcast %add3A_1959 : i32 to vector<16xi32>
      %add3A_1961 = arith.addi %broadcast_in_dim3A_1955, %add3A_1960 : vector<16xi32>
      %select_n3A_1962 = arith.select %lt3A_1958, %add3A_1961, %broadcast_in_dim3A_1955 : vector<16xi1>, vector<16xi32>
      %broadcast_in_dim3A_1963 = vector.shape_cast %select_n3A_1962 : vector<16xi32> to vector<16x1xi32>
      %gather3A_1964 = vector.shape_cast %broadcast_in_dim3A_1963 : vector<16x1xi32> to vector<16xi32>
      %gather3A_1965 = tpu.dynamic_gather %select_n3A_461[%gather3A_1964] in [0] : vector<16xi32>, vector<16xi32> -> vector<16xi32>
      %add3A_1966 = arith.addi %mul3A_108, %gather3A_1965 : vector<16xi32>
      %gather3A_1967 = tpu.vector_load_idx %arg5[%add3A_1966] : memref<32896xf32, #tpu.memory_space<vmem>>[vector<16xi32>], vector<16xf32>,
      %mul3A_1968 = arith.mulf %mul3A_1848, %gather3A_1967 : vector<16xf32>
      %broadcast_in_dim3A_1969 = arith.constant 1 : i32
      %broadcast_in_dim3A_1970 = vector.broadcast %broadcast_in_dim3A_1969 : i32 to vector<16xi32>
      %lt3A_1971 = arith.constant 0 : i32
      %lt3A_1972 = vector.broadcast %lt3A_1971 : i32 to vector<16xi32>
      %lt3A_1973 = arith.cmpi slt, %broadcast_in_dim3A_1970, %lt3A_1972 : vector<16xi32>
      %add3A_1974 = arith.constant 16 : i32
      %add3A_1975 = vector.broadcast %add3A_1974 : i32 to vector<16xi32>
      %add3A_1976 = arith.addi %broadcast_in_dim3A_1970, %add3A_1975 : vector<16xi32>
      %select_n3A_1977 = arith.select %lt3A_1973, %add3A_1976, %broadcast_in_dim3A_1970 : vector<16xi1>, vector<16xi32>
      %broadcast_in_dim3A_1978 = vector.shape_cast %select_n3A_1977 : vector<16xi32> to vector<16x1xi32>
      %gather3A_1979 = vector.shape_cast %broadcast_in_dim3A_1978 : vector<16x1xi32> to vector<16xi32>
      %gather3A_1980 = tpu.dynamic_gather %select_n3A_461[%gather3A_1979] in [0] : vector<16xi32>, vector<16xi32> -> vector<16xi32>
      %add3A_1981 = arith.addi %mul3A_108, %gather3A_1980 : vector<16xi32>
      %gather3A_1982 = tpu.vector_load_idx %arg5[%add3A_1981] : memref<32896xf32, #tpu.memory_space<vmem>>[vector<16xi32>], vector<16xf32>,
      %mul3A_1983 = arith.mulf %mul3A_1863, %gather3A_1982 : vector<16xf32>
      %broadcast_in_dim3A_1984 = arith.constant 2 : i32
      %broadcast_in_dim3A_1985 = vector.broadcast %broadcast_in_dim3A_1984 : i32 to vector<16xi32>
      %lt3A_1986 = arith.constant 0 : i32
      %lt3A_1987 = vector.broadcast %lt3A_1986 : i32 to vector<16xi32>
      %lt3A_1988 = arith.cmpi slt, %broadcast_in_dim3A_1985, %lt3A_1987 : vector<16xi32>
      %add3A_1989 = arith.constant 16 : i32
      %add3A_1990 = vector.broadcast %add3A_1989 : i32 to vector<16xi32>
      %add3A_1991 = arith.addi %broadcast_in_dim3A_1985, %add3A_1990 : vector<16xi32>
      %select_n3A_1992 = arith.select %lt3A_1988, %add3A_1991, %broadcast_in_dim3A_1985 : vector<16xi1>, vector<16xi32>
      %broadcast_in_dim3A_1993 = vector.shape_cast %select_n3A_1992 : vector<16xi32> to vector<16x1xi32>
      %gather3A_1994 = vector.shape_cast %broadcast_in_dim3A_1993 : vector<16x1xi32> to vector<16xi32>
      %gather3A_1995 = tpu.dynamic_gather %select_n3A_461[%gather3A_1994] in [0] : vector<16xi32>, vector<16xi32> -> vector<16xi32>
      %add3A_1996 = arith.addi %mul3A_108, %gather3A_1995 : vector<16xi32>
      %gather3A_1997 = tpu.vector_load_idx %arg5[%add3A_1996] : memref<32896xf32, #tpu.memory_space<vmem>>[vector<16xi32>], vector<16xf32>,
      %mul3A_1998 = arith.mulf %mul3A_1878, %gather3A_1997 : vector<16xf32>
      %broadcast_in_dim3A_1999 = arith.constant 3 : i32
      %broadcast_in_dim3A_2000 = vector.broadcast %broadcast_in_dim3A_1999 : i32 to vector<16xi32>
      %lt3A_2001 = arith.constant 0 : i32
      %lt3A_2002 = vector.broadcast %lt3A_2001 : i32 to vector<16xi32>
      %lt3A_2003 = arith.cmpi slt, %broadcast_in_dim3A_2000, %lt3A_2002 : vector<16xi32>
      %add3A_2004 = arith.constant 16 : i32
      %add3A_2005 = vector.broadcast %add3A_2004 : i32 to vector<16xi32>
      %add3A_2006 = arith.addi %broadcast_in_dim3A_2000, %add3A_2005 : vector<16xi32>
      %select_n3A_2007 = arith.select %lt3A_2003, %add3A_2006, %broadcast_in_dim3A_2000 : vector<16xi1>, vector<16xi32>
      %broadcast_in_dim3A_2008 = vector.shape_cast %select_n3A_2007 : vector<16xi32> to vector<16x1xi32>
      %gather3A_2009 = vector.shape_cast %broadcast_in_dim3A_2008 : vector<16x1xi32> to vector<16xi32>
      %gather3A_2010 = tpu.dynamic_gather %select_n3A_461[%gather3A_2009] in [0] : vector<16xi32>, vector<16xi32> -> vector<16xi32>
      %add3A_2011 = arith.addi %mul3A_108, %gather3A_2010 : vector<16xi32>
      %gather3A_2012 = tpu.vector_load_idx %arg5[%add3A_2011] : memref<32896xf32, #tpu.memory_space<vmem>>[vector<16xi32>], vector<16xf32>,
      %mul3A_2013 = arith.mulf %mul3A_1893, %gather3A_2012 : vector<16xf32>
      %broadcast_in_dim3A_2014 = arith.constant 4 : i32
      %broadcast_in_dim3A_2015 = vector.broadcast %broadcast_in_dim3A_2014 : i32 to vector<16xi32>
      %lt3A_2016 = arith.constant 0 : i32
      %lt3A_2017 = vector.broadcast %lt3A_2016 : i32 to vector<16xi32>
      %lt3A_2018 = arith.cmpi slt, %broadcast_in_dim3A_2015, %lt3A_2017 : vector<16xi32>
      %add3A_2019 = arith.constant 16 : i32
      %add3A_2020 = vector.broadcast %add3A_2019 : i32 to vector<16xi32>
      %add3A_2021 = arith.addi %broadcast_in_dim3A_2015, %add3A_2020 : vector<16xi32>
      %select_n3A_2022 = arith.select %lt3A_2018, %add3A_2021, %broadcast_in_dim3A_2015 : vector<16xi1>, vector<16xi32>
      %broadcast_in_dim3A_2023 = vector.shape_cast %select_n3A_2022 : vector<16xi32> to vector<16x1xi32>
      %gather3A_2024 = vector.shape_cast %broadcast_in_dim3A_2023 : vector<16x1xi32> to vector<16xi32>
      %gather3A_2025 = tpu.dynamic_gather %select_n3A_461[%gather3A_2024] in [0] : vector<16xi32>, vector<16xi32> -> vector<16xi32>
      %add3A_2026 = arith.addi %mul3A_108, %gather3A_2025 : vector<16xi32>
      %gather3A_2027 = tpu.vector_load_idx %arg5[%add3A_2026] : memref<32896xf32, #tpu.memory_space<vmem>>[vector<16xi32>], vector<16xf32>,
      %mul3A_2028 = arith.mulf %mul3A_1908, %gather3A_2027 : vector<16xf32>
      %broadcast_in_dim3A_2029 = arith.constant 5 : i32
      %broadcast_in_dim3A_2030 = vector.broadcast %broadcast_in_dim3A_2029 : i32 to vector<16xi32>
      %lt3A_2031 = arith.constant 0 : i32
      %lt3A_2032 = vector.broadcast %lt3A_2031 : i32 to vector<16xi32>
      %lt3A_2033 = arith.cmpi slt, %broadcast_in_dim3A_2030, %lt3A_2032 : vector<16xi32>
      %add3A_2034 = arith.constant 16 : i32
      %add3A_2035 = vector.broadcast %add3A_2034 : i32 to vector<16xi32>
      %add3A_2036 = arith.addi %broadcast_in_dim3A_2030, %add3A_2035 : vector<16xi32>
      %select_n3A_2037 = arith.select %lt3A_2033, %add3A_2036, %broadcast_in_dim3A_2030 : vector<16xi1>, vector<16xi32>
      %broadcast_in_dim3A_2038 = vector.shape_cast %select_n3A_2037 : vector<16xi32> to vector<16x1xi32>
      %gather3A_2039 = vector.shape_cast %broadcast_in_dim3A_2038 : vector<16x1xi32> to vector<16xi32>
      %gather3A_2040 = tpu.dynamic_gather %select_n3A_461[%gather3A_2039] in [0] : vector<16xi32>, vector<16xi32> -> vector<16xi32>
      %add3A_2041 = arith.addi %mul3A_108, %gather3A_2040 : vector<16xi32>
      %gather3A_2042 = tpu.vector_load_idx %arg5[%add3A_2041] : memref<32896xf32, #tpu.memory_space<vmem>>[vector<16xi32>], vector<16xf32>,
      %mul3A_2043 = arith.mulf %mul3A_1923, %gather3A_2042 : vector<16xf32>
      %broadcast_in_dim3A_2044 = arith.constant 6 : i32
      %broadcast_in_dim3A_2045 = vector.broadcast %broadcast_in_dim3A_2044 : i32 to vector<16xi32>
      %lt3A_2046 = arith.constant 0 : i32
      %lt3A_2047 = vector.broadcast %lt3A_2046 : i32 to vector<16xi32>
      %lt3A_2048 = arith.cmpi slt, %broadcast_in_dim3A_2045, %lt3A_2047 : vector<16xi32>
      %add3A_2049 = arith.constant 16 : i32
      %add3A_2050 = vector.broadcast %add3A_2049 : i32 to vector<16xi32>
      %add3A_2051 = arith.addi %broadcast_in_dim3A_2045, %add3A_2050 : vector<16xi32>
      %select_n3A_2052 = arith.select %lt3A_2048, %add3A_2051, %broadcast_in_dim3A_2045 : vector<16xi1>, vector<16xi32>
      %broadcast_in_dim3A_2053 = vector.shape_cast %select_n3A_2052 : vector<16xi32> to vector<16x1xi32>
      %gather3A_2054 = vector.shape_cast %broadcast_in_dim3A_2053 : vector<16x1xi32> to vector<16xi32>
      %gather3A_2055 = tpu.dynamic_gather %select_n3A_461[%gather3A_2054] in [0] : vector<16xi32>, vector<16xi32> -> vector<16xi32>
      %add3A_2056 = arith.addi %mul3A_108, %gather3A_2055 : vector<16xi32>
      %gather3A_2057 = tpu.vector_load_idx %arg5[%add3A_2056] : memref<32896xf32, #tpu.memory_space<vmem>>[vector<16xi32>], vector<16xf32>,
      %mul3A_2058 = arith.mulf %mul3A_1938, %gather3A_2057 : vector<16xf32>
      %broadcast_in_dim3A_2059 = arith.constant 7 : i32
      %broadcast_in_dim3A_2060 = vector.broadcast %broadcast_in_dim3A_2059 : i32 to vector<16xi32>
      %lt3A_2061 = arith.constant 0 : i32
      %lt3A_2062 = vector.broadcast %lt3A_2061 : i32 to vector<16xi32>
      %lt3A_2063 = arith.cmpi slt, %broadcast_in_dim3A_2060, %lt3A_2062 : vector<16xi32>
      %add3A_2064 = arith.constant 16 : i32
      %add3A_2065 = vector.broadcast %add3A_2064 : i32 to vector<16xi32>
      %add3A_2066 = arith.addi %broadcast_in_dim3A_2060, %add3A_2065 : vector<16xi32>
      %select_n3A_2067 = arith.select %lt3A_2063, %add3A_2066, %broadcast_in_dim3A_2060 : vector<16xi1>, vector<16xi32>
      %broadcast_in_dim3A_2068 = vector.shape_cast %select_n3A_2067 : vector<16xi32> to vector<16x1xi32>
      %gather3A_2069 = vector.shape_cast %broadcast_in_dim3A_2068 : vector<16x1xi32> to vector<16xi32>
      %gather3A_2070 = tpu.dynamic_gather %select_n3A_461[%gather3A_2069] in [0] : vector<16xi32>, vector<16xi32> -> vector<16xi32>
      %add3A_2071 = arith.addi %mul3A_108, %gather3A_2070 : vector<16xi32>
      %gather3A_2072 = tpu.vector_load_idx %arg5[%add3A_2071] : memref<32896xf32, #tpu.memory_space<vmem>>[vector<16xi32>], vector<16xf32>,
      %mul3A_2073 = arith.mulf %mul3A_1953, %gather3A_2072 : vector<16xf32>
      %broadcast_in_dim3A_2074 = arith.constant 8 : i32
      %broadcast_in_dim3A_2075 = vector.broadcast %broadcast_in_dim3A_2074 : i32 to vector<16xi32>
      %lt3A_2076 = arith.constant 0 : i32
      %lt3A_2077 = vector.broadcast %lt3A_2076 : i32 to vector<16xi32>
      %lt3A_2078 = arith.cmpi slt, %broadcast_in_dim3A_2075, %lt3A_2077 : vector<16xi32>
      %add3A_2079 = arith.constant 16 : i32
      %add3A_2080 = vector.broadcast %add3A_2079 : i32 to vector<16xi32>
      %add3A_2081 = arith.addi %broadcast_in_dim3A_2075, %add3A_2080 : vector<16xi32>
      %select_n3A_2082 = arith.select %lt3A_2078, %add3A_2081, %broadcast_in_dim3A_2075 : vector<16xi1>, vector<16xi32>
      %broadcast_in_dim3A_2083 = vector.shape_cast %select_n3A_2082 : vector<16xi32> to vector<16x1xi32>
      %gather3A_2084 = vector.shape_cast %broadcast_in_dim3A_2083 : vector<16x1xi32> to vector<16xi32>
      %gather3A_2085 = tpu.dynamic_gather %select_n3A_461[%gather3A_2084] in [0] : vector<16xi32>, vector<16xi32> -> vector<16xi32>
      %add3A_2086 = arith.addi %mul3A_108, %gather3A_2085 : vector<16xi32>
      %gather3A_2087 = tpu.vector_load_idx %arg5[%add3A_2086] : memref<32896xf32, #tpu.memory_space<vmem>>[vector<16xi32>], vector<16xf32>,
      %mul3A_2088 = arith.mulf %mul3A_1968, %gather3A_2087 : vector<16xf32>
      %broadcast_in_dim3A_2089 = arith.constant 9 : i32
      %broadcast_in_dim3A_2090 = vector.broadcast %broadcast_in_dim3A_2089 : i32 to vector<16xi32>
      %lt3A_2091 = arith.constant 0 : i32
      %lt3A_2092 = vector.broadcast %lt3A_2091 : i32 to vector<16xi32>
      %lt3A_2093 = arith.cmpi slt, %broadcast_in_dim3A_2090, %lt3A_2092 : vector<16xi32>
      %add3A_2094 = arith.constant 16 : i32
      %add3A_2095 = vector.broadcast %add3A_2094 : i32 to vector<16xi32>
      %add3A_2096 = arith.addi %broadcast_in_dim3A_2090, %add3A_2095 : vector<16xi32>
      %select_n3A_2097 = arith.select %lt3A_2093, %add3A_2096, %broadcast_in_dim3A_2090 : vector<16xi1>, vector<16xi32>
      %broadcast_in_dim3A_2098 = vector.shape_cast %select_n3A_2097 : vector<16xi32> to vector<16x1xi32>
      %gather3A_2099 = vector.shape_cast %broadcast_in_dim3A_2098 : vector<16x1xi32> to vector<16xi32>
      %gather3A_2100 = tpu.dynamic_gather %select_n3A_461[%gather3A_2099] in [0] : vector<16xi32>, vector<16xi32> -> vector<16xi32>
      %add3A_2101 = arith.addi %mul3A_108, %gather3A_2100 : vector<16xi32>
      %gather3A_2102 = tpu.vector_load_idx %arg5[%add3A_2101] : memref<32896xf32, #tpu.memory_space<vmem>>[vector<16xi32>], vector<16xf32>,
      %mul3A_2103 = arith.mulf %mul3A_1983, %gather3A_2102 : vector<16xf32>
      %broadcast_in_dim3A_2104 = arith.constant 10 : i32
      %broadcast_in_dim3A_2105 = vector.broadcast %broadcast_in_dim3A_2104 : i32 to vector<16xi32>
      %lt3A_2106 = arith.constant 0 : i32
      %lt3A_2107 = vector.broadcast %lt3A_2106 : i32 to vector<16xi32>
      %lt3A_2108 = arith.cmpi slt, %broadcast_in_dim3A_2105, %lt3A_2107 : vector<16xi32>
      %add3A_2109 = arith.constant 16 : i32
      %add3A_2110 = vector.broadcast %add3A_2109 : i32 to vector<16xi32>
      %add3A_2111 = arith.addi %broadcast_in_dim3A_2105, %add3A_2110 : vector<16xi32>
      %select_n3A_2112 = arith.select %lt3A_2108, %add3A_2111, %broadcast_in_dim3A_2105 : vector<16xi1>, vector<16xi32>
      %broadcast_in_dim3A_2113 = vector.shape_cast %select_n3A_2112 : vector<16xi32> to vector<16x1xi32>
      %gather3A_2114 = vector.shape_cast %broadcast_in_dim3A_2113 : vector<16x1xi32> to vector<16xi32>
      %gather3A_2115 = tpu.dynamic_gather %select_n3A_461[%gather3A_2114] in [0] : vector<16xi32>, vector<16xi32> -> vector<16xi32>
      %add3A_2116 = arith.addi %mul3A_108, %gather3A_2115 : vector<16xi32>
      %gather3A_2117 = tpu.vector_load_idx %arg5[%add3A_2116] : memref<32896xf32, #tpu.memory_space<vmem>>[vector<16xi32>], vector<16xf32>,
      %mul3A_2118 = arith.mulf %mul3A_1998, %gather3A_2117 : vector<16xf32>
      %broadcast_in_dim3A_2119 = arith.constant 11 : i32
      %broadcast_in_dim3A_2120 = vector.broadcast %broadcast_in_dim3A_2119 : i32 to vector<16xi32>
      %lt3A_2121 = arith.constant 0 : i32
      %lt3A_2122 = vector.broadcast %lt3A_2121 : i32 to vector<16xi32>
      %lt3A_2123 = arith.cmpi slt, %broadcast_in_dim3A_2120, %lt3A_2122 : vector<16xi32>
      %add3A_2124 = arith.constant 16 : i32
      %add3A_2125 = vector.broadcast %add3A_2124 : i32 to vector<16xi32>
      %add3A_2126 = arith.addi %broadcast_in_dim3A_2120, %add3A_2125 : vector<16xi32>
      %select_n3A_2127 = arith.select %lt3A_2123, %add3A_2126, %broadcast_in_dim3A_2120 : vector<16xi1>, vector<16xi32>
      %broadcast_in_dim3A_2128 = vector.shape_cast %select_n3A_2127 : vector<16xi32> to vector<16x1xi32>
      %gather3A_2129 = vector.shape_cast %broadcast_in_dim3A_2128 : vector<16x1xi32> to vector<16xi32>
      %gather3A_2130 = tpu.dynamic_gather %select_n3A_461[%gather3A_2129] in [0] : vector<16xi32>, vector<16xi32> -> vector<16xi32>
      %add3A_2131 = arith.addi %mul3A_108, %gather3A_2130 : vector<16xi32>
      %gather3A_2132 = tpu.vector_load_idx %arg5[%add3A_2131] : memref<32896xf32, #tpu.memory_space<vmem>>[vector<16xi32>], vector<16xf32>,
      %mul3A_2133 = arith.mulf %mul3A_2013, %gather3A_2132 : vector<16xf32>
      %broadcast_in_dim3A_2134 = arith.constant 12 : i32
      %broadcast_in_dim3A_2135 = vector.broadcast %broadcast_in_dim3A_2134 : i32 to vector<16xi32>
      %lt3A_2136 = arith.constant 0 : i32
      %lt3A_2137 = vector.broadcast %lt3A_2136 : i32 to vector<16xi32>
      %lt3A_2138 = arith.cmpi slt, %broadcast_in_dim3A_2135, %lt3A_2137 : vector<16xi32>
      %add3A_2139 = arith.constant 16 : i32
      %add3A_2140 = vector.broadcast %add3A_2139 : i32 to vector<16xi32>
      %add3A_2141 = arith.addi %broadcast_in_dim3A_2135, %add3A_2140 : vector<16xi32>
      %select_n3A_2142 = arith.select %lt3A_2138, %add3A_2141, %broadcast_in_dim3A_2135 : vector<16xi1>, vector<16xi32>
      %broadcast_in_dim3A_2143 = vector.shape_cast %select_n3A_2142 : vector<16xi32> to vector<16x1xi32>
      %gather3A_2144 = vector.shape_cast %broadcast_in_dim3A_2143 : vector<16x1xi32> to vector<16xi32>
      %gather3A_2145 = tpu.dynamic_gather %select_n3A_461[%gather3A_2144] in [0] : vector<16xi32>, vector<16xi32> -> vector<16xi32>
      %add3A_2146 = arith.addi %mul3A_108, %gather3A_2145 : vector<16xi32>
      %gather3A_2147 = tpu.vector_load_idx %arg5[%add3A_2146] : memref<32896xf32, #tpu.memory_space<vmem>>[vector<16xi32>], vector<16xf32>,
      %mul3A_2148 = arith.mulf %mul3A_2028, %gather3A_2147 : vector<16xf32>
      %broadcast_in_dim3A_2149 = arith.constant 13 : i32
      %broadcast_in_dim3A_2150 = vector.broadcast %broadcast_in_dim3A_2149 : i32 to vector<16xi32>
      %lt3A_2151 = arith.constant 0 : i32
      %lt3A_2152 = vector.broadcast %lt3A_2151 : i32 to vector<16xi32>
      %lt3A_2153 = arith.cmpi slt, %broadcast_in_dim3A_2150, %lt3A_2152 : vector<16xi32>
      %add3A_2154 = arith.constant 16 : i32
      %add3A_2155 = vector.broadcast %add3A_2154 : i32 to vector<16xi32>
      %add3A_2156 = arith.addi %broadcast_in_dim3A_2150, %add3A_2155 : vector<16xi32>
      %select_n3A_2157 = arith.select %lt3A_2153, %add3A_2156, %broadcast_in_dim3A_2150 : vector<16xi1>, vector<16xi32>
      %broadcast_in_dim3A_2158 = vector.shape_cast %select_n3A_2157 : vector<16xi32> to vector<16x1xi32>
      %gather3A_2159 = vector.shape_cast %broadcast_in_dim3A_2158 : vector<16x1xi32> to vector<16xi32>
      %gather3A_2160 = tpu.dynamic_gather %select_n3A_461[%gather3A_2159] in [0] : vector<16xi32>, vector<16xi32> -> vector<16xi32>
      %add3A_2161 = arith.addi %mul3A_108, %gather3A_2160 : vector<16xi32>
      %gather3A_2162 = tpu.vector_load_idx %arg5[%add3A_2161] : memref<32896xf32, #tpu.memory_space<vmem>>[vector<16xi32>], vector<16xf32>,
      %mul3A_2163 = arith.mulf %mul3A_2043, %gather3A_2162 : vector<16xf32>
      %broadcast_in_dim3A_2164 = arith.constant 14 : i32
      %broadcast_in_dim3A_2165 = vector.broadcast %broadcast_in_dim3A_2164 : i32 to vector<16xi32>
      %lt3A_2166 = arith.constant 0 : i32
      %lt3A_2167 = vector.broadcast %lt3A_2166 : i32 to vector<16xi32>
      %lt3A_2168 = arith.cmpi slt, %broadcast_in_dim3A_2165, %lt3A_2167 : vector<16xi32>
      %add3A_2169 = arith.constant 16 : i32
      %add3A_2170 = vector.broadcast %add3A_2169 : i32 to vector<16xi32>
      %add3A_2171 = arith.addi %broadcast_in_dim3A_2165, %add3A_2170 : vector<16xi32>
      %select_n3A_2172 = arith.select %lt3A_2168, %add3A_2171, %broadcast_in_dim3A_2165 : vector<16xi1>, vector<16xi32>
      %broadcast_in_dim3A_2173 = vector.shape_cast %select_n3A_2172 : vector<16xi32> to vector<16x1xi32>
      %gather3A_2174 = vector.shape_cast %broadcast_in_dim3A_2173 : vector<16x1xi32> to vector<16xi32>
      %gather3A_2175 = tpu.dynamic_gather %select_n3A_461[%gather3A_2174] in [0] : vector<16xi32>, vector<16xi32> -> vector<16xi32>
      %add3A_2176 = arith.addi %mul3A_108, %gather3A_2175 : vector<16xi32>
      %gather3A_2177 = tpu.vector_load_idx %arg5[%add3A_2176] : memref<32896xf32, #tpu.memory_space<vmem>>[vector<16xi32>], vector<16xf32>,
      %mul3A_2178 = arith.mulf %mul3A_2058, %gather3A_2177 : vector<16xf32>
      %broadcast_in_dim3A_2179 = arith.constant 15 : i32
      %broadcast_in_dim3A_2180 = vector.broadcast %broadcast_in_dim3A_2179 : i32 to vector<16xi32>
      %lt3A_2181 = arith.constant 0 : i32
      %lt3A_2182 = vector.broadcast %lt3A_2181 : i32 to vector<16xi32>
      %lt3A_2183 = arith.cmpi slt, %broadcast_in_dim3A_2180, %lt3A_2182 : vector<16xi32>
      %add3A_2184 = arith.constant 16 : i32
      %add3A_2185 = vector.broadcast %add3A_2184 : i32 to vector<16xi32>
      %add3A_2186 = arith.addi %broadcast_in_dim3A_2180, %add3A_2185 : vector<16xi32>
      %select_n3A_2187 = arith.select %lt3A_2183, %add3A_2186, %broadcast_in_dim3A_2180 : vector<16xi1>, vector<16xi32>
      %broadcast_in_dim3A_2188 = vector.shape_cast %select_n3A_2187 : vector<16xi32> to vector<16x1xi32>
      %gather3A_2189 = vector.shape_cast %broadcast_in_dim3A_2188 : vector<16x1xi32> to vector<16xi32>
      %gather3A_2190 = tpu.dynamic_gather %select_n3A_461[%gather3A_2189] in [0] : vector<16xi32>, vector<16xi32> -> vector<16xi32>
      %add3A_2191 = arith.addi %mul3A_108, %gather3A_2190 : vector<16xi32>
      %gather3A_2192 = tpu.vector_load_idx %arg5[%add3A_2191] : memref<32896xf32, #tpu.memory_space<vmem>>[vector<16xi32>], vector<16xf32>,
      %mul3A_2193 = arith.mulf %mul3A_2073, %gather3A_2192 : vector<16xf32>
      %broadcast_in_dim3A_2194 = arith.constant 0 : i32
      %broadcast_in_dim3A_2195 = vector.broadcast %broadcast_in_dim3A_2194 : i32 to vector<16xi32>
      %lt3A_2196 = arith.constant 0 : i32
      %lt3A_2197 = vector.broadcast %lt3A_2196 : i32 to vector<16xi32>
      %lt3A_2198 = arith.cmpi slt, %broadcast_in_dim3A_2195, %lt3A_2197 : vector<16xi32>
      %add3A_2199 = arith.constant 16 : i32
      %add3A_2200 = vector.broadcast %add3A_2199 : i32 to vector<16xi32>
      %add3A_2201 = arith.addi %broadcast_in_dim3A_2195, %add3A_2200 : vector<16xi32>
      %select_n3A_2202 = arith.select %lt3A_2198, %add3A_2201, %broadcast_in_dim3A_2195 : vector<16xi1>, vector<16xi32>
      %broadcast_in_dim3A_2203 = vector.shape_cast %select_n3A_2202 : vector<16xi32> to vector<16x1xi32>
      %gather3A_2204 = vector.shape_cast %broadcast_in_dim3A_2203 : vector<16x1xi32> to vector<16xi32>
      %gather3A_2205 = tpu.dynamic_gather %select_n3A_498[%gather3A_2204] in [0] : vector<16xi32>, vector<16xi32> -> vector<16xi32>
      %add3A_2206 = arith.addi %mul3A_108, %gather3A_2205 : vector<16xi32>
      %gather3A_2207 = tpu.vector_load_idx %arg5[%add3A_2206] : memref<32896xf32, #tpu.memory_space<vmem>>[vector<16xi32>], vector<16xf32>,
      %mul3A_2208 = arith.mulf %mul3A_2088, %gather3A_2207 : vector<16xf32>
      %broadcast_in_dim3A_2209 = arith.constant 1 : i32
      %broadcast_in_dim3A_2210 = vector.broadcast %broadcast_in_dim3A_2209 : i32 to vector<16xi32>
      %lt3A_2211 = arith.constant 0 : i32
      %lt3A_2212 = vector.broadcast %lt3A_2211 : i32 to vector<16xi32>
      %lt3A_2213 = arith.cmpi slt, %broadcast_in_dim3A_2210, %lt3A_2212 : vector<16xi32>
      %add3A_2214 = arith.constant 16 : i32
      %add3A_2215 = vector.broadcast %add3A_2214 : i32 to vector<16xi32>
      %add3A_2216 = arith.addi %broadcast_in_dim3A_2210, %add3A_2215 : vector<16xi32>
      %select_n3A_2217 = arith.select %lt3A_2213, %add3A_2216, %broadcast_in_dim3A_2210 : vector<16xi1>, vector<16xi32>
      %broadcast_in_dim3A_2218 = vector.shape_cast %select_n3A_2217 : vector<16xi32> to vector<16x1xi32>
      %gather3A_2219 = vector.shape_cast %broadcast_in_dim3A_2218 : vector<16x1xi32> to vector<16xi32>
      %gather3A_2220 = tpu.dynamic_gather %select_n3A_498[%gather3A_2219] in [0] : vector<16xi32>, vector<16xi32> -> vector<16xi32>
      %add3A_2221 = arith.addi %mul3A_108, %gather3A_2220 : vector<16xi32>
      %gather3A_2222 = tpu.vector_load_idx %arg5[%add3A_2221] : memref<32896xf32, #tpu.memory_space<vmem>>[vector<16xi32>], vector<16xf32>,
      %mul3A_2223 = arith.mulf %mul3A_2103, %gather3A_2222 : vector<16xf32>
      %broadcast_in_dim3A_2224 = arith.constant 2 : i32
      %broadcast_in_dim3A_2225 = vector.broadcast %broadcast_in_dim3A_2224 : i32 to vector<16xi32>
      %lt3A_2226 = arith.constant 0 : i32
      %lt3A_2227 = vector.broadcast %lt3A_2226 : i32 to vector<16xi32>
      %lt3A_2228 = arith.cmpi slt, %broadcast_in_dim3A_2225, %lt3A_2227 : vector<16xi32>
      %add3A_2229 = arith.constant 16 : i32
      %add3A_2230 = vector.broadcast %add3A_2229 : i32 to vector<16xi32>
      %add3A_2231 = arith.addi %broadcast_in_dim3A_2225, %add3A_2230 : vector<16xi32>
      %select_n3A_2232 = arith.select %lt3A_2228, %add3A_2231, %broadcast_in_dim3A_2225 : vector<16xi1>, vector<16xi32>
      %broadcast_in_dim3A_2233 = vector.shape_cast %select_n3A_2232 : vector<16xi32> to vector<16x1xi32>
      %gather3A_2234 = vector.shape_cast %broadcast_in_dim3A_2233 : vector<16x1xi32> to vector<16xi32>
      %gather3A_2235 = tpu.dynamic_gather %select_n3A_498[%gather3A_2234] in [0] : vector<16xi32>, vector<16xi32> -> vector<16xi32>
      %add3A_2236 = arith.addi %mul3A_108, %gather3A_2235 : vector<16xi32>
      %gather3A_2237 = tpu.vector_load_idx %arg5[%add3A_2236] : memref<32896xf32, #tpu.memory_space<vmem>>[vector<16xi32>], vector<16xf32>,
      %mul3A_2238 = arith.mulf %mul3A_2118, %gather3A_2237 : vector<16xf32>
      %broadcast_in_dim3A_2239 = arith.constant 3 : i32
      %broadcast_in_dim3A_2240 = vector.broadcast %broadcast_in_dim3A_2239 : i32 to vector<16xi32>
      %lt3A_2241 = arith.constant 0 : i32
      %lt3A_2242 = vector.broadcast %lt3A_2241 : i32 to vector<16xi32>
      %lt3A_2243 = arith.cmpi slt, %broadcast_in_dim3A_2240, %lt3A_2242 : vector<16xi32>
      %add3A_2244 = arith.constant 16 : i32
      %add3A_2245 = vector.broadcast %add3A_2244 : i32 to vector<16xi32>
      %add3A_2246 = arith.addi %broadcast_in_dim3A_2240, %add3A_2245 : vector<16xi32>
      %select_n3A_2247 = arith.select %lt3A_2243, %add3A_2246, %broadcast_in_dim3A_2240 : vector<16xi1>, vector<16xi32>
      %broadcast_in_dim3A_2248 = vector.shape_cast %select_n3A_2247 : vector<16xi32> to vector<16x1xi32>
      %gather3A_2249 = vector.shape_cast %broadcast_in_dim3A_2248 : vector<16x1xi32> to vector<16xi32>
      %gather3A_2250 = tpu.dynamic_gather %select_n3A_498[%gather3A_2249] in [0] : vector<16xi32>, vector<16xi32> -> vector<16xi32>
      %add3A_2251 = arith.addi %mul3A_108, %gather3A_2250 : vector<16xi32>
      %gather3A_2252 = tpu.vector_load_idx %arg5[%add3A_2251] : memref<32896xf32, #tpu.memory_space<vmem>>[vector<16xi32>], vector<16xf32>,
      %mul3A_2253 = arith.mulf %mul3A_2133, %gather3A_2252 : vector<16xf32>
      %broadcast_in_dim3A_2254 = arith.constant 4 : i32
      %broadcast_in_dim3A_2255 = vector.broadcast %broadcast_in_dim3A_2254 : i32 to vector<16xi32>
      %lt3A_2256 = arith.constant 0 : i32
      %lt3A_2257 = vector.broadcast %lt3A_2256 : i32 to vector<16xi32>
      %lt3A_2258 = arith.cmpi slt, %broadcast_in_dim3A_2255, %lt3A_2257 : vector<16xi32>
      %add3A_2259 = arith.constant 16 : i32
      %add3A_2260 = vector.broadcast %add3A_2259 : i32 to vector<16xi32>
      %add3A_2261 = arith.addi %broadcast_in_dim3A_2255, %add3A_2260 : vector<16xi32>
      %select_n3A_2262 = arith.select %lt3A_2258, %add3A_2261, %broadcast_in_dim3A_2255 : vector<16xi1>, vector<16xi32>
      %broadcast_in_dim3A_2263 = vector.shape_cast %select_n3A_2262 : vector<16xi32> to vector<16x1xi32>
      %gather3A_2264 = vector.shape_cast %broadcast_in_dim3A_2263 : vector<16x1xi32> to vector<16xi32>
      %gather3A_2265 = tpu.dynamic_gather %select_n3A_498[%gather3A_2264] in [0] : vector<16xi32>, vector<16xi32> -> vector<16xi32>
      %add3A_2266 = arith.addi %mul3A_108, %gather3A_2265 : vector<16xi32>
      %gather3A_2267 = tpu.vector_load_idx %arg5[%add3A_2266] : memref<32896xf32, #tpu.memory_space<vmem>>[vector<16xi32>], vector<16xf32>,
      %mul3A_2268 = arith.mulf %mul3A_2148, %gather3A_2267 : vector<16xf32>
      %broadcast_in_dim3A_2269 = arith.constant 5 : i32
      %broadcast_in_dim3A_2270 = vector.broadcast %broadcast_in_dim3A_2269 : i32 to vector<16xi32>
      %lt3A_2271 = arith.constant 0 : i32
      %lt3A_2272 = vector.broadcast %lt3A_2271 : i32 to vector<16xi32>
      %lt3A_2273 = arith.cmpi slt, %broadcast_in_dim3A_2270, %lt3A_2272 : vector<16xi32>
      %add3A_2274 = arith.constant 16 : i32
      %add3A_2275 = vector.broadcast %add3A_2274 : i32 to vector<16xi32>
      %add3A_2276 = arith.addi %broadcast_in_dim3A_2270, %add3A_2275 : vector<16xi32>
      %select_n3A_2277 = arith.select %lt3A_2273, %add3A_2276, %broadcast_in_dim3A_2270 : vector<16xi1>, vector<16xi32>
      %broadcast_in_dim3A_2278 = vector.shape_cast %select_n3A_2277 : vector<16xi32> to vector<16x1xi32>
      %gather3A_2279 = vector.shape_cast %broadcast_in_dim3A_2278 : vector<16x1xi32> to vector<16xi32>
      %gather3A_2280 = tpu.dynamic_gather %select_n3A_498[%gather3A_2279] in [0] : vector<16xi32>, vector<16xi32> -> vector<16xi32>
      %add3A_2281 = arith.addi %mul3A_108, %gather3A_2280 : vector<16xi32>
      %gather3A_2282 = tpu.vector_load_idx %arg5[%add3A_2281] : memref<32896xf32, #tpu.memory_space<vmem>>[vector<16xi32>], vector<16xf32>,
      %mul3A_2283 = arith.mulf %mul3A_2163, %gather3A_2282 : vector<16xf32>
      %broadcast_in_dim3A_2284 = arith.constant 6 : i32
      %broadcast_in_dim3A_2285 = vector.broadcast %broadcast_in_dim3A_2284 : i32 to vector<16xi32>
      %lt3A_2286 = arith.constant 0 : i32
      %lt3A_2287 = vector.broadcast %lt3A_2286 : i32 to vector<16xi32>
      %lt3A_2288 = arith.cmpi slt, %broadcast_in_dim3A_2285, %lt3A_2287 : vector<16xi32>
      %add3A_2289 = arith.constant 16 : i32
      %add3A_2290 = vector.broadcast %add3A_2289 : i32 to vector<16xi32>
      %add3A_2291 = arith.addi %broadcast_in_dim3A_2285, %add3A_2290 : vector<16xi32>
      %select_n3A_2292 = arith.select %lt3A_2288, %add3A_2291, %broadcast_in_dim3A_2285 : vector<16xi1>, vector<16xi32>
      %broadcast_in_dim3A_2293 = vector.shape_cast %select_n3A_2292 : vector<16xi32> to vector<16x1xi32>
      %gather3A_2294 = vector.shape_cast %broadcast_in_dim3A_2293 : vector<16x1xi32> to vector<16xi32>
      %gather3A_2295 = tpu.dynamic_gather %select_n3A_498[%gather3A_2294] in [0] : vector<16xi32>, vector<16xi32> -> vector<16xi32>
      %add3A_2296 = arith.addi %mul3A_108, %gather3A_2295 : vector<16xi32>
      %gather3A_2297 = tpu.vector_load_idx %arg5[%add3A_2296] : memref<32896xf32, #tpu.memory_space<vmem>>[vector<16xi32>], vector<16xf32>,
      %mul3A_2298 = arith.mulf %mul3A_2178, %gather3A_2297 : vector<16xf32>
      %broadcast_in_dim3A_2299 = arith.constant 7 : i32
      %broadcast_in_dim3A_2300 = vector.broadcast %broadcast_in_dim3A_2299 : i32 to vector<16xi32>
      %lt3A_2301 = arith.constant 0 : i32
      %lt3A_2302 = vector.broadcast %lt3A_2301 : i32 to vector<16xi32>
      %lt3A_2303 = arith.cmpi slt, %broadcast_in_dim3A_2300, %lt3A_2302 : vector<16xi32>
      %add3A_2304 = arith.constant 16 : i32
      %add3A_2305 = vector.broadcast %add3A_2304 : i32 to vector<16xi32>
      %add3A_2306 = arith.addi %broadcast_in_dim3A_2300, %add3A_2305 : vector<16xi32>
      %select_n3A_2307 = arith.select %lt3A_2303, %add3A_2306, %broadcast_in_dim3A_2300 : vector<16xi1>, vector<16xi32>
      %broadcast_in_dim3A_2308 = vector.shape_cast %select_n3A_2307 : vector<16xi32> to vector<16x1xi32>
      %gather3A_2309 = vector.shape_cast %broadcast_in_dim3A_2308 : vector<16x1xi32> to vector<16xi32>
      %gather3A_2310 = tpu.dynamic_gather %select_n3A_498[%gather3A_2309] in [0] : vector<16xi32>, vector<16xi32> -> vector<16xi32>
      %add3A_2311 = arith.addi %mul3A_108, %gather3A_2310 : vector<16xi32>
      %gather3A_2312 = tpu.vector_load_idx %arg5[%add3A_2311] : memref<32896xf32, #tpu.memory_space<vmem>>[vector<16xi32>], vector<16xf32>,
      %mul3A_2313 = arith.mulf %mul3A_2193, %gather3A_2312 : vector<16xf32>
      %broadcast_in_dim3A_2314 = arith.constant 8 : i32
      %broadcast_in_dim3A_2315 = vector.broadcast %broadcast_in_dim3A_2314 : i32 to vector<16xi32>
      %lt3A_2316 = arith.constant 0 : i32
      %lt3A_2317 = vector.broadcast %lt3A_2316 : i32 to vector<16xi32>
      %lt3A_2318 = arith.cmpi slt, %broadcast_in_dim3A_2315, %lt3A_2317 : vector<16xi32>
      %add3A_2319 = arith.constant 16 : i32
      %add3A_2320 = vector.broadcast %add3A_2319 : i32 to vector<16xi32>
      %add3A_2321 = arith.addi %broadcast_in_dim3A_2315, %add3A_2320 : vector<16xi32>
      %select_n3A_2322 = arith.select %lt3A_2318, %add3A_2321, %broadcast_in_dim3A_2315 : vector<16xi1>, vector<16xi32>
      %broadcast_in_dim3A_2323 = vector.shape_cast %select_n3A_2322 : vector<16xi32> to vector<16x1xi32>
      %gather3A_2324 = vector.shape_cast %broadcast_in_dim3A_2323 : vector<16x1xi32> to vector<16xi32>
      %gather3A_2325 = tpu.dynamic_gather %select_n3A_498[%gather3A_2324] in [0] : vector<16xi32>, vector<16xi32> -> vector<16xi32>
      %add3A_2326 = arith.addi %mul3A_108, %gather3A_2325 : vector<16xi32>
      %gather3A_2327 = tpu.vector_load_idx %arg5[%add3A_2326] : memref<32896xf32, #tpu.memory_space<vmem>>[vector<16xi32>], vector<16xf32>,
      %mul3A_2328 = arith.mulf %mul3A_2208, %gather3A_2327 : vector<16xf32>
      %broadcast_in_dim3A_2329 = arith.constant 9 : i32
      %broadcast_in_dim3A_2330 = vector.broadcast %broadcast_in_dim3A_2329 : i32 to vector<16xi32>
      %lt3A_2331 = arith.constant 0 : i32
      %lt3A_2332 = vector.broadcast %lt3A_2331 : i32 to vector<16xi32>
      %lt3A_2333 = arith.cmpi slt, %broadcast_in_dim3A_2330, %lt3A_2332 : vector<16xi32>
      %add3A_2334 = arith.constant 16 : i32
      %add3A_2335 = vector.broadcast %add3A_2334 : i32 to vector<16xi32>
      %add3A_2336 = arith.addi %broadcast_in_dim3A_2330, %add3A_2335 : vector<16xi32>
      %select_n3A_2337 = arith.select %lt3A_2333, %add3A_2336, %broadcast_in_dim3A_2330 : vector<16xi1>, vector<16xi32>
      %broadcast_in_dim3A_2338 = vector.shape_cast %select_n3A_2337 : vector<16xi32> to vector<16x1xi32>
      %gather3A_2339 = vector.shape_cast %broadcast_in_dim3A_2338 : vector<16x1xi32> to vector<16xi32>
      %gather3A_2340 = tpu.dynamic_gather %select_n3A_498[%gather3A_2339] in [0] : vector<16xi32>, vector<16xi32> -> vector<16xi32>
      %add3A_2341 = arith.addi %mul3A_108, %gather3A_2340 : vector<16xi32>
      %gather3A_2342 = tpu.vector_load_idx %arg5[%add3A_2341] : memref<32896xf32, #tpu.memory_space<vmem>>[vector<16xi32>], vector<16xf32>,
      %mul3A_2343 = arith.mulf %mul3A_2223, %gather3A_2342 : vector<16xf32>
      %broadcast_in_dim3A_2344 = arith.constant 10 : i32
      %broadcast_in_dim3A_2345 = vector.broadcast %broadcast_in_dim3A_2344 : i32 to vector<16xi32>
      %lt3A_2346 = arith.constant 0 : i32
      %lt3A_2347 = vector.broadcast %lt3A_2346 : i32 to vector<16xi32>
      %lt3A_2348 = arith.cmpi slt, %broadcast_in_dim3A_2345, %lt3A_2347 : vector<16xi32>
      %add3A_2349 = arith.constant 16 : i32
      %add3A_2350 = vector.broadcast %add3A_2349 : i32 to vector<16xi32>
      %add3A_2351 = arith.addi %broadcast_in_dim3A_2345, %add3A_2350 : vector<16xi32>
      %select_n3A_2352 = arith.select %lt3A_2348, %add3A_2351, %broadcast_in_dim3A_2345 : vector<16xi1>, vector<16xi32>
      %broadcast_in_dim3A_2353 = vector.shape_cast %select_n3A_2352 : vector<16xi32> to vector<16x1xi32>
      %gather3A_2354 = vector.shape_cast %broadcast_in_dim3A_2353 : vector<16x1xi32> to vector<16xi32>
      %gather3A_2355 = tpu.dynamic_gather %select_n3A_498[%gather3A_2354] in [0] : vector<16xi32>, vector<16xi32> -> vector<16xi32>
      %add3A_2356 = arith.addi %mul3A_108, %gather3A_2355 : vector<16xi32>
      %gather3A_2357 = tpu.vector_load_idx %arg5[%add3A_2356] : memref<32896xf32, #tpu.memory_space<vmem>>[vector<16xi32>], vector<16xf32>,
      %mul3A_2358 = arith.mulf %mul3A_2238, %gather3A_2357 : vector<16xf32>
      %broadcast_in_dim3A_2359 = arith.constant 11 : i32
      %broadcast_in_dim3A_2360 = vector.broadcast %broadcast_in_dim3A_2359 : i32 to vector<16xi32>
      %lt3A_2361 = arith.constant 0 : i32
      %lt3A_2362 = vector.broadcast %lt3A_2361 : i32 to vector<16xi32>
      %lt3A_2363 = arith.cmpi slt, %broadcast_in_dim3A_2360, %lt3A_2362 : vector<16xi32>
      %add3A_2364 = arith.constant 16 : i32
      %add3A_2365 = vector.broadcast %add3A_2364 : i32 to vector<16xi32>
      %add3A_2366 = arith.addi %broadcast_in_dim3A_2360, %add3A_2365 : vector<16xi32>
      %select_n3A_2367 = arith.select %lt3A_2363, %add3A_2366, %broadcast_in_dim3A_2360 : vector<16xi1>, vector<16xi32>
      %broadcast_in_dim3A_2368 = vector.shape_cast %select_n3A_2367 : vector<16xi32> to vector<16x1xi32>
      %gather3A_2369 = vector.shape_cast %broadcast_in_dim3A_2368 : vector<16x1xi32> to vector<16xi32>
      %gather3A_2370 = tpu.dynamic_gather %select_n3A_498[%gather3A_2369] in [0] : vector<16xi32>, vector<16xi32> -> vector<16xi32>
      %add3A_2371 = arith.addi %mul3A_108, %gather3A_2370 : vector<16xi32>
      %gather3A_2372 = tpu.vector_load_idx %arg5[%add3A_2371] : memref<32896xf32, #tpu.memory_space<vmem>>[vector<16xi32>], vector<16xf32>,
      %mul3A_2373 = arith.mulf %mul3A_2253, %gather3A_2372 : vector<16xf32>
      %broadcast_in_dim3A_2374 = arith.constant 12 : i32
      %broadcast_in_dim3A_2375 = vector.broadcast %broadcast_in_dim3A_2374 : i32 to vector<16xi32>
      %lt3A_2376 = arith.constant 0 : i32
      %lt3A_2377 = vector.broadcast %lt3A_2376 : i32 to vector<16xi32>
      %lt3A_2378 = arith.cmpi slt, %broadcast_in_dim3A_2375, %lt3A_2377 : vector<16xi32>
      %add3A_2379 = arith.constant 16 : i32
      %add3A_2380 = vector.broadcast %add3A_2379 : i32 to vector<16xi32>
      %add3A_2381 = arith.addi %broadcast_in_dim3A_2375, %add3A_2380 : vector<16xi32>
      %select_n3A_2382 = arith.select %lt3A_2378, %add3A_2381, %broadcast_in_dim3A_2375 : vector<16xi1>, vector<16xi32>
      %broadcast_in_dim3A_2383 = vector.shape_cast %select_n3A_2382 : vector<16xi32> to vector<16x1xi32>
      %gather3A_2384 = vector.shape_cast %broadcast_in_dim3A_2383 : vector<16x1xi32> to vector<16xi32>
      %gather3A_2385 = tpu.dynamic_gather %select_n3A_498[%gather3A_2384] in [0] : vector<16xi32>, vector<16xi32> -> vector<16xi32>
      %add3A_2386 = arith.addi %mul3A_108, %gather3A_2385 : vector<16xi32>
      %gather3A_2387 = tpu.vector_load_idx %arg5[%add3A_2386] : memref<32896xf32, #tpu.memory_space<vmem>>[vector<16xi32>], vector<16xf32>,
      %mul3A_2388 = arith.mulf %mul3A_2268, %gather3A_2387 : vector<16xf32>
      %broadcast_in_dim3A_2389 = arith.constant 13 : i32
      %broadcast_in_dim3A_2390 = vector.broadcast %broadcast_in_dim3A_2389 : i32 to vector<16xi32>
      %lt3A_2391 = arith.constant 0 : i32
      %lt3A_2392 = vector.broadcast %lt3A_2391 : i32 to vector<16xi32>
      %lt3A_2393 = arith.cmpi slt, %broadcast_in_dim3A_2390, %lt3A_2392 : vector<16xi32>
      %add3A_2394 = arith.constant 16 : i32
      %add3A_2395 = vector.broadcast %add3A_2394 : i32 to vector<16xi32>
      %add3A_2396 = arith.addi %broadcast_in_dim3A_2390, %add3A_2395 : vector<16xi32>
      %select_n3A_2397 = arith.select %lt3A_2393, %add3A_2396, %broadcast_in_dim3A_2390 : vector<16xi1>, vector<16xi32>
      %broadcast_in_dim3A_2398 = vector.shape_cast %select_n3A_2397 : vector<16xi32> to vector<16x1xi32>
      %gather3A_2399 = vector.shape_cast %broadcast_in_dim3A_2398 : vector<16x1xi32> to vector<16xi32>
      %gather3A_2400 = tpu.dynamic_gather %select_n3A_498[%gather3A_2399] in [0] : vector<16xi32>, vector<16xi32> -> vector<16xi32>
      %add3A_2401 = arith.addi %mul3A_108, %gather3A_2400 : vector<16xi32>
      %gather3A_2402 = tpu.vector_load_idx %arg5[%add3A_2401] : memref<32896xf32, #tpu.memory_space<vmem>>[vector<16xi32>], vector<16xf32>,
      %mul3A_2403 = arith.mulf %mul3A_2283, %gather3A_2402 : vector<16xf32>
      %broadcast_in_dim3A_2404 = arith.constant 14 : i32
      %broadcast_in_dim3A_2405 = vector.broadcast %broadcast_in_dim3A_2404 : i32 to vector<16xi32>
      %lt3A_2406 = arith.constant 0 : i32
      %lt3A_2407 = vector.broadcast %lt3A_2406 : i32 to vector<16xi32>
      %lt3A_2408 = arith.cmpi slt, %broadcast_in_dim3A_2405, %lt3A_2407 : vector<16xi32>
      %add3A_2409 = arith.constant 16 : i32
      %add3A_2410 = vector.broadcast %add3A_2409 : i32 to vector<16xi32>
      %add3A_2411 = arith.addi %broadcast_in_dim3A_2405, %add3A_2410 : vector<16xi32>
      %select_n3A_2412 = arith.select %lt3A_2408, %add3A_2411, %broadcast_in_dim3A_2405 : vector<16xi1>, vector<16xi32>
      %broadcast_in_dim3A_2413 = vector.shape_cast %select_n3A_2412 : vector<16xi32> to vector<16x1xi32>
      %gather3A_2414 = vector.shape_cast %broadcast_in_dim3A_2413 : vector<16x1xi32> to vector<16xi32>
      %gather3A_2415 = tpu.dynamic_gather %select_n3A_498[%gather3A_2414] in [0] : vector<16xi32>, vector<16xi32> -> vector<16xi32>
      %add3A_2416 = arith.addi %mul3A_108, %gather3A_2415 : vector<16xi32>
      %gather3A_2417 = tpu.vector_load_idx %arg5[%add3A_2416] : memref<32896xf32, #tpu.memory_space<vmem>>[vector<16xi32>], vector<16xf32>,
      %mul3A_2418 = arith.mulf %mul3A_2298, %gather3A_2417 : vector<16xf32>
      %broadcast_in_dim3A_2419 = arith.constant 15 : i32
      %broadcast_in_dim3A_2420 = vector.broadcast %broadcast_in_dim3A_2419 : i32 to vector<16xi32>
      %lt3A_2421 = arith.constant 0 : i32
      %lt3A_2422 = vector.broadcast %lt3A_2421 : i32 to vector<16xi32>
      %lt3A_2423 = arith.cmpi slt, %broadcast_in_dim3A_2420, %lt3A_2422 : vector<16xi32>
      %add3A_2424 = arith.constant 16 : i32
      %add3A_2425 = vector.broadcast %add3A_2424 : i32 to vector<16xi32>
      %add3A_2426 = arith.addi %broadcast_in_dim3A_2420, %add3A_2425 : vector<16xi32>
      %select_n3A_2427 = arith.select %lt3A_2423, %add3A_2426, %broadcast_in_dim3A_2420 : vector<16xi1>, vector<16xi32>
      %broadcast_in_dim3A_2428 = vector.shape_cast %select_n3A_2427 : vector<16xi32> to vector<16x1xi32>
      %gather3A_2429 = vector.shape_cast %broadcast_in_dim3A_2428 : vector<16x1xi32> to vector<16xi32>
      %gather3A_2430 = tpu.dynamic_gather %select_n3A_498[%gather3A_2429] in [0] : vector<16xi32>, vector<16xi32> -> vector<16xi32>
      %add3A_2431 = arith.addi %mul3A_108, %gather3A_2430 : vector<16xi32>
      %gather3A_2432 = tpu.vector_load_idx %arg5[%add3A_2431] : memref<32896xf32, #tpu.memory_space<vmem>>[vector<16xi32>], vector<16xf32>,
      %mul3A_2433 = arith.mulf %mul3A_2313, %gather3A_2432 : vector<16xf32>
      %mul3A_2434 = arith.mulf %mul3A_2328, %mul3A_2343 : vector<16xf32>
      %mul3A_2435 = arith.mulf %mul3A_2358, %mul3A_2373 : vector<16xf32>
      %mul3A_2436 = arith.mulf %mul3A_2434, %mul3A_2435 : vector<16xf32>
      %mul3A_2437 = arith.mulf %mul3A_2388, %mul3A_2403 : vector<16xf32>
      %mul3A_2438 = arith.mulf %mul3A_2418, %mul3A_2433 : vector<16xf32>
      %mul3A_2439 = arith.mulf %mul3A_2437, %mul3A_2438 : vector<16xf32>
      %mul3A_2440 = arith.constant 128 : i32
      %mul3A_2441 = arith.muli %scan3A_114, %mul3A_2440 : i32
      %add3A_2442 = arith.addi %mul3A_2441, %scan3A_205 : i32
      %broadcast_in_dim3A_2443 = vector.broadcast %add3A_2442 : i32 to vector<16xi32>
      %add3A_2444 = arith.addi %mul3A_111, %broadcast_in_dim3A_2443 : vector<16xi32>
      %mul3A_2445 = arith.mulf %mul3A_2436, %mul3A_2439 : vector<16xf32>
      tpu.vector_store_idx %arg7[%add3A_2444], %mul3A_2445 : memref<2176xf32, #tpu.memory_space<vmem>>[vector<16xi32>], vector<16xf32>,
    }
    %scan3A_123 = arith.constant 128 : i32
    %scan3A_124 = arith.constant 1 : i32
    %add3A_125 = arith.constant 0 : i32
    %add3A_126 = arith.addi %mul3A_18, %add3A_125 : i32
    %mul3A_127 = arith.constant 512 : i32
    %mul3A_128 = arith.muli %add3A_126, %mul3A_127 : i32
    %add3A_129 = arith.addi %mul3A_128, %mul3A_34 : i32
    "tpu.region"() ({
      %run_scoped3A = tpu.sem_alloc : memref<!tpu.dma_semaphore, #tpu.memory_space<semaphore_mem>>
      %dma_start3A = arith.constant 0 : i32
      %dma_start3A_205 = tpu.memref_slice %arg7[%dma_start3A] : memref<2176xf32, #tpu.memory_space<vmem>> -> memref<128xf32, #tpu.memory_space<vmem>>
      %dma_start3A_206 = tpu.memref_slice %arg4[%add3A_129] : memref<65536xf32, #tpu.memory_space<hbm>> -> memref<128xf32, #tpu.memory_space<hbm>>
      %dma_start3A_207 = tpu.memref_slice %arg4[%add3A_129] : memref<65536xf32, #tpu.memory_space<hbm>> -> memref<128xf32, #tpu.memory_space<hbm>>
      %dma_start3A_208 = arith.constant 0 : i32
      %dma_start3A_209 = tpu.memref_slice %arg7[%dma_start3A_208] : memref<2176xf32, #tpu.memory_space<vmem>> -> memref<128xf32, #tpu.memory_space<vmem>>
      tpu.enqueue_dma source(%dma_start3A_209 : memref<128xf32, #tpu.memory_space<vmem>>) target(%dma_start3A_207 : memref<128xf32, #tpu.memory_space<hbm>>) target_semaphore(%run_scoped3A : memref<!tpu.dma_semaphore, #tpu.memory_space<semaphore_mem>>)
      %dma_wait3A = arith.constant 0 : i32
      %dma_wait3A_210 = tpu.memref_slice %arg7[%dma_wait3A] : memref<2176xf32, #tpu.memory_space<vmem>> -> memref<128xf32, #tpu.memory_space<vmem>>
      %dma_wait3A_211 = tpu.memref_slice %arg4[%add3A_129] : memref<65536xf32, #tpu.memory_space<hbm>> -> memref<128xf32, #tpu.memory_space<hbm>>
      %dma_wait3A_212 = tpu.memref_slice %arg4[%add3A_129] : memref<65536xf32, #tpu.memory_space<hbm>> -> memref<128xf32, #tpu.memory_space<hbm>>
      %dma_wait3A_213 = arith.constant 0 : i32
      %dma_wait3A_214 = tpu.memref_slice %arg7[%dma_wait3A_213] : memref<2176xf32, #tpu.memory_space<vmem>> -> memref<128xf32, #tpu.memory_space<vmem>>
      tpu.wait_dma2 semaphore(%run_scoped3A : memref<!tpu.dma_semaphore, #tpu.memory_space<semaphore_mem>>) src(%dma_wait3A_214 : memref<128xf32, #tpu.memory_space<vmem>>) dst(%dma_wait3A_212 : memref<128xf32, #tpu.memory_space<hbm>>)
      tpu.yield
    }) : () -> ()
    %add3A_130 = arith.constant 1 : i32
    %add3A_131 = arith.addi %mul3A_18, %add3A_130 : i32
    %mul3A_132 = arith.constant 512 : i32
    %mul3A_133 = arith.muli %add3A_131, %mul3A_132 : i32
    %add3A_134 = arith.addi %mul3A_133, %mul3A_34 : i32
    "tpu.region"() ({
      %run_scoped3A = tpu.sem_alloc : memref<!tpu.dma_semaphore, #tpu.memory_space<semaphore_mem>>
      %dma_start3A = arith.constant 136 : i32
      %dma_start3A_205 = tpu.memref_slice %arg7[%dma_start3A] : memref<2176xf32, #tpu.memory_space<vmem>> -> memref<128xf32, #tpu.memory_space<vmem>>
      %dma_start3A_206 = tpu.memref_slice %arg4[%add3A_134] : memref<65536xf32, #tpu.memory_space<hbm>> -> memref<128xf32, #tpu.memory_space<hbm>>
      %dma_start3A_207 = tpu.memref_slice %arg4[%add3A_134] : memref<65536xf32, #tpu.memory_space<hbm>> -> memref<128xf32, #tpu.memory_space<hbm>>
      %dma_start3A_208 = arith.constant 136 : i32
      %dma_start3A_209 = tpu.memref_slice %arg7[%dma_start3A_208] : memref<2176xf32, #tpu.memory_space<vmem>> -> memref<128xf32, #tpu.memory_space<vmem>>
      tpu.enqueue_dma source(%dma_start3A_209 : memref<128xf32, #tpu.memory_space<vmem>>) target(%dma_start3A_207 : memref<128xf32, #tpu.memory_space<hbm>>) target_semaphore(%run_scoped3A : memref<!tpu.dma_semaphore, #tpu.memory_space<semaphore_mem>>)
      %dma_wait3A = arith.constant 136 : i32
      %dma_wait3A_210 = tpu.memref_slice %arg7[%dma_wait3A] : memref<2176xf32, #tpu.memory_space<vmem>> -> memref<128xf32, #tpu.memory_space<vmem>>
      %dma_wait3A_211 = tpu.memref_slice %arg4[%add3A_134] : memref<65536xf32, #tpu.memory_space<hbm>> -> memref<128xf32, #tpu.memory_space<hbm>>
      %dma_wait3A_212 = tpu.memref_slice %arg4[%add3A_134] : memref<65536xf32, #tpu.memory_space<hbm>> -> memref<128xf32, #tpu.memory_space<hbm>>
      %dma_wait3A_213 = arith.constant 136 : i32
      %dma_wait3A_214 = tpu.memref_slice %arg7[%dma_wait3A_213] : memref<2176xf32, #tpu.memory_space<vmem>> -> memref<128xf32, #tpu.memory_space<vmem>>
      tpu.wait_dma2 semaphore(%run_scoped3A : memref<!tpu.dma_semaphore, #tpu.memory_space<semaphore_mem>>) src(%dma_wait3A_214 : memref<128xf32, #tpu.memory_space<vmem>>) dst(%dma_wait3A_212 : memref<128xf32, #tpu.memory_space<hbm>>)
      tpu.yield
    }) : () -> ()
    %add3A_135 = arith.constant 2 : i32
    %add3A_136 = arith.addi %mul3A_18, %add3A_135 : i32
    %mul3A_137 = arith.constant 512 : i32
    %mul3A_138 = arith.muli %add3A_136, %mul3A_137 : i32
    %add3A_139 = arith.addi %mul3A_138, %mul3A_34 : i32
    "tpu.region"() ({
      %run_scoped3A = tpu.sem_alloc : memref<!tpu.dma_semaphore, #tpu.memory_space<semaphore_mem>>
      %dma_start3A = arith.constant 272 : i32
      %dma_start3A_205 = tpu.memref_slice %arg7[%dma_start3A] : memref<2176xf32, #tpu.memory_space<vmem>> -> memref<128xf32, #tpu.memory_space<vmem>>
      %dma_start3A_206 = tpu.memref_slice %arg4[%add3A_139] : memref<65536xf32, #tpu.memory_space<hbm>> -> memref<128xf32, #tpu.memory_space<hbm>>
      %dma_start3A_207 = tpu.memref_slice %arg4[%add3A_139] : memref<65536xf32, #tpu.memory_space<hbm>> -> memref<128xf32, #tpu.memory_space<hbm>>
      %dma_start3A_208 = arith.constant 272 : i32
      %dma_start3A_209 = tpu.memref_slice %arg7[%dma_start3A_208] : memref<2176xf32, #tpu.memory_space<vmem>> -> memref<128xf32, #tpu.memory_space<vmem>>
      tpu.enqueue_dma source(%dma_start3A_209 : memref<128xf32, #tpu.memory_space<vmem>>) target(%dma_start3A_207 : memref<128xf32, #tpu.memory_space<hbm>>) target_semaphore(%run_scoped3A : memref<!tpu.dma_semaphore, #tpu.memory_space<semaphore_mem>>)
      %dma_wait3A = arith.constant 272 : i32
      %dma_wait3A_210 = tpu.memref_slice %arg7[%dma_wait3A] : memref<2176xf32, #tpu.memory_space<vmem>> -> memref<128xf32, #tpu.memory_space<vmem>>
      %dma_wait3A_211 = tpu.memref_slice %arg4[%add3A_139] : memref<65536xf32, #tpu.memory_space<hbm>> -> memref<128xf32, #tpu.memory_space<hbm>>
      %dma_wait3A_212 = tpu.memref_slice %arg4[%add3A_139] : memref<65536xf32, #tpu.memory_space<hbm>> -> memref<128xf32, #tpu.memory_space<hbm>>
      %dma_wait3A_213 = arith.constant 272 : i32
      %dma_wait3A_214 = tpu.memref_slice %arg7[%dma_wait3A_213] : memref<2176xf32, #tpu.memory_space<vmem>> -> memref<128xf32, #tpu.memory_space<vmem>>
      tpu.wait_dma2 semaphore(%run_scoped3A : memref<!tpu.dma_semaphore, #tpu.memory_space<semaphore_mem>>) src(%dma_wait3A_214 : memref<128xf32, #tpu.memory_space<vmem>>) dst(%dma_wait3A_212 : memref<128xf32, #tpu.memory_space<hbm>>)
      tpu.yield
    }) : () -> ()
    %add3A_140 = arith.constant 3 : i32
    %add3A_141 = arith.addi %mul3A_18, %add3A_140 : i32
    %mul3A_142 = arith.constant 512 : i32
    %mul3A_143 = arith.muli %add3A_141, %mul3A_142 : i32
    %add3A_144 = arith.addi %mul3A_143, %mul3A_34 : i32
    "tpu.region"() ({
      %run_scoped3A = tpu.sem_alloc : memref<!tpu.dma_semaphore, #tpu.memory_space<semaphore_mem>>
      %dma_start3A = arith.constant 408 : i32
      %dma_start3A_205 = tpu.memref_slice %arg7[%dma_start3A] : memref<2176xf32, #tpu.memory_space<vmem>> -> memref<128xf32, #tpu.memory_space<vmem>>
      %dma_start3A_206 = tpu.memref_slice %arg4[%add3A_144] : memref<65536xf32, #tpu.memory_space<hbm>> -> memref<128xf32, #tpu.memory_space<hbm>>
      %dma_start3A_207 = tpu.memref_slice %arg4[%add3A_144] : memref<65536xf32, #tpu.memory_space<hbm>> -> memref<128xf32, #tpu.memory_space<hbm>>
      %dma_start3A_208 = arith.constant 408 : i32
      %dma_start3A_209 = tpu.memref_slice %arg7[%dma_start3A_208] : memref<2176xf32, #tpu.memory_space<vmem>> -> memref<128xf32, #tpu.memory_space<vmem>>
      tpu.enqueue_dma source(%dma_start3A_209 : memref<128xf32, #tpu.memory_space<vmem>>) target(%dma_start3A_207 : memref<128xf32, #tpu.memory_space<hbm>>) target_semaphore(%run_scoped3A : memref<!tpu.dma_semaphore, #tpu.memory_space<semaphore_mem>>)
      %dma_wait3A = arith.constant 408 : i32
      %dma_wait3A_210 = tpu.memref_slice %arg7[%dma_wait3A] : memref<2176xf32, #tpu.memory_space<vmem>> -> memref<128xf32, #tpu.memory_space<vmem>>
      %dma_wait3A_211 = tpu.memref_slice %arg4[%add3A_144] : memref<65536xf32, #tpu.memory_space<hbm>> -> memref<128xf32, #tpu.memory_space<hbm>>
      %dma_wait3A_212 = tpu.memref_slice %arg4[%add3A_144] : memref<65536xf32, #tpu.memory_space<hbm>> -> memref<128xf32, #tpu.memory_space<hbm>>
      %dma_wait3A_213 = arith.constant 408 : i32
      %dma_wait3A_214 = tpu.memref_slice %arg7[%dma_wait3A_213] : memref<2176xf32, #tpu.memory_space<vmem>> -> memref<128xf32, #tpu.memory_space<vmem>>
      tpu.wait_dma2 semaphore(%run_scoped3A : memref<!tpu.dma_semaphore, #tpu.memory_space<semaphore_mem>>) src(%dma_wait3A_214 : memref<128xf32, #tpu.memory_space<vmem>>) dst(%dma_wait3A_212 : memref<128xf32, #tpu.memory_space<hbm>>)
      tpu.yield
    }) : () -> ()
    %add3A_145 = arith.constant 4 : i32
    %add3A_146 = arith.addi %mul3A_18, %add3A_145 : i32
    %mul3A_147 = arith.constant 512 : i32
    %mul3A_148 = arith.muli %add3A_146, %mul3A_147 : i32
    %add3A_149 = arith.addi %mul3A_148, %mul3A_34 : i32
    "tpu.region"() ({
      %run_scoped3A = tpu.sem_alloc : memref<!tpu.dma_semaphore, #tpu.memory_space<semaphore_mem>>
      %dma_start3A = arith.constant 544 : i32
      %dma_start3A_205 = tpu.memref_slice %arg7[%dma_start3A] : memref<2176xf32, #tpu.memory_space<vmem>> -> memref<128xf32, #tpu.memory_space<vmem>>
      %dma_start3A_206 = tpu.memref_slice %arg4[%add3A_149] : memref<65536xf32, #tpu.memory_space<hbm>> -> memref<128xf32, #tpu.memory_space<hbm>>
      %dma_start3A_207 = tpu.memref_slice %arg4[%add3A_149] : memref<65536xf32, #tpu.memory_space<hbm>> -> memref<128xf32, #tpu.memory_space<hbm>>
      %dma_start3A_208 = arith.constant 544 : i32
      %dma_start3A_209 = tpu.memref_slice %arg7[%dma_start3A_208] : memref<2176xf32, #tpu.memory_space<vmem>> -> memref<128xf32, #tpu.memory_space<vmem>>
      tpu.enqueue_dma source(%dma_start3A_209 : memref<128xf32, #tpu.memory_space<vmem>>) target(%dma_start3A_207 : memref<128xf32, #tpu.memory_space<hbm>>) target_semaphore(%run_scoped3A : memref<!tpu.dma_semaphore, #tpu.memory_space<semaphore_mem>>)
      %dma_wait3A = arith.constant 544 : i32
      %dma_wait3A_210 = tpu.memref_slice %arg7[%dma_wait3A] : memref<2176xf32, #tpu.memory_space<vmem>> -> memref<128xf32, #tpu.memory_space<vmem>>
      %dma_wait3A_211 = tpu.memref_slice %arg4[%add3A_149] : memref<65536xf32, #tpu.memory_space<hbm>> -> memref<128xf32, #tpu.memory_space<hbm>>
      %dma_wait3A_212 = tpu.memref_slice %arg4[%add3A_149] : memref<65536xf32, #tpu.memory_space<hbm>> -> memref<128xf32, #tpu.memory_space<hbm>>
      %dma_wait3A_213 = arith.constant 544 : i32
      %dma_wait3A_214 = tpu.memref_slice %arg7[%dma_wait3A_213] : memref<2176xf32, #tpu.memory_space<vmem>> -> memref<128xf32, #tpu.memory_space<vmem>>
      tpu.wait_dma2 semaphore(%run_scoped3A : memref<!tpu.dma_semaphore, #tpu.memory_space<semaphore_mem>>) src(%dma_wait3A_214 : memref<128xf32, #tpu.memory_space<vmem>>) dst(%dma_wait3A_212 : memref<128xf32, #tpu.memory_space<hbm>>)
      tpu.yield
    }) : () -> ()
    %add3A_150 = arith.constant 5 : i32
    %add3A_151 = arith.addi %mul3A_18, %add3A_150 : i32
    %mul3A_152 = arith.constant 512 : i32
    %mul3A_153 = arith.muli %add3A_151, %mul3A_152 : i32
    %add3A_154 = arith.addi %mul3A_153, %mul3A_34 : i32
    "tpu.region"() ({
      %run_scoped3A = tpu.sem_alloc : memref<!tpu.dma_semaphore, #tpu.memory_space<semaphore_mem>>
      %dma_start3A = arith.constant 680 : i32
      %dma_start3A_205 = tpu.memref_slice %arg7[%dma_start3A] : memref<2176xf32, #tpu.memory_space<vmem>> -> memref<128xf32, #tpu.memory_space<vmem>>
      %dma_start3A_206 = tpu.memref_slice %arg4[%add3A_154] : memref<65536xf32, #tpu.memory_space<hbm>> -> memref<128xf32, #tpu.memory_space<hbm>>
      %dma_start3A_207 = tpu.memref_slice %arg4[%add3A_154] : memref<65536xf32, #tpu.memory_space<hbm>> -> memref<128xf32, #tpu.memory_space<hbm>>
      %dma_start3A_208 = arith.constant 680 : i32
      %dma_start3A_209 = tpu.memref_slice %arg7[%dma_start3A_208] : memref<2176xf32, #tpu.memory_space<vmem>> -> memref<128xf32, #tpu.memory_space<vmem>>
      tpu.enqueue_dma source(%dma_start3A_209 : memref<128xf32, #tpu.memory_space<vmem>>) target(%dma_start3A_207 : memref<128xf32, #tpu.memory_space<hbm>>) target_semaphore(%run_scoped3A : memref<!tpu.dma_semaphore, #tpu.memory_space<semaphore_mem>>)
      %dma_wait3A = arith.constant 680 : i32
      %dma_wait3A_210 = tpu.memref_slice %arg7[%dma_wait3A] : memref<2176xf32, #tpu.memory_space<vmem>> -> memref<128xf32, #tpu.memory_space<vmem>>
      %dma_wait3A_211 = tpu.memref_slice %arg4[%add3A_154] : memref<65536xf32, #tpu.memory_space<hbm>> -> memref<128xf32, #tpu.memory_space<hbm>>
      %dma_wait3A_212 = tpu.memref_slice %arg4[%add3A_154] : memref<65536xf32, #tpu.memory_space<hbm>> -> memref<128xf32, #tpu.memory_space<hbm>>
      %dma_wait3A_213 = arith.constant 680 : i32
      %dma_wait3A_214 = tpu.memref_slice %arg7[%dma_wait3A_213] : memref<2176xf32, #tpu.memory_space<vmem>> -> memref<128xf32, #tpu.memory_space<vmem>>
      tpu.wait_dma2 semaphore(%run_scoped3A : memref<!tpu.dma_semaphore, #tpu.memory_space<semaphore_mem>>) src(%dma_wait3A_214 : memref<128xf32, #tpu.memory_space<vmem>>) dst(%dma_wait3A_212 : memref<128xf32, #tpu.memory_space<hbm>>)
      tpu.yield
    }) : () -> ()
    %add3A_155 = arith.constant 6 : i32
    %add3A_156 = arith.addi %mul3A_18, %add3A_155 : i32
    %mul3A_157 = arith.constant 512 : i32
    %mul3A_158 = arith.muli %add3A_156, %mul3A_157 : i32
    %add3A_159 = arith.addi %mul3A_158, %mul3A_34 : i32
    "tpu.region"() ({
      %run_scoped3A = tpu.sem_alloc : memref<!tpu.dma_semaphore, #tpu.memory_space<semaphore_mem>>
      %dma_start3A = arith.constant 816 : i32
      %dma_start3A_205 = tpu.memref_slice %arg7[%dma_start3A] : memref<2176xf32, #tpu.memory_space<vmem>> -> memref<128xf32, #tpu.memory_space<vmem>>
      %dma_start3A_206 = tpu.memref_slice %arg4[%add3A_159] : memref<65536xf32, #tpu.memory_space<hbm>> -> memref<128xf32, #tpu.memory_space<hbm>>
      %dma_start3A_207 = tpu.memref_slice %arg4[%add3A_159] : memref<65536xf32, #tpu.memory_space<hbm>> -> memref<128xf32, #tpu.memory_space<hbm>>
      %dma_start3A_208 = arith.constant 816 : i32
      %dma_start3A_209 = tpu.memref_slice %arg7[%dma_start3A_208] : memref<2176xf32, #tpu.memory_space<vmem>> -> memref<128xf32, #tpu.memory_space<vmem>>
      tpu.enqueue_dma source(%dma_start3A_209 : memref<128xf32, #tpu.memory_space<vmem>>) target(%dma_start3A_207 : memref<128xf32, #tpu.memory_space<hbm>>) target_semaphore(%run_scoped3A : memref<!tpu.dma_semaphore, #tpu.memory_space<semaphore_mem>>)
      %dma_wait3A = arith.constant 816 : i32
      %dma_wait3A_210 = tpu.memref_slice %arg7[%dma_wait3A] : memref<2176xf32, #tpu.memory_space<vmem>> -> memref<128xf32, #tpu.memory_space<vmem>>
      %dma_wait3A_211 = tpu.memref_slice %arg4[%add3A_159] : memref<65536xf32, #tpu.memory_space<hbm>> -> memref<128xf32, #tpu.memory_space<hbm>>
      %dma_wait3A_212 = tpu.memref_slice %arg4[%add3A_159] : memref<65536xf32, #tpu.memory_space<hbm>> -> memref<128xf32, #tpu.memory_space<hbm>>
      %dma_wait3A_213 = arith.constant 816 : i32
      %dma_wait3A_214 = tpu.memref_slice %arg7[%dma_wait3A_213] : memref<2176xf32, #tpu.memory_space<vmem>> -> memref<128xf32, #tpu.memory_space<vmem>>
      tpu.wait_dma2 semaphore(%run_scoped3A : memref<!tpu.dma_semaphore, #tpu.memory_space<semaphore_mem>>) src(%dma_wait3A_214 : memref<128xf32, #tpu.memory_space<vmem>>) dst(%dma_wait3A_212 : memref<128xf32, #tpu.memory_space<hbm>>)
      tpu.yield
    }) : () -> ()
    %add3A_160 = arith.constant 7 : i32
    %add3A_161 = arith.addi %mul3A_18, %add3A_160 : i32
    %mul3A_162 = arith.constant 512 : i32
    %mul3A_163 = arith.muli %add3A_161, %mul3A_162 : i32
    %add3A_164 = arith.addi %mul3A_163, %mul3A_34 : i32
    "tpu.region"() ({
      %run_scoped3A = tpu.sem_alloc : memref<!tpu.dma_semaphore, #tpu.memory_space<semaphore_mem>>
      %dma_start3A = arith.constant 952 : i32
      %dma_start3A_205 = tpu.memref_slice %arg7[%dma_start3A] : memref<2176xf32, #tpu.memory_space<vmem>> -> memref<128xf32, #tpu.memory_space<vmem>>
      %dma_start3A_206 = tpu.memref_slice %arg4[%add3A_164] : memref<65536xf32, #tpu.memory_space<hbm>> -> memref<128xf32, #tpu.memory_space<hbm>>
      %dma_start3A_207 = tpu.memref_slice %arg4[%add3A_164] : memref<65536xf32, #tpu.memory_space<hbm>> -> memref<128xf32, #tpu.memory_space<hbm>>
      %dma_start3A_208 = arith.constant 952 : i32
      %dma_start3A_209 = tpu.memref_slice %arg7[%dma_start3A_208] : memref<2176xf32, #tpu.memory_space<vmem>> -> memref<128xf32, #tpu.memory_space<vmem>>
      tpu.enqueue_dma source(%dma_start3A_209 : memref<128xf32, #tpu.memory_space<vmem>>) target(%dma_start3A_207 : memref<128xf32, #tpu.memory_space<hbm>>) target_semaphore(%run_scoped3A : memref<!tpu.dma_semaphore, #tpu.memory_space<semaphore_mem>>)
      %dma_wait3A = arith.constant 952 : i32
      %dma_wait3A_210 = tpu.memref_slice %arg7[%dma_wait3A] : memref<2176xf32, #tpu.memory_space<vmem>> -> memref<128xf32, #tpu.memory_space<vmem>>
      %dma_wait3A_211 = tpu.memref_slice %arg4[%add3A_164] : memref<65536xf32, #tpu.memory_space<hbm>> -> memref<128xf32, #tpu.memory_space<hbm>>
      %dma_wait3A_212 = tpu.memref_slice %arg4[%add3A_164] : memref<65536xf32, #tpu.memory_space<hbm>> -> memref<128xf32, #tpu.memory_space<hbm>>
      %dma_wait3A_213 = arith.constant 952 : i32
      %dma_wait3A_214 = tpu.memref_slice %arg7[%dma_wait3A_213] : memref<2176xf32, #tpu.memory_space<vmem>> -> memref<128xf32, #tpu.memory_space<vmem>>
      tpu.wait_dma2 semaphore(%run_scoped3A : memref<!tpu.dma_semaphore, #tpu.memory_space<semaphore_mem>>) src(%dma_wait3A_214 : memref<128xf32, #tpu.memory_space<vmem>>) dst(%dma_wait3A_212 : memref<128xf32, #tpu.memory_space<hbm>>)
      tpu.yield
    }) : () -> ()
    %add3A_165 = arith.constant 8 : i32
    %add3A_166 = arith.addi %mul3A_18, %add3A_165 : i32
    %mul3A_167 = arith.constant 512 : i32
    %mul3A_168 = arith.muli %add3A_166, %mul3A_167 : i32
    %add3A_169 = arith.addi %mul3A_168, %mul3A_34 : i32
    "tpu.region"() ({
      %run_scoped3A = tpu.sem_alloc : memref<!tpu.dma_semaphore, #tpu.memory_space<semaphore_mem>>
      %dma_start3A = arith.constant 1088 : i32
      %dma_start3A_205 = tpu.memref_slice %arg7[%dma_start3A] : memref<2176xf32, #tpu.memory_space<vmem>> -> memref<128xf32, #tpu.memory_space<vmem>>
      %dma_start3A_206 = tpu.memref_slice %arg4[%add3A_169] : memref<65536xf32, #tpu.memory_space<hbm>> -> memref<128xf32, #tpu.memory_space<hbm>>
      %dma_start3A_207 = tpu.memref_slice %arg4[%add3A_169] : memref<65536xf32, #tpu.memory_space<hbm>> -> memref<128xf32, #tpu.memory_space<hbm>>
      %dma_start3A_208 = arith.constant 1088 : i32
      %dma_start3A_209 = tpu.memref_slice %arg7[%dma_start3A_208] : memref<2176xf32, #tpu.memory_space<vmem>> -> memref<128xf32, #tpu.memory_space<vmem>>
      tpu.enqueue_dma source(%dma_start3A_209 : memref<128xf32, #tpu.memory_space<vmem>>) target(%dma_start3A_207 : memref<128xf32, #tpu.memory_space<hbm>>) target_semaphore(%run_scoped3A : memref<!tpu.dma_semaphore, #tpu.memory_space<semaphore_mem>>)
      %dma_wait3A = arith.constant 1088 : i32
      %dma_wait3A_210 = tpu.memref_slice %arg7[%dma_wait3A] : memref<2176xf32, #tpu.memory_space<vmem>> -> memref<128xf32, #tpu.memory_space<vmem>>
      %dma_wait3A_211 = tpu.memref_slice %arg4[%add3A_169] : memref<65536xf32, #tpu.memory_space<hbm>> -> memref<128xf32, #tpu.memory_space<hbm>>
      %dma_wait3A_212 = tpu.memref_slice %arg4[%add3A_169] : memref<65536xf32, #tpu.memory_space<hbm>> -> memref<128xf32, #tpu.memory_space<hbm>>
      %dma_wait3A_213 = arith.constant 1088 : i32
      %dma_wait3A_214 = tpu.memref_slice %arg7[%dma_wait3A_213] : memref<2176xf32, #tpu.memory_space<vmem>> -> memref<128xf32, #tpu.memory_space<vmem>>
      tpu.wait_dma2 semaphore(%run_scoped3A : memref<!tpu.dma_semaphore, #tpu.memory_space<semaphore_mem>>) src(%dma_wait3A_214 : memref<128xf32, #tpu.memory_space<vmem>>) dst(%dma_wait3A_212 : memref<128xf32, #tpu.memory_space<hbm>>)
      tpu.yield
    }) : () -> ()
    %add3A_170 = arith.constant 9 : i32
    %add3A_171 = arith.addi %mul3A_18, %add3A_170 : i32
    %mul3A_172 = arith.constant 512 : i32
    %mul3A_173 = arith.muli %add3A_171, %mul3A_172 : i32
    %add3A_174 = arith.addi %mul3A_173, %mul3A_34 : i32
    "tpu.region"() ({
      %run_scoped3A = tpu.sem_alloc : memref<!tpu.dma_semaphore, #tpu.memory_space<semaphore_mem>>
      %dma_start3A = arith.constant 1224 : i32
      %dma_start3A_205 = tpu.memref_slice %arg7[%dma_start3A] : memref<2176xf32, #tpu.memory_space<vmem>> -> memref<128xf32, #tpu.memory_space<vmem>>
      %dma_start3A_206 = tpu.memref_slice %arg4[%add3A_174] : memref<65536xf32, #tpu.memory_space<hbm>> -> memref<128xf32, #tpu.memory_space<hbm>>
      %dma_start3A_207 = tpu.memref_slice %arg4[%add3A_174] : memref<65536xf32, #tpu.memory_space<hbm>> -> memref<128xf32, #tpu.memory_space<hbm>>
      %dma_start3A_208 = arith.constant 1224 : i32
      %dma_start3A_209 = tpu.memref_slice %arg7[%dma_start3A_208] : memref<2176xf32, #tpu.memory_space<vmem>> -> memref<128xf32, #tpu.memory_space<vmem>>
      tpu.enqueue_dma source(%dma_start3A_209 : memref<128xf32, #tpu.memory_space<vmem>>) target(%dma_start3A_207 : memref<128xf32, #tpu.memory_space<hbm>>) target_semaphore(%run_scoped3A : memref<!tpu.dma_semaphore, #tpu.memory_space<semaphore_mem>>)
      %dma_wait3A = arith.constant 1224 : i32
      %dma_wait3A_210 = tpu.memref_slice %arg7[%dma_wait3A] : memref<2176xf32, #tpu.memory_space<vmem>> -> memref<128xf32, #tpu.memory_space<vmem>>
      %dma_wait3A_211 = tpu.memref_slice %arg4[%add3A_174] : memref<65536xf32, #tpu.memory_space<hbm>> -> memref<128xf32, #tpu.memory_space<hbm>>
      %dma_wait3A_212 = tpu.memref_slice %arg4[%add3A_174] : memref<65536xf32, #tpu.memory_space<hbm>> -> memref<128xf32, #tpu.memory_space<hbm>>
      %dma_wait3A_213 = arith.constant 1224 : i32
      %dma_wait3A_214 = tpu.memref_slice %arg7[%dma_wait3A_213] : memref<2176xf32, #tpu.memory_space<vmem>> -> memref<128xf32, #tpu.memory_space<vmem>>
      tpu.wait_dma2 semaphore(%run_scoped3A : memref<!tpu.dma_semaphore, #tpu.memory_space<semaphore_mem>>) src(%dma_wait3A_214 : memref<128xf32, #tpu.memory_space<vmem>>) dst(%dma_wait3A_212 : memref<128xf32, #tpu.memory_space<hbm>>)
      tpu.yield
    }) : () -> ()
    %add3A_175 = arith.constant 10 : i32
    %add3A_176 = arith.addi %mul3A_18, %add3A_175 : i32
    %mul3A_177 = arith.constant 512 : i32
    %mul3A_178 = arith.muli %add3A_176, %mul3A_177 : i32
    %add3A_179 = arith.addi %mul3A_178, %mul3A_34 : i32
    "tpu.region"() ({
      %run_scoped3A = tpu.sem_alloc : memref<!tpu.dma_semaphore, #tpu.memory_space<semaphore_mem>>
      %dma_start3A = arith.constant 1360 : i32
      %dma_start3A_205 = tpu.memref_slice %arg7[%dma_start3A] : memref<2176xf32, #tpu.memory_space<vmem>> -> memref<128xf32, #tpu.memory_space<vmem>>
      %dma_start3A_206 = tpu.memref_slice %arg4[%add3A_179] : memref<65536xf32, #tpu.memory_space<hbm>> -> memref<128xf32, #tpu.memory_space<hbm>>
      %dma_start3A_207 = tpu.memref_slice %arg4[%add3A_179] : memref<65536xf32, #tpu.memory_space<hbm>> -> memref<128xf32, #tpu.memory_space<hbm>>
      %dma_start3A_208 = arith.constant 1360 : i32
      %dma_start3A_209 = tpu.memref_slice %arg7[%dma_start3A_208] : memref<2176xf32, #tpu.memory_space<vmem>> -> memref<128xf32, #tpu.memory_space<vmem>>
      tpu.enqueue_dma source(%dma_start3A_209 : memref<128xf32, #tpu.memory_space<vmem>>) target(%dma_start3A_207 : memref<128xf32, #tpu.memory_space<hbm>>) target_semaphore(%run_scoped3A : memref<!tpu.dma_semaphore, #tpu.memory_space<semaphore_mem>>)
      %dma_wait3A = arith.constant 1360 : i32
      %dma_wait3A_210 = tpu.memref_slice %arg7[%dma_wait3A] : memref<2176xf32, #tpu.memory_space<vmem>> -> memref<128xf32, #tpu.memory_space<vmem>>
      %dma_wait3A_211 = tpu.memref_slice %arg4[%add3A_179] : memref<65536xf32, #tpu.memory_space<hbm>> -> memref<128xf32, #tpu.memory_space<hbm>>
      %dma_wait3A_212 = tpu.memref_slice %arg4[%add3A_179] : memref<65536xf32, #tpu.memory_space<hbm>> -> memref<128xf32, #tpu.memory_space<hbm>>
      %dma_wait3A_213 = arith.constant 1360 : i32
      %dma_wait3A_214 = tpu.memref_slice %arg7[%dma_wait3A_213] : memref<2176xf32, #tpu.memory_space<vmem>> -> memref<128xf32, #tpu.memory_space<vmem>>
      tpu.wait_dma2 semaphore(%run_scoped3A : memref<!tpu.dma_semaphore, #tpu.memory_space<semaphore_mem>>) src(%dma_wait3A_214 : memref<128xf32, #tpu.memory_space<vmem>>) dst(%dma_wait3A_212 : memref<128xf32, #tpu.memory_space<hbm>>)
      tpu.yield
    }) : () -> ()
    %add3A_180 = arith.constant 11 : i32
    %add3A_181 = arith.addi %mul3A_18, %add3A_180 : i32
    %mul3A_182 = arith.constant 512 : i32
    %mul3A_183 = arith.muli %add3A_181, %mul3A_182 : i32
    %add3A_184 = arith.addi %mul3A_183, %mul3A_34 : i32
    "tpu.region"() ({
      %run_scoped3A = tpu.sem_alloc : memref<!tpu.dma_semaphore, #tpu.memory_space<semaphore_mem>>
      %dma_start3A = arith.constant 1496 : i32
      %dma_start3A_205 = tpu.memref_slice %arg7[%dma_start3A] : memref<2176xf32, #tpu.memory_space<vmem>> -> memref<128xf32, #tpu.memory_space<vmem>>
      %dma_start3A_206 = tpu.memref_slice %arg4[%add3A_184] : memref<65536xf32, #tpu.memory_space<hbm>> -> memref<128xf32, #tpu.memory_space<hbm>>
      %dma_start3A_207 = tpu.memref_slice %arg4[%add3A_184] : memref<65536xf32, #tpu.memory_space<hbm>> -> memref<128xf32, #tpu.memory_space<hbm>>
      %dma_start3A_208 = arith.constant 1496 : i32
      %dma_start3A_209 = tpu.memref_slice %arg7[%dma_start3A_208] : memref<2176xf32, #tpu.memory_space<vmem>> -> memref<128xf32, #tpu.memory_space<vmem>>
      tpu.enqueue_dma source(%dma_start3A_209 : memref<128xf32, #tpu.memory_space<vmem>>) target(%dma_start3A_207 : memref<128xf32, #tpu.memory_space<hbm>>) target_semaphore(%run_scoped3A : memref<!tpu.dma_semaphore, #tpu.memory_space<semaphore_mem>>)
      %dma_wait3A = arith.constant 1496 : i32
      %dma_wait3A_210 = tpu.memref_slice %arg7[%dma_wait3A] : memref<2176xf32, #tpu.memory_space<vmem>> -> memref<128xf32, #tpu.memory_space<vmem>>
      %dma_wait3A_211 = tpu.memref_slice %arg4[%add3A_184] : memref<65536xf32, #tpu.memory_space<hbm>> -> memref<128xf32, #tpu.memory_space<hbm>>
      %dma_wait3A_212 = tpu.memref_slice %arg4[%add3A_184] : memref<65536xf32, #tpu.memory_space<hbm>> -> memref<128xf32, #tpu.memory_space<hbm>>
      %dma_wait3A_213 = arith.constant 1496 : i32
      %dma_wait3A_214 = tpu.memref_slice %arg7[%dma_wait3A_213] : memref<2176xf32, #tpu.memory_space<vmem>> -> memref<128xf32, #tpu.memory_space<vmem>>
      tpu.wait_dma2 semaphore(%run_scoped3A : memref<!tpu.dma_semaphore, #tpu.memory_space<semaphore_mem>>) src(%dma_wait3A_214 : memref<128xf32, #tpu.memory_space<vmem>>) dst(%dma_wait3A_212 : memref<128xf32, #tpu.memory_space<hbm>>)
      tpu.yield
    }) : () -> ()
    %add3A_185 = arith.constant 12 : i32
    %add3A_186 = arith.addi %mul3A_18, %add3A_185 : i32
    %mul3A_187 = arith.constant 512 : i32
    %mul3A_188 = arith.muli %add3A_186, %mul3A_187 : i32
    %add3A_189 = arith.addi %mul3A_188, %mul3A_34 : i32
    "tpu.region"() ({
      %run_scoped3A = tpu.sem_alloc : memref<!tpu.dma_semaphore, #tpu.memory_space<semaphore_mem>>
      %dma_start3A = arith.constant 1632 : i32
      %dma_start3A_205 = tpu.memref_slice %arg7[%dma_start3A] : memref<2176xf32, #tpu.memory_space<vmem>> -> memref<128xf32, #tpu.memory_space<vmem>>
      %dma_start3A_206 = tpu.memref_slice %arg4[%add3A_189] : memref<65536xf32, #tpu.memory_space<hbm>> -> memref<128xf32, #tpu.memory_space<hbm>>
      %dma_start3A_207 = tpu.memref_slice %arg4[%add3A_189] : memref<65536xf32, #tpu.memory_space<hbm>> -> memref<128xf32, #tpu.memory_space<hbm>>
      %dma_start3A_208 = arith.constant 1632 : i32
      %dma_start3A_209 = tpu.memref_slice %arg7[%dma_start3A_208] : memref<2176xf32, #tpu.memory_space<vmem>> -> memref<128xf32, #tpu.memory_space<vmem>>
      tpu.enqueue_dma source(%dma_start3A_209 : memref<128xf32, #tpu.memory_space<vmem>>) target(%dma_start3A_207 : memref<128xf32, #tpu.memory_space<hbm>>) target_semaphore(%run_scoped3A : memref<!tpu.dma_semaphore, #tpu.memory_space<semaphore_mem>>)
      %dma_wait3A = arith.constant 1632 : i32
      %dma_wait3A_210 = tpu.memref_slice %arg7[%dma_wait3A] : memref<2176xf32, #tpu.memory_space<vmem>> -> memref<128xf32, #tpu.memory_space<vmem>>
      %dma_wait3A_211 = tpu.memref_slice %arg4[%add3A_189] : memref<65536xf32, #tpu.memory_space<hbm>> -> memref<128xf32, #tpu.memory_space<hbm>>
      %dma_wait3A_212 = tpu.memref_slice %arg4[%add3A_189] : memref<65536xf32, #tpu.memory_space<hbm>> -> memref<128xf32, #tpu.memory_space<hbm>>
      %dma_wait3A_213 = arith.constant 1632 : i32
      %dma_wait3A_214 = tpu.memref_slice %arg7[%dma_wait3A_213] : memref<2176xf32, #tpu.memory_space<vmem>> -> memref<128xf32, #tpu.memory_space<vmem>>
      tpu.wait_dma2 semaphore(%run_scoped3A : memref<!tpu.dma_semaphore, #tpu.memory_space<semaphore_mem>>) src(%dma_wait3A_214 : memref<128xf32, #tpu.memory_space<vmem>>) dst(%dma_wait3A_212 : memref<128xf32, #tpu.memory_space<hbm>>)
      tpu.yield
    }) : () -> ()
    %add3A_190 = arith.constant 13 : i32
    %add3A_191 = arith.addi %mul3A_18, %add3A_190 : i32
    %mul3A_192 = arith.constant 512 : i32
    %mul3A_193 = arith.muli %add3A_191, %mul3A_192 : i32
    %add3A_194 = arith.addi %mul3A_193, %mul3A_34 : i32
    "tpu.region"() ({
      %run_scoped3A = tpu.sem_alloc : memref<!tpu.dma_semaphore, #tpu.memory_space<semaphore_mem>>
      %dma_start3A = arith.constant 1768 : i32
      %dma_start3A_205 = tpu.memref_slice %arg7[%dma_start3A] : memref<2176xf32, #tpu.memory_space<vmem>> -> memref<128xf32, #tpu.memory_space<vmem>>
      %dma_start3A_206 = tpu.memref_slice %arg4[%add3A_194] : memref<65536xf32, #tpu.memory_space<hbm>> -> memref<128xf32, #tpu.memory_space<hbm>>
      %dma_start3A_207 = tpu.memref_slice %arg4[%add3A_194] : memref<65536xf32, #tpu.memory_space<hbm>> -> memref<128xf32, #tpu.memory_space<hbm>>
      %dma_start3A_208 = arith.constant 1768 : i32
      %dma_start3A_209 = tpu.memref_slice %arg7[%dma_start3A_208] : memref<2176xf32, #tpu.memory_space<vmem>> -> memref<128xf32, #tpu.memory_space<vmem>>
      tpu.enqueue_dma source(%dma_start3A_209 : memref<128xf32, #tpu.memory_space<vmem>>) target(%dma_start3A_207 : memref<128xf32, #tpu.memory_space<hbm>>) target_semaphore(%run_scoped3A : memref<!tpu.dma_semaphore, #tpu.memory_space<semaphore_mem>>)
      %dma_wait3A = arith.constant 1768 : i32
      %dma_wait3A_210 = tpu.memref_slice %arg7[%dma_wait3A] : memref<2176xf32, #tpu.memory_space<vmem>> -> memref<128xf32, #tpu.memory_space<vmem>>
      %dma_wait3A_211 = tpu.memref_slice %arg4[%add3A_194] : memref<65536xf32, #tpu.memory_space<hbm>> -> memref<128xf32, #tpu.memory_space<hbm>>
      %dma_wait3A_212 = tpu.memref_slice %arg4[%add3A_194] : memref<65536xf32, #tpu.memory_space<hbm>> -> memref<128xf32, #tpu.memory_space<hbm>>
      %dma_wait3A_213 = arith.constant 1768 : i32
      %dma_wait3A_214 = tpu.memref_slice %arg7[%dma_wait3A_213] : memref<2176xf32, #tpu.memory_space<vmem>> -> memref<128xf32, #tpu.memory_space<vmem>>
      tpu.wait_dma2 semaphore(%run_scoped3A : memref<!tpu.dma_semaphore, #tpu.memory_space<semaphore_mem>>) src(%dma_wait3A_214 : memref<128xf32, #tpu.memory_space<vmem>>) dst(%dma_wait3A_212 : memref<128xf32, #tpu.memory_space<hbm>>)
      tpu.yield
    }) : () -> ()
    %add3A_195 = arith.constant 14 : i32
    %add3A_196 = arith.addi %mul3A_18, %add3A_195 : i32
    %mul3A_197 = arith.constant 512 : i32
    %mul3A_198 = arith.muli %add3A_196, %mul3A_197 : i32
    %add3A_199 = arith.addi %mul3A_198, %mul3A_34 : i32
    "tpu.region"() ({
      %run_scoped3A = tpu.sem_alloc : memref<!tpu.dma_semaphore, #tpu.memory_space<semaphore_mem>>
      %dma_start3A = arith.constant 1904 : i32
      %dma_start3A_205 = tpu.memref_slice %arg7[%dma_start3A] : memref<2176xf32, #tpu.memory_space<vmem>> -> memref<128xf32, #tpu.memory_space<vmem>>
      %dma_start3A_206 = tpu.memref_slice %arg4[%add3A_199] : memref<65536xf32, #tpu.memory_space<hbm>> -> memref<128xf32, #tpu.memory_space<hbm>>
      %dma_start3A_207 = tpu.memref_slice %arg4[%add3A_199] : memref<65536xf32, #tpu.memory_space<hbm>> -> memref<128xf32, #tpu.memory_space<hbm>>
      %dma_start3A_208 = arith.constant 1904 : i32
      %dma_start3A_209 = tpu.memref_slice %arg7[%dma_start3A_208] : memref<2176xf32, #tpu.memory_space<vmem>> -> memref<128xf32, #tpu.memory_space<vmem>>
      tpu.enqueue_dma source(%dma_start3A_209 : memref<128xf32, #tpu.memory_space<vmem>>) target(%dma_start3A_207 : memref<128xf32, #tpu.memory_space<hbm>>) target_semaphore(%run_scoped3A : memref<!tpu.dma_semaphore, #tpu.memory_space<semaphore_mem>>)
      %dma_wait3A = arith.constant 1904 : i32
      %dma_wait3A_210 = tpu.memref_slice %arg7[%dma_wait3A] : memref<2176xf32, #tpu.memory_space<vmem>> -> memref<128xf32, #tpu.memory_space<vmem>>
      %dma_wait3A_211 = tpu.memref_slice %arg4[%add3A_199] : memref<65536xf32, #tpu.memory_space<hbm>> -> memref<128xf32, #tpu.memory_space<hbm>>
      %dma_wait3A_212 = tpu.memref_slice %arg4[%add3A_199] : memref<65536xf32, #tpu.memory_space<hbm>> -> memref<128xf32, #tpu.memory_space<hbm>>
      %dma_wait3A_213 = arith.constant 1904 : i32
      %dma_wait3A_214 = tpu.memref_slice %arg7[%dma_wait3A_213] : memref<2176xf32, #tpu.memory_space<vmem>> -> memref<128xf32, #tpu.memory_space<vmem>>
      tpu.wait_dma2 semaphore(%run_scoped3A : memref<!tpu.dma_semaphore, #tpu.memory_space<semaphore_mem>>) src(%dma_wait3A_214 : memref<128xf32, #tpu.memory_space<vmem>>) dst(%dma_wait3A_212 : memref<128xf32, #tpu.memory_space<hbm>>)
      tpu.yield
    }) : () -> ()
    %add3A_200 = arith.constant 15 : i32
    %add3A_201 = arith.addi %mul3A_18, %add3A_200 : i32
    %mul3A_202 = arith.constant 512 : i32
    %mul3A_203 = arith.muli %add3A_201, %mul3A_202 : i32
    %add3A_204 = arith.addi %mul3A_203, %mul3A_34 : i32
    "tpu.region"() ({
      %run_scoped3A = tpu.sem_alloc : memref<!tpu.dma_semaphore, #tpu.memory_space<semaphore_mem>>
      %dma_start3A = arith.constant 2040 : i32
      %dma_start3A_205 = tpu.memref_slice %arg7[%dma_start3A] : memref<2176xf32, #tpu.memory_space<vmem>> -> memref<128xf32, #tpu.memory_space<vmem>>
      %dma_start3A_206 = tpu.memref_slice %arg4[%add3A_204] : memref<65536xf32, #tpu.memory_space<hbm>> -> memref<128xf32, #tpu.memory_space<hbm>>
      %dma_start3A_207 = tpu.memref_slice %arg4[%add3A_204] : memref<65536xf32, #tpu.memory_space<hbm>> -> memref<128xf32, #tpu.memory_space<hbm>>
      %dma_start3A_208 = arith.constant 2040 : i32
      %dma_start3A_209 = tpu.memref_slice %arg7[%dma_start3A_208] : memref<2176xf32, #tpu.memory_space<vmem>> -> memref<128xf32, #tpu.memory_space<vmem>>
      tpu.enqueue_dma source(%dma_start3A_209 : memref<128xf32, #tpu.memory_space<vmem>>) target(%dma_start3A_207 : memref<128xf32, #tpu.memory_space<hbm>>) target_semaphore(%run_scoped3A : memref<!tpu.dma_semaphore, #tpu.memory_space<semaphore_mem>>)
      %dma_wait3A = arith.constant 2040 : i32
      %dma_wait3A_210 = tpu.memref_slice %arg7[%dma_wait3A] : memref<2176xf32, #tpu.memory_space<vmem>> -> memref<128xf32, #tpu.memory_space<vmem>>
      %dma_wait3A_211 = tpu.memref_slice %arg4[%add3A_204] : memref<65536xf32, #tpu.memory_space<hbm>> -> memref<128xf32, #tpu.memory_space<hbm>>
      %dma_wait3A_212 = tpu.memref_slice %arg4[%add3A_204] : memref<65536xf32, #tpu.memory_space<hbm>> -> memref<128xf32, #tpu.memory_space<hbm>>
      %dma_wait3A_213 = arith.constant 2040 : i32
      %dma_wait3A_214 = tpu.memref_slice %arg7[%dma_wait3A_213] : memref<2176xf32, #tpu.memory_space<vmem>> -> memref<128xf32, #tpu.memory_space<vmem>>
      tpu.wait_dma2 semaphore(%run_scoped3A : memref<!tpu.dma_semaphore, #tpu.memory_space<semaphore_mem>>) src(%dma_wait3A_214 : memref<128xf32, #tpu.memory_space<vmem>>) dst(%dma_wait3A_212 : memref<128xf32, #tpu.memory_space<hbm>>)
      tpu.yield
    }) : () -> ()
    return
  }
}

module attributes {stable_mosaic.version = 14 : i64} {
  func.func @_tc_body(%arg0: i32, %arg1: memref<448x2048xf32, #tpu.memory_space<vmem>>, %arg2: memref<128x512xf32, #tpu.memory_space<vmem>>, %arg3: memref<448x512xf32, #tpu.memory_space<vmem>>) attributes {dimension_semantics = [#tpu.dimension_semantics<arbitrary>], iteration_bounds = array<i64: 2>, scalar_prefetch = 0 : i64, scratch_operands = 0 : i64, tpu.core_type = #tpu.core_type<tc>, window_params = [{transform_indices = @transform_0, window_bounds = array<i64: 448, 2048>}, {pipeline_mode = #tpu.pipeline_mode<synchronous>, transform_indices = @transform_1, window_bounds = array<i64: 128, 512>}, {transform_indices = @transform_2, window_bounds = array<i64: 448, 512>}]} {
    %get3A = arith.constant 0 : index
    %get3A_0 = arith.constant 0 : index
    %get3A_1 = vector.load %arg2[%get3A, %get3A_0] : memref<128x512xf32, #tpu.memory_space<vmem>>, vector<128x512xf32>
    %mul3A = arith.constant 1.600000e+01 : f32
    %mul3A_2 = vector.broadcast %mul3A : f32 to vector<128x512xf32>
    %mul3A_3 = arith.mulf %get3A_1, %mul3A_2 : vector<128x512xf32>
    %round3A = math.roundeven %mul3A_3 : vector<128x512xf32>
    %convert_element_type3A = arith.fptosi %round3A : vector<128x512xf32> to vector<128x512xi32>
    %iota3A = tpu.iota {dimensions = array<i32: 1>} : vector<128x16x512xi32>
    %broadcast_in_dim3A = vector.shape_cast %convert_element_type3A : vector<128x512xi32> to vector<128x1x512xi32>
    %eq3A = vector.broadcast %broadcast_in_dim3A : vector<128x1x512xi32> to vector<128x16x512xi32>
    %eq3A_4 = arith.cmpi eq, %eq3A, %iota3A : vector<128x16x512xi32>
    %convert_element_type3A_5 = arith.extui %eq3A_4 : vector<128x16x512xi1> to vector<128x16x512xi32>
    %convert_element_type3A_6 = arith.sitofp %convert_element_type3A_5 : vector<128x16x512xi32> to vector<128x16x512xf32>
    %reshape3A = vector.shape_cast %convert_element_type3A_6 : vector<128x16x512xf32> to vector<2048x512xf32>
    %get3A_7 = arith.constant 0 : index
    %get3A_8 = arith.constant 0 : index
    %get3A_9 = vector.load %arg1[%get3A_7, %get3A_8] : memref<448x2048xf32, #tpu.memory_space<vmem>>, vector<448x2048xf32>
    %log3A = math.log %get3A_9 : vector<448x2048xf32>
    %max3A = arith.constant -1.000000e+05 : f32
    %max3A_10 = vector.broadcast %max3A : f32 to vector<448x2048xf32>
    %max3A_11 = arith.maximumf %log3A, %max3A_10 : vector<448x2048xf32>
    %dot_general3A = arith.constant dense<0.000000e+00> : vector<448x512xf32>
    %dot_general3A_12 = tpu.matmul %max3A_11, %reshape3A, %dot_general3A {dimension_numbers = #tpu.dot_dimension_numbers<[1], [0], [0], [1], [0, 0, 1, 1], [], []>, precision = #tpu.contract_precision<fp32>, transpose_lhs_hint = false} : vector<448x2048xf32>, vector<2048x512xf32>, vector<448x512xf32> -> vector<448x512xf32>
    %exp3A = math.exp %dot_general3A_12 : vector<448x512xf32>
    %swap3A = arith.constant 0 : index
    %swap3A_13 = arith.constant 0 : index
    %swap3A_14 = vector.load %arg3[%swap3A, %swap3A_13] : memref<448x512xf32, #tpu.memory_space<vmem>>, vector<448x512xf32>
    tpu.vector_store %arg3[%swap3A, %swap3A_13], %exp3A {strides = array<i32>} : memref<448x512xf32, #tpu.memory_space<vmem>>, vector<448x512xf32>,
    return
  }
  func.func @transform_0(%arg0: i32) -> (i32, i32) {
    %c0_i32 = arith.constant 0 : i32
    %c0_i32_0 = arith.constant 0 : i32
    return %arg0, %c0_i32 : i32, i32
  }
  func.func @transform_1(%arg0: i32) -> (i32, i32) {
    %c0_i32 = arith.constant 0 : i32
    %c0_i32_0 = arith.constant 0 : i32
    %c0_i32_1 = arith.constant 0 : i32
    return %c0_i32, %c0_i32_0 : i32, i32
  }
  func.func @transform_2(%arg0: i32) -> (i32, i32) {
    %c0_i32 = arith.constant 0 : i32
    %c0_i32_0 = arith.constant 0 : i32
    return %arg0, %c0_i32 : i32, i32
  }
}

</mosaic_0001>

<sc_bundles>
// kernel: kernel.4.cloned.1.call-start
scs
__scs_entry_jumppad:
0x0: {  	(pc) =	sbr.rel $0x88, $3  }
0x1: {  	(tag) =	ssettag $0x0;
	lr =	simm.s32 $0x1  }
0x2: {  	[smem:$0x3F9F] =	sst lr;
	_ =	strace $0xD0000000  }
0x3: {  	_ = 	snop  }
0x4: {  	_ = 	snop  }
0x5: {  	_ = 	snop  }
0x6: {  	_ = 	snop  }
0x7: {  	_ = 	snop  }
__scs_overlays_trampoline_lowered:
0x8: {  	[smem:$0x3FAE] =	sst s0  }
0x9: {  	[smem:$0x3FAF] =	sst s1  }
0xa: {  	[smem:$0x3FB0] =	sst s2  }
0xb: {  	[smem:$0x3FB1] =	sst s3  }
0xc: {  	[smem:$0x3FB2] =	sst s4  }
0xd: {  	[smem:$0x3FB3] =	sst s5  }
0xe: {  	[smem:$0x3FB4] =	sst s6  }
0xf: {  	[smem:$0x3FB5] =	sst s7  }
0x10: {  	[smem:$0x3FB6] =	sst s8  }
0x11: {  	[smem:$0x3FB7] =	sst s9;
	s0 =	simm.s32 @!p0 $0x0  }
0x12: {  	s1 =	sld [smem:$0x3F9D];
	s0 =	simm.s32 @p0 $0x1  }
0x13: {  	[smem:$0x3FB8] =	sst s0;
	s0 =	simm.s32 @!p1 $0x0  }
0x14: {  	s2 =	sld [smem:$0x3F9C];
	s0 =	simm.s32 @p1 $0x1  }
0x15: {  	[smem:$0x3FB9] =	sst s0;
	s0 =	simm.s32 @!p2 $0x0  }
0x16: {  	s3 =	sld [smem:$0x3FDB];
	s0 =	simm.s32 @p2 $0x1  }
0x17: {  	s4 =	simm.s32 $0x1BF5;
	[smem:$0x3FBB] =	sst s0  }
0x18: {  	s0 =	sld [smem:$0x3F9E];
	_ =	swait.ge [sflag:s4], $0x0  }
0x19: {  	s7 =	sld [smem:$0x3F9F]  }
0x1a: {  	s8 =	sadd.s32 $0xFFFFE003, lr  }
0x1b: {  	s9 =	sadd.s32 $0xFFFFFEF7, lr;
	s5 =	simm.s32 $0xFFFFFFFF;
	p2 =	slt.u32 s8, $0xFFFFF086  }
0x1c: {  	p1 =	slt.u32 s9, $0xF7A;
	s5 =	simm.s32 @!p2 $0x0  }
0x1d: {  	s5 =	simm.s32 @p1 $0x1;
	p0 =	seq.s32 s7, s2  }
0x1e: {  	s7 =	smul.u32 @!p0 $0xF7A, s2;
	p2 =	seq.s32 @!p0 s5, $0x0  }
0x1f: {  	s9 =	smul.u32 $0xF7A, s1;
	s8 =	simm.s32 @!p0 $0x1BF5;
	p2 =	por !p2, p0  }
0x20: {  	[sflag:s8] =	ssyncset.s32 @!p0 $0xFFFFF086;
	s6 =	sadd.s32 @!p0 s3, s7;
	s7 =	simm.s32 @!p0 $0x108  }
0x21: {  	s3 =	sadd.s32 s3, s9;
	s6 =	sadd.s32 @!p0 $0x88, s6;
	s7 =	simm.s32 @p2 $0x1082  }
0x22: {  	[simem:s7], [sflag:s8] =	dma.local @!p0 [hbm:s6], $0xF7A  }
0x23: {  	s9 =	sor.u32 $0xD0000000, s2;
	s6 =	simm.s32 $0x108;
	_ =	swait.ge @!p0 [sflag:s8], $0x0  }
0x24: {  	s3 =	sadd.s32 $0x88, s3;
	s6 =	simm.s32 @!p1 $0x1082;
	[sflag:s4] =	ssyncset.s32 $0xFFFFF086  }
0x25: {  	[simem:s6], [sflag:s4] =	dma.local [hbm:s3], $0xF7A  }
0x26: {  	[smem:$0x3F9F] =	sst s1;
	(tag) =	ssettag s2;
	_ =	strace s9  }
0x27: {  	s1 =	sld [smem:$0x3FAF]  }
0x28: {  	s2 =	sld [smem:$0x3FB0]  }
0x29: {  	s4 =	sld [smem:$0x3FB2]  }
0x2a: {  	p0 =	seq.s32 s5, $0x0;
	s5 =	sld [smem:$0x3FB3]  }
0x2b: {  	s6 =	sld [smem:$0x3FB4]  }
0x2c: {  	s7 =	sld [smem:$0x3FB5]  }
0x2d: {  	s3 =	simm.s32 $0x108;
	s8 =	sld [smem:$0x3FB6]  }
0x2e: {  	s3 =	simm.s32 @!p0 $0x1082;
	s9 =	sld [smem:$0x3FB7]  }
0x2f: {  	lr =	sadd.s32 s0, s3;
	s0 =	sld [smem:$0x3FAE]  }
0x30: {  	s3 =	sld [smem:$0x3FB1]  }
0x31: {  	[smem:$0x3FBA] =	sst s10  }
0x32: {  	s10 =	sld [smem:$0x3FB8];
	_ =	sdelay $0x3  }
0x33: {  	p0 =	seq.s32 s10, $0x1;
	s10 =	sld [smem:$0x3FBA];
	_ =	sdelay $0x3  }
0x34: {  	[smem:$0x3FBA] =	sst s10  }
0x35: {  	s10 =	sld [smem:$0x3FB9];
	_ =	sdelay $0x3  }
0x36: {  	p1 =	seq.s32 s10, $0x1;
	s10 =	sld [smem:$0x3FBA];
	_ =	sdelay $0x3  }
0x37: {  	[smem:$0x3FBA] =	sst s10  }
0x38: {  	s10 =	sld [smem:$0x3FBB]  }
0x39: {  	_ = 	snop;
	(pc) =	sbr.ind lr, $3  }
0x3a: {  	_ = 	snop  }
0x3b: {  	_ = 	snop  }
0x3c: {  	p2 =	seq.s32 s10, $0x1;
	s10 =	sld [smem:$0x3FBA]  }
0x3d: {  	_ =	shalt  }
0x3e: {  	_ =	shalt  }
0x3f: {  	_ =	shalt  }
0x40: {  	_ =	shalt  }
0x41: {  	_ =	shalt  }
0x42: {  	_ =	shalt  }
0x43: {  	_ =	shalt  }
0x44: {  	_ =	shalt  }
0x45: {  	_ =	shalt  }
0x46: {  	_ =	shalt  }
0x47: {  	_ =	shalt  }
0x48: {  	_ =	shalt  }
0x49: {  	_ =	shalt  }
0x4a: {  	_ =	shalt  }
0x4b: {  	_ =	shalt  }
0x4c: {  	_ =	shalt  }
0x4d: {  	_ =	shalt  }
0x4e: {  	_ =	shalt  }
0x4f: {  	_ =	shalt  }
0x50: {  	_ =	shalt  }
0x51: {  	_ =	shalt  }
0x52: {  	_ =	shalt  }
0x53: {  	_ =	shalt  }
0x54: {  	_ =	shalt  }
0x55: {  	_ =	shalt  }
0x56: {  	_ =	shalt  }
0x57: {  	_ =	shalt  }
0x58: {  	_ =	shalt  }
0x59: {  	_ =	shalt  }
0x5a: {  	_ =	shalt  }
0x5b: {  	_ =	shalt  }
0x5c: {  	_ =	shalt  }
0x5d: {  	_ =	shalt  }
0x5e: {  	_ =	shalt  }
0x5f: {  	_ =	shalt  }
0x60: {  	_ =	shalt  }
0x61: {  	_ =	shalt  }
0x62: {  	_ =	shalt  }
0x63: {  	_ =	shalt  }
0x64: {  	_ =	shalt  }
0x65: {  	_ =	shalt  }
0x66: {  	_ =	shalt  }
0x67: {  	_ =	shalt  }
0x68: {  	_ =	shalt  }
0x69: {  	_ =	shalt  }
0x6a: {  	_ =	shalt  }
0x6b: {  	_ =	shalt  }
0x6c: {  	_ =	shalt  }
0x6d: {  	_ =	shalt  }
0x6e: {  	_ =	shalt  }
0x6f: {  	_ =	shalt  }
0x70: {  	_ =	shalt  }
0x71: {  	_ =	shalt  }
0x72: {  	_ =	shalt  }
0x73: {  	_ =	shalt  }
0x74: {  	_ =	shalt  }
0x75: {  	_ =	shalt  }
0x76: {  	_ =	shalt  }
0x77: {  	_ =	shalt  }
0x78: {  	_ =	shalt  }
0x79: {  	_ =	shalt  }
0x7a: {  	_ =	shalt  }
0x7b: {  	_ =	shalt  }
0x7c: {  	_ =	shalt  }
0x7d: {  	_ =	shalt  }
0x7e: {  	_ =	shalt  }
0x7f: {  	_ =	shalt  }
0x80: {  	_ =	shalt  }
0x81: {  	_ =	shalt  }
0x82: {  	_ =	shalt  }
0x83: {  	_ =	shalt  }
0x84: {  	_ =	shalt  }
0x85: {  	_ =	shalt  }
0x86: {  	_ =	shalt  }
0x87: {  	_ =	shalt  }
.Lfunc_end0:
.L_simem_size_0:
called_computation_lowered:
.L_overlay_start_0:
0x88: {  	s2 =	sld [smem:$0x3FD9]  }
0x89: {  	s3 =	sld [smem:$0x3FFE];
	_ =	sdelay $0x1  }
0x8a: {  	s1 =	srdreg.scid  }
0x8b: {  	s0 =	sand.u32 $0x1, s1  }
0x8c: {  	s17 =	sshll.u32 s0, $0xA;
	s2 =	sadd.s32 s3, s2  }
0x8d: {  	s2 =	sadd.s32 s2, s17  }
0x8e: {  	[smem:$0x3FC6] =	sst s2  }
0x8f: {  	_ = 	snop  }
0x90: {  	s2 =	sld [smem:$0x3FD0];
	(tm) =	ssettm $0x1  }
0x91: {  	s18 =	sld [smem:$0x3FFB];
	_ =	sdelay $0x3  }
0x92: {  	_ =	strace s18  }
0x93: {  	s3 =	sld [smem:$0x3FFC];
	_ =	sdelay $0x3  }
0x94: {  	_ =	strace s3  }
0x95: {  	s3 =	sld [smem:$0x3FFD];
	_ =	sdelay $0x3  }
0x96: {  	_ =	strace s3  }
0x97: {  	_ =	strace $0x8FFFFFFF  }
0x98: {  	s19 =	sld [smem:$0x3FDB];
	_ =	sdelay $0x1  }
0x99: {  	s4 =	simm.s32 $_scs_section_size  }
0x9a: {  	s5 =	simm.s32 $_size__tile_overlayer_lowered;
	s6 =	simm.s32 $_tile_overlayer_lowered  }
0x9b: {  	s22 =	simm.s32 $0x1BFF;
	s21 =	sshll.u32 s6, $0x1;
	s3 =	sadd.s32 s4, s19  }
0x9c: {  	s7 =	simm.s32 $0x0;
	s20 =	sshll.u32 s5, $0x1;
	s5 =	sadd.s32 s21, s3  }
0x9d: {  	[timem:s7], [sflag:s22] =	dma.local [hbm:s5], s20  }
0x9e: {  	_ =	swait.ge [sflag:s22], s20  }
0x9f: {  	s4 =	ssub.s32 $0x0, s20;
	[sflag:s22] =	ssyncset.done $0x0  }
0xa0: {  	[sflag:s22] =	ssyncadd.s32 s4;
	_ =	sdelay $0x1  }
0xa1: {  	s23 =	simm.s32 $0x1B8B  }
0xa2: {  	_ =	swait.ge [sflag:s23], $0x1  }
0xa3: {  	[sflag:s23] =	ssyncset.done $0x0  }
0xa4: {  	s25 =	simm.s32 $0x1B8E;
	s24 =	sld [smem:$0x3FFE];
	[sflag:s23] =	ssyncadd.s32 $0xFFFFFFFF  }
0xa5: {  	s26 =	simm.s32 $execute0_lowered;
	[smem:$0x3FD2] =	sst s25  }
0xa6: {  	s5 =	sshll.u32 s26, $0x1;
	_ =	strace $0x80000046;
	[dreg:$0x1] =	wrdreg $0xFFFFFFFF  }
0xa7: {  	s28 =	simm.s32 $_size_execute0_lowered;
	s3 =	sadd.s32 s3, s5;
	[dreg:$0x0] =	wrdreg $0x0  }
0xa8: {  	s5 =	sshll.u32 s28, $0x1;
	[dreg:$0x2] =	wrdreg s3  }
0xa9: {  	[dreg:$0x3] =	wrdreg s5  }
0xaa: {  	[dreg:$0x4] =	wrdreg $0xC0  }
0xab: {  	_ =	task [dreg:s7], $0x5FFFF  }
0xac: {  	[dreg:$0x1] =	wrdreg $0xFFFFFFFF  }
0xad: {  	[dreg:$0x0] =	wrdreg $0x60  }
0xae: {  	[dreg:$0x2] =	wrdreg s2  }
0xaf: {  	[dreg:$0x3] =	wrdreg s24  }
0xb0: {  	[dreg:$0x4] =	wrdreg $0x9  }
0xb1: {  	_ =	task.clear_ibuf [dreg:s7], $0x5FFFF;
	_ =	strace $0x90000046  }
0xb2: {  	s29 =	simm.s32 $0x9;
	_ =	strace $0x80000048  }
0xb3: {  	_ =	swait.ge [sflag:s29], $0x1  }
0xb4: {  	[sflag:s29] =	ssyncadd.s32 $0xFFFFFFFF  }
0xb5: {  	_ =	strace $0x90000048  }
0xb6: {  	_ =	sfence  }
0xb7: {  	s30 =	sld [smem:$0x0];
	_ =	sdelay $0x2  }
0xb8: {  	s31 =	sshll.u32 s1, $0xD;
	s1 =	sshrl.u32 s1, $0x2  }
0xb9: {  	s3 =	sand.u32 $0x4000, s31;
	s1 =	sadd.s32 s1, s30  }
0xba: {  	s0 =	sor.u32 s3, s0;
	s1 =	sshll.u32 s1, $0x11  }
0xbb: {  	s0 =	sor.u32 s1, s0  }
0xbc: {  	s0 =	sadd.s32 $0x8F2B, s0  }
0xbd: {  	[sflag:s0] =	ssyncadd.remote.s32 $0x1  }
0xbe: {  	_ =	sfence.sel $0xFFFF  }
0xbf: {  	[dreg:$0x0] =	wrdreg $0xFFFFFFFF;
	(pc) =	sbr.abs _section_cstart, $3  }
0xc0: {  	[dreg:$0x1] =	wrdreg $0xFFFFFFFF  }
0xc1: {  	_ =	task.clear_ibuf [dreg:s7], $0x2FFFF;
	_ =	strace $0x9FFFFFFF  }
0xc2: {  	(tm) =	ssettm $0x7FFFFFFF  }
0xc3: {  	_ =	shalt  }
tec
execute0_lowered:
.L_overlay_start_1:
0x0: {  	(tag) =	ssettag $0x1  }
0x1: {  	s3 =	stileid.u32  }
0x2: {  	s0 =	srdreg.scid;
	s2 =	rddreg [dreg:$0x0];
	s1 =	sshll.u32 s3, $0x1  }
0x3: {  	s0 =	sand.u32 $0x1, s0;
	s3 =	sshrl.u32 s3, $0x1;
	s1 =	sand.u32 $0x2, s1  }
0x4: {  	s5 =	sshll.u32 s3, $0x4;
	s6 =	sshll.u32 s3, $0xC;
	s1 =	sor.u32 s0, s1  }
0x5: {  	s0 =	ssub.s32 $0x2, s0;
	s8 =	sadd.s32 s2, s6;
	s7 =	sor.u32 $0x2, s5  }
0x6: {  	s6 =	sor.u32 $0x4, s5;
	s17 =	sor.u32 $0x5, s5;
	s18 =	sor.u32 $0x6, s5  }
0x7: {  	s4 =	sshrl.u32 s0, $0x1;
	[dreg:$0xd] =	wrdreg s8;
	s8 =	sor.u32 $0x3, s5  }
0x8: {  	s11 =	sshll.u32 s7, $0x8;
	s14 =	sshll.u32 s6, $0x8;
	s16 =	sshll.u32 s17, $0x8  }
0x9: {  	s7 =	sshll.u32 s7, $0x9;
	s6 =	sshll.u32 s6, $0x9;
	s0 =	ssub.s32 s0, s4  }
0xa: {  	s17 =	sshll.u32 s17, $0x9;
	s12 =	sadd.s32 s2, s11;
	[dreg:$0xc] =	wrdreg s0  }
0xb: {  	s15 =	sadd.s32 s2, s14;
	s19 =	sadd.s32 s2, s16;
	[dreg:$0x4] =	wrdreg s12  }
0xc: {  	s0 =	sor.u32 $0x1, s5;
	[dreg:$0x7] =	wrdreg s19;
	s19 =	sor.u32 $0x8, s5  }
0xd: {  	[dreg:$0x6] =	wrdreg s15;
	s9 =	sshll.u32 s0, $0x8;
	s23 =	sshll.u32 s19, $0x8  }
0xe: {  	s0 =	sshll.u32 s0, $0x9;
	s10 =	sadd.s32 s2, s9;
	s9 =	sshll.u32 s8, $0x8  }
0xf: {  	s24 =	sadd.s32 s2, s23;
	s23 =	sor.u32 $0xC, s5;
	s8 =	sshll.u32 s8, $0x9  }
0x10: {  	[dreg:$0x3] =	wrdreg s10;
	s13 =	sadd.s32 s2, s9;
	s10 =	sshll.u32 s18, $0x8  }
0x11: {  	s9 =	sor.u32 $0x7, s5;
	[dreg:$0xa] =	wrdreg s24;
	s24 =	sor.u32 $0xD, s5  }
0x12: {  	[dreg:$0x5] =	wrdreg s13;
	s20 =	sadd.s32 s2, s10;
	s21 =	sshll.u32 s9, $0x8  }
0x13: {  	s13 =	sshll.u32 s23, $0x8;
	s14 =	sshll.u32 s24, $0x8;
	s10 =	sshll.u32 s18, $0x9  }
0x14: {  	s9 =	sshll.u32 s9, $0x9;
	s18 =	sshll.u32 s19, $0x9;
	[dreg:$0x8] =	wrdreg s20  }
0x15: {  	s20 =	sor.u32 $0x9, s5;
	s22 =	sadd.s32 s2, s21;
	s21 =	sor.u32 $0xA, s5  }
0x16: {  	s13 =	sadd.s32 s2, s13;
	s14 =	sadd.s32 s2, s14;
	[dreg:$0x9] =	wrdreg s22  }
0x17: {  	s11 =	sshll.u32 s20, $0x8;
	s26 =	sshll.u32 s21, $0x8;
	s22 =	sor.u32 $0xB, s5  }
0x18: {  	s5 =	sor.u32 $0xE, s5;
	s19 =	sshll.u32 s20, $0x9;
	s20 =	sshll.u32 s21, $0x9  }
0x19: {  	s25 =	sadd.s32 s2, s11;
	s11 =	sadd.s32 s2, s26;
	s12 =	sshll.u32 s22, $0x8  }
0x1a: {  	s15 =	sshll.u32 s5, $0x8;
	s26 =	sshll.u32 s1, $0xB;
	s1 =	sshll.u32 s1, $0x7  }
0x1b: {  	s21 =	sshll.u32 s22, $0x9;
	s5 =	sshll.u32 s5, $0x9;
	[dreg:$0xb] =	wrdreg s25  }
0x1c: {  	s12 =	sadd.s32 s2, s12;
	s25 =	sshllo.u32 s3, $0x4;
	s15 =	sadd.s32 s2, s15  }
0x1d: {  	s3 =	sshll.u32 s3, $0xD;
	s0 =	sor.u32 s1, s0;
	s7 =	sor.u32 s1, s7  }
0x1e: {  	s8 =	sor.u32 s1, s8;
	s6 =	sor.u32 s1, s6;
	s4 =	sor.u32 s1, s17  }
0x1f: {  	s28 =	sor.u32 s1, s10;
	s9 =	sor.u32 s1, s9;
	s29 =	sor.u32 s1, s18  }
0x20: {  	s30 =	sor.u32 s1, s19;
	s31 =	sor.u32 s1, s20;
	s22 =	sor.u32 s1, s21  }
0x21: {  	s10 =	sshll.u32 s24, $0x9;
	s5 =	sor.u32 s1, s5;
	s20 =	rddreg [dreg:$0x1]  }
0x22: {  	s17 =	simm.s32 $0x0;
	s16 =	sshll.u32 s25, $0x8;
	[dreg:$0xf] =	wrdreg s4  }
0x23: {  	s3 =	sor.u32 s3, s1;
	[dreg:$0x10] =	wrdreg s22;
	s4 =	sshll.u32 s23, $0x9  }
0x24: {  	s19 =	sshll.u32 s25, $0x9;
	s21 =	sadd.s32 s26, s20;
	s0 =	sshrl.u32 s0, $0x3  }
0x25: {  	[smem:$0x7FF] =	sst s17;
	s22 =	sshrl.u32 s7, $0x3;
	s23 =	sshrl.u32 s8, $0x3  }
0x26: {  	s6 =	sshrl.u32 s6, $0x3;
	s25 =	sshrl.u32 s28, $0x3;
	s26 =	sshrl.u32 s9, $0x3  }
0x27: {  	s7 =	sshrl.u32 s29, $0x3;
	s8 =	sshrl.u32 s30, $0x3;
	s9 =	sshrl.u32 s31, $0x3  }
0x28: {  	s16 =	sadd.s32 s2, s16;
	s2 =	sor.u32 s1, s4;
	s4 =	sor.u32 s1, s10  }
0x29: {  	[dreg:$0xe] =	wrdreg s21;
	s10 =	sadd.s32 $0x2E00, s20;
	s3 =	sshrl.u32 s3, $0x3  }
0x2a: {  	s1 =	sor.u32 s1, s19;
	s24 =	rddreg [dreg:$0xf];
	s18 =	sadd.s32 s10, s3  }
0x2b: {  	s19 =	sadd.s32 s10, s0;
	s20 =	sadd.s32 s10, s22;
	s21 =	sadd.s32 s10, s23  }
0x2c: {  	v27 =	vlaneseq.u32;
	v3 =	vimm.f32 $1.000000000e+00;
	s22 =	sadd.s32 s10, s6;
	s0 =	sshrl.u32 s24, $0x3;
	s24 =	sadd.s32 s10, s25  }
0x2d: {  	v4 =	vimm.s32 $0x0;
	v5 =	vimm.s32 $0x1;
	v13 =	vimm.s32 $0x2;
	s25 =	sadd.s32 s10, s26;
	s26 =	sadd.s32 s10, s7;
	s28 =	sadd.s32 s10, s8  }
0x2e: {  	v14 =	vimm.s32 $0x3;
	v15 =	vimm.s32 $0x4;
	v16 =	vimm.s32 $0x5;
	s29 =	sadd.s32 s10, s9;
	s3 =	rddreg [dreg:$0x10];
	s2 =	sshrl.u32 s2, $0x3  }
0x2f: {  	v17 =	vimm.s32 $0x6;
	v18 =	vimm.s32 $0x7;
	v19 =	vimm.s32 $0x8;
	s4 =	sshrl.u32 s4, $0x3;
	s6 =	sshrl.u32 s5, $0x3;
	s7 =	sshrl.u32 s1, $0x3  }
0x30: {  	v20 =	vimm.s32 $0x9;
	v21 =	vimm.s32 $0xA;
	v22 =	vimm.s32 $0xB;
	s23 =	sadd.s32 s10, s0;
	s0 =	sshrl.u32 s3, $0x3;
	s30 =	sadd.s32 s10, s2  }
0x31: {  	v23 =	vimm.s32 $0xC;
	v0 =	vmul.u32 $0x808, v27;
	v1 =	vmul.u32 $0x10, v27;
	s1 =	sadd.s32 s10, s6;
	s2 =	sadd.s32 s10, s7;
	s31 =	sadd.s32 s10, s0  }
0x32: {  	v24 =	vimm.s32 $0xD;
	v25 =	vimm.s32 $0xE;
	v26 =	vimm.s32 $0xF;
	s0 =	sadd.s32 s10, s4;
	s10 =	rddreg [dreg:$0xd];
	_ =	strace $0x80000047  }
0x33: {  	v27 =	vmul.u32 $0x88, v27;
	v2 =	vadd.s32 $0x800, v0;
	v6 =	vor.u32 $0x100, v1;
	s8 =	rddreg [dreg:$0xe]  }
0x34: {  	v7 =	vor.u32 $0x200, v1;
	v8 =	vor.u32 $0x300, v1;
	v9 =	vor.u32 $0x400, v1;
	s5 =	simm.s32 $0x1;
	s6 =	simm.s32 $0xC080;
	s9 =	rddreg [dreg:$0xc]  }
0x35: {  	v10 =	vor.u32 $0x500, v1;
	v11 =	vor.u32 $0x600, v1;
	v12 =	vor.u32 $0x700, v1;
	s7 =	simm.s32 $0x0;
	s3 =	sadd.s32 $0xE00, s8;
	s4 =	smax.u32 s9, $0x1  }
.LBB2_1:
0x36: {  	[tilespmem:s17], [sflag:$0x1] =	stream.linear.gather [hbm4b:s10+s17], $0x800, $0x38;
	[tilespmem:$0xC900] =	vst v63  }
0x37: {  	_ =	swait.ge [sflag:s5], $0x800  }
0x38: {  	[sflag:s5] =	ssyncset.done $0x0  }
0x39: {  	s9 =	simm.s32 $0x808;
	s8 =	rddreg [dreg:$0x3];
	[sflag:s5] =	ssyncadd.s32 $0xFFFFF800  }
0x3a: {  	[tilespmem:s9], [sflag:$0x1] =	stream.linear.gather [hbm4b:s8+s17], $0x800, $0x38;
	[tilespmem:$0xC900] =	vst v63  }
0x3b: {  	_ =	swait.ge [sflag:s5], $0x800  }
0x3c: {  	[sflag:s5] =	ssyncset.done $0x0  }
0x3d: {  	s9 =	simm.s32 $0x1010;
	s8 =	rddreg [dreg:$0x4];
	[sflag:s5] =	ssyncadd.s32 $0xFFFFF800  }
0x3e: {  	[tilespmem:s9], [sflag:$0x1] =	stream.linear.gather [hbm4b:s8+s17], $0x800, $0x38;
	[tilespmem:$0xC900] =	vst v63  }
0x3f: {  	_ =	swait.ge [sflag:s5], $0x800  }
0x40: {  	[sflag:s5] =	ssyncset.done $0x0  }
0x41: {  	s9 =	simm.s32 $0x1818;
	s8 =	rddreg [dreg:$0x5];
	[sflag:s5] =	ssyncadd.s32 $0xFFFFF800  }
0x42: {  	[tilespmem:s9], [sflag:$0x1] =	stream.linear.gather [hbm4b:s8+s17], $0x800, $0x38;
	[tilespmem:$0xC900] =	vst v63  }
0x43: {  	_ =	swait.ge [sflag:s5], $0x800  }
0x44: {  	[sflag:s5] =	ssyncset.done $0x0  }
0x45: {  	s9 =	simm.s32 $0x2020;
	s8 =	rddreg [dreg:$0x6];
	[sflag:s5] =	ssyncadd.s32 $0xFFFFF800  }
0x46: {  	[tilespmem:s9], [sflag:$0x1] =	stream.linear.gather [hbm4b:s8+s17], $0x800, $0x38;
	[tilespmem:$0xC900] =	vst v63  }
0x47: {  	_ =	swait.ge [sflag:s5], $0x800  }
0x48: {  	[sflag:s5] =	ssyncset.done $0x0  }
0x49: {  	s9 =	simm.s32 $0x2828;
	s8 =	rddreg [dreg:$0x7];
	[sflag:s5] =	ssyncadd.s32 $0xFFFFF800  }
0x4a: {  	[tilespmem:s9], [sflag:$0x1] =	stream.linear.gather [hbm4b:s8+s17], $0x800, $0x38;
	[tilespmem:$0xC900] =	vst v63  }
0x4b: {  	_ =	swait.ge [sflag:s5], $0x800  }
0x4c: {  	[sflag:s5] =	ssyncset.done $0x0  }
0x4d: {  	s9 =	simm.s32 $0x3030;
	s8 =	rddreg [dreg:$0x8];
	[sflag:s5] =	ssyncadd.s32 $0xFFFFF800  }
0x4e: {  	[tilespmem:s9], [sflag:$0x1] =	stream.linear.gather [hbm4b:s8+s17], $0x800, $0x38;
	[tilespmem:$0xC900] =	vst v63  }
0x4f: {  	_ =	swait.ge [sflag:s5], $0x800  }
0x50: {  	[sflag:s5] =	ssyncset.done $0x0  }
0x51: {  	s9 =	simm.s32 $0x3838;
	s8 =	rddreg [dreg:$0x9];
	[sflag:s5] =	ssyncadd.s32 $0xFFFFF800  }
0x52: {  	[tilespmem:s9], [sflag:$0x1] =	stream.linear.gather [hbm4b:s8+s17], $0x800, $0x38;
	[tilespmem:$0xC900] =	vst v63  }
0x53: {  	_ =	swait.ge [sflag:s5], $0x800  }
0x54: {  	[sflag:s5] =	ssyncset.done $0x0  }
0x55: {  	s9 =	simm.s32 $0x4040;
	s8 =	rddreg [dreg:$0xa];
	[sflag:s5] =	ssyncadd.s32 $0xFFFFF800  }
0x56: {  	[tilespmem:s9], [sflag:$0x1] =	stream.linear.gather [hbm4b:s8+s17], $0x800, $0x38;
	[tilespmem:$0xC900] =	vst v63  }
0x57: {  	_ =	swait.ge [sflag:s5], $0x800  }
0x58: {  	[sflag:s5] =	ssyncset.done $0x0  }
0x59: {  	s9 =	simm.s32 $0x4848;
	s8 =	rddreg [dreg:$0xb];
	[sflag:s5] =	ssyncadd.s32 $0xFFFFF800  }
0x5a: {  	[tilespmem:s9], [sflag:$0x1] =	stream.linear.gather [hbm4b:s8+s17], $0x800, $0x38;
	[tilespmem:$0xC900] =	vst v63  }
0x5b: {  	_ =	swait.ge [sflag:s5], $0x800  }
0x5c: {  	[sflag:s5] =	ssyncset.done $0x0  }
0x5d: {  	s9 =	simm.s32 $0x5050;
	[sflag:s5] =	ssyncadd.s32 $0xFFFFF800  }
0x5e: {  	[tilespmem:s9], [sflag:$0x1] =	stream.linear.gather [hbm4b:s11+s17], $0x800, $0x38;
	[tilespmem:$0xC900] =	vst v63  }
0x5f: {  	_ =	swait.ge [sflag:s5], $0x800  }
0x60: {  	[sflag:s5] =	ssyncset.done $0x0  }
0x61: {  	s9 =	simm.s32 $0x5858;
	[sflag:s5] =	ssyncadd.s32 $0xFFFFF800  }
0x62: {  	[tilespmem:s9], [sflag:$0x1] =	stream.linear.gather [hbm4b:s12+s17], $0x800, $0x38;
	[tilespmem:$0xC900] =	vst v63  }
0x63: {  	_ =	swait.ge [sflag:s5], $0x800  }
0x64: {  	[sflag:s5] =	ssyncset.done $0x0  }
0x65: {  	s9 =	simm.s32 $0x6060;
	[sflag:s5] =	ssyncadd.s32 $0xFFFFF800  }
0x66: {  	[tilespmem:s9], [sflag:$0x1] =	stream.linear.gather [hbm4b:s13+s17], $0x800, $0x38;
	[tilespmem:$0xC900] =	vst v63  }
0x67: {  	_ =	swait.ge [sflag:s5], $0x800  }
0x68: {  	[sflag:s5] =	ssyncset.done $0x0  }
0x69: {  	s9 =	simm.s32 $0x6868;
	[sflag:s5] =	ssyncadd.s32 $0xFFFFF800  }
0x6a: {  	[tilespmem:s9], [sflag:$0x1] =	stream.linear.gather [hbm4b:s14+s17], $0x800, $0x38;
	[tilespmem:$0xC900] =	vst v63  }
0x6b: {  	_ =	swait.ge [sflag:s5], $0x800  }
0x6c: {  	[sflag:s5] =	ssyncset.done $0x0  }
0x6d: {  	s9 =	simm.s32 $0x7070;
	[sflag:s5] =	ssyncadd.s32 $0xFFFFF800  }
0x6e: {  	[tilespmem:s9], [sflag:$0x1] =	stream.linear.gather [hbm4b:s15+s17], $0x800, $0x38;
	[tilespmem:$0xC900] =	vst v63  }
0x6f: {  	_ =	swait.ge [sflag:s5], $0x800  }
0x70: {  	[sflag:s5] =	ssyncset.done $0x0  }
0x71: {  	s9 =	simm.s32 $0x7878;
	[sflag:s5] =	ssyncadd.s32 $0xFFFFF800  }
0x72: {  	[tilespmem:s9], [sflag:$0x1] =	stream.linear.gather [hbm4b:s16+s17], $0x800, $0x38;
	[tilespmem:$0xC900] =	vst v63  }
0x73: {  	_ =	swait.ge [sflag:s5], $0x800  }
0x74: {  	[sflag:s5] =	ssyncset.done $0x0  }
0x75: {  	[sflag:s5] =	ssyncadd.s32 $0xFFFFF800  }
0x76: {  	s9 =	simm.s32 $0x8080;
	[tilespmem:v2+s17+$0x0] =	vst.idx.msk $0xffff, v3  }
0x77: {  	[tilespmem:s9], [sflag:$0x1] =	stream.linear.gather [hbm4b:s3+s17], $0x4000, $0x38;
	[tilespmem:$0xC900] =	vst v63  }
0x78: {  	_ =	swait.ge [sflag:s5], $0x4000  }
0x79: {  	[sflag:s5] =	ssyncset.done $0x0  }
0x7a: {  	s8 =	simm.s32 $0x80C0;
	s9 =	simm.s32 $0x0;
	[sflag:s5] =	ssyncadd.s32 $0xFFFFC000  }
.LBB2_2:
0x7b: {  	v28 =	vld [tilespmem:s8+$0xFFFFFFC0]  }
0x7c: {  	v29 =	vld [tilespmem:s8+$0xFFFFFFD0]  }
0x7d: {  	v34 =	vld [tilespmem:s8+$0xFFFFFFF0]  }
0x7e: {  	v50 =	vld [tilespmem:s8+$0x20];
	_ =	sdelay $0x2  }
0x7f: {  	v41 =	vld [tilespmem:s8+$0x10];
	v28 =	vmul.f32 $1.600000000e+01, v28  }
0x80: {  	v29 =	vmul.f32 $1.600000000e+01, v29;
	v34 =	vmul.f32 $1.600000000e+01, v34  }
0x81: {  	v52 =	vmul.f32 $1.600000000e+01, v50;
	v30 =	vtrunc.f32 v28  }
0x82: {  	v32 =	vtrunc.f32 v29;
	v37 =	vtrunc.f32 v34  }
0x83: {  	v59 =	vld [tilespmem:s8+$0x0];
	v54 =	vtrunc.f32 v52;
	v30 =	vcvt.f32.s32 v30  }
0x84: {  	v57 =	vld [tilespmem:s8+$0xFFFFFFE0];
	v61 =	vcvt.f32.s32 v37;
	v37 =	vmul.f32 $1.600000000e+01, v41  }
0x85: {  	v32 =	vcvt.f32.s32 v32;
	v56 =	vcvt.f32.s32 v54  }
0x86: {  	v31 =	vcvt.s32.f32 v30;
	v46 =	vtrunc.f32 v37  }
0x87: {  	v35 =	vcvt.s32.f32 v32;
	v47 =	vcvt.f32.s32 v46  }
0x88: {  	v62 =	vmul.f32 $1.600000000e+01, v59;
	v59 =	vcvt.s32.f32 v56;
	v28 =	vsub.f32 v28, v31  }
0x89: {  	v31 =	vmul.f32 $1.600000000e+01, v57;
	v29 =	vsub.f32 v29, v35;
	v53 =	vand.u32 $0x1, v47  }
0x8a: {  	vm0 =	vgt.f32 v28, $5.000000000e-01;
	vm6 =	veq.f32 v28, $5.000000000e-01;
	v28 =	vand.u32 $0x1, v30  }
0x8b: {  	v58 =	vtrunc.f32 v31;
	vm1 =	vgt.f32 v29, $5.000000000e-01;
	vm8 =	veq.f32 v29, $5.000000000e-01  }
0x8c: {  	v29 =	vand.u32 $0x1, v32;
	v33 =	vsel vm0, $0x1, v4;
	v28 =	vnsel vm6, $0x0, v28  }
0x8d: {  	v60 =	vsel vm1, $0x1, v4;
	v29 =	vnsel vm8, $0x0, v29;
	v30 =	vadd.s32 v30, v33  }
0x8e: {  	v32 =	vadd.s32 v32, v60;
	v33 =	vtrunc.f32 v62;
	v28 =	vadd.s32 v28, v30  }
0x8f: {  	v30 =	vcvt.f32.s32 v58;
	v29 =	vadd.s32 v29, v32;
	v42 =	vcvt.f32.s32 v33  }
0x90: {  	v32 =	vcvt.s32.f32 v47;
	vm7 =	vlt.s32 v28, $0x10;
	v28 =	vadd.s32 v1, v28  }
0x91: {  	vm9 =	vlt.s32 v29, $0x10;
	v29 =	vadd.s32 v6, v29;
	v36 =	vcvt.s32.f32 v30  }
0x92: {  	v63 =	vnsel vm7, $0x800, v28;
	v28 =	vcvt.s32.f32 v61;
	v43 =	vcvt.s32.f32 v42  }
0x93: {  	v33 =	vnsel vm9, $0x800, v29;
	v55 =	vperm.xlane v63, v4;
	v57 =	vperm.xlane v63, v5  }
0x94: {  	v49 =	vand.u32 $0x1, v42;
	v58 =	vperm.xlane v63, v13;
	v40 =	vperm.xlane v63, v14  }
0x95: {  	v51 =	vsub.f32 v37, v32;
	v41 =	vperm.xlane v63, v15;
	v46 =	vperm.xlane v63, v19  }
0x96: {  	v50 =	vperm.xlane v63, v23;
	v31 =	vsub.f32 v31, v36;
	v28 =	vsub.f32 v34, v28  }
0x97: {  	vm7 =	vgt.f32 v51, $5.000000000e-01;
	vm8 =	veq.f32 v51, $5.000000000e-01;
	v51 =	vperm.xlane v63, v24  }
0x98: {  	v36 =	vperm.xlane v63, v26;
	v34 =	vnsel vm8, $0x0, v53;
	v37 =	vadd.s32 v0, v55  }
0x99: {  	v35 =	vadd.s32 v0, v57;
	v40 =	vadd.s32 v0, v40;
	v41 =	vadd.s32 v0, v41  }
0x9a: {  	v46 =	vadd.s32 v0, v46;
	v50 =	vadd.s32 v0, v50;
	v55 =	vperm.xlane v33, v14  }
0x9b: {  	v57 =	vperm.xlane v33, v15;
	vm10 =	vgt.f32 v31, $5.000000000e-01;
	vm11 =	veq.f32 v31, $5.000000000e-01  }
0x9c: {  	vm12 =	vgt.f32 v28, $5.000000000e-01;
	v31 =	vsub.f32 v62, v43;
	vm13 =	veq.f32 v28, $5.000000000e-01  }
0x9d: {  	v28 =	vand.u32 $0x1, v61;
	v43 =	vperm.xlane v63, v17;
	v62 =	vperm.xlane v63, v22  }
0x9e: {  	v51 =	vadd.s32 v0, v51;
	v36 =	vadd.s32 v0, v36;
	v38 =	vsel vm10, $0x1, v4  }
0x9f: {  	v44 =	vsel vm12, $0x1, v4;
	v28 =	vnsel vm13, $0x0, v28;
	v55 =	vadd.s32 v0, v55  }
0xa0: {  	v29 =	vadd.s32 v30, v38;
	v30 =	vand.u32 $0x1, v30;
	v45 =	vadd.s32 v61, v44  }
0xa1: {  	vm14 =	vgt.f32 v31, $5.000000000e-01;
	vm4 =	veq.f32 v31, $5.000000000e-01;
	v38 =	vadd.s32 v0, v58  }
0xa2: {  	v44 =	vperm.xlane v63, v18;
	v43 =	vadd.s32 v0, v43;
	v58 =	vperm.xlane v33, v4  }
0xa3: {  	v60 =	vld [tilespmem:s8+$0x30];
	v30 =	vnsel vm11, $0x0, v30;
	v28 =	vadd.s32 v28, v45;
	v48 =	vsel vm14, $0x1, v4  }
0xa4: {  	v39 =	vnsel vm4, $0x0, v49;
	v29 =	vadd.s32 v30, v29;
	vm5 =	vlt.s32 v28, $0x10  }
0xa5: {  	v28 =	vadd.s32 v8, v28;
	v30 =	vadd.s32 v42, v48;
	v42 =	vperm.xlane v63, v16  }
0xa6: {  	v37 =	vld.idx.msk [tilespmem:v37+s17+$0x0], $0xffff;
	v44 =	vadd.s32 v0, v44;
	v48 =	vperm.xlane v63, v21;
	vm15 =	vlt.s32 v29, $0x10  }
0xa7: {  	v35 =	vld.idx.msk [tilespmem:v35+s17+$0x0], $0xffff;
	v29 =	vadd.s32 v7, v29;
	v31 =	vnsel vm5, $0x800, v28;
	v28 =	vadd.s32 v39, v30  }
0xa8: {  	v40 =	vld.idx.msk [tilespmem:v40+s17+$0x0], $0xffff;
	v30 =	vsub.f32 v52, v59;
	v39 =	vmul.f32 $1.600000000e+01, v60;
	v52 =	vperm.xlane v63, v25  }
0xa9: {  	v41 =	vld.idx.msk [tilespmem:v41+s17+$0x0], $0xffff;
	v59 =	vperm.xlane v33, v5;
	v60 =	vadd.s32 v0, v58;
	v32 =	vnsel vm15, $0x800, v29  }
0xaa: {  	v46 =	vld.idx.msk [tilespmem:v46+s17+$0x0], $0xffff;
	vm6 =	vlt.s32 v28, $0x10;
	v28 =	vadd.s32 v9, v28;
	v42 =	vadd.s32 v0, v42  }
0xab: {  	v50 =	vld.idx.msk [tilespmem:v50+s17+$0x0], $0xffff;
	v48 =	vadd.s32 v0, v48;
	v29 =	vnsel vm6, $0x800, v28;
	v28 =	vsel vm7, $0x1, v4  }
0xac: {  	v51 =	vld.idx.msk [tilespmem:v51+s17+$0x0], $0xffff;
	v49 =	vtrunc.f32 v39;
	v28 =	vadd.s32 v47, v28;
	v47 =	vperm.xlane v63, v20  }
0xad: {  	v36 =	vld.idx.msk [tilespmem:v36+s17+$0x0], $0xffff;
	vm10 =	vgt.f32 v30, $5.000000000e-01;
	vm11 =	veq.f32 v30, $5.000000000e-01;
	v49 =	vcvt.f32.s32 v49  }
0xae: {  	v38 =	vld.idx.msk [tilespmem:v38+s17+$0x0], $0xffff;
	v45 =	vsel vm10, $0x1, v4;
	v63 =	vadd.s32 v0, v52;
	v61 =	vadd.s32 v0, v47  }
0xaf: {  	v43 =	vld.idx.msk [tilespmem:v43+s17+$0x0], $0xffff;
	v28 =	vadd.s32 v34, v28;
	v47 =	vadd.s32 v0, v62;
	v53 =	vcvt.s32.f32 v49  }
0xb0: {  	v45 =	vadd.s32 v56, v45;
	v34 =	vand.u32 $0x1, v56;
	v44 =	vld.idx.msk [tilespmem:v44+s17+$0x0], $0xffff;
	v37 =	vmul.f32 v46, v37  }
0xb1: {  	v46 =	vld.idx.msk [tilespmem:v55+s17+$0x0], $0xffff;
	v34 =	vnsel vm11, $0x0, v34;
	v62 =	vperm.xlane v33, v16;
	v39 =	vsub.f32 v39, v53  }
0xb2: {  	v41 =	vmul.f32 v50, v41;
	v48 =	vld.idx.msk [tilespmem:v48+s17+$0x0], $0xffff;
	v34 =	vadd.s32 v34, v45;
	v53 =	vadd.s32 v0, v59  }
0xb3: {  	v59 =	vadd.s32 v0, v62;
	v62 =	vperm.xlane v32, v5;
	vm12 =	vgt.f32 v39, $5.000000000e-01;
	v54 =	vld.idx.msk [tilespmem:v61+s17+$0x0], $0xffff  }
0xb4: {  	vm13 =	veq.f32 v39, $5.000000000e-01;
	v39 =	vadd.s32 v0, v57;
	v45 =	vld.idx.msk [tilespmem:v47+s17+$0x0], $0xffff;
	v61 =	vperm.xlane v33, v13  }
0xb5: {  	v57 =	vperm.xlane v33, v17;
	v56 =	vsel vm12, $0x1, v4;
	v47 =	vld.idx.msk [tilespmem:v60+s17+$0x0], $0xffff;
	v60 =	vperm.xlane v33, v18  }
0xb6: {  	v58 =	vld.idx.msk [tilespmem:v63+s17+$0x0], $0xffff;
	v56 =	vadd.s32 v49, v56;
	v49 =	vand.u32 $0x1, v49;
	v52 =	vadd.s32 v0, v61  }
0xb7: {  	v63 =	vnsel vm13, $0x0, v49;
	v49 =	vld.idx.msk [tilespmem:v53+s17+$0x0], $0xffff;
	v53 =	vadd.s32 v0, v57;
	v57 =	vperm.xlane v33, v19  }
0xb8: {  	v42 =	vld.idx.msk [tilespmem:v42+s17+$0x0], $0xffff;
	v30 =	vadd.s32 v63, v56;
	v56 =	vadd.s32 v0, v60;
	v60 =	vperm.xlane v33, v20  }
0xb9: {  	v38 =	vmul.f32 v48, v38;
	v48 =	vld.idx.msk [tilespmem:v59+s17+$0x0], $0xffff;
	v55 =	vadd.s32 v0, v57;
	v57 =	vperm.xlane v33, v21  }
0xba: {  	v39 =	vld.idx.msk [tilespmem:v39+s17+$0x0], $0xffff;
	v35 =	vmul.f32 v54, v35;
	v54 =	vadd.s32 v0, v60;
	v60 =	vperm.xlane v33, v22  }
0xbb: {  	v36 =	vmul.f32 v36, v44;
	v59 =	vperm.xlane v33, v23;
	v57 =	vadd.s32 v0, v57;
	v52 =	vld.idx.msk [tilespmem:v52+s17+$0x0], $0xffff  }
0xbc: {  	v40 =	vmul.f32 v45, v40;
	v45 =	vld.idx.msk [tilespmem:v53+s17+$0x0], $0xffff;
	v53 =	vadd.s32 v0, v60;
	v60 =	vperm.xlane v33, v24  }
0xbd: {  	v42 =	vmul.f32 v51, v42;
	v50 =	vld.idx.msk [tilespmem:v56+s17+$0x0], $0xffff;
	v56 =	vadd.s32 v0, v59;
	v59 =	vperm.xlane v33, v25  }
0xbe: {  	v61 =	vperm.xlane v32, v4;
	v63 =	vperm.xlane v32, v13;
	v55 =	vld.idx.msk [tilespmem:v55+s17+$0x0], $0xffff;
	v60 =	vadd.s32 v0, v60  }
0xbf: {  	v43 =	vmul.f32 v58, v43;
	v58 =	vperm.xlane v32, v14;
	v51 =	vld.idx.msk [tilespmem:v54+s17+$0x0], $0xffff;
	v54 =	vadd.s32 v0, v59  }
0xc0: {  	v37 =	vmul.f32 v47, v37;
	v35 =	vmul.f32 v49, v35;
	v59 =	vadd.s32 v0, v63;
	v57 =	vld.idx.msk [tilespmem:v57+s17+$0x0], $0xffff  }
0xc1: {  	v40 =	vmul.f32 v46, v40;
	v33 =	vperm.xlane v33, v26;
	v44 =	vld.idx.msk [tilespmem:v53+s17+$0x0], $0xffff;
	v53 =	vadd.s32 v0, v61  }
0xc2: {  	v42 =	vmul.f32 v48, v42;
	v39 =	vmul.f32 v39, v41;
	v47 =	vld.idx.msk [tilespmem:v56+s17+$0x0], $0xffff;
	v56 =	vadd.s32 v0, v62  }
0xc3: {  	v33 =	vadd.s32 v0, v33;
	v38 =	vmul.f32 v52, v38;
	v49 =	vld.idx.msk [tilespmem:v60+s17+$0x0], $0xffff;
	v60 =	vperm.xlane v32, v15  }
0xc4: {  	v43 =	vmul.f32 v45, v43;
	v52 =	vld.idx.msk [tilespmem:v54+s17+$0x0], $0xffff;
	v54 =	vadd.s32 v0, v58;
	v58 =	vperm.xlane v32, v16  }
0xc5: {  	v45 =	vld.idx.msk [tilespmem:v59+s17+$0x0], $0xffff;
	v59 =	vperm.xlane v32, v20;
	v46 =	vadd.s32 v0, v60;
	v60 =	vperm.xlane v32, v17  }
0xc6: {  	v37 =	vmul.f32 v55, v37;
	v41 =	vld.idx.msk [tilespmem:v53+s17+$0x0], $0xffff;
	v53 =	vadd.s32 v0, v58;
	v58 =	vperm.xlane v32, v18  }
0xc7: {  	v55 =	vadd.s32 v0, v59;
	v48 =	vld.idx.msk [tilespmem:v56+s17+$0x0], $0xffff;
	v56 =	vadd.s32 v0, v60;
	v60 =	vperm.xlane v32, v19  }
0xc8: {  	vm9 =	vlt.s32 v28, $0x10;
	v33 =	vld.idx.msk [tilespmem:v33+s17+$0x0], $0xffff;
	v59 =	vperm.xlane v32, v22;
	v58 =	vadd.s32 v0, v58  }
0xc9: {  	v36 =	vmul.f32 v50, v36;
	v50 =	vld.idx.msk [tilespmem:v54+s17+$0x0], $0xffff;
	v54 =	vadd.s32 v0, v60;
	v60 =	vperm.xlane v32, v21  }
0xca: {  	v28 =	vadd.s32 v10, v28;
	v38 =	vmul.f32 v57, v38;
	v57 =	vadd.s32 v0, v59;
	v46 =	vld.idx.msk [tilespmem:v46+s17+$0x0], $0xffff  }
0xcb: {  	v35 =	vmul.f32 v51, v35;
	v51 =	vld.idx.msk [tilespmem:v53+s17+$0x0], $0xffff;
	v53 =	vadd.s32 v0, v60;
	v60 =	vperm.xlane v32, v23  }
0xcc: {  	v28 =	vnsel vm9, $0x800, v28;
	v39 =	vmul.f32 v47, v39;
	v59 =	vperm.xlane v32, v24;
	v47 =	vld.idx.msk [tilespmem:v55+s17+$0x0], $0xffff  }
0xcd: {  	v40 =	vmul.f32 v44, v40;
	v44 =	vld.idx.msk [tilespmem:v58+s17+$0x0], $0xffff;
	v58 =	vadd.s32 v0, v60;
	v60 =	vperm.xlane v32, v25  }
0xce: {  	vm14 =	vlt.s32 v34, $0x10;
	v59 =	vadd.s32 v0, v59;
	v56 =	vld.idx.msk [tilespmem:v56+s17+$0x0], $0xffff;
	v32 =	vperm.xlane v32, v26  }
0xcf: {  	v43 =	vmul.f32 v52, v43;
	v52 =	vld.idx.msk [tilespmem:v57+s17+$0x0], $0xffff;
	v55 =	vadd.s32 v0, v60;
	v60 =	vperm.xlane v31, v4  }
0xd0: {  	v42 =	vmul.f32 v49, v42;
	v32 =	vadd.s32 v0, v32;
	v49 =	vld.idx.msk [tilespmem:v53+s17+$0x0], $0xffff;
	v53 =	vperm.xlane v31, v5  }
0xd1: {  	v34 =	vadd.s32 v11, v34;
	v54 =	vld.idx.msk [tilespmem:v54+s17+$0x0], $0xffff;
	v57 =	vadd.s32 v0, v60;
	v60 =	vperm.xlane v31, v13  }
0xd2: {  	v33 =	vmul.f32 v33, v36;
	v36 =	vld.idx.msk [tilespmem:v58+s17+$0x0], $0xffff;
	v53 =	vadd.s32 v0, v53;
	v58 =	vperm.xlane v31, v14  }
0xd3: {  	v37 =	vmul.f32 v41, v37;
	v41 =	vld.idx.msk [tilespmem:v59+s17+$0x0], $0xffff;
	v59 =	vadd.s32 v0, v60;
	v60 =	vperm.xlane v31, v15  }
0xd4: {  	v35 =	vmul.f32 v48, v35;
	v48 =	vld.idx.msk [tilespmem:v55+s17+$0x0], $0xffff;
	v55 =	vadd.s32 v0, v58;
	v58 =	vperm.xlane v31, v16  }
0xd5: {  	v38 =	vmul.f32 v45, v38;
	v45 =	vld.idx.msk [tilespmem:v32+s17+$0x0], $0xffff;
	v32 =	vadd.s32 v0, v60;
	v60 =	vperm.xlane v31, v17  }
0xd6: {  	v40 =	vmul.f32 v50, v40;
	v50 =	vld.idx.msk [tilespmem:v57+s17+$0x0], $0xffff;
	v57 =	vadd.s32 v0, v58;
	v58 =	vperm.xlane v31, v18  }
0xd7: {  	v39 =	vmul.f32 v46, v39;
	v46 =	vld.idx.msk [tilespmem:v53+s17+$0x0], $0xffff;
	v53 =	vadd.s32 v0, v60;
	v60 =	vperm.xlane v31, v19  }
0xd8: {  	v42 =	vmul.f32 v51, v42;
	v51 =	vld.idx.msk [tilespmem:v59+s17+$0x0], $0xffff;
	v58 =	vadd.s32 v0, v58;
	v59 =	vperm.xlane v31, v20  }
0xd9: {  	v43 =	vmul.f32 v56, v43;
	v55 =	vld.idx.msk [tilespmem:v55+s17+$0x0], $0xffff;
	v56 =	vadd.s32 v0, v60;
	v60 =	vperm.xlane v31, v21  }
0xda: {  	v33 =	vmul.f32 v44, v33;
	v44 =	vld.idx.msk [tilespmem:v32+s17+$0x0], $0xffff;
	v59 =	vadd.s32 v0, v59;
	v32 =	vperm.xlane v31, v22  }
0xdb: {  	v37 =	vmul.f32 v54, v37;
	v54 =	vld.idx.msk [tilespmem:v57+s17+$0x0], $0xffff;
	v57 =	vadd.s32 v0, v60;
	v60 =	vperm.xlane v31, v23  }
0xdc: {  	v61 =	vperm.xlane v31, v24;
	v35 =	vmul.f32 v47, v35;
	v47 =	vld.idx.msk [tilespmem:v53+s17+$0x0], $0xffff;
	v53 =	vadd.s32 v0, v32  }
0xdd: {  	v38 =	vmul.f32 v49, v38;
	v49 =	vld.idx.msk [tilespmem:v58+s17+$0x0], $0xffff;
	v58 =	vadd.s32 v0, v60;
	v60 =	vperm.xlane v31, v25  }
0xde: {  	v32 =	vnsel vm14, $0x800, v34;
	v31 =	vperm.xlane v31, v26;
	v34 =	vld.idx.msk [tilespmem:v56+s17+$0x0], $0xffff;
	v56 =	vadd.s32 v0, v61  }
0xdf: {  	v40 =	vmul.f32 v52, v40;
	v52 =	vld.idx.msk [tilespmem:v59+s17+$0x0], $0xffff;
	v59 =	vadd.s32 v0, v60;
	v60 =	vperm.xlane v29, v4  }
0xe0: {  	v36 =	vmul.f32 v36, v39;
	v31 =	vadd.s32 v0, v31;
	v39 =	vld.idx.msk [tilespmem:v57+s17+$0x0], $0xffff;
	v57 =	vperm.xlane v29, v5  }
0xe1: {  	v41 =	vmul.f32 v41, v42;
	v42 =	vld.idx.msk [tilespmem:v53+s17+$0x0], $0xffff;
	v53 =	vadd.s32 v0, v60;
	v60 =	vperm.xlane v29, v13  }
0xe2: {  	v43 =	vmul.f32 v48, v43;
	v48 =	vld.idx.msk [tilespmem:v58+s17+$0x0], $0xffff;
	v57 =	vadd.s32 v0, v57;
	v58 =	vperm.xlane v29, v14  }
0xe3: {  	v33 =	vmul.f32 v45, v33;
	v45 =	vld.idx.msk [tilespmem:v56+s17+$0x0], $0xffff;
	v56 =	vadd.s32 v0, v60;
	v60 =	vperm.xlane v29, v15  }
0xe4: {  	v37 =	vmul.f32 v50, v37;
	v50 =	vld.idx.msk [tilespmem:v59+s17+$0x0], $0xffff;
	v58 =	vadd.s32 v0, v58;
	v59 =	vperm.xlane v29, v16  }
0xe5: {  	v35 =	vmul.f32 v46, v35;
	v31 =	vld.idx.msk [tilespmem:v31+s17+$0x0], $0xffff;
	v46 =	vadd.s32 v0, v60;
	v60 =	vperm.xlane v29, v17  }
0xe6: {  	v38 =	vmul.f32 v51, v38;
	v51 =	vld.idx.msk [tilespmem:v53+s17+$0x0], $0xffff;
	v53 =	vadd.s32 v0, v59;
	v59 =	vperm.xlane v29, v18  }
0xe7: {  	v40 =	vmul.f32 v55, v40;
	v55 =	vld.idx.msk [tilespmem:v57+s17+$0x0], $0xffff;
	v57 =	vadd.s32 v0, v60;
	v60 =	vperm.xlane v29, v19  }
0xe8: {  	v36 =	vmul.f32 v44, v36;
	v44 =	vld.idx.msk [tilespmem:v56+s17+$0x0], $0xffff;
	v56 =	vadd.s32 v0, v59;
	v59 =	vperm.xlane v29, v20  }
0xe9: {  	v41 =	vmul.f32 v54, v41;
	v54 =	vld.idx.msk [tilespmem:v58+s17+$0x0], $0xffff;
	v58 =	vadd.s32 v0, v60;
	v60 =	vperm.xlane v29, v21  }
0xea: {  	v43 =	vmul.f32 v47, v43;
	v46 =	vld.idx.msk [tilespmem:v46+s17+$0x0], $0xffff;
	v47 =	vadd.s32 v0, v59;
	v59 =	vperm.xlane v29, v22  }
0xeb: {  	v33 =	vmul.f32 v49, v33;
	v49 =	vld.idx.msk [tilespmem:v53+s17+$0x0], $0xffff;
	v53 =	vadd.s32 v0, v60;
	v60 =	vperm.xlane v29, v23  }
0xec: {  	v34 =	vmul.f32 v34, v37;
	v37 =	vld.idx.msk [tilespmem:v57+s17+$0x0], $0xffff;
	v57 =	vadd.s32 v0, v59;
	v59 =	vperm.xlane v29, v24  }
0xed: {  	v35 =	vmul.f32 v52, v35;
	v52 =	vld.idx.msk [tilespmem:v56+s17+$0x0], $0xffff;
	v56 =	vadd.s32 v0, v60;
	v60 =	vperm.xlane v29, v25  }
0xee: {  	vm15 =	vlt.s32 v30, $0x10;
	v29 =	vperm.xlane v29, v26;
	v58 =	vld.idx.msk [tilespmem:v58+s17+$0x0], $0xffff;
	v59 =	vadd.s32 v0, v59  }
0xef: {  	v38 =	vmul.f32 v39, v38;
	v39 =	vld.idx.msk [tilespmem:v47+s17+$0x0], $0xffff;
	v47 =	vadd.s32 v0, v60;
	v60 =	vperm.xlane v28, v4  }
0xf0: {  	v40 =	vmul.f32 v42, v40;
	v29 =	vadd.s32 v0, v29;
	v42 =	vld.idx.msk [tilespmem:v53+s17+$0x0], $0xffff;
	v53 =	vperm.xlane v28, v5  }
0xf1: {  	v36 =	vmul.f32 v48, v36;
	v48 =	vld.idx.msk [tilespmem:v57+s17+$0x0], $0xffff;
	v57 =	vadd.s32 v0, v60;
	v60 =	vperm.xlane v28, v13  }
0xf2: {  	v41 =	vmul.f32 v45, v41;
	v45 =	vld.idx.msk [tilespmem:v56+s17+$0x0], $0xffff;
	v53 =	vadd.s32 v0, v53;
	v56 =	vperm.xlane v28, v14  }
0xf3: {  	v43 =	vmul.f32 v50, v43;
	v50 =	vld.idx.msk [tilespmem:v59+s17+$0x0], $0xffff;
	v59 =	vadd.s32 v0, v60;
	v60 =	vperm.xlane v28, v15  }
0xf4: {  	v31 =	vmul.f32 v31, v33;
	v33 =	vld.idx.msk [tilespmem:v47+s17+$0x0], $0xffff;
	v47 =	vadd.s32 v0, v56;
	v56 =	vperm.xlane v28, v16  }
0xf5: {  	v34 =	vmul.f32 v51, v34;
	v29 =	vld.idx.msk [tilespmem:v29+s17+$0x0], $0xffff;
	v51 =	vadd.s32 v0, v60;
	v60 =	vperm.xlane v28, v17  }
0xf6: {  	v35 =	vmul.f32 v55, v35;
	v55 =	vld.idx.msk [tilespmem:v57+s17+$0x0], $0xffff;
	v56 =	vadd.s32 v0, v56;
	v57 =	vperm.xlane v28, v18  }
0xf7: {  	v38 =	vmul.f32 v44, v38;
	v44 =	vld.idx.msk [tilespmem:v53+s17+$0x0], $0xffff;
	v53 =	vadd.s32 v0, v60;
	v60 =	vperm.xlane v28, v19  }
0xf8: {  	v40 =	vmul.f32 v54, v40;
	v54 =	vld.idx.msk [tilespmem:v59+s17+$0x0], $0xffff;
	v57 =	vadd.s32 v0, v57;
	v59 =	vperm.xlane v28, v20  }
0xf9: {  	v36 =	vmul.f32 v46, v36;
	v46 =	vld.idx.msk [tilespmem:v47+s17+$0x0], $0xffff;
	v47 =	vadd.s32 v0, v60;
	v60 =	vperm.xlane v28, v21  }
0xfa: {  	v41 =	vmul.f32 v49, v41;
	v49 =	vld.idx.msk [tilespmem:v51+s17+$0x0], $0xffff;
	v51 =	vadd.s32 v0, v59;
	v59 =	vperm.xlane v28, v22  }
0xfb: {  	v37 =	vmul.f32 v37, v43;
	v43 =	vld.idx.msk [tilespmem:v56+s17+$0x0], $0xffff;
	v56 =	vadd.s32 v0, v60;
	v60 =	vperm.xlane v28, v23  }
0xfc: {  	v31 =	vmul.f32 v52, v31;
	v52 =	vld.idx.msk [tilespmem:v53+s17+$0x0], $0xffff;
	v53 =	vadd.s32 v0, v59;
	v59 =	vperm.xlane v28, v24  }
0xfd: {  	v34 =	vmul.f32 v58, v34;
	v57 =	vld.idx.msk [tilespmem:v57+s17+$0x0], $0xffff;
	v58 =	vadd.s32 v0, v60;
	v60 =	vperm.xlane v28, v25  }
0xfe: {  	v30 =	vadd.s32 v12, v30;
	v28 =	vperm.xlane v28, v26;
	v47 =	vld.idx.msk [tilespmem:v47+s17+$0x0], $0xffff;
	v59 =	vadd.s32 v0, v59  }
0xff: {  	v35 =	vmul.f32 v39, v35;
	v39 =	vld.idx.msk [tilespmem:v51+s17+$0x0], $0xffff;
	v51 =	vadd.s32 v0, v60;
	v60 =	vperm.xlane v32, v4  }
0x100: {  	v38 =	vmul.f32 v42, v38;
	v28 =	vadd.s32 v0, v28;
	v42 =	vld.idx.msk [tilespmem:v56+s17+$0x0], $0xffff;
	v56 =	vperm.xlane v32, v5  }
0x101: {  	v40 =	vmul.f32 v48, v40;
	v48 =	vld.idx.msk [tilespmem:v53+s17+$0x0], $0xffff;
	v53 =	vadd.s32 v0, v60;
	v60 =	vperm.xlane v32, v13  }
0x102: {  	v36 =	vmul.f32 v45, v36;
	v45 =	vld.idx.msk [tilespmem:v58+s17+$0x0], $0xffff;
	v56 =	vadd.s32 v0, v56;
	v58 =	vperm.xlane v32, v14  }
0x103: {  	v41 =	vmul.f32 v50, v41;
	v50 =	vld.idx.msk [tilespmem:v59+s17+$0x0], $0xffff;
	v59 =	vadd.s32 v0, v60;
	v60 =	vperm.xlane v32, v15  }
0x104: {  	v33 =	vmul.f32 v33, v37;
	v37 =	vld.idx.msk [tilespmem:v51+s17+$0x0], $0xffff;
	v51 =	vadd.s32 v0, v58;
	v58 =	vperm.xlane v32, v16  }
0x105: {  	v29 =	vmul.f32 v29, v31;
	v28 =	vld.idx.msk [tilespmem:v28+s17+$0x0], $0xffff;
	v31 =	vadd.s32 v0, v60;
	v60 =	vperm.xlane v32, v17  }
0x106: {  	v34 =	vmul.f32 v55, v34;
	v53 =	vld.idx.msk [tilespmem:v53+s17+$0x0], $0xffff;
	v55 =	vadd.s32 v0, v58;
	v58 =	vperm.xlane v32, v18  }
0x107: {  	v35 =	vmul.f32 v44, v35;
	v44 =	vld.idx.msk [tilespmem:v56+s17+$0x0], $0xffff;
	v56 =	vadd.s32 v0, v60;
	v60 =	vperm.xlane v32, v19  }
0x108: {  	v38 =	vmul.f32 v54, v38;
	v54 =	vld.idx.msk [tilespmem:v59+s17+$0x0], $0xffff;
	v58 =	vadd.s32 v0, v58;
	v59 =	vperm.xlane v32, v20  }
0x109: {  	v40 =	vmul.f32 v46, v40;
	v46 =	vld.idx.msk [tilespmem:v51+s17+$0x0], $0xffff;
	v51 =	vadd.s32 v0, v60;
	v60 =	vperm.xlane v32, v21  }
0x10a: {  	v36 =	vmul.f32 v49, v36;
	v31 =	vld.idx.msk [tilespmem:v31+s17+$0x0], $0xffff;
	v49 =	vadd.s32 v0, v59;
	v59 =	vperm.xlane v32, v22  }
0x10b: {  	v41 =	vmul.f32 v43, v41;
	v43 =	vld.idx.msk [tilespmem:v55+s17+$0x0], $0xffff;
	v55 =	vadd.s32 v0, v60;
	v60 =	vperm.xlane v32, v23  }
0x10c: {  	v33 =	vmul.f32 v52, v33;
	v52 =	vld.idx.msk [tilespmem:v56+s17+$0x0], $0xffff;
	v56 =	vadd.s32 v0, v59;
	v59 =	vperm.xlane v32, v24  }
0x10d: {  	v29 =	vmul.f32 v57, v29;
	v57 =	vld.idx.msk [tilespmem:v58+s17+$0x0], $0xffff;
	v58 =	vadd.s32 v0, v60;
	v60 =	vperm.xlane v32, v25  }
0x10e: {  	v30 =	vnsel vm15, $0x800, v30;
	v32 =	vperm.xlane v32, v26;
	v51 =	vld.idx.msk [tilespmem:v51+s17+$0x0], $0xffff;
	v59 =	vadd.s32 v0, v59  }
0x10f: {  	v34 =	vmul.f32 v47, v34;
	v47 =	vld.idx.msk [tilespmem:v49+s17+$0x0], $0xffff;
	v49 =	vadd.s32 v0, v60;
	v60 =	vperm.xlane v30, v4  }
0x110: {  	v35 =	vmul.f32 v39, v35;
	v32 =	vadd.s32 v0, v32;
	v39 =	vld.idx.msk [tilespmem:v55+s17+$0x0], $0xffff;
	v55 =	vperm.xlane v30, v5  }
0x111: {  	v38 =	vmul.f32 v42, v38;
	v42 =	vld.idx.msk [tilespmem:v56+s17+$0x0], $0xffff;
	v56 =	vadd.s32 v0, v60;
	v60 =	vperm.xlane v30, v13  }
0x112: {  	v40 =	vmul.f32 v48, v40;
	v48 =	vld.idx.msk [tilespmem:v58+s17+$0x0], $0xffff;
	v55 =	vadd.s32 v0, v55;
	v58 =	vperm.xlane v30, v14  }
0x113: {  	v36 =	vmul.f32 v45, v36;
	v45 =	vld.idx.msk [tilespmem:v59+s17+$0x0], $0xffff;
	v59 =	vadd.s32 v0, v60;
	v60 =	vperm.xlane v30, v15  }
0x114: {  	v41 =	vmul.f32 v50, v41;
	v49 =	vld.idx.msk [tilespmem:v49+s17+$0x0], $0xffff;
	v50 =	vadd.s32 v0, v58;
	v58 =	vperm.xlane v30, v16  }
0x115: {  	v33 =	vmul.f32 v37, v33;
	v32 =	vld.idx.msk [tilespmem:v32+s17+$0x0], $0xffff;
	v37 =	vadd.s32 v0, v60;
	v60 =	vperm.xlane v30, v17  }
0x116: {  	v28 =	vmul.f32 v28, v29;
	v29 =	vld.idx.msk [tilespmem:v56+s17+$0x0], $0xffff;
	v56 =	vadd.s32 v0, v58;
	v58 =	vperm.xlane v30, v18  }
0x117: {  	v34 =	vmul.f32 v53, v34;
	v53 =	vld.idx.msk [tilespmem:v55+s17+$0x0], $0xffff;
	v55 =	vadd.s32 v0, v60;
	v60 =	vperm.xlane v30, v19  }
0x118: {  	v35 =	vmul.f32 v44, v35;
	v44 =	vld.idx.msk [tilespmem:v59+s17+$0x0], $0xffff;
	v58 =	vadd.s32 v0, v58;
	v59 =	vperm.xlane v30, v20  }
0x119: {  	v38 =	vmul.f32 v54, v38;
	v50 =	vld.idx.msk [tilespmem:v50+s17+$0x0], $0xffff;
	v54 =	vadd.s32 v0, v60;
	v60 =	vperm.xlane v30, v21  }
0x11a: {  	v40 =	vmul.f32 v46, v40;
	v37 =	vld.idx.msk [tilespmem:v37+s17+$0x0], $0xffff;
	v46 =	vadd.s32 v0, v59;
	v59 =	vperm.xlane v30, v22  }
0x11b: {  	v31 =	vmul.f32 v31, v36;
	v36 =	vld.idx.msk [tilespmem:v56+s17+$0x0], $0xffff;
	v56 =	vadd.s32 v0, v60;
	v60 =	vperm.xlane v30, v23  }
0x11c: {  	v41 =	vmul.f32 v43, v41;
	v43 =	vld.idx.msk [tilespmem:v55+s17+$0x0], $0xffff;
	v55 =	vadd.s32 v0, v59;
	v59 =	vperm.xlane v30, v24  }
0x11d: {  	v33 =	vmul.f32 v52, v33;
	v52 =	vld.idx.msk [tilespmem:v58+s17+$0x0], $0xffff;
	v58 =	vadd.s32 v0, v60;
	v60 =	vperm.xlane v30, v25  }
0x11e: {  	v28 =	vmul.f32 v57, v28;
	v30 =	vperm.xlane v30, v26;
	v54 =	vld.idx.msk [tilespmem:v54+s17+$0x0], $0xffff;
	v57 =	vadd.s32 v0, v59  }
0x11f: {  	v34 =	vmul.f32 v51, v34;
	v35 =	vmul.f32 v47, v35;
	v46 =	vld.idx.msk [tilespmem:v46+s17+$0x0], $0xffff;
	v61 =	vadd.s32 v0, v60  }
0x120: {  	v38 =	vmul.f32 v39, v38;
	v62 =	vmul.f32 v42, v40;
	v30 =	vadd.s32 v0, v30;
	v63 =	vld.idx.msk [tilespmem:v56+s17+$0x0], $0xffff  }
0x121: {  	v31 =	vmul.f32 v48, v31;
	v41 =	vmul.f32 v45, v41;
	v51 =	vld.idx.msk [tilespmem:v55+s17+$0x0], $0xffff  }
0x122: {  	v33 =	vmul.f32 v49, v33;
	v28 =	vmul.f32 v32, v28;
	v55 =	vld.idx.msk [tilespmem:v58+s17+$0x0], $0xffff  }
0x123: {  	v29 =	vmul.f32 v29, v34;
	v38 =	vmul.f32 v44, v38;
	v57 =	vld.idx.msk [tilespmem:v57+s17+$0x0], $0xffff  }
0x124: {  	v39 =	vmul.f32 v50, v62;
	v31 =	vmul.f32 v37, v31;
	v58 =	vld.idx.msk [tilespmem:v61+s17+$0x0], $0xffff  }
0x125: {  	v56 =	vmul.f32 v53, v35;
	v36 =	vmul.f32 v36, v41;
	v30 =	vld.idx.msk [tilespmem:v30+s17+$0x0], $0xffff  }
0x126: {  	v33 =	vmul.f32 v43, v33;
	v28 =	vmul.f32 v52, v28  }
0x127: {  	v29 =	vmul.f32 v54, v29;
	v34 =	vmul.f32 v46, v56  }
0x128: {  	v59 =	vmul.f32 v63, v38;
	v60 =	vmul.f32 v51, v39  }
0x129: {  	v31 =	vmul.f32 v55, v31;
	v61 =	vmul.f32 v57, v36  }
0x12a: {  	v33 =	vmul.f32 v58, v33;
	v28 =	vmul.f32 v30, v28  }
0x12b: {  	v29 =	vmul.f32 v34, v29;
	v62 =	vmul.f32 v60, v59  }
0x12c: {  	v31 =	vmul.f32 v61, v31;
	v28 =	vmul.f32 v28, v33  }
0x12d: {  	p0 =	sne.s32 s9, $0x7F;
	v63 =	vadd.s32 s9, v27  }
.Ltmp0:
0x12e: {  	v29 =	vmul.f32 v62, v29;
	v28 =	vmul.f32 v28, v31;
	(pc) =	sbr.rel @p0 .LBB2_2-.Ltmp0, $3  }
0x12f: {  	_ = 	snop  }
0x130: {  	v28 =	vmul.f32 v28, v29;
	_ =	sdelay $0x1  }
0x131: {  	s8 =	sadd.s32 $0x80, s8;
	s9 =	sadd.s32 $0x1, s9;
	[tilespmem:v63+s6+$0x0] =	vst.idx.msk $0xffff, v28  }
0x132: {  	[hbm4b:s18+s17] =	stream.linear.scatter [tilespmem:s6], [sflag:$0x1], $0x80, $0x38;
	[tilespmem:$0xC900] =	vst v63  }
0x133: {  	_ =	swait.ge [sflag:s5], $0x80  }
0x134: {  	[sflag:s5] =	ssyncset.done $0x0  }
0x135: {  	s8 =	simm.s32 $0xC108;
	[sflag:s5] =	ssyncadd.s32 $0xFFFFFF80  }
0x136: {  	[hbm4b:s19+s17] =	stream.linear.scatter [tilespmem:s8], [sflag:$0x1], $0x80, $0x38;
	[tilespmem:$0xC900] =	vst v63  }
0x137: {  	_ =	swait.ge [sflag:s5], $0x80  }
0x138: {  	[sflag:s5] =	ssyncset.done $0x0  }
0x139: {  	s9 =	simm.s32 $0xC190;
	[sflag:s5] =	ssyncadd.s32 $0xFFFFFF80  }
0x13a: {  	[hbm4b:s20+s17] =	stream.linear.scatter [tilespmem:s9], [sflag:$0x1], $0x80, $0x38;
	[tilespmem:$0xC900] =	vst v63  }
0x13b: {  	_ =	swait.ge [sflag:s5], $0x80  }
0x13c: {  	[sflag:s5] =	ssyncset.done $0x0  }
0x13d: {  	s9 =	simm.s32 $0xC218;
	[sflag:s5] =	ssyncadd.s32 $0xFFFFFF80  }
0x13e: {  	[hbm4b:s21+s17] =	stream.linear.scatter [tilespmem:s9], [sflag:$0x1], $0x80, $0x38;
	[tilespmem:$0xC900] =	vst v63  }
0x13f: {  	_ =	swait.ge [sflag:s5], $0x80  }
0x140: {  	[sflag:s5] =	ssyncset.done $0x0  }
0x141: {  	s9 =	simm.s32 $0xC2A0;
	[sflag:s5] =	ssyncadd.s32 $0xFFFFFF80  }
0x142: {  	[hbm4b:s22+s17] =	stream.linear.scatter [tilespmem:s9], [sflag:$0x1], $0x80, $0x38;
	[tilespmem:$0xC900] =	vst v63  }
0x143: {  	_ =	swait.ge [sflag:s5], $0x80  }
0x144: {  	[sflag:s5] =	ssyncset.done $0x0  }
0x145: {  	s9 =	simm.s32 $0xC328;
	[sflag:s5] =	ssyncadd.s32 $0xFFFFFF80  }
0x146: {  	[hbm4b:s23+s17] =	stream.linear.scatter [tilespmem:s9], [sflag:$0x1], $0x80, $0x38;
	[tilespmem:$0xC900] =	vst v63  }
0x147: {  	_ =	swait.ge [sflag:s5], $0x80  }
0x148: {  	[sflag:s5] =	ssyncset.done $0x0  }
0x149: {  	s9 =	simm.s32 $0xC3B0;
	[sflag:s5] =	ssyncadd.s32 $0xFFFFFF80  }
0x14a: {  	[hbm4b:s24+s17] =	stream.linear.scatter [tilespmem:s9], [sflag:$0x1], $0x80, $0x38;
	[tilespmem:$0xC900] =	vst v63  }
0x14b: {  	_ =	swait.ge [sflag:s5], $0x80  }
0x14c: {  	[sflag:s5] =	ssyncset.done $0x0  }
0x14d: {  	s9 =	simm.s32 $0xC438;
	[sflag:s5] =	ssyncadd.s32 $0xFFFFFF80  }
0x14e: {  	[hbm4b:s25+s17] =	stream.linear.scatter [tilespmem:s9], [sflag:$0x1], $0x80, $0x38;
	[tilespmem:$0xC900] =	vst v63  }
0x14f: {  	_ =	swait.ge [sflag:s5], $0x80  }
0x150: {  	[sflag:s5] =	ssyncset.done $0x0  }
0x151: {  	s9 =	simm.s32 $0xC4C0;
	[sflag:s5] =	ssyncadd.s32 $0xFFFFFF80  }
0x152: {  	[hbm4b:s26+s17] =	stream.linear.scatter [tilespmem:s9], [sflag:$0x1], $0x80, $0x38;
	[tilespmem:$0xC900] =	vst v63  }
0x153: {  	_ =	swait.ge [sflag:s5], $0x80  }
0x154: {  	[sflag:s5] =	ssyncset.done $0x0  }
0x155: {  	s9 =	simm.s32 $0xC548;
	[sflag:s5] =	ssyncadd.s32 $0xFFFFFF80  }
0x156: {  	[hbm4b:s28+s17] =	stream.linear.scatter [tilespmem:s9], [sflag:$0x1], $0x80, $0x38;
	[tilespmem:$0xC900] =	vst v63  }
0x157: {  	_ =	swait.ge [sflag:s5], $0x80  }
0x158: {  	[sflag:s5] =	ssyncset.done $0x0  }
0x159: {  	s9 =	simm.s32 $0xC5D0;
	[sflag:s5] =	ssyncadd.s32 $0xFFFFFF80  }
0x15a: {  	[hbm4b:s29+s17] =	stream.linear.scatter [tilespmem:s9], [sflag:$0x1], $0x80, $0x38;
	[tilespmem:$0xC900] =	vst v63  }
0x15b: {  	_ =	swait.ge [sflag:s5], $0x80  }
0x15c: {  	[sflag:s5] =	ssyncset.done $0x0  }
0x15d: {  	s9 =	simm.s32 $0xC658;
	[sflag:s5] =	ssyncadd.s32 $0xFFFFFF80  }
0x15e: {  	[hbm4b:s31+s17] =	stream.linear.scatter [tilespmem:s9], [sflag:$0x1], $0x80, $0x38;
	[tilespmem:$0xC900] =	vst v63  }
0x15f: {  	_ =	swait.ge [sflag:s5], $0x80  }
0x160: {  	[sflag:s5] =	ssyncset.done $0x0  }
0x161: {  	s9 =	simm.s32 $0xC6E0;
	[sflag:s5] =	ssyncadd.s32 $0xFFFFFF80  }
0x162: {  	[hbm4b:s30+s17] =	stream.linear.scatter [tilespmem:s9], [sflag:$0x1], $0x80, $0x38;
	[tilespmem:$0xC900] =	vst v63  }
0x163: {  	_ =	swait.ge [sflag:s5], $0x80  }
0x164: {  	[sflag:s5] =	ssyncset.done $0x0  }
0x165: {  	s9 =	simm.s32 $0xC768;
	[sflag:s5] =	ssyncadd.s32 $0xFFFFFF80  }
0x166: {  	[hbm4b:s0+s17] =	stream.linear.scatter [tilespmem:s9], [sflag:$0x1], $0x80, $0x38;
	[tilespmem:$0xC900] =	vst v63  }
0x167: {  	_ =	swait.ge [sflag:s5], $0x80  }
0x168: {  	[sflag:s5] =	ssyncset.done $0x0  }
0x169: {  	s9 =	simm.s32 $0xC7F0;
	[sflag:s5] =	ssyncadd.s32 $0xFFFFFF80  }
0x16a: {  	[hbm4b:s1+s17] =	stream.linear.scatter [tilespmem:s9], [sflag:$0x1], $0x80, $0x38;
	[tilespmem:$0xC900] =	vst v63  }
0x16b: {  	s7 =	sadd.s32 $0x1, s7;
	_ =	swait.ge [sflag:s5], $0x80  }
0x16c: {  	p0 =	sne.s32 s7, s4;
	[sflag:s5] =	ssyncset.done $0x0  }
.Ltmp1:
0x16d: {  	s9 =	simm.s32 $0xC878;
	[sflag:s5] =	ssyncadd.s32 $0xFFFFFF80;
	(pc) =	sbr.rel @p0 .LBB2_1-.Ltmp1, $4  }
0x16e: {  	[hbm4b:s2+s17] =	stream.linear.scatter [tilespmem:s9], [sflag:$0x1], $0x80, $0x38;
	[tilespmem:$0xC900] =	vst v63  }
0x16f: {  	_ =	swait.ge [sflag:s5], $0x80  }
0x170: {  	[sflag:s5] =	ssyncset.done $0x0  }
0x171: {  	[sflag:s5] =	ssyncadd.s32 $0xFFFFFF80  }
0x172: {  	_ =	sfence.sel $0x180000  }
0x173: {  	[bflag:$0x0] =	sbarrier.arrive $0xFFFF  }
0x174: {  	_ =	strace $0x90000047  }
0x175: {  	s0 =	stileid.u32;
	[bflag:$0x2] =	sbarrier.arrive $0xFFFF  }
0x176: {  	p0 =	sne.s32 s0, $0x0;
	s0 =	rddreg [dreg:$0x2]  }
0x177: {  	s0 =	sadd.s32 @!p0 $0x100000, s0  }
0x178: {  	[sflag:s0] =	ssyncadd.tile.s32 @!p0 $0x1;
	_ =	shalt  }
.Lfunc_end2:
_tile_overlayer_lowered:
.L_overlay_start_2:
0x179: {  	(tag) =	ssettag $0x2  }
0x17a: {  	s0 =	rddreg [dreg:$0x0];
	s2 =	stileid.u32  }
0x17b: {  	s1 =	rddreg [dreg:$0x1];
	p0 =	sne.s32 s2, $0x0  }
0x17c: {  	s3 =	rddreg [dreg:$0x2];
	[bflag:$0x3] =	sbarrier.arrive $0xFFFF;
	s2 =	simm.s32 @!p0 $0x1C01  }
0x17d: {  	[timem:s3], [sflag:s2] =	dma.local @!p0 [hbm:s0], s1  }
0x17e: {  	s0 =	simm.s32 @!p0 $0x1  }
0x17f: {  	_ =	swait.ge @!p0 [sflag:s0], s1  }
0x180: {  	s1 =	ssub.s32 @!p0 $0x0, s1;
	[sflag:s0] =	ssyncset.done @!p0 $0x0  }
0x181: {  	[sflag:s0] =	ssyncadd.s32 @!p0 s1  }
0x182: {  	[bflag:$0x3] =	sbarrier.arrive $0xFFFF  }
0x183: {  	_ =	shalt  }

</sc_bundles>
